<compile_context>
chip_gen: v7x
topology: tpu7x:2x2x1
jax: 0.10.2.dev20260603
libtpu: 0.0.44.dev20260713+nightly
codegen_flags: <defaults>
</compile_context>

<pallas_src>
import functools

import jax
import jax.numpy as jnp
from jax import lax
from jax.experimental import pallas as pl
from jax.experimental.pallas import tpu as pltpu
from jax.experimental.pallas import tpu_sc as plsc

_THRESHOLD = 0.7
_IOU_THRESHOLD = 0.5
_SCALER = 2200.0 / 1280.0

_N = 20000
_NPAD = 20480
_R = _NPAD // 128
_BLK = 128
_W = 512
_RW = _NPAD // _W

try:
    _INFO = plsc.get_sparse_core_info()
    _NC = _INFO.num_cores
    _NS = _INFO.num_subcores
except ValueError:
    _NC, _NS = 2, 16
_NW = _NC * _NS
_CHUNK_ROWS = 8
_NCHUNKS = _R // _CHUNK_ROWS

_SC_MESH = plsc.VectorSubcoreMesh(core_axis_name="c", subcore_axis_name="s",
                                  num_cores=_NC, num_subcores=_NS)


@functools.partial(
    pl.kernel,
    mesh=_SC_MESH,
    out_type=[jax.ShapeDtypeStruct((_RW, _W), jnp.float32)] * 5,
    scratch_types=[
        pltpu.VMEM((_CHUNK_ROWS, 128), jnp.int32),
        pltpu.VMEM((_CHUNK_ROWS // 4, _W), jnp.float32),
        pltpu.VMEM((_CHUNK_ROWS // 4, _W), jnp.float32),
        pltpu.VMEM((_CHUNK_ROWS // 4, _W), jnp.float32),
        pltpu.VMEM((_CHUNK_ROWS // 4, _W), jnp.float32),
        pltpu.VMEM((_CHUNK_ROWS // 4, _W), jnp.float32),
        pltpu.SemaphoreType.DMA,
    ],
    compiler_params=pltpu.CompilerParams(use_tc_tiling_on_sc=False),
)
def _sc_gather_rows(x1t, y1t, x2t, y2t, vt, order_hbm,
                    ox1, oy1, ox2, oy2, ov,
                    idx_v, b0, b1, b2, b3, b4, sem):
    wid = lax.axis_index("s") * _NC + lax.axis_index("c")

    @pl.when(wid < _NCHUNKS)
    def _():
        base = wid * _CHUNK_ROWS
        pltpu.sync_copy(order_hbm.at[pl.ds(base, _CHUNK_ROWS)], idx_v)
        copies = []
        for tab, buf in ((x1t, b0), (y1t, b1), (x2t, b2), (y2t, b3), (vt, b4)):
            for j in range(_CHUNK_ROWS):
                dst = buf.at[j // 4, pl.ds((j % 4) * 128, 128)]
                copies.append(
                    pltpu.async_copy(tab.at[idx_v.at[j]], dst, sem))
        for cp in copies:
            cp.wait()
        base2 = wid * (_CHUNK_ROWS // 4)
        for out, buf in ((ox1, b0), (oy1, b1), (ox2, b2), (oy2, b3), (ov, b4)):
            pltpu.sync_copy(buf, out.at[pl.ds(base2, _CHUNK_ROWS // 4)])


@functools.partial(
    pl.kernel,
    mesh=_SC_MESH,
    out_type=jax.ShapeDtypeStruct((_NPAD,), jnp.float32),
    scratch_types=[
        pltpu.VMEM((_CHUNK_ROWS, 128), jnp.int32),
        pltpu.VMEM((_CHUNK_ROWS // 4, _W), jnp.float32),
        pltpu.SemaphoreType.DMA,
    ],
    compiler_params=pltpu.CompilerParams(use_tc_tiling_on_sc=False),
)
def _sc_scatter_keep(keep_hbm, order_hbm, out_hbm, idx_v, val_v, sem):
    wid = lax.axis_index("s") * _NC + lax.axis_index("c")

    @pl.when(wid < _NCHUNKS)
    def _():
        base = wid * _CHUNK_ROWS
        pltpu.sync_copy(order_hbm.at[pl.ds(base, _CHUNK_ROWS)], idx_v)
        base2 = wid * (_CHUNK_ROWS // 4)
        pltpu.sync_copy(keep_hbm.at[pl.ds(base2, _CHUNK_ROWS // 4)], val_v)
        copies = [
            pltpu.async_copy(val_v.at[j // 4, pl.ds((j % 4) * 128, 128)],
                             out_hbm.at[idx_v.at[j]], sem)
            for j in range(_CHUNK_ROWS)
        ]
        for cp in copies:
            cp.wait()


def _nms_body(nv_ref, x1_ref, y1_ref, x2_ref, y2_ref, valid_ref, keep_ref,
              supp_ref):
    f32 = jnp.float32
    eye = (lax.broadcasted_iota(jnp.int32, (_BLK, _BLK), 0)
           == lax.broadcasted_iota(jnp.int32, (_BLK, _BLK), 1)).astype(f32)
    sub = lax.broadcasted_iota(jnp.int32, (_BLK, _BLK), 0)
    lan2 = lax.broadcasted_iota(jnp.int32, (_BLK, _BLK), 1)

    keep_ref[...] = valid_ref[...]
    nrows = (nv_ref[0] + (_W - 1)) // _W

    def to_col(row):
        return lax.dot_general(eye, row, (((1,), (1,)), ((), ())),
                               preferred_element_type=f32)

    lane_q = lax.broadcasted_iota(jnp.int32, (1, _W), 1) // _BLK

    def process_row(kk, _):
        rx1 = x1_ref[pl.ds(kk, 1), :]
        ry1 = y1_ref[pl.ds(kk, 1), :]
        rx2 = x2_ref[pl.ds(kk, 1), :]
        ry2 = y2_ref[pl.ds(kk, 1), :]
        for q in range(_W // _BLK):
            lo, hi = q * _BLK, (q + 1) * _BLK
            bx1r = rx1[:, lo:hi]
            by1r = ry1[:, lo:hi]
            bx2r = rx2[:, lo:hi]
            by2r = ry2[:, lo:hi]
            bx1c = to_col(bx1r)
            by1c = to_col(by1r)
            bx2c = to_col(bx2r)
            by2c = to_col(by2r)
            arear = jnp.clip(bx2r - bx1r, 0.0) * jnp.clip(by2r - by1r, 0.0)
            areac = jnp.clip(bx2c - bx1c, 0.0) * jnp.clip(by2c - by1c, 0.0)

            def iou_vs_block(cx1, cy1, cx2, cy2, carea):
                ix1 = jnp.maximum(bx1c, cx1)
                iy1 = jnp.maximum(by1c, cy1)
                ix2 = jnp.minimum(bx2c, cx2)
                iy2 = jnp.minimum(by2c, cy2)
                iw = jnp.clip(ix2 - ix1, 0.0)
                ih = jnp.clip(iy2 - iy1, 0.0)
                inter = iw * ih
                union = areac + carea - inter
                return inter / jnp.maximum(union, 1e-9)

            iou = iou_vs_block(bx1r, by1r, bx2r, by2r, arear)
            supp_ref[...] = jnp.where((iou > _IOU_THRESHOLD) & (sub < lan2),
                                      1.0, 0.0)
            valid0 = keep_ref[pl.ds(kk, 1), :][:, lo:hi]

            def unresolved(state):
                kept, sup = state
                return jnp.sum(valid0 * (1.0 - kept) * (1.0 - sup)) > 0.0

            def resolve(state):
                kept, sup = state
                pending = valid0 * (1.0 - kept) * (1.0 - sup)
                supm = supp_ref[...]
                not_sup_col = to_col(valid0 * (1.0 - sup))
                blocked = jnp.max(supm * not_sup_col, axis=0, keepdims=True)
                new_kept = kept + pending * (1.0 - blocked)
                kept_col = to_col(new_kept)
                hit = jnp.max(supm * kept_col, axis=0, keepdims=True)
                new_sup = sup + pending * hit
                return new_kept, new_sup

            zero = jnp.zeros((1, _BLK), f32)
            kept, _ = lax.while_loop(unresolved, resolve, (zero, zero))
            kcol = to_col(kept)

            def row_suppress(r):
                cx1 = x1_ref[pl.ds(r, 1), :]
                cy1 = y1_ref[pl.ds(r, 1), :]
                cx2 = x2_ref[pl.ds(r, 1), :]
                cy2 = y2_ref[pl.ds(r, 1), :]
                carea = jnp.clip(cx2 - cx1, 0.0) * jnp.clip(cy2 - cy1, 0.0)
                iou2 = iou_vs_block(cx1, cy1, cx2, cy2, carea)
                s = jnp.where(iou2 > _IOU_THRESHOLD, 1.0, 0.0) * kcol
                srow = jnp.max(s, axis=0, keepdims=True)
                keep_ref[pl.ds(r, 1), :] = keep_ref[pl.ds(r, 1), :] * (1.0 - srow)

            row_suppress(kk)
            full = keep_ref[pl.ds(kk, 1), :]
            kept4 = jnp.concatenate(
                [kept if i == q else jnp.zeros((1, _BLK), f32)
                 for i in range(_W // _BLK)], axis=1)
            keep_ref[pl.ds(kk, 1), :] = jnp.where(lane_q == q, kept4, full)

            def crow(r, _):
                row_suppress(r)
                return 0

            lax.fori_loop(kk + 1, nrows, crow, 0)
        return 0

    lax.fori_loop(0, nrows, process_row, 0)


def _run_nms(nv, sx1, sy1, sx2, sy2, svalid):
    return pl.pallas_call(
        _nms_body,
        out_shape=jax.ShapeDtypeStruct((_RW, _W), jnp.float32),
        in_specs=[
            pl.BlockSpec(memory_space=pltpu.SMEM),
            pl.BlockSpec(memory_space=pltpu.VMEM),
            pl.BlockSpec(memory_space=pltpu.VMEM),
            pl.BlockSpec(memory_space=pltpu.VMEM),
            pl.BlockSpec(memory_space=pltpu.VMEM),
            pl.BlockSpec(memory_space=pltpu.VMEM),
        ],
        scratch_shapes=[pltpu.VMEM((_BLK, _BLK), jnp.float32)],
    )(nv, sx1, sy1, sx2, sy2, svalid)


def kernel(boxes, scores):
    N = boxes.shape[0]
    max_scores = jnp.max(scores, axis=1)
    thresh_mask = max_scores > _THRESHOLD
    valid_f = thresh_mask.astype(jnp.float32)
    neg_inf = jnp.float32(-1e30)
    masked = jnp.where(thresh_mask, max_scores, neg_inf)
    order = jnp.argsort(-masked).astype(jnp.int32)
    nv = jnp.sum(thresh_mask, dtype=jnp.int32).reshape(1)

    order_pad = jnp.concatenate(
        [order, jnp.arange(N, _NPAD, dtype=jnp.int32)]).reshape(_R, 128)
    tabs = jnp.pad(jnp.concatenate([boxes.T, valid_f[None, :]], axis=0),
                   ((0, 0), (0, _NPAD - N)))

    sx1, sy1, sx2, sy2, sv = _sc_gather_rows(
        tabs[0], tabs[1], tabs[2], tabs[3], tabs[4], order_pad)

    keep_sorted = _run_nms(nv, sx1, sy1, sx2, sy2, sv)
    keep_f = _sc_scatter_keep(keep_sorted, order_pad)
    keep = keep_f[:N] > 0.5

    out_boxes = jnp.where(keep[:, None], boxes * _SCALER, 0.0)
    out_scores = jnp.where(keep[:, None], scores, 0.0)
    return out_scores, out_boxes, keep

# --- scband reference (transcript-rebuilt; emitter-appended) ---
"""Pipeline reference for scband-omrabstract-model-46686294508151 (READ-ONLY COPY).

The authoritative reference and input builder live on the scoring server;
editing this copy changes nothing except your own understanding.
"""

import jax, jax.numpy as jnp
import numpy as np

THRESHOLD = 0.7
IOU_THRESHOLD = 0.5
INPUT_SHAPE = (1280.0, 1280.0)
IMAGE_SHAPE = (2200.0, 1700.0)  # original document image shape (H, W)


def setup_inputs(seed: int = 0) -> dict:
    key = jax.random.key(seed)
    k1, k2, k3 = jax.random.split(key, 3)
    N = 20000
    # Build well-formed xyxy boxes in [0, 1280]
    xy = jax.random.uniform(k1, (N, 2), dtype=jnp.float32) * 1200.0
    wh = jax.random.uniform(k2, (N, 2), dtype=jnp.float32) * 80.0 + 4.0
    boxes = jnp.concatenate([xy, xy + wh], axis=1)
    # Class confidence scores for 2 classes in [0, 1]
    scores = jax.random.uniform(k3, (N, 2), dtype=jnp.float32)
    return {"boxes": boxes, "scores": scores}


def _iou_matrix(boxes):
    # boxes: [N, 4] xyxy
    x1 = boxes[:, 0]
    y1 = boxes[:, 1]
    x2 = boxes[:, 2]
    y2 = boxes[:, 3]
    areas = jnp.clip(x2 - x1, 0.0) * jnp.clip(y2 - y1, 0.0)
    ix1 = jnp.maximum(x1[:, None], x1[None, :])
    iy1 = jnp.maximum(y1[:, None], y1[None, :])
    ix2 = jnp.minimum(x2[:, None], x2[None, :])
    iy2 = jnp.minimum(y2[:, None], y2[None, :])
    iw = jnp.clip(ix2 - ix1, 0.0)
    ih = jnp.clip(iy2 - iy1, 0.0)
    inter = iw * ih
    union = areas[:, None] + areas[None, :] - inter
    return inter / jnp.maximum(union, 1e-9)


def reference(boxes, scores):
    # Faithful jax translation of CheckboxDetector._postprocess core:
    #   1) _threshold: keep detections where cls_conf > 0.7 (any class)
    #   2) _nms: torchvision.ops.nms on (boxes, scores.max(1)) with iou=0.5
    #   3) rescale boxes by max(image_shape / input_shape)
    # For jit-ability we use masks instead of dynamic gathers; suppressed
    # detections get score -inf / zero boxes, matching the surviving set.
    N = boxes.shape[0]
    max_scores = jnp.max(scores, axis=1)
    # _threshold: original indexes rows where cls_conf > threshold (per-element
    # argwhere over the [N, 2] array -> any class above threshold keeps the row,
    # rows can repeat; we model the keep-set as "any class > threshold").
    thresh_mask = jnp.any(scores > THRESHOLD, axis=1)

    # Greedy NMS over score-sorted order using a sequential scan (faithful to
    # torchvision.ops.nms semantics).
    neg_inf = jnp.float32(-1e30)
    masked_scores = jnp.where(thresh_mask, max_scores, neg_inf)
    order = jnp.argsort(-masked_scores)  # descending
    sboxes = boxes[order]
    svalid = thresh_mask[order]
    iou = _iou_matrix(sboxes)  # [N, N] in sorted order

    def body(keep, i):
        # suppressed if any higher-ranked kept box overlaps > iou_threshold
        overlap = (iou[i] > IOU_THRESHOLD) & keep & (jnp.arange(N) < i)
        keep_i = svalid[i] & jnp.logical_not(jnp.any(overlap))
        keep = keep.at[i].set(keep_i)
        return keep, keep_i

    keep0 = jnp.zeros((N,), dtype=bool)
    keep_sorted, _ = jax.lax.scan(body, keep0, jnp.arange(N))
    # map keep mask back to original ordering
    keep = jnp.zeros((N,), dtype=bool).at[order].set(keep_sorted)

    scaler = max(IMAGE_SHAPE[1] / INPUT_SHAPE[1], IMAGE_SHAPE[0] / INPUT_SHAPE[0])
    out_boxes = jnp.where(keep[:, None], boxes * scaler, 0.0)
    out_scores = jnp.where(keep[:, None], scores, 0.0)
    return out_scores, out_boxes, keep

if __name__ == "__main__":
    import jax
    _d = setup_inputs()
    print(jax.jit(kernel)(*tuple(_d.values())))

</pallas_src>

<mosaic_0001>
#map = affine_map<(d0, d1) -> (0)>
#map1 = affine_map<(d0, d1) -> (0, 0)>
module attributes {stable_mosaic.version = 14 : i64} {
  func.func @_sc_gather_rows(%arg0: i32, %arg1: i32, %arg2: memref<20480xf32, #tpu.memory_space<hbm>>, %arg3: memref<20480xf32, #tpu.memory_space<hbm>>, %arg4: memref<20480xf32, #tpu.memory_space<hbm>>, %arg5: memref<20480xf32, #tpu.memory_space<hbm>>, %arg6: memref<20480xf32, #tpu.memory_space<hbm>>, %arg7: memref<160x128xi32, #tpu.memory_space<hbm>>, %arg8: memref<40x512xf32, #tpu.memory_space<hbm>>, %arg9: memref<40x512xf32, #tpu.memory_space<hbm>>, %arg10: memref<40x512xf32, #tpu.memory_space<hbm>>, %arg11: memref<40x512xf32, #tpu.memory_space<hbm>>, %arg12: memref<40x512xf32, #tpu.memory_space<hbm>>, %arg13: memref<8x128xi32, #tpu.memory_space<vmem>>, %arg14: memref<2x512xf32, #tpu.memory_space<vmem>>, %arg15: memref<2x512xf32, #tpu.memory_space<vmem>>, %arg16: memref<2x512xf32, #tpu.memory_space<vmem>>, %arg17: memref<2x512xf32, #tpu.memory_space<vmem>>, %arg18: memref<2x512xf32, #tpu.memory_space<vmem>>, %arg19: memref<!tpu.dma_semaphore, #tpu.memory_space<semaphore_mem>>) attributes {dimension_semantics = [#tpu.dimension_semantics<core_parallel>, #tpu.dimension_semantics<subcore_parallel>], iteration_bounds = array<i64: 2, 16>, scalar_prefetch = 0 : i64, scratch_operands = 7 : i64, tpu.core_type = #tpu.core_type<sc_vector_subcore>, window_params = [{transform_indices = #map}, {transform_indices = #map}, {transform_indices = #map}, {transform_indices = #map}, {transform_indices = #map}, {transform_indices = #map1}, {transform_indices = #map1}, {transform_indices = #map1}, {transform_indices = #map1}, {transform_indices = #map1}, {transform_indices = #map1}]} {
    %mul3A = arith.constant 2 : i32
    %mul3A_0 = arith.muli %arg1, %mul3A : i32
    %add3A = arith.addi %mul3A_0, %arg0 : i32
    %lt3A = arith.constant 20 : i32
    %lt3A_1 = arith.cmpi slt, %add3A, %lt3A : i32
    %convert_element_type3A = arith.extui %lt3A_1 : i1 to i32
    %cond3A = arith.constant 0 : i32
    %cond3A_2 = arith.cmpi ne, %convert_element_type3A, %cond3A : i32
    scf.if %cond3A_2 {
      %mul3A_3 = arith.constant 8 : i32
      %mul3A_4 = arith.muli %add3A, %mul3A_3 : i32
      "tpu.region"() ({
        %run_scoped3A = tpu.sem_alloc : memref<!tpu.dma_semaphore, #tpu.memory_space<semaphore_mem>>
        %dma_start3A_805 = arith.constant 0 : i32
        %dma_start3A_806 = tpu.memref_slice %arg7[%mul3A_4, %dma_start3A_805] : memref<160x128xi32, #tpu.memory_space<hbm>> -> memref<8x128xi32, #tpu.memory_space<hbm>>
        %dma_start3A_807 = arith.constant 0 : i32
        %dma_start3A_808 = tpu.memref_slice %arg7[%mul3A_4, %dma_start3A_807] : memref<160x128xi32, #tpu.memory_space<hbm>> -> memref<8x128xi32, #tpu.memory_space<hbm>>
        tpu.enqueue_dma source(%dma_start3A_808 : memref<8x128xi32, #tpu.memory_space<hbm>>) target(%arg13 : memref<8x128xi32, #tpu.memory_space<vmem>>) target_semaphore(%run_scoped3A : memref<!tpu.dma_semaphore, #tpu.memory_space<semaphore_mem>>)
        %dma_wait3A_809 = arith.constant 0 : i32
        %dma_wait3A_810 = tpu.memref_slice %arg7[%mul3A_4, %dma_wait3A_809] : memref<160x128xi32, #tpu.memory_space<hbm>> -> memref<8x128xi32, #tpu.memory_space<hbm>>
        %dma_wait3A_811 = arith.constant 0 : i32
        %dma_wait3A_812 = tpu.memref_slice %arg7[%mul3A_4, %dma_wait3A_811] : memref<160x128xi32, #tpu.memory_space<hbm>> -> memref<8x128xi32, #tpu.memory_space<hbm>>
        tpu.wait_dma2 semaphore(%run_scoped3A : memref<!tpu.dma_semaphore, #tpu.memory_space<semaphore_mem>>) src(%dma_wait3A_812 : memref<8x128xi32, #tpu.memory_space<hbm>>) dst(%arg13 : memref<8x128xi32, #tpu.memory_space<vmem>>)
        tpu.yield
      }) : () -> ()
      %dma_start3A = arith.constant 0 : i32
      %dma_start3A_5 = arith.constant 0 : i32
      %dma_start3A_6 = arith.constant 0 : i32
      %dma_start3A_7 = tpu.memref_slice %arg14[%dma_start3A_5, %dma_start3A_6] : memref<2x512xf32, #tpu.memory_space<vmem>> -> memref<1x128xf32, #tpu.memory_space<vmem>>
      %dma_start3A_8 = tpu.memref_squeeze %dma_start3A_7 : memref<1x128xf32, #tpu.memory_space<vmem>> -> memref<128xf32, #tpu.memory_space<vmem>>
      %dma_start3A_9 = arith.constant 0 : i32
      %dma_start3A_10 = tpu.memref_slice %arg13[%dma_start3A, %dma_start3A_9] : memref<8x128xi32, #tpu.memory_space<vmem>> -> memref<1x128xi32, #tpu.memory_space<vmem>>
      %dma_start3A_11 = tpu.memref_squeeze %dma_start3A_10 : memref<1x128xi32, #tpu.memory_space<vmem>> -> memref<128xi32, #tpu.memory_space<vmem>>
      %dma_start3A_12 = arith.constant 0 : i32
      %dma_start3A_13 = tpu.memref_slice %arg2[%dma_start3A_12] : memref<20480xf32, #tpu.memory_space<hbm>> -> memref<20480xf32, #tpu.memory_space<hbm>>
      tpu.enqueue_indirect_dma source(%dma_start3A_13 : memref<20480xf32, #tpu.memory_space<hbm>>) target(%dma_start3A_8 : memref<128xf32, #tpu.memory_space<vmem>>) offsets(%dma_start3A_11 : memref<128xi32, #tpu.memory_space<vmem>>) semaphore(%arg19 : memref<!tpu.dma_semaphore, #tpu.memory_space<semaphore_mem>>)
      %dma_start3A_14 = arith.constant 1 : i32
      %dma_start3A_15 = arith.constant 0 : i32
      %dma_start3A_16 = arith.constant 128 : i32
      %dma_start3A_17 = tpu.memref_slice %arg14[%dma_start3A_15, %dma_start3A_16] : memref<2x512xf32, #tpu.memory_space<vmem>> -> memref<1x128xf32, #tpu.memory_space<vmem>>
      %dma_start3A_18 = tpu.memref_squeeze %dma_start3A_17 : memref<1x128xf32, #tpu.memory_space<vmem>> -> memref<128xf32, #tpu.memory_space<vmem>>
      %dma_start3A_19 = arith.constant 0 : i32
      %dma_start3A_20 = tpu.memref_slice %arg13[%dma_start3A_14, %dma_start3A_19] : memref<8x128xi32, #tpu.memory_space<vmem>> -> memref<1x128xi32, #tpu.memory_space<vmem>>
      %dma_start3A_21 = tpu.memref_squeeze %dma_start3A_20 : memref<1x128xi32, #tpu.memory_space<vmem>> -> memref<128xi32, #tpu.memory_space<vmem>>
      %dma_start3A_22 = arith.constant 0 : i32
      %dma_start3A_23 = tpu.memref_slice %arg2[%dma_start3A_22] : memref<20480xf32, #tpu.memory_space<hbm>> -> memref<20480xf32, #tpu.memory_space<hbm>>
      tpu.enqueue_indirect_dma source(%dma_start3A_23 : memref<20480xf32, #tpu.memory_space<hbm>>) target(%dma_start3A_18 : memref<128xf32, #tpu.memory_space<vmem>>) offsets(%dma_start3A_21 : memref<128xi32, #tpu.memory_space<vmem>>) semaphore(%arg19 : memref<!tpu.dma_semaphore, #tpu.memory_space<semaphore_mem>>)
      %dma_start3A_24 = arith.constant 2 : i32
      %dma_start3A_25 = arith.constant 0 : i32
      %dma_start3A_26 = arith.constant 256 : i32
      %dma_start3A_27 = tpu.memref_slice %arg14[%dma_start3A_25, %dma_start3A_26] : memref<2x512xf32, #tpu.memory_space<vmem>> -> memref<1x128xf32, #tpu.memory_space<vmem>>
      %dma_start3A_28 = tpu.memref_squeeze %dma_start3A_27 : memref<1x128xf32, #tpu.memory_space<vmem>> -> memref<128xf32, #tpu.memory_space<vmem>>
      %dma_start3A_29 = arith.constant 0 : i32
      %dma_start3A_30 = tpu.memref_slice %arg13[%dma_start3A_24, %dma_start3A_29] : memref<8x128xi32, #tpu.memory_space<vmem>> -> memref<1x128xi32, #tpu.memory_space<vmem>>
      %dma_start3A_31 = tpu.memref_squeeze %dma_start3A_30 : memref<1x128xi32, #tpu.memory_space<vmem>> -> memref<128xi32, #tpu.memory_space<vmem>>
      %dma_start3A_32 = arith.constant 0 : i32
      %dma_start3A_33 = tpu.memref_slice %arg2[%dma_start3A_32] : memref<20480xf32, #tpu.memory_space<hbm>> -> memref<20480xf32, #tpu.memory_space<hbm>>
      tpu.enqueue_indirect_dma source(%dma_start3A_33 : memref<20480xf32, #tpu.memory_space<hbm>>) target(%dma_start3A_28 : memref<128xf32, #tpu.memory_space<vmem>>) offsets(%dma_start3A_31 : memref<128xi32, #tpu.memory_space<vmem>>) semaphore(%arg19 : memref<!tpu.dma_semaphore, #tpu.memory_space<semaphore_mem>>)
      %dma_start3A_34 = arith.constant 3 : i32
      %dma_start3A_35 = arith.constant 0 : i32
      %dma_start3A_36 = arith.constant 384 : i32
      %dma_start3A_37 = tpu.memref_slice %arg14[%dma_start3A_35, %dma_start3A_36] : memref<2x512xf32, #tpu.memory_space<vmem>> -> memref<1x128xf32, #tpu.memory_space<vmem>>
      %dma_start3A_38 = tpu.memref_squeeze %dma_start3A_37 : memref<1x128xf32, #tpu.memory_space<vmem>> -> memref<128xf32, #tpu.memory_space<vmem>>
      %dma_start3A_39 = arith.constant 0 : i32
      %dma_start3A_40 = tpu.memref_slice %arg13[%dma_start3A_34, %dma_start3A_39] : memref<8x128xi32, #tpu.memory_space<vmem>> -> memref<1x128xi32, #tpu.memory_space<vmem>>
      %dma_start3A_41 = tpu.memref_squeeze %dma_start3A_40 : memref<1x128xi32, #tpu.memory_space<vmem>> -> memref<128xi32, #tpu.memory_space<vmem>>
      %dma_start3A_42 = arith.constant 0 : i32
      %dma_start3A_43 = tpu.memref_slice %arg2[%dma_start3A_42] : memref<20480xf32, #tpu.memory_space<hbm>> -> memref<20480xf32, #tpu.memory_space<hbm>>
      tpu.enqueue_indirect_dma source(%dma_start3A_43 : memref<20480xf32, #tpu.memory_space<hbm>>) target(%dma_start3A_38 : memref<128xf32, #tpu.memory_space<vmem>>) offsets(%dma_start3A_41 : memref<128xi32, #tpu.memory_space<vmem>>) semaphore(%arg19 : memref<!tpu.dma_semaphore, #tpu.memory_space<semaphore_mem>>)
      %dma_start3A_44 = arith.constant 4 : i32
      %dma_start3A_45 = arith.constant 1 : i32
      %dma_start3A_46 = arith.constant 0 : i32
      %dma_start3A_47 = tpu.memref_slice %arg14[%dma_start3A_45, %dma_start3A_46] : memref<2x512xf32, #tpu.memory_space<vmem>> -> memref<1x128xf32, #tpu.memory_space<vmem>>
      %dma_start3A_48 = tpu.memref_squeeze %dma_start3A_47 : memref<1x128xf32, #tpu.memory_space<vmem>> -> memref<128xf32, #tpu.memory_space<vmem>>
      %dma_start3A_49 = arith.constant 0 : i32
      %dma_start3A_50 = tpu.memref_slice %arg13[%dma_start3A_44, %dma_start3A_49] : memref<8x128xi32, #tpu.memory_space<vmem>> -> memref<1x128xi32, #tpu.memory_space<vmem>>
      %dma_start3A_51 = tpu.memref_squeeze %dma_start3A_50 : memref<1x128xi32, #tpu.memory_space<vmem>> -> memref<128xi32, #tpu.memory_space<vmem>>
      %dma_start3A_52 = arith.constant 0 : i32
      %dma_start3A_53 = tpu.memref_slice %arg2[%dma_start3A_52] : memref<20480xf32, #tpu.memory_space<hbm>> -> memref<20480xf32, #tpu.memory_space<hbm>>
      tpu.enqueue_indirect_dma source(%dma_start3A_53 : memref<20480xf32, #tpu.memory_space<hbm>>) target(%dma_start3A_48 : memref<128xf32, #tpu.memory_space<vmem>>) offsets(%dma_start3A_51 : memref<128xi32, #tpu.memory_space<vmem>>) semaphore(%arg19 : memref<!tpu.dma_semaphore, #tpu.memory_space<semaphore_mem>>)
      %dma_start3A_54 = arith.constant 5 : i32
      %dma_start3A_55 = arith.constant 1 : i32
      %dma_start3A_56 = arith.constant 128 : i32
      %dma_start3A_57 = tpu.memref_slice %arg14[%dma_start3A_55, %dma_start3A_56] : memref<2x512xf32, #tpu.memory_space<vmem>> -> memref<1x128xf32, #tpu.memory_space<vmem>>
      %dma_start3A_58 = tpu.memref_squeeze %dma_start3A_57 : memref<1x128xf32, #tpu.memory_space<vmem>> -> memref<128xf32, #tpu.memory_space<vmem>>
      %dma_start3A_59 = arith.constant 0 : i32
      %dma_start3A_60 = tpu.memref_slice %arg13[%dma_start3A_54, %dma_start3A_59] : memref<8x128xi32, #tpu.memory_space<vmem>> -> memref<1x128xi32, #tpu.memory_space<vmem>>
      %dma_start3A_61 = tpu.memref_squeeze %dma_start3A_60 : memref<1x128xi32, #tpu.memory_space<vmem>> -> memref<128xi32, #tpu.memory_space<vmem>>
      %dma_start3A_62 = arith.constant 0 : i32
      %dma_start3A_63 = tpu.memref_slice %arg2[%dma_start3A_62] : memref<20480xf32, #tpu.memory_space<hbm>> -> memref<20480xf32, #tpu.memory_space<hbm>>
      tpu.enqueue_indirect_dma source(%dma_start3A_63 : memref<20480xf32, #tpu.memory_space<hbm>>) target(%dma_start3A_58 : memref<128xf32, #tpu.memory_space<vmem>>) offsets(%dma_start3A_61 : memref<128xi32, #tpu.memory_space<vmem>>) semaphore(%arg19 : memref<!tpu.dma_semaphore, #tpu.memory_space<semaphore_mem>>)
      %dma_start3A_64 = arith.constant 6 : i32
      %dma_start3A_65 = arith.constant 1 : i32
      %dma_start3A_66 = arith.constant 256 : i32
      %dma_start3A_67 = tpu.memref_slice %arg14[%dma_start3A_65, %dma_start3A_66] : memref<2x512xf32, #tpu.memory_space<vmem>> -> memref<1x128xf32, #tpu.memory_space<vmem>>
      %dma_start3A_68 = tpu.memref_squeeze %dma_start3A_67 : memref<1x128xf32, #tpu.memory_space<vmem>> -> memref<128xf32, #tpu.memory_space<vmem>>
      %dma_start3A_69 = arith.constant 0 : i32
      %dma_start3A_70 = tpu.memref_slice %arg13[%dma_start3A_64, %dma_start3A_69] : memref<8x128xi32, #tpu.memory_space<vmem>> -> memref<1x128xi32, #tpu.memory_space<vmem>>
      %dma_start3A_71 = tpu.memref_squeeze %dma_start3A_70 : memref<1x128xi32, #tpu.memory_space<vmem>> -> memref<128xi32, #tpu.memory_space<vmem>>
      %dma_start3A_72 = arith.constant 0 : i32
      %dma_start3A_73 = tpu.memref_slice %arg2[%dma_start3A_72] : memref<20480xf32, #tpu.memory_space<hbm>> -> memref<20480xf32, #tpu.memory_space<hbm>>
      tpu.enqueue_indirect_dma source(%dma_start3A_73 : memref<20480xf32, #tpu.memory_space<hbm>>) target(%dma_start3A_68 : memref<128xf32, #tpu.memory_space<vmem>>) offsets(%dma_start3A_71 : memref<128xi32, #tpu.memory_space<vmem>>) semaphore(%arg19 : memref<!tpu.dma_semaphore, #tpu.memory_space<semaphore_mem>>)
      %dma_start3A_74 = arith.constant 7 : i32
      %dma_start3A_75 = arith.constant 1 : i32
      %dma_start3A_76 = arith.constant 384 : i32
      %dma_start3A_77 = tpu.memref_slice %arg14[%dma_start3A_75, %dma_start3A_76] : memref<2x512xf32, #tpu.memory_space<vmem>> -> memref<1x128xf32, #tpu.memory_space<vmem>>
      %dma_start3A_78 = tpu.memref_squeeze %dma_start3A_77 : memref<1x128xf32, #tpu.memory_space<vmem>> -> memref<128xf32, #tpu.memory_space<vmem>>
      %dma_start3A_79 = arith.constant 0 : i32
      %dma_start3A_80 = tpu.memref_slice %arg13[%dma_start3A_74, %dma_start3A_79] : memref<8x128xi32, #tpu.memory_space<vmem>> -> memref<1x128xi32, #tpu.memory_space<vmem>>
      %dma_start3A_81 = tpu.memref_squeeze %dma_start3A_80 : memref<1x128xi32, #tpu.memory_space<vmem>> -> memref<128xi32, #tpu.memory_space<vmem>>
      %dma_start3A_82 = arith.constant 0 : i32
      %dma_start3A_83 = tpu.memref_slice %arg2[%dma_start3A_82] : memref<20480xf32, #tpu.memory_space<hbm>> -> memref<20480xf32, #tpu.memory_space<hbm>>
      tpu.enqueue_indirect_dma source(%dma_start3A_83 : memref<20480xf32, #tpu.memory_space<hbm>>) target(%dma_start3A_78 : memref<128xf32, #tpu.memory_space<vmem>>) offsets(%dma_start3A_81 : memref<128xi32, #tpu.memory_space<vmem>>) semaphore(%arg19 : memref<!tpu.dma_semaphore, #tpu.memory_space<semaphore_mem>>)
      %dma_start3A_84 = arith.constant 0 : i32
      %dma_start3A_85 = arith.constant 0 : i32
      %dma_start3A_86 = arith.constant 0 : i32
      %dma_start3A_87 = tpu.memref_slice %arg15[%dma_start3A_85, %dma_start3A_86] : memref<2x512xf32, #tpu.memory_space<vmem>> -> memref<1x128xf32, #tpu.memory_space<vmem>>
      %dma_start3A_88 = tpu.memref_squeeze %dma_start3A_87 : memref<1x128xf32, #tpu.memory_space<vmem>> -> memref<128xf32, #tpu.memory_space<vmem>>
      %dma_start3A_89 = arith.constant 0 : i32
      %dma_start3A_90 = tpu.memref_slice %arg13[%dma_start3A_84, %dma_start3A_89] : memref<8x128xi32, #tpu.memory_space<vmem>> -> memref<1x128xi32, #tpu.memory_space<vmem>>
      %dma_start3A_91 = tpu.memref_squeeze %dma_start3A_90 : memref<1x128xi32, #tpu.memory_space<vmem>> -> memref<128xi32, #tpu.memory_space<vmem>>
      %dma_start3A_92 = arith.constant 0 : i32
      %dma_start3A_93 = tpu.memref_slice %arg3[%dma_start3A_92] : memref<20480xf32, #tpu.memory_space<hbm>> -> memref<20480xf32, #tpu.memory_space<hbm>>
      tpu.enqueue_indirect_dma source(%dma_start3A_93 : memref<20480xf32, #tpu.memory_space<hbm>>) target(%dma_start3A_88 : memref<128xf32, #tpu.memory_space<vmem>>) offsets(%dma_start3A_91 : memref<128xi32, #tpu.memory_space<vmem>>) semaphore(%arg19 : memref<!tpu.dma_semaphore, #tpu.memory_space<semaphore_mem>>)
      %dma_start3A_94 = arith.constant 1 : i32
      %dma_start3A_95 = arith.constant 0 : i32
      %dma_start3A_96 = arith.constant 128 : i32
      %dma_start3A_97 = tpu.memref_slice %arg15[%dma_start3A_95, %dma_start3A_96] : memref<2x512xf32, #tpu.memory_space<vmem>> -> memref<1x128xf32, #tpu.memory_space<vmem>>
      %dma_start3A_98 = tpu.memref_squeeze %dma_start3A_97 : memref<1x128xf32, #tpu.memory_space<vmem>> -> memref<128xf32, #tpu.memory_space<vmem>>
      %dma_start3A_99 = arith.constant 0 : i32
      %dma_start3A_100 = tpu.memref_slice %arg13[%dma_start3A_94, %dma_start3A_99] : memref<8x128xi32, #tpu.memory_space<vmem>> -> memref<1x128xi32, #tpu.memory_space<vmem>>
      %dma_start3A_101 = tpu.memref_squeeze %dma_start3A_100 : memref<1x128xi32, #tpu.memory_space<vmem>> -> memref<128xi32, #tpu.memory_space<vmem>>
      %dma_start3A_102 = arith.constant 0 : i32
      %dma_start3A_103 = tpu.memref_slice %arg3[%dma_start3A_102] : memref<20480xf32, #tpu.memory_space<hbm>> -> memref<20480xf32, #tpu.memory_space<hbm>>
      tpu.enqueue_indirect_dma source(%dma_start3A_103 : memref<20480xf32, #tpu.memory_space<hbm>>) target(%dma_start3A_98 : memref<128xf32, #tpu.memory_space<vmem>>) offsets(%dma_start3A_101 : memref<128xi32, #tpu.memory_space<vmem>>) semaphore(%arg19 : memref<!tpu.dma_semaphore, #tpu.memory_space<semaphore_mem>>)
      %dma_start3A_104 = arith.constant 2 : i32
      %dma_start3A_105 = arith.constant 0 : i32
      %dma_start3A_106 = arith.constant 256 : i32
      %dma_start3A_107 = tpu.memref_slice %arg15[%dma_start3A_105, %dma_start3A_106] : memref<2x512xf32, #tpu.memory_space<vmem>> -> memref<1x128xf32, #tpu.memory_space<vmem>>
      %dma_start3A_108 = tpu.memref_squeeze %dma_start3A_107 : memref<1x128xf32, #tpu.memory_space<vmem>> -> memref<128xf32, #tpu.memory_space<vmem>>
      %dma_start3A_109 = arith.constant 0 : i32
      %dma_start3A_110 = tpu.memref_slice %arg13[%dma_start3A_104, %dma_start3A_109] : memref<8x128xi32, #tpu.memory_space<vmem>> -> memref<1x128xi32, #tpu.memory_space<vmem>>
      %dma_start3A_111 = tpu.memref_squeeze %dma_start3A_110 : memref<1x128xi32, #tpu.memory_space<vmem>> -> memref<128xi32, #tpu.memory_space<vmem>>
      %dma_start3A_112 = arith.constant 0 : i32
      %dma_start3A_113 = tpu.memref_slice %arg3[%dma_start3A_112] : memref<20480xf32, #tpu.memory_space<hbm>> -> memref<20480xf32, #tpu.memory_space<hbm>>
      tpu.enqueue_indirect_dma source(%dma_start3A_113 : memref<20480xf32, #tpu.memory_space<hbm>>) target(%dma_start3A_108 : memref<128xf32, #tpu.memory_space<vmem>>) offsets(%dma_start3A_111 : memref<128xi32, #tpu.memory_space<vmem>>) semaphore(%arg19 : memref<!tpu.dma_semaphore, #tpu.memory_space<semaphore_mem>>)
      %dma_start3A_114 = arith.constant 3 : i32
      %dma_start3A_115 = arith.constant 0 : i32
      %dma_start3A_116 = arith.constant 384 : i32
      %dma_start3A_117 = tpu.memref_slice %arg15[%dma_start3A_115, %dma_start3A_116] : memref<2x512xf32, #tpu.memory_space<vmem>> -> memref<1x128xf32, #tpu.memory_space<vmem>>
      %dma_start3A_118 = tpu.memref_squeeze %dma_start3A_117 : memref<1x128xf32, #tpu.memory_space<vmem>> -> memref<128xf32, #tpu.memory_space<vmem>>
      %dma_start3A_119 = arith.constant 0 : i32
      %dma_start3A_120 = tpu.memref_slice %arg13[%dma_start3A_114, %dma_start3A_119] : memref<8x128xi32, #tpu.memory_space<vmem>> -> memref<1x128xi32, #tpu.memory_space<vmem>>
      %dma_start3A_121 = tpu.memref_squeeze %dma_start3A_120 : memref<1x128xi32, #tpu.memory_space<vmem>> -> memref<128xi32, #tpu.memory_space<vmem>>
      %dma_start3A_122 = arith.constant 0 : i32
      %dma_start3A_123 = tpu.memref_slice %arg3[%dma_start3A_122] : memref<20480xf32, #tpu.memory_space<hbm>> -> memref<20480xf32, #tpu.memory_space<hbm>>
      tpu.enqueue_indirect_dma source(%dma_start3A_123 : memref<20480xf32, #tpu.memory_space<hbm>>) target(%dma_start3A_118 : memref<128xf32, #tpu.memory_space<vmem>>) offsets(%dma_start3A_121 : memref<128xi32, #tpu.memory_space<vmem>>) semaphore(%arg19 : memref<!tpu.dma_semaphore, #tpu.memory_space<semaphore_mem>>)
      %dma_start3A_124 = arith.constant 4 : i32
      %dma_start3A_125 = arith.constant 1 : i32
      %dma_start3A_126 = arith.constant 0 : i32
      %dma_start3A_127 = tpu.memref_slice %arg15[%dma_start3A_125, %dma_start3A_126] : memref<2x512xf32, #tpu.memory_space<vmem>> -> memref<1x128xf32, #tpu.memory_space<vmem>>
      %dma_start3A_128 = tpu.memref_squeeze %dma_start3A_127 : memref<1x128xf32, #tpu.memory_space<vmem>> -> memref<128xf32, #tpu.memory_space<vmem>>
      %dma_start3A_129 = arith.constant 0 : i32
      %dma_start3A_130 = tpu.memref_slice %arg13[%dma_start3A_124, %dma_start3A_129] : memref<8x128xi32, #tpu.memory_space<vmem>> -> memref<1x128xi32, #tpu.memory_space<vmem>>
      %dma_start3A_131 = tpu.memref_squeeze %dma_start3A_130 : memref<1x128xi32, #tpu.memory_space<vmem>> -> memref<128xi32, #tpu.memory_space<vmem>>
      %dma_start3A_132 = arith.constant 0 : i32
      %dma_start3A_133 = tpu.memref_slice %arg3[%dma_start3A_132] : memref<20480xf32, #tpu.memory_space<hbm>> -> memref<20480xf32, #tpu.memory_space<hbm>>
      tpu.enqueue_indirect_dma source(%dma_start3A_133 : memref<20480xf32, #tpu.memory_space<hbm>>) target(%dma_start3A_128 : memref<128xf32, #tpu.memory_space<vmem>>) offsets(%dma_start3A_131 : memref<128xi32, #tpu.memory_space<vmem>>) semaphore(%arg19 : memref<!tpu.dma_semaphore, #tpu.memory_space<semaphore_mem>>)
      %dma_start3A_134 = arith.constant 5 : i32
      %dma_start3A_135 = arith.constant 1 : i32
      %dma_start3A_136 = arith.constant 128 : i32
      %dma_start3A_137 = tpu.memref_slice %arg15[%dma_start3A_135, %dma_start3A_136] : memref<2x512xf32, #tpu.memory_space<vmem>> -> memref<1x128xf32, #tpu.memory_space<vmem>>
      %dma_start3A_138 = tpu.memref_squeeze %dma_start3A_137 : memref<1x128xf32, #tpu.memory_space<vmem>> -> memref<128xf32, #tpu.memory_space<vmem>>
      %dma_start3A_139 = arith.constant 0 : i32
      %dma_start3A_140 = tpu.memref_slice %arg13[%dma_start3A_134, %dma_start3A_139] : memref<8x128xi32, #tpu.memory_space<vmem>> -> memref<1x128xi32, #tpu.memory_space<vmem>>
      %dma_start3A_141 = tpu.memref_squeeze %dma_start3A_140 : memref<1x128xi32, #tpu.memory_space<vmem>> -> memref<128xi32, #tpu.memory_space<vmem>>
      %dma_start3A_142 = arith.constant 0 : i32
      %dma_start3A_143 = tpu.memref_slice %arg3[%dma_start3A_142] : memref<20480xf32, #tpu.memory_space<hbm>> -> memref<20480xf32, #tpu.memory_space<hbm>>
      tpu.enqueue_indirect_dma source(%dma_start3A_143 : memref<20480xf32, #tpu.memory_space<hbm>>) target(%dma_start3A_138 : memref<128xf32, #tpu.memory_space<vmem>>) offsets(%dma_start3A_141 : memref<128xi32, #tpu.memory_space<vmem>>) semaphore(%arg19 : memref<!tpu.dma_semaphore, #tpu.memory_space<semaphore_mem>>)
      %dma_start3A_144 = arith.constant 6 : i32
      %dma_start3A_145 = arith.constant 1 : i32
      %dma_start3A_146 = arith.constant 256 : i32
      %dma_start3A_147 = tpu.memref_slice %arg15[%dma_start3A_145, %dma_start3A_146] : memref<2x512xf32, #tpu.memory_space<vmem>> -> memref<1x128xf32, #tpu.memory_space<vmem>>
      %dma_start3A_148 = tpu.memref_squeeze %dma_start3A_147 : memref<1x128xf32, #tpu.memory_space<vmem>> -> memref<128xf32, #tpu.memory_space<vmem>>
      %dma_start3A_149 = arith.constant 0 : i32
      %dma_start3A_150 = tpu.memref_slice %arg13[%dma_start3A_144, %dma_start3A_149] : memref<8x128xi32, #tpu.memory_space<vmem>> -> memref<1x128xi32, #tpu.memory_space<vmem>>
      %dma_start3A_151 = tpu.memref_squeeze %dma_start3A_150 : memref<1x128xi32, #tpu.memory_space<vmem>> -> memref<128xi32, #tpu.memory_space<vmem>>
      %dma_start3A_152 = arith.constant 0 : i32
      %dma_start3A_153 = tpu.memref_slice %arg3[%dma_start3A_152] : memref<20480xf32, #tpu.memory_space<hbm>> -> memref<20480xf32, #tpu.memory_space<hbm>>
      tpu.enqueue_indirect_dma source(%dma_start3A_153 : memref<20480xf32, #tpu.memory_space<hbm>>) target(%dma_start3A_148 : memref<128xf32, #tpu.memory_space<vmem>>) offsets(%dma_start3A_151 : memref<128xi32, #tpu.memory_space<vmem>>) semaphore(%arg19 : memref<!tpu.dma_semaphore, #tpu.memory_space<semaphore_mem>>)
      %dma_start3A_154 = arith.constant 7 : i32
      %dma_start3A_155 = arith.constant 1 : i32
      %dma_start3A_156 = arith.constant 384 : i32
      %dma_start3A_157 = tpu.memref_slice %arg15[%dma_start3A_155, %dma_start3A_156] : memref<2x512xf32, #tpu.memory_space<vmem>> -> memref<1x128xf32, #tpu.memory_space<vmem>>
      %dma_start3A_158 = tpu.memref_squeeze %dma_start3A_157 : memref<1x128xf32, #tpu.memory_space<vmem>> -> memref<128xf32, #tpu.memory_space<vmem>>
      %dma_start3A_159 = arith.constant 0 : i32
      %dma_start3A_160 = tpu.memref_slice %arg13[%dma_start3A_154, %dma_start3A_159] : memref<8x128xi32, #tpu.memory_space<vmem>> -> memref<1x128xi32, #tpu.memory_space<vmem>>
      %dma_start3A_161 = tpu.memref_squeeze %dma_start3A_160 : memref<1x128xi32, #tpu.memory_space<vmem>> -> memref<128xi32, #tpu.memory_space<vmem>>
      %dma_start3A_162 = arith.constant 0 : i32
      %dma_start3A_163 = tpu.memref_slice %arg3[%dma_start3A_162] : memref<20480xf32, #tpu.memory_space<hbm>> -> memref<20480xf32, #tpu.memory_space<hbm>>
      tpu.enqueue_indirect_dma source(%dma_start3A_163 : memref<20480xf32, #tpu.memory_space<hbm>>) target(%dma_start3A_158 : memref<128xf32, #tpu.memory_space<vmem>>) offsets(%dma_start3A_161 : memref<128xi32, #tpu.memory_space<vmem>>) semaphore(%arg19 : memref<!tpu.dma_semaphore, #tpu.memory_space<semaphore_mem>>)
      %dma_start3A_164 = arith.constant 0 : i32
      %dma_start3A_165 = arith.constant 0 : i32
      %dma_start3A_166 = arith.constant 0 : i32
      %dma_start3A_167 = tpu.memref_slice %arg16[%dma_start3A_165, %dma_start3A_166] : memref<2x512xf32, #tpu.memory_space<vmem>> -> memref<1x128xf32, #tpu.memory_space<vmem>>
      %dma_start3A_168 = tpu.memref_squeeze %dma_start3A_167 : memref<1x128xf32, #tpu.memory_space<vmem>> -> memref<128xf32, #tpu.memory_space<vmem>>
      %dma_start3A_169 = arith.constant 0 : i32
      %dma_start3A_170 = tpu.memref_slice %arg13[%dma_start3A_164, %dma_start3A_169] : memref<8x128xi32, #tpu.memory_space<vmem>> -> memref<1x128xi32, #tpu.memory_space<vmem>>
      %dma_start3A_171 = tpu.memref_squeeze %dma_start3A_170 : memref<1x128xi32, #tpu.memory_space<vmem>> -> memref<128xi32, #tpu.memory_space<vmem>>
      %dma_start3A_172 = arith.constant 0 : i32
      %dma_start3A_173 = tpu.memref_slice %arg4[%dma_start3A_172] : memref<20480xf32, #tpu.memory_space<hbm>> -> memref<20480xf32, #tpu.memory_space<hbm>>
      tpu.enqueue_indirect_dma source(%dma_start3A_173 : memref<20480xf32, #tpu.memory_space<hbm>>) target(%dma_start3A_168 : memref<128xf32, #tpu.memory_space<vmem>>) offsets(%dma_start3A_171 : memref<128xi32, #tpu.memory_space<vmem>>) semaphore(%arg19 : memref<!tpu.dma_semaphore, #tpu.memory_space<semaphore_mem>>)
      %dma_start3A_174 = arith.constant 1 : i32
      %dma_start3A_175 = arith.constant 0 : i32
      %dma_start3A_176 = arith.constant 128 : i32
      %dma_start3A_177 = tpu.memref_slice %arg16[%dma_start3A_175, %dma_start3A_176] : memref<2x512xf32, #tpu.memory_space<vmem>> -> memref<1x128xf32, #tpu.memory_space<vmem>>
      %dma_start3A_178 = tpu.memref_squeeze %dma_start3A_177 : memref<1x128xf32, #tpu.memory_space<vmem>> -> memref<128xf32, #tpu.memory_space<vmem>>
      %dma_start3A_179 = arith.constant 0 : i32
      %dma_start3A_180 = tpu.memref_slice %arg13[%dma_start3A_174, %dma_start3A_179] : memref<8x128xi32, #tpu.memory_space<vmem>> -> memref<1x128xi32, #tpu.memory_space<vmem>>
      %dma_start3A_181 = tpu.memref_squeeze %dma_start3A_180 : memref<1x128xi32, #tpu.memory_space<vmem>> -> memref<128xi32, #tpu.memory_space<vmem>>
      %dma_start3A_182 = arith.constant 0 : i32
      %dma_start3A_183 = tpu.memref_slice %arg4[%dma_start3A_182] : memref<20480xf32, #tpu.memory_space<hbm>> -> memref<20480xf32, #tpu.memory_space<hbm>>
      tpu.enqueue_indirect_dma source(%dma_start3A_183 : memref<20480xf32, #tpu.memory_space<hbm>>) target(%dma_start3A_178 : memref<128xf32, #tpu.memory_space<vmem>>) offsets(%dma_start3A_181 : memref<128xi32, #tpu.memory_space<vmem>>) semaphore(%arg19 : memref<!tpu.dma_semaphore, #tpu.memory_space<semaphore_mem>>)
      %dma_start3A_184 = arith.constant 2 : i32
      %dma_start3A_185 = arith.constant 0 : i32
      %dma_start3A_186 = arith.constant 256 : i32
      %dma_start3A_187 = tpu.memref_slice %arg16[%dma_start3A_185, %dma_start3A_186] : memref<2x512xf32, #tpu.memory_space<vmem>> -> memref<1x128xf32, #tpu.memory_space<vmem>>
      %dma_start3A_188 = tpu.memref_squeeze %dma_start3A_187 : memref<1x128xf32, #tpu.memory_space<vmem>> -> memref<128xf32, #tpu.memory_space<vmem>>
      %dma_start3A_189 = arith.constant 0 : i32
      %dma_start3A_190 = tpu.memref_slice %arg13[%dma_start3A_184, %dma_start3A_189] : memref<8x128xi32, #tpu.memory_space<vmem>> -> memref<1x128xi32, #tpu.memory_space<vmem>>
      %dma_start3A_191 = tpu.memref_squeeze %dma_start3A_190 : memref<1x128xi32, #tpu.memory_space<vmem>> -> memref<128xi32, #tpu.memory_space<vmem>>
      %dma_start3A_192 = arith.constant 0 : i32
      %dma_start3A_193 = tpu.memref_slice %arg4[%dma_start3A_192] : memref<20480xf32, #tpu.memory_space<hbm>> -> memref<20480xf32, #tpu.memory_space<hbm>>
      tpu.enqueue_indirect_dma source(%dma_start3A_193 : memref<20480xf32, #tpu.memory_space<hbm>>) target(%dma_start3A_188 : memref<128xf32, #tpu.memory_space<vmem>>) offsets(%dma_start3A_191 : memref<128xi32, #tpu.memory_space<vmem>>) semaphore(%arg19 : memref<!tpu.dma_semaphore, #tpu.memory_space<semaphore_mem>>)
      %dma_start3A_194 = arith.constant 3 : i32
      %dma_start3A_195 = arith.constant 0 : i32
      %dma_start3A_196 = arith.constant 384 : i32
      %dma_start3A_197 = tpu.memref_slice %arg16[%dma_start3A_195, %dma_start3A_196] : memref<2x512xf32, #tpu.memory_space<vmem>> -> memref<1x128xf32, #tpu.memory_space<vmem>>
      %dma_start3A_198 = tpu.memref_squeeze %dma_start3A_197 : memref<1x128xf32, #tpu.memory_space<vmem>> -> memref<128xf32, #tpu.memory_space<vmem>>
      %dma_start3A_199 = arith.constant 0 : i32
      %dma_start3A_200 = tpu.memref_slice %arg13[%dma_start3A_194, %dma_start3A_199] : memref<8x128xi32, #tpu.memory_space<vmem>> -> memref<1x128xi32, #tpu.memory_space<vmem>>
      %dma_start3A_201 = tpu.memref_squeeze %dma_start3A_200 : memref<1x128xi32, #tpu.memory_space<vmem>> -> memref<128xi32, #tpu.memory_space<vmem>>
      %dma_start3A_202 = arith.constant 0 : i32
      %dma_start3A_203 = tpu.memref_slice %arg4[%dma_start3A_202] : memref<20480xf32, #tpu.memory_space<hbm>> -> memref<20480xf32, #tpu.memory_space<hbm>>
      tpu.enqueue_indirect_dma source(%dma_start3A_203 : memref<20480xf32, #tpu.memory_space<hbm>>) target(%dma_start3A_198 : memref<128xf32, #tpu.memory_space<vmem>>) offsets(%dma_start3A_201 : memref<128xi32, #tpu.memory_space<vmem>>) semaphore(%arg19 : memref<!tpu.dma_semaphore, #tpu.memory_space<semaphore_mem>>)
      %dma_start3A_204 = arith.constant 4 : i32
      %dma_start3A_205 = arith.constant 1 : i32
      %dma_start3A_206 = arith.constant 0 : i32
      %dma_start3A_207 = tpu.memref_slice %arg16[%dma_start3A_205, %dma_start3A_206] : memref<2x512xf32, #tpu.memory_space<vmem>> -> memref<1x128xf32, #tpu.memory_space<vmem>>
      %dma_start3A_208 = tpu.memref_squeeze %dma_start3A_207 : memref<1x128xf32, #tpu.memory_space<vmem>> -> memref<128xf32, #tpu.memory_space<vmem>>
      %dma_start3A_209 = arith.constant 0 : i32
      %dma_start3A_210 = tpu.memref_slice %arg13[%dma_start3A_204, %dma_start3A_209] : memref<8x128xi32, #tpu.memory_space<vmem>> -> memref<1x128xi32, #tpu.memory_space<vmem>>
      %dma_start3A_211 = tpu.memref_squeeze %dma_start3A_210 : memref<1x128xi32, #tpu.memory_space<vmem>> -> memref<128xi32, #tpu.memory_space<vmem>>
      %dma_start3A_212 = arith.constant 0 : i32
      %dma_start3A_213 = tpu.memref_slice %arg4[%dma_start3A_212] : memref<20480xf32, #tpu.memory_space<hbm>> -> memref<20480xf32, #tpu.memory_space<hbm>>
      tpu.enqueue_indirect_dma source(%dma_start3A_213 : memref<20480xf32, #tpu.memory_space<hbm>>) target(%dma_start3A_208 : memref<128xf32, #tpu.memory_space<vmem>>) offsets(%dma_start3A_211 : memref<128xi32, #tpu.memory_space<vmem>>) semaphore(%arg19 : memref<!tpu.dma_semaphore, #tpu.memory_space<semaphore_mem>>)
      %dma_start3A_214 = arith.constant 5 : i32
      %dma_start3A_215 = arith.constant 1 : i32
      %dma_start3A_216 = arith.constant 128 : i32
      %dma_start3A_217 = tpu.memref_slice %arg16[%dma_start3A_215, %dma_start3A_216] : memref<2x512xf32, #tpu.memory_space<vmem>> -> memref<1x128xf32, #tpu.memory_space<vmem>>
      %dma_start3A_218 = tpu.memref_squeeze %dma_start3A_217 : memref<1x128xf32, #tpu.memory_space<vmem>> -> memref<128xf32, #tpu.memory_space<vmem>>
      %dma_start3A_219 = arith.constant 0 : i32
      %dma_start3A_220 = tpu.memref_slice %arg13[%dma_start3A_214, %dma_start3A_219] : memref<8x128xi32, #tpu.memory_space<vmem>> -> memref<1x128xi32, #tpu.memory_space<vmem>>
      %dma_start3A_221 = tpu.memref_squeeze %dma_start3A_220 : memref<1x128xi32, #tpu.memory_space<vmem>> -> memref<128xi32, #tpu.memory_space<vmem>>
      %dma_start3A_222 = arith.constant 0 : i32
      %dma_start3A_223 = tpu.memref_slice %arg4[%dma_start3A_222] : memref<20480xf32, #tpu.memory_space<hbm>> -> memref<20480xf32, #tpu.memory_space<hbm>>
      tpu.enqueue_indirect_dma source(%dma_start3A_223 : memref<20480xf32, #tpu.memory_space<hbm>>) target(%dma_start3A_218 : memref<128xf32, #tpu.memory_space<vmem>>) offsets(%dma_start3A_221 : memref<128xi32, #tpu.memory_space<vmem>>) semaphore(%arg19 : memref<!tpu.dma_semaphore, #tpu.memory_space<semaphore_mem>>)
      %dma_start3A_224 = arith.constant 6 : i32
      %dma_start3A_225 = arith.constant 1 : i32
      %dma_start3A_226 = arith.constant 256 : i32
      %dma_start3A_227 = tpu.memref_slice %arg16[%dma_start3A_225, %dma_start3A_226] : memref<2x512xf32, #tpu.memory_space<vmem>> -> memref<1x128xf32, #tpu.memory_space<vmem>>
      %dma_start3A_228 = tpu.memref_squeeze %dma_start3A_227 : memref<1x128xf32, #tpu.memory_space<vmem>> -> memref<128xf32, #tpu.memory_space<vmem>>
      %dma_start3A_229 = arith.constant 0 : i32
      %dma_start3A_230 = tpu.memref_slice %arg13[%dma_start3A_224, %dma_start3A_229] : memref<8x128xi32, #tpu.memory_space<vmem>> -> memref<1x128xi32, #tpu.memory_space<vmem>>
      %dma_start3A_231 = tpu.memref_squeeze %dma_start3A_230 : memref<1x128xi32, #tpu.memory_space<vmem>> -> memref<128xi32, #tpu.memory_space<vmem>>
      %dma_start3A_232 = arith.constant 0 : i32
      %dma_start3A_233 = tpu.memref_slice %arg4[%dma_start3A_232] : memref<20480xf32, #tpu.memory_space<hbm>> -> memref<20480xf32, #tpu.memory_space<hbm>>
      tpu.enqueue_indirect_dma source(%dma_start3A_233 : memref<20480xf32, #tpu.memory_space<hbm>>) target(%dma_start3A_228 : memref<128xf32, #tpu.memory_space<vmem>>) offsets(%dma_start3A_231 : memref<128xi32, #tpu.memory_space<vmem>>) semaphore(%arg19 : memref<!tpu.dma_semaphore, #tpu.memory_space<semaphore_mem>>)
      %dma_start3A_234 = arith.constant 7 : i32
      %dma_start3A_235 = arith.constant 1 : i32
      %dma_start3A_236 = arith.constant 384 : i32
      %dma_start3A_237 = tpu.memref_slice %arg16[%dma_start3A_235, %dma_start3A_236] : memref<2x512xf32, #tpu.memory_space<vmem>> -> memref<1x128xf32, #tpu.memory_space<vmem>>
      %dma_start3A_238 = tpu.memref_squeeze %dma_start3A_237 : memref<1x128xf32, #tpu.memory_space<vmem>> -> memref<128xf32, #tpu.memory_space<vmem>>
      %dma_start3A_239 = arith.constant 0 : i32
      %dma_start3A_240 = tpu.memref_slice %arg13[%dma_start3A_234, %dma_start3A_239] : memref<8x128xi32, #tpu.memory_space<vmem>> -> memref<1x128xi32, #tpu.memory_space<vmem>>
      %dma_start3A_241 = tpu.memref_squeeze %dma_start3A_240 : memref<1x128xi32, #tpu.memory_space<vmem>> -> memref<128xi32, #tpu.memory_space<vmem>>
      %dma_start3A_242 = arith.constant 0 : i32
      %dma_start3A_243 = tpu.memref_slice %arg4[%dma_start3A_242] : memref<20480xf32, #tpu.memory_space<hbm>> -> memref<20480xf32, #tpu.memory_space<hbm>>
      tpu.enqueue_indirect_dma source(%dma_start3A_243 : memref<20480xf32, #tpu.memory_space<hbm>>) target(%dma_start3A_238 : memref<128xf32, #tpu.memory_space<vmem>>) offsets(%dma_start3A_241 : memref<128xi32, #tpu.memory_space<vmem>>) semaphore(%arg19 : memref<!tpu.dma_semaphore, #tpu.memory_space<semaphore_mem>>)
      %dma_start3A_244 = arith.constant 0 : i32
      %dma_start3A_245 = arith.constant 0 : i32
      %dma_start3A_246 = arith.constant 0 : i32
      %dma_start3A_247 = tpu.memref_slice %arg17[%dma_start3A_245, %dma_start3A_246] : memref<2x512xf32, #tpu.memory_space<vmem>> -> memref<1x128xf32, #tpu.memory_space<vmem>>
      %dma_start3A_248 = tpu.memref_squeeze %dma_start3A_247 : memref<1x128xf32, #tpu.memory_space<vmem>> -> memref<128xf32, #tpu.memory_space<vmem>>
      %dma_start3A_249 = arith.constant 0 : i32
      %dma_start3A_250 = tpu.memref_slice %arg13[%dma_start3A_244, %dma_start3A_249] : memref<8x128xi32, #tpu.memory_space<vmem>> -> memref<1x128xi32, #tpu.memory_space<vmem>>
      %dma_start3A_251 = tpu.memref_squeeze %dma_start3A_250 : memref<1x128xi32, #tpu.memory_space<vmem>> -> memref<128xi32, #tpu.memory_space<vmem>>
      %dma_start3A_252 = arith.constant 0 : i32
      %dma_start3A_253 = tpu.memref_slice %arg5[%dma_start3A_252] : memref<20480xf32, #tpu.memory_space<hbm>> -> memref<20480xf32, #tpu.memory_space<hbm>>
      tpu.enqueue_indirect_dma source(%dma_start3A_253 : memref<20480xf32, #tpu.memory_space<hbm>>) target(%dma_start3A_248 : memref<128xf32, #tpu.memory_space<vmem>>) offsets(%dma_start3A_251 : memref<128xi32, #tpu.memory_space<vmem>>) semaphore(%arg19 : memref<!tpu.dma_semaphore, #tpu.memory_space<semaphore_mem>>)
      %dma_start3A_254 = arith.constant 1 : i32
      %dma_start3A_255 = arith.constant 0 : i32
      %dma_start3A_256 = arith.constant 128 : i32
      %dma_start3A_257 = tpu.memref_slice %arg17[%dma_start3A_255, %dma_start3A_256] : memref<2x512xf32, #tpu.memory_space<vmem>> -> memref<1x128xf32, #tpu.memory_space<vmem>>
      %dma_start3A_258 = tpu.memref_squeeze %dma_start3A_257 : memref<1x128xf32, #tpu.memory_space<vmem>> -> memref<128xf32, #tpu.memory_space<vmem>>
      %dma_start3A_259 = arith.constant 0 : i32
      %dma_start3A_260 = tpu.memref_slice %arg13[%dma_start3A_254, %dma_start3A_259] : memref<8x128xi32, #tpu.memory_space<vmem>> -> memref<1x128xi32, #tpu.memory_space<vmem>>
      %dma_start3A_261 = tpu.memref_squeeze %dma_start3A_260 : memref<1x128xi32, #tpu.memory_space<vmem>> -> memref<128xi32, #tpu.memory_space<vmem>>
      %dma_start3A_262 = arith.constant 0 : i32
      %dma_start3A_263 = tpu.memref_slice %arg5[%dma_start3A_262] : memref<20480xf32, #tpu.memory_space<hbm>> -> memref<20480xf32, #tpu.memory_space<hbm>>
      tpu.enqueue_indirect_dma source(%dma_start3A_263 : memref<20480xf32, #tpu.memory_space<hbm>>) target(%dma_start3A_258 : memref<128xf32, #tpu.memory_space<vmem>>) offsets(%dma_start3A_261 : memref<128xi32, #tpu.memory_space<vmem>>) semaphore(%arg19 : memref<!tpu.dma_semaphore, #tpu.memory_space<semaphore_mem>>)
      %dma_start3A_264 = arith.constant 2 : i32
      %dma_start3A_265 = arith.constant 0 : i32
      %dma_start3A_266 = arith.constant 256 : i32
      %dma_start3A_267 = tpu.memref_slice %arg17[%dma_start3A_265, %dma_start3A_266] : memref<2x512xf32, #tpu.memory_space<vmem>> -> memref<1x128xf32, #tpu.memory_space<vmem>>
      %dma_start3A_268 = tpu.memref_squeeze %dma_start3A_267 : memref<1x128xf32, #tpu.memory_space<vmem>> -> memref<128xf32, #tpu.memory_space<vmem>>
      %dma_start3A_269 = arith.constant 0 : i32
      %dma_start3A_270 = tpu.memref_slice %arg13[%dma_start3A_264, %dma_start3A_269] : memref<8x128xi32, #tpu.memory_space<vmem>> -> memref<1x128xi32, #tpu.memory_space<vmem>>
      %dma_start3A_271 = tpu.memref_squeeze %dma_start3A_270 : memref<1x128xi32, #tpu.memory_space<vmem>> -> memref<128xi32, #tpu.memory_space<vmem>>
      %dma_start3A_272 = arith.constant 0 : i32
      %dma_start3A_273 = tpu.memref_slice %arg5[%dma_start3A_272] : memref<20480xf32, #tpu.memory_space<hbm>> -> memref<20480xf32, #tpu.memory_space<hbm>>
      tpu.enqueue_indirect_dma source(%dma_start3A_273 : memref<20480xf32, #tpu.memory_space<hbm>>) target(%dma_start3A_268 : memref<128xf32, #tpu.memory_space<vmem>>) offsets(%dma_start3A_271 : memref<128xi32, #tpu.memory_space<vmem>>) semaphore(%arg19 : memref<!tpu.dma_semaphore, #tpu.memory_space<semaphore_mem>>)
      %dma_start3A_274 = arith.constant 3 : i32
      %dma_start3A_275 = arith.constant 0 : i32
      %dma_start3A_276 = arith.constant 384 : i32
      %dma_start3A_277 = tpu.memref_slice %arg17[%dma_start3A_275, %dma_start3A_276] : memref<2x512xf32, #tpu.memory_space<vmem>> -> memref<1x128xf32, #tpu.memory_space<vmem>>
      %dma_start3A_278 = tpu.memref_squeeze %dma_start3A_277 : memref<1x128xf32, #tpu.memory_space<vmem>> -> memref<128xf32, #tpu.memory_space<vmem>>
      %dma_start3A_279 = arith.constant 0 : i32
      %dma_start3A_280 = tpu.memref_slice %arg13[%dma_start3A_274, %dma_start3A_279] : memref<8x128xi32, #tpu.memory_space<vmem>> -> memref<1x128xi32, #tpu.memory_space<vmem>>
      %dma_start3A_281 = tpu.memref_squeeze %dma_start3A_280 : memref<1x128xi32, #tpu.memory_space<vmem>> -> memref<128xi32, #tpu.memory_space<vmem>>
      %dma_start3A_282 = arith.constant 0 : i32
      %dma_start3A_283 = tpu.memref_slice %arg5[%dma_start3A_282] : memref<20480xf32, #tpu.memory_space<hbm>> -> memref<20480xf32, #tpu.memory_space<hbm>>
      tpu.enqueue_indirect_dma source(%dma_start3A_283 : memref<20480xf32, #tpu.memory_space<hbm>>) target(%dma_start3A_278 : memref<128xf32, #tpu.memory_space<vmem>>) offsets(%dma_start3A_281 : memref<128xi32, #tpu.memory_space<vmem>>) semaphore(%arg19 : memref<!tpu.dma_semaphore, #tpu.memory_space<semaphore_mem>>)
      %dma_start3A_284 = arith.constant 4 : i32
      %dma_start3A_285 = arith.constant 1 : i32
      %dma_start3A_286 = arith.constant 0 : i32
      %dma_start3A_287 = tpu.memref_slice %arg17[%dma_start3A_285, %dma_start3A_286] : memref<2x512xf32, #tpu.memory_space<vmem>> -> memref<1x128xf32, #tpu.memory_space<vmem>>
      %dma_start3A_288 = tpu.memref_squeeze %dma_start3A_287 : memref<1x128xf32, #tpu.memory_space<vmem>> -> memref<128xf32, #tpu.memory_space<vmem>>
      %dma_start3A_289 = arith.constant 0 : i32
      %dma_start3A_290 = tpu.memref_slice %arg13[%dma_start3A_284, %dma_start3A_289] : memref<8x128xi32, #tpu.memory_space<vmem>> -> memref<1x128xi32, #tpu.memory_space<vmem>>
      %dma_start3A_291 = tpu.memref_squeeze %dma_start3A_290 : memref<1x128xi32, #tpu.memory_space<vmem>> -> memref<128xi32, #tpu.memory_space<vmem>>
      %dma_start3A_292 = arith.constant 0 : i32
      %dma_start3A_293 = tpu.memref_slice %arg5[%dma_start3A_292] : memref<20480xf32, #tpu.memory_space<hbm>> -> memref<20480xf32, #tpu.memory_space<hbm>>
      tpu.enqueue_indirect_dma source(%dma_start3A_293 : memref<20480xf32, #tpu.memory_space<hbm>>) target(%dma_start3A_288 : memref<128xf32, #tpu.memory_space<vmem>>) offsets(%dma_start3A_291 : memref<128xi32, #tpu.memory_space<vmem>>) semaphore(%arg19 : memref<!tpu.dma_semaphore, #tpu.memory_space<semaphore_mem>>)
      %dma_start3A_294 = arith.constant 5 : i32
      %dma_start3A_295 = arith.constant 1 : i32
      %dma_start3A_296 = arith.constant 128 : i32
      %dma_start3A_297 = tpu.memref_slice %arg17[%dma_start3A_295, %dma_start3A_296] : memref<2x512xf32, #tpu.memory_space<vmem>> -> memref<1x128xf32, #tpu.memory_space<vmem>>
      %dma_start3A_298 = tpu.memref_squeeze %dma_start3A_297 : memref<1x128xf32, #tpu.memory_space<vmem>> -> memref<128xf32, #tpu.memory_space<vmem>>
      %dma_start3A_299 = arith.constant 0 : i32
      %dma_start3A_300 = tpu.memref_slice %arg13[%dma_start3A_294, %dma_start3A_299] : memref<8x128xi32, #tpu.memory_space<vmem>> -> memref<1x128xi32, #tpu.memory_space<vmem>>
      %dma_start3A_301 = tpu.memref_squeeze %dma_start3A_300 : memref<1x128xi32, #tpu.memory_space<vmem>> -> memref<128xi32, #tpu.memory_space<vmem>>
      %dma_start3A_302 = arith.constant 0 : i32
      %dma_start3A_303 = tpu.memref_slice %arg5[%dma_start3A_302] : memref<20480xf32, #tpu.memory_space<hbm>> -> memref<20480xf32, #tpu.memory_space<hbm>>
      tpu.enqueue_indirect_dma source(%dma_start3A_303 : memref<20480xf32, #tpu.memory_space<hbm>>) target(%dma_start3A_298 : memref<128xf32, #tpu.memory_space<vmem>>) offsets(%dma_start3A_301 : memref<128xi32, #tpu.memory_space<vmem>>) semaphore(%arg19 : memref<!tpu.dma_semaphore, #tpu.memory_space<semaphore_mem>>)
      %dma_start3A_304 = arith.constant 6 : i32
      %dma_start3A_305 = arith.constant 1 : i32
      %dma_start3A_306 = arith.constant 256 : i32
      %dma_start3A_307 = tpu.memref_slice %arg17[%dma_start3A_305, %dma_start3A_306] : memref<2x512xf32, #tpu.memory_space<vmem>> -> memref<1x128xf32, #tpu.memory_space<vmem>>
      %dma_start3A_308 = tpu.memref_squeeze %dma_start3A_307 : memref<1x128xf32, #tpu.memory_space<vmem>> -> memref<128xf32, #tpu.memory_space<vmem>>
      %dma_start3A_309 = arith.constant 0 : i32
      %dma_start3A_310 = tpu.memref_slice %arg13[%dma_start3A_304, %dma_start3A_309] : memref<8x128xi32, #tpu.memory_space<vmem>> -> memref<1x128xi32, #tpu.memory_space<vmem>>
      %dma_start3A_311 = tpu.memref_squeeze %dma_start3A_310 : memref<1x128xi32, #tpu.memory_space<vmem>> -> memref<128xi32, #tpu.memory_space<vmem>>
      %dma_start3A_312 = arith.constant 0 : i32
      %dma_start3A_313 = tpu.memref_slice %arg5[%dma_start3A_312] : memref<20480xf32, #tpu.memory_space<hbm>> -> memref<20480xf32, #tpu.memory_space<hbm>>
      tpu.enqueue_indirect_dma source(%dma_start3A_313 : memref<20480xf32, #tpu.memory_space<hbm>>) target(%dma_start3A_308 : memref<128xf32, #tpu.memory_space<vmem>>) offsets(%dma_start3A_311 : memref<128xi32, #tpu.memory_space<vmem>>) semaphore(%arg19 : memref<!tpu.dma_semaphore, #tpu.memory_space<semaphore_mem>>)
      %dma_start3A_314 = arith.constant 7 : i32
      %dma_start3A_315 = arith.constant 1 : i32
      %dma_start3A_316 = arith.constant 384 : i32
      %dma_start3A_317 = tpu.memref_slice %arg17[%dma_start3A_315, %dma_start3A_316] : memref<2x512xf32, #tpu.memory_space<vmem>> -> memref<1x128xf32, #tpu.memory_space<vmem>>
      %dma_start3A_318 = tpu.memref_squeeze %dma_start3A_317 : memref<1x128xf32, #tpu.memory_space<vmem>> -> memref<128xf32, #tpu.memory_space<vmem>>
      %dma_start3A_319 = arith.constant 0 : i32
      %dma_start3A_320 = tpu.memref_slice %arg13[%dma_start3A_314, %dma_start3A_319] : memref<8x128xi32, #tpu.memory_space<vmem>> -> memref<1x128xi32, #tpu.memory_space<vmem>>
      %dma_start3A_321 = tpu.memref_squeeze %dma_start3A_320 : memref<1x128xi32, #tpu.memory_space<vmem>> -> memref<128xi32, #tpu.memory_space<vmem>>
      %dma_start3A_322 = arith.constant 0 : i32
      %dma_start3A_323 = tpu.memref_slice %arg5[%dma_start3A_322] : memref<20480xf32, #tpu.memory_space<hbm>> -> memref<20480xf32, #tpu.memory_space<hbm>>
      tpu.enqueue_indirect_dma source(%dma_start3A_323 : memref<20480xf32, #tpu.memory_space<hbm>>) target(%dma_start3A_318 : memref<128xf32, #tpu.memory_space<vmem>>) offsets(%dma_start3A_321 : memref<128xi32, #tpu.memory_space<vmem>>) semaphore(%arg19 : memref<!tpu.dma_semaphore, #tpu.memory_space<semaphore_mem>>)
      %dma_start3A_324 = arith.constant 0 : i32
      %dma_start3A_325 = arith.constant 0 : i32
      %dma_start3A_326 = arith.constant 0 : i32
      %dma_start3A_327 = tpu.memref_slice %arg18[%dma_start3A_325, %dma_start3A_326] : memref<2x512xf32, #tpu.memory_space<vmem>> -> memref<1x128xf32, #tpu.memory_space<vmem>>
      %dma_start3A_328 = tpu.memref_squeeze %dma_start3A_327 : memref<1x128xf32, #tpu.memory_space<vmem>> -> memref<128xf32, #tpu.memory_space<vmem>>
      %dma_start3A_329 = arith.constant 0 : i32
      %dma_start3A_330 = tpu.memref_slice %arg13[%dma_start3A_324, %dma_start3A_329] : memref<8x128xi32, #tpu.memory_space<vmem>> -> memref<1x128xi32, #tpu.memory_space<vmem>>
      %dma_start3A_331 = tpu.memref_squeeze %dma_start3A_330 : memref<1x128xi32, #tpu.memory_space<vmem>> -> memref<128xi32, #tpu.memory_space<vmem>>
      %dma_start3A_332 = arith.constant 0 : i32
      %dma_start3A_333 = tpu.memref_slice %arg6[%dma_start3A_332] : memref<20480xf32, #tpu.memory_space<hbm>> -> memref<20480xf32, #tpu.memory_space<hbm>>
      tpu.enqueue_indirect_dma source(%dma_start3A_333 : memref<20480xf32, #tpu.memory_space<hbm>>) target(%dma_start3A_328 : memref<128xf32, #tpu.memory_space<vmem>>) offsets(%dma_start3A_331 : memref<128xi32, #tpu.memory_space<vmem>>) semaphore(%arg19 : memref<!tpu.dma_semaphore, #tpu.memory_space<semaphore_mem>>)
      %dma_start3A_334 = arith.constant 1 : i32
      %dma_start3A_335 = arith.constant 0 : i32
      %dma_start3A_336 = arith.constant 128 : i32
      %dma_start3A_337 = tpu.memref_slice %arg18[%dma_start3A_335, %dma_start3A_336] : memref<2x512xf32, #tpu.memory_space<vmem>> -> memref<1x128xf32, #tpu.memory_space<vmem>>
      %dma_start3A_338 = tpu.memref_squeeze %dma_start3A_337 : memref<1x128xf32, #tpu.memory_space<vmem>> -> memref<128xf32, #tpu.memory_space<vmem>>
      %dma_start3A_339 = arith.constant 0 : i32
      %dma_start3A_340 = tpu.memref_slice %arg13[%dma_start3A_334, %dma_start3A_339] : memref<8x128xi32, #tpu.memory_space<vmem>> -> memref<1x128xi32, #tpu.memory_space<vmem>>
      %dma_start3A_341 = tpu.memref_squeeze %dma_start3A_340 : memref<1x128xi32, #tpu.memory_space<vmem>> -> memref<128xi32, #tpu.memory_space<vmem>>
      %dma_start3A_342 = arith.constant 0 : i32
      %dma_start3A_343 = tpu.memref_slice %arg6[%dma_start3A_342] : memref<20480xf32, #tpu.memory_space<hbm>> -> memref<20480xf32, #tpu.memory_space<hbm>>
      tpu.enqueue_indirect_dma source(%dma_start3A_343 : memref<20480xf32, #tpu.memory_space<hbm>>) target(%dma_start3A_338 : memref<128xf32, #tpu.memory_space<vmem>>) offsets(%dma_start3A_341 : memref<128xi32, #tpu.memory_space<vmem>>) semaphore(%arg19 : memref<!tpu.dma_semaphore, #tpu.memory_space<semaphore_mem>>)
      %dma_start3A_344 = arith.constant 2 : i32
      %dma_start3A_345 = arith.constant 0 : i32
      %dma_start3A_346 = arith.constant 256 : i32
      %dma_start3A_347 = tpu.memref_slice %arg18[%dma_start3A_345, %dma_start3A_346] : memref<2x512xf32, #tpu.memory_space<vmem>> -> memref<1x128xf32, #tpu.memory_space<vmem>>
      %dma_start3A_348 = tpu.memref_squeeze %dma_start3A_347 : memref<1x128xf32, #tpu.memory_space<vmem>> -> memref<128xf32, #tpu.memory_space<vmem>>
      %dma_start3A_349 = arith.constant 0 : i32
      %dma_start3A_350 = tpu.memref_slice %arg13[%dma_start3A_344, %dma_start3A_349] : memref<8x128xi32, #tpu.memory_space<vmem>> -> memref<1x128xi32, #tpu.memory_space<vmem>>
      %dma_start3A_351 = tpu.memref_squeeze %dma_start3A_350 : memref<1x128xi32, #tpu.memory_space<vmem>> -> memref<128xi32, #tpu.memory_space<vmem>>
      %dma_start3A_352 = arith.constant 0 : i32
      %dma_start3A_353 = tpu.memref_slice %arg6[%dma_start3A_352] : memref<20480xf32, #tpu.memory_space<hbm>> -> memref<20480xf32, #tpu.memory_space<hbm>>
      tpu.enqueue_indirect_dma source(%dma_start3A_353 : memref<20480xf32, #tpu.memory_space<hbm>>) target(%dma_start3A_348 : memref<128xf32, #tpu.memory_space<vmem>>) offsets(%dma_start3A_351 : memref<128xi32, #tpu.memory_space<vmem>>) semaphore(%arg19 : memref<!tpu.dma_semaphore, #tpu.memory_space<semaphore_mem>>)
      %dma_start3A_354 = arith.constant 3 : i32
      %dma_start3A_355 = arith.constant 0 : i32
      %dma_start3A_356 = arith.constant 384 : i32
      %dma_start3A_357 = tpu.memref_slice %arg18[%dma_start3A_355, %dma_start3A_356] : memref<2x512xf32, #tpu.memory_space<vmem>> -> memref<1x128xf32, #tpu.memory_space<vmem>>
      %dma_start3A_358 = tpu.memref_squeeze %dma_start3A_357 : memref<1x128xf32, #tpu.memory_space<vmem>> -> memref<128xf32, #tpu.memory_space<vmem>>
      %dma_start3A_359 = arith.constant 0 : i32
      %dma_start3A_360 = tpu.memref_slice %arg13[%dma_start3A_354, %dma_start3A_359] : memref<8x128xi32, #tpu.memory_space<vmem>> -> memref<1x128xi32, #tpu.memory_space<vmem>>
      %dma_start3A_361 = tpu.memref_squeeze %dma_start3A_360 : memref<1x128xi32, #tpu.memory_space<vmem>> -> memref<128xi32, #tpu.memory_space<vmem>>
      %dma_start3A_362 = arith.constant 0 : i32
      %dma_start3A_363 = tpu.memref_slice %arg6[%dma_start3A_362] : memref<20480xf32, #tpu.memory_space<hbm>> -> memref<20480xf32, #tpu.memory_space<hbm>>
      tpu.enqueue_indirect_dma source(%dma_start3A_363 : memref<20480xf32, #tpu.memory_space<hbm>>) target(%dma_start3A_358 : memref<128xf32, #tpu.memory_space<vmem>>) offsets(%dma_start3A_361 : memref<128xi32, #tpu.memory_space<vmem>>) semaphore(%arg19 : memref<!tpu.dma_semaphore, #tpu.memory_space<semaphore_mem>>)
      %dma_start3A_364 = arith.constant 4 : i32
      %dma_start3A_365 = arith.constant 1 : i32
      %dma_start3A_366 = arith.constant 0 : i32
      %dma_start3A_367 = tpu.memref_slice %arg18[%dma_start3A_365, %dma_start3A_366] : memref<2x512xf32, #tpu.memory_space<vmem>> -> memref<1x128xf32, #tpu.memory_space<vmem>>
      %dma_start3A_368 = tpu.memref_squeeze %dma_start3A_367 : memref<1x128xf32, #tpu.memory_space<vmem>> -> memref<128xf32, #tpu.memory_space<vmem>>
      %dma_start3A_369 = arith.constant 0 : i32
      %dma_start3A_370 = tpu.memref_slice %arg13[%dma_start3A_364, %dma_start3A_369] : memref<8x128xi32, #tpu.memory_space<vmem>> -> memref<1x128xi32, #tpu.memory_space<vmem>>
      %dma_start3A_371 = tpu.memref_squeeze %dma_start3A_370 : memref<1x128xi32, #tpu.memory_space<vmem>> -> memref<128xi32, #tpu.memory_space<vmem>>
      %dma_start3A_372 = arith.constant 0 : i32
      %dma_start3A_373 = tpu.memref_slice %arg6[%dma_start3A_372] : memref<20480xf32, #tpu.memory_space<hbm>> -> memref<20480xf32, #tpu.memory_space<hbm>>
      tpu.enqueue_indirect_dma source(%dma_start3A_373 : memref<20480xf32, #tpu.memory_space<hbm>>) target(%dma_start3A_368 : memref<128xf32, #tpu.memory_space<vmem>>) offsets(%dma_start3A_371 : memref<128xi32, #tpu.memory_space<vmem>>) semaphore(%arg19 : memref<!tpu.dma_semaphore, #tpu.memory_space<semaphore_mem>>)
      %dma_start3A_374 = arith.constant 5 : i32
      %dma_start3A_375 = arith.constant 1 : i32
      %dma_start3A_376 = arith.constant 128 : i32
      %dma_start3A_377 = tpu.memref_slice %arg18[%dma_start3A_375, %dma_start3A_376] : memref<2x512xf32, #tpu.memory_space<vmem>> -> memref<1x128xf32, #tpu.memory_space<vmem>>
      %dma_start3A_378 = tpu.memref_squeeze %dma_start3A_377 : memref<1x128xf32, #tpu.memory_space<vmem>> -> memref<128xf32, #tpu.memory_space<vmem>>
      %dma_start3A_379 = arith.constant 0 : i32
      %dma_start3A_380 = tpu.memref_slice %arg13[%dma_start3A_374, %dma_start3A_379] : memref<8x128xi32, #tpu.memory_space<vmem>> -> memref<1x128xi32, #tpu.memory_space<vmem>>
      %dma_start3A_381 = tpu.memref_squeeze %dma_start3A_380 : memref<1x128xi32, #tpu.memory_space<vmem>> -> memref<128xi32, #tpu.memory_space<vmem>>
      %dma_start3A_382 = arith.constant 0 : i32
      %dma_start3A_383 = tpu.memref_slice %arg6[%dma_start3A_382] : memref<20480xf32, #tpu.memory_space<hbm>> -> memref<20480xf32, #tpu.memory_space<hbm>>
      tpu.enqueue_indirect_dma source(%dma_start3A_383 : memref<20480xf32, #tpu.memory_space<hbm>>) target(%dma_start3A_378 : memref<128xf32, #tpu.memory_space<vmem>>) offsets(%dma_start3A_381 : memref<128xi32, #tpu.memory_space<vmem>>) semaphore(%arg19 : memref<!tpu.dma_semaphore, #tpu.memory_space<semaphore_mem>>)
      %dma_start3A_384 = arith.constant 6 : i32
      %dma_start3A_385 = arith.constant 1 : i32
      %dma_start3A_386 = arith.constant 256 : i32
      %dma_start3A_387 = tpu.memref_slice %arg18[%dma_start3A_385, %dma_start3A_386] : memref<2x512xf32, #tpu.memory_space<vmem>> -> memref<1x128xf32, #tpu.memory_space<vmem>>
      %dma_start3A_388 = tpu.memref_squeeze %dma_start3A_387 : memref<1x128xf32, #tpu.memory_space<vmem>> -> memref<128xf32, #tpu.memory_space<vmem>>
      %dma_start3A_389 = arith.constant 0 : i32
      %dma_start3A_390 = tpu.memref_slice %arg13[%dma_start3A_384, %dma_start3A_389] : memref<8x128xi32, #tpu.memory_space<vmem>> -> memref<1x128xi32, #tpu.memory_space<vmem>>
      %dma_start3A_391 = tpu.memref_squeeze %dma_start3A_390 : memref<1x128xi32, #tpu.memory_space<vmem>> -> memref<128xi32, #tpu.memory_space<vmem>>
      %dma_start3A_392 = arith.constant 0 : i32
      %dma_start3A_393 = tpu.memref_slice %arg6[%dma_start3A_392] : memref<20480xf32, #tpu.memory_space<hbm>> -> memref<20480xf32, #tpu.memory_space<hbm>>
      tpu.enqueue_indirect_dma source(%dma_start3A_393 : memref<20480xf32, #tpu.memory_space<hbm>>) target(%dma_start3A_388 : memref<128xf32, #tpu.memory_space<vmem>>) offsets(%dma_start3A_391 : memref<128xi32, #tpu.memory_space<vmem>>) semaphore(%arg19 : memref<!tpu.dma_semaphore, #tpu.memory_space<semaphore_mem>>)
      %dma_start3A_394 = arith.constant 7 : i32
      %dma_start3A_395 = arith.constant 1 : i32
      %dma_start3A_396 = arith.constant 384 : i32
      %dma_start3A_397 = tpu.memref_slice %arg18[%dma_start3A_395, %dma_start3A_396] : memref<2x512xf32, #tpu.memory_space<vmem>> -> memref<1x128xf32, #tpu.memory_space<vmem>>
      %dma_start3A_398 = tpu.memref_squeeze %dma_start3A_397 : memref<1x128xf32, #tpu.memory_space<vmem>> -> memref<128xf32, #tpu.memory_space<vmem>>
      %dma_start3A_399 = arith.constant 0 : i32
      %dma_start3A_400 = tpu.memref_slice %arg13[%dma_start3A_394, %dma_start3A_399] : memref<8x128xi32, #tpu.memory_space<vmem>> -> memref<1x128xi32, #tpu.memory_space<vmem>>
      %dma_start3A_401 = tpu.memref_squeeze %dma_start3A_400 : memref<1x128xi32, #tpu.memory_space<vmem>> -> memref<128xi32, #tpu.memory_space<vmem>>
      %dma_start3A_402 = arith.constant 0 : i32
      %dma_start3A_403 = tpu.memref_slice %arg6[%dma_start3A_402] : memref<20480xf32, #tpu.memory_space<hbm>> -> memref<20480xf32, #tpu.memory_space<hbm>>
      tpu.enqueue_indirect_dma source(%dma_start3A_403 : memref<20480xf32, #tpu.memory_space<hbm>>) target(%dma_start3A_398 : memref<128xf32, #tpu.memory_space<vmem>>) offsets(%dma_start3A_401 : memref<128xi32, #tpu.memory_space<vmem>>) semaphore(%arg19 : memref<!tpu.dma_semaphore, #tpu.memory_space<semaphore_mem>>)
      %dma_wait3A = arith.constant 0 : i32
      %dma_wait3A_404 = arith.constant 0 : i32
      %dma_wait3A_405 = arith.constant 0 : i32
      %dma_wait3A_406 = tpu.memref_slice %arg14[%dma_wait3A_404, %dma_wait3A_405] : memref<2x512xf32, #tpu.memory_space<vmem>> -> memref<1x128xf32, #tpu.memory_space<vmem>>
      %dma_wait3A_407 = tpu.memref_squeeze %dma_wait3A_406 : memref<1x128xf32, #tpu.memory_space<vmem>> -> memref<128xf32, #tpu.memory_space<vmem>>
      %dma_wait3A_408 = arith.constant 0 : i32
      %dma_wait3A_409 = tpu.memref_slice %arg13[%dma_wait3A, %dma_wait3A_408] : memref<8x128xi32, #tpu.memory_space<vmem>> -> memref<1x128xi32, #tpu.memory_space<vmem>>
      %dma_wait3A_410 = tpu.memref_squeeze %dma_wait3A_409 : memref<1x128xi32, #tpu.memory_space<vmem>> -> memref<128xi32, #tpu.memory_space<vmem>>
      %dma_wait3A_411 = arith.constant 0 : i32
      %dma_wait3A_412 = tpu.memref_slice %arg2[%dma_wait3A_411] : memref<20480xf32, #tpu.memory_space<hbm>> -> memref<20480xf32, #tpu.memory_space<hbm>>
      tpu.wait_indirect_dma semaphore(%arg19 : memref<!tpu.dma_semaphore, #tpu.memory_space<semaphore_mem>>) src(%dma_wait3A_412 : memref<20480xf32, #tpu.memory_space<hbm>>) dst(%dma_wait3A_407 : memref<128xf32, #tpu.memory_space<vmem>>)
      %dma_wait3A_413 = arith.constant 1 : i32
      %dma_wait3A_414 = arith.constant 0 : i32
      %dma_wait3A_415 = arith.constant 128 : i32
      %dma_wait3A_416 = tpu.memref_slice %arg14[%dma_wait3A_414, %dma_wait3A_415] : memref<2x512xf32, #tpu.memory_space<vmem>> -> memref<1x128xf32, #tpu.memory_space<vmem>>
      %dma_wait3A_417 = tpu.memref_squeeze %dma_wait3A_416 : memref<1x128xf32, #tpu.memory_space<vmem>> -> memref<128xf32, #tpu.memory_space<vmem>>
      %dma_wait3A_418 = arith.constant 0 : i32
      %dma_wait3A_419 = tpu.memref_slice %arg13[%dma_wait3A_413, %dma_wait3A_418] : memref<8x128xi32, #tpu.memory_space<vmem>> -> memref<1x128xi32, #tpu.memory_space<vmem>>
      %dma_wait3A_420 = tpu.memref_squeeze %dma_wait3A_419 : memref<1x128xi32, #tpu.memory_space<vmem>> -> memref<128xi32, #tpu.memory_space<vmem>>
      %dma_wait3A_421 = arith.constant 0 : i32
      %dma_wait3A_422 = tpu.memref_slice %arg2[%dma_wait3A_421] : memref<20480xf32, #tpu.memory_space<hbm>> -> memref<20480xf32, #tpu.memory_space<hbm>>
      tpu.wait_indirect_dma semaphore(%arg19 : memref<!tpu.dma_semaphore, #tpu.memory_space<semaphore_mem>>) src(%dma_wait3A_422 : memref<20480xf32, #tpu.memory_space<hbm>>) dst(%dma_wait3A_417 : memref<128xf32, #tpu.memory_space<vmem>>)
      %dma_wait3A_423 = arith.constant 2 : i32
      %dma_wait3A_424 = arith.constant 0 : i32
      %dma_wait3A_425 = arith.constant 256 : i32
      %dma_wait3A_426 = tpu.memref_slice %arg14[%dma_wait3A_424, %dma_wait3A_425] : memref<2x512xf32, #tpu.memory_space<vmem>> -> memref<1x128xf32, #tpu.memory_space<vmem>>
      %dma_wait3A_427 = tpu.memref_squeeze %dma_wait3A_426 : memref<1x128xf32, #tpu.memory_space<vmem>> -> memref<128xf32, #tpu.memory_space<vmem>>
      %dma_wait3A_428 = arith.constant 0 : i32
      %dma_wait3A_429 = tpu.memref_slice %arg13[%dma_wait3A_423, %dma_wait3A_428] : memref<8x128xi32, #tpu.memory_space<vmem>> -> memref<1x128xi32, #tpu.memory_space<vmem>>
      %dma_wait3A_430 = tpu.memref_squeeze %dma_wait3A_429 : memref<1x128xi32, #tpu.memory_space<vmem>> -> memref<128xi32, #tpu.memory_space<vmem>>
      %dma_wait3A_431 = arith.constant 0 : i32
      %dma_wait3A_432 = tpu.memref_slice %arg2[%dma_wait3A_431] : memref<20480xf32, #tpu.memory_space<hbm>> -> memref<20480xf32, #tpu.memory_space<hbm>>
      tpu.wait_indirect_dma semaphore(%arg19 : memref<!tpu.dma_semaphore, #tpu.memory_space<semaphore_mem>>) src(%dma_wait3A_432 : memref<20480xf32, #tpu.memory_space<hbm>>) dst(%dma_wait3A_427 : memref<128xf32, #tpu.memory_space<vmem>>)
      %dma_wait3A_433 = arith.constant 3 : i32
      %dma_wait3A_434 = arith.constant 0 : i32
      %dma_wait3A_435 = arith.constant 384 : i32
      %dma_wait3A_436 = tpu.memref_slice %arg14[%dma_wait3A_434, %dma_wait3A_435] : memref<2x512xf32, #tpu.memory_space<vmem>> -> memref<1x128xf32, #tpu.memory_space<vmem>>
      %dma_wait3A_437 = tpu.memref_squeeze %dma_wait3A_436 : memref<1x128xf32, #tpu.memory_space<vmem>> -> memref<128xf32, #tpu.memory_space<vmem>>
      %dma_wait3A_438 = arith.constant 0 : i32
      %dma_wait3A_439 = tpu.memref_slice %arg13[%dma_wait3A_433, %dma_wait3A_438] : memref<8x128xi32, #tpu.memory_space<vmem>> -> memref<1x128xi32, #tpu.memory_space<vmem>>
      %dma_wait3A_440 = tpu.memref_squeeze %dma_wait3A_439 : memref<1x128xi32, #tpu.memory_space<vmem>> -> memref<128xi32, #tpu.memory_space<vmem>>
      %dma_wait3A_441 = arith.constant 0 : i32
      %dma_wait3A_442 = tpu.memref_slice %arg2[%dma_wait3A_441] : memref<20480xf32, #tpu.memory_space<hbm>> -> memref<20480xf32, #tpu.memory_space<hbm>>
      tpu.wait_indirect_dma semaphore(%arg19 : memref<!tpu.dma_semaphore, #tpu.memory_space<semaphore_mem>>) src(%dma_wait3A_442 : memref<20480xf32, #tpu.memory_space<hbm>>) dst(%dma_wait3A_437 : memref<128xf32, #tpu.memory_space<vmem>>)
      %dma_wait3A_443 = arith.constant 4 : i32
      %dma_wait3A_444 = arith.constant 1 : i32
      %dma_wait3A_445 = arith.constant 0 : i32
      %dma_wait3A_446 = tpu.memref_slice %arg14[%dma_wait3A_444, %dma_wait3A_445] : memref<2x512xf32, #tpu.memory_space<vmem>> -> memref<1x128xf32, #tpu.memory_space<vmem>>
      %dma_wait3A_447 = tpu.memref_squeeze %dma_wait3A_446 : memref<1x128xf32, #tpu.memory_space<vmem>> -> memref<128xf32, #tpu.memory_space<vmem>>
      %dma_wait3A_448 = arith.constant 0 : i32
      %dma_wait3A_449 = tpu.memref_slice %arg13[%dma_wait3A_443, %dma_wait3A_448] : memref<8x128xi32, #tpu.memory_space<vmem>> -> memref<1x128xi32, #tpu.memory_space<vmem>>
      %dma_wait3A_450 = tpu.memref_squeeze %dma_wait3A_449 : memref<1x128xi32, #tpu.memory_space<vmem>> -> memref<128xi32, #tpu.memory_space<vmem>>
      %dma_wait3A_451 = arith.constant 0 : i32
      %dma_wait3A_452 = tpu.memref_slice %arg2[%dma_wait3A_451] : memref<20480xf32, #tpu.memory_space<hbm>> -> memref<20480xf32, #tpu.memory_space<hbm>>
      tpu.wait_indirect_dma semaphore(%arg19 : memref<!tpu.dma_semaphore, #tpu.memory_space<semaphore_mem>>) src(%dma_wait3A_452 : memref<20480xf32, #tpu.memory_space<hbm>>) dst(%dma_wait3A_447 : memref<128xf32, #tpu.memory_space<vmem>>)
      %dma_wait3A_453 = arith.constant 5 : i32
      %dma_wait3A_454 = arith.constant 1 : i32
      %dma_wait3A_455 = arith.constant 128 : i32
      %dma_wait3A_456 = tpu.memref_slice %arg14[%dma_wait3A_454, %dma_wait3A_455] : memref<2x512xf32, #tpu.memory_space<vmem>> -> memref<1x128xf32, #tpu.memory_space<vmem>>
      %dma_wait3A_457 = tpu.memref_squeeze %dma_wait3A_456 : memref<1x128xf32, #tpu.memory_space<vmem>> -> memref<128xf32, #tpu.memory_space<vmem>>
      %dma_wait3A_458 = arith.constant 0 : i32
      %dma_wait3A_459 = tpu.memref_slice %arg13[%dma_wait3A_453, %dma_wait3A_458] : memref<8x128xi32, #tpu.memory_space<vmem>> -> memref<1x128xi32, #tpu.memory_space<vmem>>
      %dma_wait3A_460 = tpu.memref_squeeze %dma_wait3A_459 : memref<1x128xi32, #tpu.memory_space<vmem>> -> memref<128xi32, #tpu.memory_space<vmem>>
      %dma_wait3A_461 = arith.constant 0 : i32
      %dma_wait3A_462 = tpu.memref_slice %arg2[%dma_wait3A_461] : memref<20480xf32, #tpu.memory_space<hbm>> -> memref<20480xf32, #tpu.memory_space<hbm>>
      tpu.wait_indirect_dma semaphore(%arg19 : memref<!tpu.dma_semaphore, #tpu.memory_space<semaphore_mem>>) src(%dma_wait3A_462 : memref<20480xf32, #tpu.memory_space<hbm>>) dst(%dma_wait3A_457 : memref<128xf32, #tpu.memory_space<vmem>>)
      %dma_wait3A_463 = arith.constant 6 : i32
      %dma_wait3A_464 = arith.constant 1 : i32
      %dma_wait3A_465 = arith.constant 256 : i32
      %dma_wait3A_466 = tpu.memref_slice %arg14[%dma_wait3A_464, %dma_wait3A_465] : memref<2x512xf32, #tpu.memory_space<vmem>> -> memref<1x128xf32, #tpu.memory_space<vmem>>
      %dma_wait3A_467 = tpu.memref_squeeze %dma_wait3A_466 : memref<1x128xf32, #tpu.memory_space<vmem>> -> memref<128xf32, #tpu.memory_space<vmem>>
      %dma_wait3A_468 = arith.constant 0 : i32
      %dma_wait3A_469 = tpu.memref_slice %arg13[%dma_wait3A_463, %dma_wait3A_468] : memref<8x128xi32, #tpu.memory_space<vmem>> -> memref<1x128xi32, #tpu.memory_space<vmem>>
      %dma_wait3A_470 = tpu.memref_squeeze %dma_wait3A_469 : memref<1x128xi32, #tpu.memory_space<vmem>> -> memref<128xi32, #tpu.memory_space<vmem>>
      %dma_wait3A_471 = arith.constant 0 : i32
      %dma_wait3A_472 = tpu.memref_slice %arg2[%dma_wait3A_471] : memref<20480xf32, #tpu.memory_space<hbm>> -> memref<20480xf32, #tpu.memory_space<hbm>>
      tpu.wait_indirect_dma semaphore(%arg19 : memref<!tpu.dma_semaphore, #tpu.memory_space<semaphore_mem>>) src(%dma_wait3A_472 : memref<20480xf32, #tpu.memory_space<hbm>>) dst(%dma_wait3A_467 : memref<128xf32, #tpu.memory_space<vmem>>)
      %dma_wait3A_473 = arith.constant 7 : i32
      %dma_wait3A_474 = arith.constant 1 : i32
      %dma_wait3A_475 = arith.constant 384 : i32
      %dma_wait3A_476 = tpu.memref_slice %arg14[%dma_wait3A_474, %dma_wait3A_475] : memref<2x512xf32, #tpu.memory_space<vmem>> -> memref<1x128xf32, #tpu.memory_space<vmem>>
      %dma_wait3A_477 = tpu.memref_squeeze %dma_wait3A_476 : memref<1x128xf32, #tpu.memory_space<vmem>> -> memref<128xf32, #tpu.memory_space<vmem>>
      %dma_wait3A_478 = arith.constant 0 : i32
      %dma_wait3A_479 = tpu.memref_slice %arg13[%dma_wait3A_473, %dma_wait3A_478] : memref<8x128xi32, #tpu.memory_space<vmem>> -> memref<1x128xi32, #tpu.memory_space<vmem>>
      %dma_wait3A_480 = tpu.memref_squeeze %dma_wait3A_479 : memref<1x128xi32, #tpu.memory_space<vmem>> -> memref<128xi32, #tpu.memory_space<vmem>>
      %dma_wait3A_481 = arith.constant 0 : i32
      %dma_wait3A_482 = tpu.memref_slice %arg2[%dma_wait3A_481] : memref<20480xf32, #tpu.memory_space<hbm>> -> memref<20480xf32, #tpu.memory_space<hbm>>
      tpu.wait_indirect_dma semaphore(%arg19 : memref<!tpu.dma_semaphore, #tpu.memory_space<semaphore_mem>>) src(%dma_wait3A_482 : memref<20480xf32, #tpu.memory_space<hbm>>) dst(%dma_wait3A_477 : memref<128xf32, #tpu.memory_space<vmem>>)
      %dma_wait3A_483 = arith.constant 0 : i32
      %dma_wait3A_484 = arith.constant 0 : i32
      %dma_wait3A_485 = arith.constant 0 : i32
      %dma_wait3A_486 = tpu.memref_slice %arg15[%dma_wait3A_484, %dma_wait3A_485] : memref<2x512xf32, #tpu.memory_space<vmem>> -> memref<1x128xf32, #tpu.memory_space<vmem>>
      %dma_wait3A_487 = tpu.memref_squeeze %dma_wait3A_486 : memref<1x128xf32, #tpu.memory_space<vmem>> -> memref<128xf32, #tpu.memory_space<vmem>>
      %dma_wait3A_488 = arith.constant 0 : i32
      %dma_wait3A_489 = tpu.memref_slice %arg13[%dma_wait3A_483, %dma_wait3A_488] : memref<8x128xi32, #tpu.memory_space<vmem>> -> memref<1x128xi32, #tpu.memory_space<vmem>>
      %dma_wait3A_490 = tpu.memref_squeeze %dma_wait3A_489 : memref<1x128xi32, #tpu.memory_space<vmem>> -> memref<128xi32, #tpu.memory_space<vmem>>
      %dma_wait3A_491 = arith.constant 0 : i32
      %dma_wait3A_492 = tpu.memref_slice %arg3[%dma_wait3A_491] : memref<20480xf32, #tpu.memory_space<hbm>> -> memref<20480xf32, #tpu.memory_space<hbm>>
      tpu.wait_indirect_dma semaphore(%arg19 : memref<!tpu.dma_semaphore, #tpu.memory_space<semaphore_mem>>) src(%dma_wait3A_492 : memref<20480xf32, #tpu.memory_space<hbm>>) dst(%dma_wait3A_487 : memref<128xf32, #tpu.memory_space<vmem>>)
      %dma_wait3A_493 = arith.constant 1 : i32
      %dma_wait3A_494 = arith.constant 0 : i32
      %dma_wait3A_495 = arith.constant 128 : i32
      %dma_wait3A_496 = tpu.memref_slice %arg15[%dma_wait3A_494, %dma_wait3A_495] : memref<2x512xf32, #tpu.memory_space<vmem>> -> memref<1x128xf32, #tpu.memory_space<vmem>>
      %dma_wait3A_497 = tpu.memref_squeeze %dma_wait3A_496 : memref<1x128xf32, #tpu.memory_space<vmem>> -> memref<128xf32, #tpu.memory_space<vmem>>
      %dma_wait3A_498 = arith.constant 0 : i32
      %dma_wait3A_499 = tpu.memref_slice %arg13[%dma_wait3A_493, %dma_wait3A_498] : memref<8x128xi32, #tpu.memory_space<vmem>> -> memref<1x128xi32, #tpu.memory_space<vmem>>
      %dma_wait3A_500 = tpu.memref_squeeze %dma_wait3A_499 : memref<1x128xi32, #tpu.memory_space<vmem>> -> memref<128xi32, #tpu.memory_space<vmem>>
      %dma_wait3A_501 = arith.constant 0 : i32
      %dma_wait3A_502 = tpu.memref_slice %arg3[%dma_wait3A_501] : memref<20480xf32, #tpu.memory_space<hbm>> -> memref<20480xf32, #tpu.memory_space<hbm>>
      tpu.wait_indirect_dma semaphore(%arg19 : memref<!tpu.dma_semaphore, #tpu.memory_space<semaphore_mem>>) src(%dma_wait3A_502 : memref<20480xf32, #tpu.memory_space<hbm>>) dst(%dma_wait3A_497 : memref<128xf32, #tpu.memory_space<vmem>>)
      %dma_wait3A_503 = arith.constant 2 : i32
      %dma_wait3A_504 = arith.constant 0 : i32
      %dma_wait3A_505 = arith.constant 256 : i32
      %dma_wait3A_506 = tpu.memref_slice %arg15[%dma_wait3A_504, %dma_wait3A_505] : memref<2x512xf32, #tpu.memory_space<vmem>> -> memref<1x128xf32, #tpu.memory_space<vmem>>
      %dma_wait3A_507 = tpu.memref_squeeze %dma_wait3A_506 : memref<1x128xf32, #tpu.memory_space<vmem>> -> memref<128xf32, #tpu.memory_space<vmem>>
      %dma_wait3A_508 = arith.constant 0 : i32
      %dma_wait3A_509 = tpu.memref_slice %arg13[%dma_wait3A_503, %dma_wait3A_508] : memref<8x128xi32, #tpu.memory_space<vmem>> -> memref<1x128xi32, #tpu.memory_space<vmem>>
      %dma_wait3A_510 = tpu.memref_squeeze %dma_wait3A_509 : memref<1x128xi32, #tpu.memory_space<vmem>> -> memref<128xi32, #tpu.memory_space<vmem>>
      %dma_wait3A_511 = arith.constant 0 : i32
      %dma_wait3A_512 = tpu.memref_slice %arg3[%dma_wait3A_511] : memref<20480xf32, #tpu.memory_space<hbm>> -> memref<20480xf32, #tpu.memory_space<hbm>>
      tpu.wait_indirect_dma semaphore(%arg19 : memref<!tpu.dma_semaphore, #tpu.memory_space<semaphore_mem>>) src(%dma_wait3A_512 : memref<20480xf32, #tpu.memory_space<hbm>>) dst(%dma_wait3A_507 : memref<128xf32, #tpu.memory_space<vmem>>)
      %dma_wait3A_513 = arith.constant 3 : i32
      %dma_wait3A_514 = arith.constant 0 : i32
      %dma_wait3A_515 = arith.constant 384 : i32
      %dma_wait3A_516 = tpu.memref_slice %arg15[%dma_wait3A_514, %dma_wait3A_515] : memref<2x512xf32, #tpu.memory_space<vmem>> -> memref<1x128xf32, #tpu.memory_space<vmem>>
      %dma_wait3A_517 = tpu.memref_squeeze %dma_wait3A_516 : memref<1x128xf32, #tpu.memory_space<vmem>> -> memref<128xf32, #tpu.memory_space<vmem>>
      %dma_wait3A_518 = arith.constant 0 : i32
      %dma_wait3A_519 = tpu.memref_slice %arg13[%dma_wait3A_513, %dma_wait3A_518] : memref<8x128xi32, #tpu.memory_space<vmem>> -> memref<1x128xi32, #tpu.memory_space<vmem>>
      %dma_wait3A_520 = tpu.memref_squeeze %dma_wait3A_519 : memref<1x128xi32, #tpu.memory_space<vmem>> -> memref<128xi32, #tpu.memory_space<vmem>>
      %dma_wait3A_521 = arith.constant 0 : i32
      %dma_wait3A_522 = tpu.memref_slice %arg3[%dma_wait3A_521] : memref<20480xf32, #tpu.memory_space<hbm>> -> memref<20480xf32, #tpu.memory_space<hbm>>
      tpu.wait_indirect_dma semaphore(%arg19 : memref<!tpu.dma_semaphore, #tpu.memory_space<semaphore_mem>>) src(%dma_wait3A_522 : memref<20480xf32, #tpu.memory_space<hbm>>) dst(%dma_wait3A_517 : memref<128xf32, #tpu.memory_space<vmem>>)
      %dma_wait3A_523 = arith.constant 4 : i32
      %dma_wait3A_524 = arith.constant 1 : i32
      %dma_wait3A_525 = arith.constant 0 : i32
      %dma_wait3A_526 = tpu.memref_slice %arg15[%dma_wait3A_524, %dma_wait3A_525] : memref<2x512xf32, #tpu.memory_space<vmem>> -> memref<1x128xf32, #tpu.memory_space<vmem>>
      %dma_wait3A_527 = tpu.memref_squeeze %dma_wait3A_526 : memref<1x128xf32, #tpu.memory_space<vmem>> -> memref<128xf32, #tpu.memory_space<vmem>>
      %dma_wait3A_528 = arith.constant 0 : i32
      %dma_wait3A_529 = tpu.memref_slice %arg13[%dma_wait3A_523, %dma_wait3A_528] : memref<8x128xi32, #tpu.memory_space<vmem>> -> memref<1x128xi32, #tpu.memory_space<vmem>>
      %dma_wait3A_530 = tpu.memref_squeeze %dma_wait3A_529 : memref<1x128xi32, #tpu.memory_space<vmem>> -> memref<128xi32, #tpu.memory_space<vmem>>
      %dma_wait3A_531 = arith.constant 0 : i32
      %dma_wait3A_532 = tpu.memref_slice %arg3[%dma_wait3A_531] : memref<20480xf32, #tpu.memory_space<hbm>> -> memref<20480xf32, #tpu.memory_space<hbm>>
      tpu.wait_indirect_dma semaphore(%arg19 : memref<!tpu.dma_semaphore, #tpu.memory_space<semaphore_mem>>) src(%dma_wait3A_532 : memref<20480xf32, #tpu.memory_space<hbm>>) dst(%dma_wait3A_527 : memref<128xf32, #tpu.memory_space<vmem>>)
      %dma_wait3A_533 = arith.constant 5 : i32
      %dma_wait3A_534 = arith.constant 1 : i32
      %dma_wait3A_535 = arith.constant 128 : i32
      %dma_wait3A_536 = tpu.memref_slice %arg15[%dma_wait3A_534, %dma_wait3A_535] : memref<2x512xf32, #tpu.memory_space<vmem>> -> memref<1x128xf32, #tpu.memory_space<vmem>>
      %dma_wait3A_537 = tpu.memref_squeeze %dma_wait3A_536 : memref<1x128xf32, #tpu.memory_space<vmem>> -> memref<128xf32, #tpu.memory_space<vmem>>
      %dma_wait3A_538 = arith.constant 0 : i32
      %dma_wait3A_539 = tpu.memref_slice %arg13[%dma_wait3A_533, %dma_wait3A_538] : memref<8x128xi32, #tpu.memory_space<vmem>> -> memref<1x128xi32, #tpu.memory_space<vmem>>
      %dma_wait3A_540 = tpu.memref_squeeze %dma_wait3A_539 : memref<1x128xi32, #tpu.memory_space<vmem>> -> memref<128xi32, #tpu.memory_space<vmem>>
      %dma_wait3A_541 = arith.constant 0 : i32
      %dma_wait3A_542 = tpu.memref_slice %arg3[%dma_wait3A_541] : memref<20480xf32, #tpu.memory_space<hbm>> -> memref<20480xf32, #tpu.memory_space<hbm>>
      tpu.wait_indirect_dma semaphore(%arg19 : memref<!tpu.dma_semaphore, #tpu.memory_space<semaphore_mem>>) src(%dma_wait3A_542 : memref<20480xf32, #tpu.memory_space<hbm>>) dst(%dma_wait3A_537 : memref<128xf32, #tpu.memory_space<vmem>>)
      %dma_wait3A_543 = arith.constant 6 : i32
      %dma_wait3A_544 = arith.constant 1 : i32
      %dma_wait3A_545 = arith.constant 256 : i32
      %dma_wait3A_546 = tpu.memref_slice %arg15[%dma_wait3A_544, %dma_wait3A_545] : memref<2x512xf32, #tpu.memory_space<vmem>> -> memref<1x128xf32, #tpu.memory_space<vmem>>
      %dma_wait3A_547 = tpu.memref_squeeze %dma_wait3A_546 : memref<1x128xf32, #tpu.memory_space<vmem>> -> memref<128xf32, #tpu.memory_space<vmem>>
      %dma_wait3A_548 = arith.constant 0 : i32
      %dma_wait3A_549 = tpu.memref_slice %arg13[%dma_wait3A_543, %dma_wait3A_548] : memref<8x128xi32, #tpu.memory_space<vmem>> -> memref<1x128xi32, #tpu.memory_space<vmem>>
      %dma_wait3A_550 = tpu.memref_squeeze %dma_wait3A_549 : memref<1x128xi32, #tpu.memory_space<vmem>> -> memref<128xi32, #tpu.memory_space<vmem>>
      %dma_wait3A_551 = arith.constant 0 : i32
      %dma_wait3A_552 = tpu.memref_slice %arg3[%dma_wait3A_551] : memref<20480xf32, #tpu.memory_space<hbm>> -> memref<20480xf32, #tpu.memory_space<hbm>>
      tpu.wait_indirect_dma semaphore(%arg19 : memref<!tpu.dma_semaphore, #tpu.memory_space<semaphore_mem>>) src(%dma_wait3A_552 : memref<20480xf32, #tpu.memory_space<hbm>>) dst(%dma_wait3A_547 : memref<128xf32, #tpu.memory_space<vmem>>)
      %dma_wait3A_553 = arith.constant 7 : i32
      %dma_wait3A_554 = arith.constant 1 : i32
      %dma_wait3A_555 = arith.constant 384 : i32
      %dma_wait3A_556 = tpu.memref_slice %arg15[%dma_wait3A_554, %dma_wait3A_555] : memref<2x512xf32, #tpu.memory_space<vmem>> -> memref<1x128xf32, #tpu.memory_space<vmem>>
      %dma_wait3A_557 = tpu.memref_squeeze %dma_wait3A_556 : memref<1x128xf32, #tpu.memory_space<vmem>> -> memref<128xf32, #tpu.memory_space<vmem>>
      %dma_wait3A_558 = arith.constant 0 : i32
      %dma_wait3A_559 = tpu.memref_slice %arg13[%dma_wait3A_553, %dma_wait3A_558] : memref<8x128xi32, #tpu.memory_space<vmem>> -> memref<1x128xi32, #tpu.memory_space<vmem>>
      %dma_wait3A_560 = tpu.memref_squeeze %dma_wait3A_559 : memref<1x128xi32, #tpu.memory_space<vmem>> -> memref<128xi32, #tpu.memory_space<vmem>>
      %dma_wait3A_561 = arith.constant 0 : i32
      %dma_wait3A_562 = tpu.memref_slice %arg3[%dma_wait3A_561] : memref<20480xf32, #tpu.memory_space<hbm>> -> memref<20480xf32, #tpu.memory_space<hbm>>
      tpu.wait_indirect_dma semaphore(%arg19 : memref<!tpu.dma_semaphore, #tpu.memory_space<semaphore_mem>>) src(%dma_wait3A_562 : memref<20480xf32, #tpu.memory_space<hbm>>) dst(%dma_wait3A_557 : memref<128xf32, #tpu.memory_space<vmem>>)
      %dma_wait3A_563 = arith.constant 0 : i32
      %dma_wait3A_564 = arith.constant 0 : i32
      %dma_wait3A_565 = arith.constant 0 : i32
      %dma_wait3A_566 = tpu.memref_slice %arg16[%dma_wait3A_564, %dma_wait3A_565] : memref<2x512xf32, #tpu.memory_space<vmem>> -> memref<1x128xf32, #tpu.memory_space<vmem>>
      %dma_wait3A_567 = tpu.memref_squeeze %dma_wait3A_566 : memref<1x128xf32, #tpu.memory_space<vmem>> -> memref<128xf32, #tpu.memory_space<vmem>>
      %dma_wait3A_568 = arith.constant 0 : i32
      %dma_wait3A_569 = tpu.memref_slice %arg13[%dma_wait3A_563, %dma_wait3A_568] : memref<8x128xi32, #tpu.memory_space<vmem>> -> memref<1x128xi32, #tpu.memory_space<vmem>>
      %dma_wait3A_570 = tpu.memref_squeeze %dma_wait3A_569 : memref<1x128xi32, #tpu.memory_space<vmem>> -> memref<128xi32, #tpu.memory_space<vmem>>
      %dma_wait3A_571 = arith.constant 0 : i32
      %dma_wait3A_572 = tpu.memref_slice %arg4[%dma_wait3A_571] : memref<20480xf32, #tpu.memory_space<hbm>> -> memref<20480xf32, #tpu.memory_space<hbm>>
      tpu.wait_indirect_dma semaphore(%arg19 : memref<!tpu.dma_semaphore, #tpu.memory_space<semaphore_mem>>) src(%dma_wait3A_572 : memref<20480xf32, #tpu.memory_space<hbm>>) dst(%dma_wait3A_567 : memref<128xf32, #tpu.memory_space<vmem>>)
      %dma_wait3A_573 = arith.constant 1 : i32
      %dma_wait3A_574 = arith.constant 0 : i32
      %dma_wait3A_575 = arith.constant 128 : i32
      %dma_wait3A_576 = tpu.memref_slice %arg16[%dma_wait3A_574, %dma_wait3A_575] : memref<2x512xf32, #tpu.memory_space<vmem>> -> memref<1x128xf32, #tpu.memory_space<vmem>>
      %dma_wait3A_577 = tpu.memref_squeeze %dma_wait3A_576 : memref<1x128xf32, #tpu.memory_space<vmem>> -> memref<128xf32, #tpu.memory_space<vmem>>
      %dma_wait3A_578 = arith.constant 0 : i32
      %dma_wait3A_579 = tpu.memref_slice %arg13[%dma_wait3A_573, %dma_wait3A_578] : memref<8x128xi32, #tpu.memory_space<vmem>> -> memref<1x128xi32, #tpu.memory_space<vmem>>
      %dma_wait3A_580 = tpu.memref_squeeze %dma_wait3A_579 : memref<1x128xi32, #tpu.memory_space<vmem>> -> memref<128xi32, #tpu.memory_space<vmem>>
      %dma_wait3A_581 = arith.constant 0 : i32
      %dma_wait3A_582 = tpu.memref_slice %arg4[%dma_wait3A_581] : memref<20480xf32, #tpu.memory_space<hbm>> -> memref<20480xf32, #tpu.memory_space<hbm>>
      tpu.wait_indirect_dma semaphore(%arg19 : memref<!tpu.dma_semaphore, #tpu.memory_space<semaphore_mem>>) src(%dma_wait3A_582 : memref<20480xf32, #tpu.memory_space<hbm>>) dst(%dma_wait3A_577 : memref<128xf32, #tpu.memory_space<vmem>>)
      %dma_wait3A_583 = arith.constant 2 : i32
      %dma_wait3A_584 = arith.constant 0 : i32
      %dma_wait3A_585 = arith.constant 256 : i32
      %dma_wait3A_586 = tpu.memref_slice %arg16[%dma_wait3A_584, %dma_wait3A_585] : memref<2x512xf32, #tpu.memory_space<vmem>> -> memref<1x128xf32, #tpu.memory_space<vmem>>
      %dma_wait3A_587 = tpu.memref_squeeze %dma_wait3A_586 : memref<1x128xf32, #tpu.memory_space<vmem>> -> memref<128xf32, #tpu.memory_space<vmem>>
      %dma_wait3A_588 = arith.constant 0 : i32
      %dma_wait3A_589 = tpu.memref_slice %arg13[%dma_wait3A_583, %dma_wait3A_588] : memref<8x128xi32, #tpu.memory_space<vmem>> -> memref<1x128xi32, #tpu.memory_space<vmem>>
      %dma_wait3A_590 = tpu.memref_squeeze %dma_wait3A_589 : memref<1x128xi32, #tpu.memory_space<vmem>> -> memref<128xi32, #tpu.memory_space<vmem>>
      %dma_wait3A_591 = arith.constant 0 : i32
      %dma_wait3A_592 = tpu.memref_slice %arg4[%dma_wait3A_591] : memref<20480xf32, #tpu.memory_space<hbm>> -> memref<20480xf32, #tpu.memory_space<hbm>>
      tpu.wait_indirect_dma semaphore(%arg19 : memref<!tpu.dma_semaphore, #tpu.memory_space<semaphore_mem>>) src(%dma_wait3A_592 : memref<20480xf32, #tpu.memory_space<hbm>>) dst(%dma_wait3A_587 : memref<128xf32, #tpu.memory_space<vmem>>)
      %dma_wait3A_593 = arith.constant 3 : i32
      %dma_wait3A_594 = arith.constant 0 : i32
      %dma_wait3A_595 = arith.constant 384 : i32
      %dma_wait3A_596 = tpu.memref_slice %arg16[%dma_wait3A_594, %dma_wait3A_595] : memref<2x512xf32, #tpu.memory_space<vmem>> -> memref<1x128xf32, #tpu.memory_space<vmem>>
      %dma_wait3A_597 = tpu.memref_squeeze %dma_wait3A_596 : memref<1x128xf32, #tpu.memory_space<vmem>> -> memref<128xf32, #tpu.memory_space<vmem>>
      %dma_wait3A_598 = arith.constant 0 : i32
      %dma_wait3A_599 = tpu.memref_slice %arg13[%dma_wait3A_593, %dma_wait3A_598] : memref<8x128xi32, #tpu.memory_space<vmem>> -> memref<1x128xi32, #tpu.memory_space<vmem>>
      %dma_wait3A_600 = tpu.memref_squeeze %dma_wait3A_599 : memref<1x128xi32, #tpu.memory_space<vmem>> -> memref<128xi32, #tpu.memory_space<vmem>>
      %dma_wait3A_601 = arith.constant 0 : i32
      %dma_wait3A_602 = tpu.memref_slice %arg4[%dma_wait3A_601] : memref<20480xf32, #tpu.memory_space<hbm>> -> memref<20480xf32, #tpu.memory_space<hbm>>
      tpu.wait_indirect_dma semaphore(%arg19 : memref<!tpu.dma_semaphore, #tpu.memory_space<semaphore_mem>>) src(%dma_wait3A_602 : memref<20480xf32, #tpu.memory_space<hbm>>) dst(%dma_wait3A_597 : memref<128xf32, #tpu.memory_space<vmem>>)
      %dma_wait3A_603 = arith.constant 4 : i32
      %dma_wait3A_604 = arith.constant 1 : i32
      %dma_wait3A_605 = arith.constant 0 : i32
      %dma_wait3A_606 = tpu.memref_slice %arg16[%dma_wait3A_604, %dma_wait3A_605] : memref<2x512xf32, #tpu.memory_space<vmem>> -> memref<1x128xf32, #tpu.memory_space<vmem>>
      %dma_wait3A_607 = tpu.memref_squeeze %dma_wait3A_606 : memref<1x128xf32, #tpu.memory_space<vmem>> -> memref<128xf32, #tpu.memory_space<vmem>>
      %dma_wait3A_608 = arith.constant 0 : i32
      %dma_wait3A_609 = tpu.memref_slice %arg13[%dma_wait3A_603, %dma_wait3A_608] : memref<8x128xi32, #tpu.memory_space<vmem>> -> memref<1x128xi32, #tpu.memory_space<vmem>>
      %dma_wait3A_610 = tpu.memref_squeeze %dma_wait3A_609 : memref<1x128xi32, #tpu.memory_space<vmem>> -> memref<128xi32, #tpu.memory_space<vmem>>
      %dma_wait3A_611 = arith.constant 0 : i32
      %dma_wait3A_612 = tpu.memref_slice %arg4[%dma_wait3A_611] : memref<20480xf32, #tpu.memory_space<hbm>> -> memref<20480xf32, #tpu.memory_space<hbm>>
      tpu.wait_indirect_dma semaphore(%arg19 : memref<!tpu.dma_semaphore, #tpu.memory_space<semaphore_mem>>) src(%dma_wait3A_612 : memref<20480xf32, #tpu.memory_space<hbm>>) dst(%dma_wait3A_607 : memref<128xf32, #tpu.memory_space<vmem>>)
      %dma_wait3A_613 = arith.constant 5 : i32
      %dma_wait3A_614 = arith.constant 1 : i32
      %dma_wait3A_615 = arith.constant 128 : i32
      %dma_wait3A_616 = tpu.memref_slice %arg16[%dma_wait3A_614, %dma_wait3A_615] : memref<2x512xf32, #tpu.memory_space<vmem>> -> memref<1x128xf32, #tpu.memory_space<vmem>>
      %dma_wait3A_617 = tpu.memref_squeeze %dma_wait3A_616 : memref<1x128xf32, #tpu.memory_space<vmem>> -> memref<128xf32, #tpu.memory_space<vmem>>
      %dma_wait3A_618 = arith.constant 0 : i32
      %dma_wait3A_619 = tpu.memref_slice %arg13[%dma_wait3A_613, %dma_wait3A_618] : memref<8x128xi32, #tpu.memory_space<vmem>> -> memref<1x128xi32, #tpu.memory_space<vmem>>
      %dma_wait3A_620 = tpu.memref_squeeze %dma_wait3A_619 : memref<1x128xi32, #tpu.memory_space<vmem>> -> memref<128xi32, #tpu.memory_space<vmem>>
      %dma_wait3A_621 = arith.constant 0 : i32
      %dma_wait3A_622 = tpu.memref_slice %arg4[%dma_wait3A_621] : memref<20480xf32, #tpu.memory_space<hbm>> -> memref<20480xf32, #tpu.memory_space<hbm>>
      tpu.wait_indirect_dma semaphore(%arg19 : memref<!tpu.dma_semaphore, #tpu.memory_space<semaphore_mem>>) src(%dma_wait3A_622 : memref<20480xf32, #tpu.memory_space<hbm>>) dst(%dma_wait3A_617 : memref<128xf32, #tpu.memory_space<vmem>>)
      %dma_wait3A_623 = arith.constant 6 : i32
      %dma_wait3A_624 = arith.constant 1 : i32
      %dma_wait3A_625 = arith.constant 256 : i32
      %dma_wait3A_626 = tpu.memref_slice %arg16[%dma_wait3A_624, %dma_wait3A_625] : memref<2x512xf32, #tpu.memory_space<vmem>> -> memref<1x128xf32, #tpu.memory_space<vmem>>
      %dma_wait3A_627 = tpu.memref_squeeze %dma_wait3A_626 : memref<1x128xf32, #tpu.memory_space<vmem>> -> memref<128xf32, #tpu.memory_space<vmem>>
      %dma_wait3A_628 = arith.constant 0 : i32
      %dma_wait3A_629 = tpu.memref_slice %arg13[%dma_wait3A_623, %dma_wait3A_628] : memref<8x128xi32, #tpu.memory_space<vmem>> -> memref<1x128xi32, #tpu.memory_space<vmem>>
      %dma_wait3A_630 = tpu.memref_squeeze %dma_wait3A_629 : memref<1x128xi32, #tpu.memory_space<vmem>> -> memref<128xi32, #tpu.memory_space<vmem>>
      %dma_wait3A_631 = arith.constant 0 : i32
      %dma_wait3A_632 = tpu.memref_slice %arg4[%dma_wait3A_631] : memref<20480xf32, #tpu.memory_space<hbm>> -> memref<20480xf32, #tpu.memory_space<hbm>>
      tpu.wait_indirect_dma semaphore(%arg19 : memref<!tpu.dma_semaphore, #tpu.memory_space<semaphore_mem>>) src(%dma_wait3A_632 : memref<20480xf32, #tpu.memory_space<hbm>>) dst(%dma_wait3A_627 : memref<128xf32, #tpu.memory_space<vmem>>)
      %dma_wait3A_633 = arith.constant 7 : i32
      %dma_wait3A_634 = arith.constant 1 : i32
      %dma_wait3A_635 = arith.constant 384 : i32
      %dma_wait3A_636 = tpu.memref_slice %arg16[%dma_wait3A_634, %dma_wait3A_635] : memref<2x512xf32, #tpu.memory_space<vmem>> -> memref<1x128xf32, #tpu.memory_space<vmem>>
      %dma_wait3A_637 = tpu.memref_squeeze %dma_wait3A_636 : memref<1x128xf32, #tpu.memory_space<vmem>> -> memref<128xf32, #tpu.memory_space<vmem>>
      %dma_wait3A_638 = arith.constant 0 : i32
      %dma_wait3A_639 = tpu.memref_slice %arg13[%dma_wait3A_633, %dma_wait3A_638] : memref<8x128xi32, #tpu.memory_space<vmem>> -> memref<1x128xi32, #tpu.memory_space<vmem>>
      %dma_wait3A_640 = tpu.memref_squeeze %dma_wait3A_639 : memref<1x128xi32, #tpu.memory_space<vmem>> -> memref<128xi32, #tpu.memory_space<vmem>>
      %dma_wait3A_641 = arith.constant 0 : i32
      %dma_wait3A_642 = tpu.memref_slice %arg4[%dma_wait3A_641] : memref<20480xf32, #tpu.memory_space<hbm>> -> memref<20480xf32, #tpu.memory_space<hbm>>
      tpu.wait_indirect_dma semaphore(%arg19 : memref<!tpu.dma_semaphore, #tpu.memory_space<semaphore_mem>>) src(%dma_wait3A_642 : memref<20480xf32, #tpu.memory_space<hbm>>) dst(%dma_wait3A_637 : memref<128xf32, #tpu.memory_space<vmem>>)
      %dma_wait3A_643 = arith.constant 0 : i32
      %dma_wait3A_644 = arith.constant 0 : i32
      %dma_wait3A_645 = arith.constant 0 : i32
      %dma_wait3A_646 = tpu.memref_slice %arg17[%dma_wait3A_644, %dma_wait3A_645] : memref<2x512xf32, #tpu.memory_space<vmem>> -> memref<1x128xf32, #tpu.memory_space<vmem>>
      %dma_wait3A_647 = tpu.memref_squeeze %dma_wait3A_646 : memref<1x128xf32, #tpu.memory_space<vmem>> -> memref<128xf32, #tpu.memory_space<vmem>>
      %dma_wait3A_648 = arith.constant 0 : i32
      %dma_wait3A_649 = tpu.memref_slice %arg13[%dma_wait3A_643, %dma_wait3A_648] : memref<8x128xi32, #tpu.memory_space<vmem>> -> memref<1x128xi32, #tpu.memory_space<vmem>>
      %dma_wait3A_650 = tpu.memref_squeeze %dma_wait3A_649 : memref<1x128xi32, #tpu.memory_space<vmem>> -> memref<128xi32, #tpu.memory_space<vmem>>
      %dma_wait3A_651 = arith.constant 0 : i32
      %dma_wait3A_652 = tpu.memref_slice %arg5[%dma_wait3A_651] : memref<20480xf32, #tpu.memory_space<hbm>> -> memref<20480xf32, #tpu.memory_space<hbm>>
      tpu.wait_indirect_dma semaphore(%arg19 : memref<!tpu.dma_semaphore, #tpu.memory_space<semaphore_mem>>) src(%dma_wait3A_652 : memref<20480xf32, #tpu.memory_space<hbm>>) dst(%dma_wait3A_647 : memref<128xf32, #tpu.memory_space<vmem>>)
      %dma_wait3A_653 = arith.constant 1 : i32
      %dma_wait3A_654 = arith.constant 0 : i32
      %dma_wait3A_655 = arith.constant 128 : i32
      %dma_wait3A_656 = tpu.memref_slice %arg17[%dma_wait3A_654, %dma_wait3A_655] : memref<2x512xf32, #tpu.memory_space<vmem>> -> memref<1x128xf32, #tpu.memory_space<vmem>>
      %dma_wait3A_657 = tpu.memref_squeeze %dma_wait3A_656 : memref<1x128xf32, #tpu.memory_space<vmem>> -> memref<128xf32, #tpu.memory_space<vmem>>
      %dma_wait3A_658 = arith.constant 0 : i32
      %dma_wait3A_659 = tpu.memref_slice %arg13[%dma_wait3A_653, %dma_wait3A_658] : memref<8x128xi32, #tpu.memory_space<vmem>> -> memref<1x128xi32, #tpu.memory_space<vmem>>
      %dma_wait3A_660 = tpu.memref_squeeze %dma_wait3A_659 : memref<1x128xi32, #tpu.memory_space<vmem>> -> memref<128xi32, #tpu.memory_space<vmem>>
      %dma_wait3A_661 = arith.constant 0 : i32
      %dma_wait3A_662 = tpu.memref_slice %arg5[%dma_wait3A_661] : memref<20480xf32, #tpu.memory_space<hbm>> -> memref<20480xf32, #tpu.memory_space<hbm>>
      tpu.wait_indirect_dma semaphore(%arg19 : memref<!tpu.dma_semaphore, #tpu.memory_space<semaphore_mem>>) src(%dma_wait3A_662 : memref<20480xf32, #tpu.memory_space<hbm>>) dst(%dma_wait3A_657 : memref<128xf32, #tpu.memory_space<vmem>>)
      %dma_wait3A_663 = arith.constant 2 : i32
      %dma_wait3A_664 = arith.constant 0 : i32
      %dma_wait3A_665 = arith.constant 256 : i32
      %dma_wait3A_666 = tpu.memref_slice %arg17[%dma_wait3A_664, %dma_wait3A_665] : memref<2x512xf32, #tpu.memory_space<vmem>> -> memref<1x128xf32, #tpu.memory_space<vmem>>
      %dma_wait3A_667 = tpu.memref_squeeze %dma_wait3A_666 : memref<1x128xf32, #tpu.memory_space<vmem>> -> memref<128xf32, #tpu.memory_space<vmem>>
      %dma_wait3A_668 = arith.constant 0 : i32
      %dma_wait3A_669 = tpu.memref_slice %arg13[%dma_wait3A_663, %dma_wait3A_668] : memref<8x128xi32, #tpu.memory_space<vmem>> -> memref<1x128xi32, #tpu.memory_space<vmem>>
      %dma_wait3A_670 = tpu.memref_squeeze %dma_wait3A_669 : memref<1x128xi32, #tpu.memory_space<vmem>> -> memref<128xi32, #tpu.memory_space<vmem>>
      %dma_wait3A_671 = arith.constant 0 : i32
      %dma_wait3A_672 = tpu.memref_slice %arg5[%dma_wait3A_671] : memref<20480xf32, #tpu.memory_space<hbm>> -> memref<20480xf32, #tpu.memory_space<hbm>>
      tpu.wait_indirect_dma semaphore(%arg19 : memref<!tpu.dma_semaphore, #tpu.memory_space<semaphore_mem>>) src(%dma_wait3A_672 : memref<20480xf32, #tpu.memory_space<hbm>>) dst(%dma_wait3A_667 : memref<128xf32, #tpu.memory_space<vmem>>)
      %dma_wait3A_673 = arith.constant 3 : i32
      %dma_wait3A_674 = arith.constant 0 : i32
      %dma_wait3A_675 = arith.constant 384 : i32
      %dma_wait3A_676 = tpu.memref_slice %arg17[%dma_wait3A_674, %dma_wait3A_675] : memref<2x512xf32, #tpu.memory_space<vmem>> -> memref<1x128xf32, #tpu.memory_space<vmem>>
      %dma_wait3A_677 = tpu.memref_squeeze %dma_wait3A_676 : memref<1x128xf32, #tpu.memory_space<vmem>> -> memref<128xf32, #tpu.memory_space<vmem>>
      %dma_wait3A_678 = arith.constant 0 : i32
      %dma_wait3A_679 = tpu.memref_slice %arg13[%dma_wait3A_673, %dma_wait3A_678] : memref<8x128xi32, #tpu.memory_space<vmem>> -> memref<1x128xi32, #tpu.memory_space<vmem>>
      %dma_wait3A_680 = tpu.memref_squeeze %dma_wait3A_679 : memref<1x128xi32, #tpu.memory_space<vmem>> -> memref<128xi32, #tpu.memory_space<vmem>>
      %dma_wait3A_681 = arith.constant 0 : i32
      %dma_wait3A_682 = tpu.memref_slice %arg5[%dma_wait3A_681] : memref<20480xf32, #tpu.memory_space<hbm>> -> memref<20480xf32, #tpu.memory_space<hbm>>
      tpu.wait_indirect_dma semaphore(%arg19 : memref<!tpu.dma_semaphore, #tpu.memory_space<semaphore_mem>>) src(%dma_wait3A_682 : memref<20480xf32, #tpu.memory_space<hbm>>) dst(%dma_wait3A_677 : memref<128xf32, #tpu.memory_space<vmem>>)
      %dma_wait3A_683 = arith.constant 4 : i32
      %dma_wait3A_684 = arith.constant 1 : i32
      %dma_wait3A_685 = arith.constant 0 : i32
      %dma_wait3A_686 = tpu.memref_slice %arg17[%dma_wait3A_684, %dma_wait3A_685] : memref<2x512xf32, #tpu.memory_space<vmem>> -> memref<1x128xf32, #tpu.memory_space<vmem>>
      %dma_wait3A_687 = tpu.memref_squeeze %dma_wait3A_686 : memref<1x128xf32, #tpu.memory_space<vmem>> -> memref<128xf32, #tpu.memory_space<vmem>>
      %dma_wait3A_688 = arith.constant 0 : i32
      %dma_wait3A_689 = tpu.memref_slice %arg13[%dma_wait3A_683, %dma_wait3A_688] : memref<8x128xi32, #tpu.memory_space<vmem>> -> memref<1x128xi32, #tpu.memory_space<vmem>>
      %dma_wait3A_690 = tpu.memref_squeeze %dma_wait3A_689 : memref<1x128xi32, #tpu.memory_space<vmem>> -> memref<128xi32, #tpu.memory_space<vmem>>
      %dma_wait3A_691 = arith.constant 0 : i32
      %dma_wait3A_692 = tpu.memref_slice %arg5[%dma_wait3A_691] : memref<20480xf32, #tpu.memory_space<hbm>> -> memref<20480xf32, #tpu.memory_space<hbm>>
      tpu.wait_indirect_dma semaphore(%arg19 : memref<!tpu.dma_semaphore, #tpu.memory_space<semaphore_mem>>) src(%dma_wait3A_692 : memref<20480xf32, #tpu.memory_space<hbm>>) dst(%dma_wait3A_687 : memref<128xf32, #tpu.memory_space<vmem>>)
      %dma_wait3A_693 = arith.constant 5 : i32
      %dma_wait3A_694 = arith.constant 1 : i32
      %dma_wait3A_695 = arith.constant 128 : i32
      %dma_wait3A_696 = tpu.memref_slice %arg17[%dma_wait3A_694, %dma_wait3A_695] : memref<2x512xf32, #tpu.memory_space<vmem>> -> memref<1x128xf32, #tpu.memory_space<vmem>>
      %dma_wait3A_697 = tpu.memref_squeeze %dma_wait3A_696 : memref<1x128xf32, #tpu.memory_space<vmem>> -> memref<128xf32, #tpu.memory_space<vmem>>
      %dma_wait3A_698 = arith.constant 0 : i32
      %dma_wait3A_699 = tpu.memref_slice %arg13[%dma_wait3A_693, %dma_wait3A_698] : memref<8x128xi32, #tpu.memory_space<vmem>> -> memref<1x128xi32, #tpu.memory_space<vmem>>
      %dma_wait3A_700 = tpu.memref_squeeze %dma_wait3A_699 : memref<1x128xi32, #tpu.memory_space<vmem>> -> memref<128xi32, #tpu.memory_space<vmem>>
      %dma_wait3A_701 = arith.constant 0 : i32
      %dma_wait3A_702 = tpu.memref_slice %arg5[%dma_wait3A_701] : memref<20480xf32, #tpu.memory_space<hbm>> -> memref<20480xf32, #tpu.memory_space<hbm>>
      tpu.wait_indirect_dma semaphore(%arg19 : memref<!tpu.dma_semaphore, #tpu.memory_space<semaphore_mem>>) src(%dma_wait3A_702 : memref<20480xf32, #tpu.memory_space<hbm>>) dst(%dma_wait3A_697 : memref<128xf32, #tpu.memory_space<vmem>>)
      %dma_wait3A_703 = arith.constant 6 : i32
      %dma_wait3A_704 = arith.constant 1 : i32
      %dma_wait3A_705 = arith.constant 256 : i32
      %dma_wait3A_706 = tpu.memref_slice %arg17[%dma_wait3A_704, %dma_wait3A_705] : memref<2x512xf32, #tpu.memory_space<vmem>> -> memref<1x128xf32, #tpu.memory_space<vmem>>
      %dma_wait3A_707 = tpu.memref_squeeze %dma_wait3A_706 : memref<1x128xf32, #tpu.memory_space<vmem>> -> memref<128xf32, #tpu.memory_space<vmem>>
      %dma_wait3A_708 = arith.constant 0 : i32
      %dma_wait3A_709 = tpu.memref_slice %arg13[%dma_wait3A_703, %dma_wait3A_708] : memref<8x128xi32, #tpu.memory_space<vmem>> -> memref<1x128xi32, #tpu.memory_space<vmem>>
      %dma_wait3A_710 = tpu.memref_squeeze %dma_wait3A_709 : memref<1x128xi32, #tpu.memory_space<vmem>> -> memref<128xi32, #tpu.memory_space<vmem>>
      %dma_wait3A_711 = arith.constant 0 : i32
      %dma_wait3A_712 = tpu.memref_slice %arg5[%dma_wait3A_711] : memref<20480xf32, #tpu.memory_space<hbm>> -> memref<20480xf32, #tpu.memory_space<hbm>>
      tpu.wait_indirect_dma semaphore(%arg19 : memref<!tpu.dma_semaphore, #tpu.memory_space<semaphore_mem>>) src(%dma_wait3A_712 : memref<20480xf32, #tpu.memory_space<hbm>>) dst(%dma_wait3A_707 : memref<128xf32, #tpu.memory_space<vmem>>)
      %dma_wait3A_713 = arith.constant 7 : i32
      %dma_wait3A_714 = arith.constant 1 : i32
      %dma_wait3A_715 = arith.constant 384 : i32
      %dma_wait3A_716 = tpu.memref_slice %arg17[%dma_wait3A_714, %dma_wait3A_715] : memref<2x512xf32, #tpu.memory_space<vmem>> -> memref<1x128xf32, #tpu.memory_space<vmem>>
      %dma_wait3A_717 = tpu.memref_squeeze %dma_wait3A_716 : memref<1x128xf32, #tpu.memory_space<vmem>> -> memref<128xf32, #tpu.memory_space<vmem>>
      %dma_wait3A_718 = arith.constant 0 : i32
      %dma_wait3A_719 = tpu.memref_slice %arg13[%dma_wait3A_713, %dma_wait3A_718] : memref<8x128xi32, #tpu.memory_space<vmem>> -> memref<1x128xi32, #tpu.memory_space<vmem>>
      %dma_wait3A_720 = tpu.memref_squeeze %dma_wait3A_719 : memref<1x128xi32, #tpu.memory_space<vmem>> -> memref<128xi32, #tpu.memory_space<vmem>>
      %dma_wait3A_721 = arith.constant 0 : i32
      %dma_wait3A_722 = tpu.memref_slice %arg5[%dma_wait3A_721] : memref<20480xf32, #tpu.memory_space<hbm>> -> memref<20480xf32, #tpu.memory_space<hbm>>
      tpu.wait_indirect_dma semaphore(%arg19 : memref<!tpu.dma_semaphore, #tpu.memory_space<semaphore_mem>>) src(%dma_wait3A_722 : memref<20480xf32, #tpu.memory_space<hbm>>) dst(%dma_wait3A_717 : memref<128xf32, #tpu.memory_space<vmem>>)
      %dma_wait3A_723 = arith.constant 0 : i32
      %dma_wait3A_724 = arith.constant 0 : i32
      %dma_wait3A_725 = arith.constant 0 : i32
      %dma_wait3A_726 = tpu.memref_slice %arg18[%dma_wait3A_724, %dma_wait3A_725] : memref<2x512xf32, #tpu.memory_space<vmem>> -> memref<1x128xf32, #tpu.memory_space<vmem>>
      %dma_wait3A_727 = tpu.memref_squeeze %dma_wait3A_726 : memref<1x128xf32, #tpu.memory_space<vmem>> -> memref<128xf32, #tpu.memory_space<vmem>>
      %dma_wait3A_728 = arith.constant 0 : i32
      %dma_wait3A_729 = tpu.memref_slice %arg13[%dma_wait3A_723, %dma_wait3A_728] : memref<8x128xi32, #tpu.memory_space<vmem>> -> memref<1x128xi32, #tpu.memory_space<vmem>>
      %dma_wait3A_730 = tpu.memref_squeeze %dma_wait3A_729 : memref<1x128xi32, #tpu.memory_space<vmem>> -> memref<128xi32, #tpu.memory_space<vmem>>
      %dma_wait3A_731 = arith.constant 0 : i32
      %dma_wait3A_732 = tpu.memref_slice %arg6[%dma_wait3A_731] : memref<20480xf32, #tpu.memory_space<hbm>> -> memref<20480xf32, #tpu.memory_space<hbm>>
      tpu.wait_indirect_dma semaphore(%arg19 : memref<!tpu.dma_semaphore, #tpu.memory_space<semaphore_mem>>) src(%dma_wait3A_732 : memref<20480xf32, #tpu.memory_space<hbm>>) dst(%dma_wait3A_727 : memref<128xf32, #tpu.memory_space<vmem>>)
      %dma_wait3A_733 = arith.constant 1 : i32
      %dma_wait3A_734 = arith.constant 0 : i32
      %dma_wait3A_735 = arith.constant 128 : i32
      %dma_wait3A_736 = tpu.memref_slice %arg18[%dma_wait3A_734, %dma_wait3A_735] : memref<2x512xf32, #tpu.memory_space<vmem>> -> memref<1x128xf32, #tpu.memory_space<vmem>>
      %dma_wait3A_737 = tpu.memref_squeeze %dma_wait3A_736 : memref<1x128xf32, #tpu.memory_space<vmem>> -> memref<128xf32, #tpu.memory_space<vmem>>
      %dma_wait3A_738 = arith.constant 0 : i32
      %dma_wait3A_739 = tpu.memref_slice %arg13[%dma_wait3A_733, %dma_wait3A_738] : memref<8x128xi32, #tpu.memory_space<vmem>> -> memref<1x128xi32, #tpu.memory_space<vmem>>
      %dma_wait3A_740 = tpu.memref_squeeze %dma_wait3A_739 : memref<1x128xi32, #tpu.memory_space<vmem>> -> memref<128xi32, #tpu.memory_space<vmem>>
      %dma_wait3A_741 = arith.constant 0 : i32
      %dma_wait3A_742 = tpu.memref_slice %arg6[%dma_wait3A_741] : memref<20480xf32, #tpu.memory_space<hbm>> -> memref<20480xf32, #tpu.memory_space<hbm>>
      tpu.wait_indirect_dma semaphore(%arg19 : memref<!tpu.dma_semaphore, #tpu.memory_space<semaphore_mem>>) src(%dma_wait3A_742 : memref<20480xf32, #tpu.memory_space<hbm>>) dst(%dma_wait3A_737 : memref<128xf32, #tpu.memory_space<vmem>>)
      %dma_wait3A_743 = arith.constant 2 : i32
      %dma_wait3A_744 = arith.constant 0 : i32
      %dma_wait3A_745 = arith.constant 256 : i32
      %dma_wait3A_746 = tpu.memref_slice %arg18[%dma_wait3A_744, %dma_wait3A_745] : memref<2x512xf32, #tpu.memory_space<vmem>> -> memref<1x128xf32, #tpu.memory_space<vmem>>
      %dma_wait3A_747 = tpu.memref_squeeze %dma_wait3A_746 : memref<1x128xf32, #tpu.memory_space<vmem>> -> memref<128xf32, #tpu.memory_space<vmem>>
      %dma_wait3A_748 = arith.constant 0 : i32
      %dma_wait3A_749 = tpu.memref_slice %arg13[%dma_wait3A_743, %dma_wait3A_748] : memref<8x128xi32, #tpu.memory_space<vmem>> -> memref<1x128xi32, #tpu.memory_space<vmem>>
      %dma_wait3A_750 = tpu.memref_squeeze %dma_wait3A_749 : memref<1x128xi32, #tpu.memory_space<vmem>> -> memref<128xi32, #tpu.memory_space<vmem>>
      %dma_wait3A_751 = arith.constant 0 : i32
      %dma_wait3A_752 = tpu.memref_slice %arg6[%dma_wait3A_751] : memref<20480xf32, #tpu.memory_space<hbm>> -> memref<20480xf32, #tpu.memory_space<hbm>>
      tpu.wait_indirect_dma semaphore(%arg19 : memref<!tpu.dma_semaphore, #tpu.memory_space<semaphore_mem>>) src(%dma_wait3A_752 : memref<20480xf32, #tpu.memory_space<hbm>>) dst(%dma_wait3A_747 : memref<128xf32, #tpu.memory_space<vmem>>)
      %dma_wait3A_753 = arith.constant 3 : i32
      %dma_wait3A_754 = arith.constant 0 : i32
      %dma_wait3A_755 = arith.constant 384 : i32
      %dma_wait3A_756 = tpu.memref_slice %arg18[%dma_wait3A_754, %dma_wait3A_755] : memref<2x512xf32, #tpu.memory_space<vmem>> -> memref<1x128xf32, #tpu.memory_space<vmem>>
      %dma_wait3A_757 = tpu.memref_squeeze %dma_wait3A_756 : memref<1x128xf32, #tpu.memory_space<vmem>> -> memref<128xf32, #tpu.memory_space<vmem>>
      %dma_wait3A_758 = arith.constant 0 : i32
      %dma_wait3A_759 = tpu.memref_slice %arg13[%dma_wait3A_753, %dma_wait3A_758] : memref<8x128xi32, #tpu.memory_space<vmem>> -> memref<1x128xi32, #tpu.memory_space<vmem>>
      %dma_wait3A_760 = tpu.memref_squeeze %dma_wait3A_759 : memref<1x128xi32, #tpu.memory_space<vmem>> -> memref<128xi32, #tpu.memory_space<vmem>>
      %dma_wait3A_761 = arith.constant 0 : i32
      %dma_wait3A_762 = tpu.memref_slice %arg6[%dma_wait3A_761] : memref<20480xf32, #tpu.memory_space<hbm>> -> memref<20480xf32, #tpu.memory_space<hbm>>
      tpu.wait_indirect_dma semaphore(%arg19 : memref<!tpu.dma_semaphore, #tpu.memory_space<semaphore_mem>>) src(%dma_wait3A_762 : memref<20480xf32, #tpu.memory_space<hbm>>) dst(%dma_wait3A_757 : memref<128xf32, #tpu.memory_space<vmem>>)
      %dma_wait3A_763 = arith.constant 4 : i32
      %dma_wait3A_764 = arith.constant 1 : i32
      %dma_wait3A_765 = arith.constant 0 : i32
      %dma_wait3A_766 = tpu.memref_slice %arg18[%dma_wait3A_764, %dma_wait3A_765] : memref<2x512xf32, #tpu.memory_space<vmem>> -> memref<1x128xf32, #tpu.memory_space<vmem>>
      %dma_wait3A_767 = tpu.memref_squeeze %dma_wait3A_766 : memref<1x128xf32, #tpu.memory_space<vmem>> -> memref<128xf32, #tpu.memory_space<vmem>>
      %dma_wait3A_768 = arith.constant 0 : i32
      %dma_wait3A_769 = tpu.memref_slice %arg13[%dma_wait3A_763, %dma_wait3A_768] : memref<8x128xi32, #tpu.memory_space<vmem>> -> memref<1x128xi32, #tpu.memory_space<vmem>>
      %dma_wait3A_770 = tpu.memref_squeeze %dma_wait3A_769 : memref<1x128xi32, #tpu.memory_space<vmem>> -> memref<128xi32, #tpu.memory_space<vmem>>
      %dma_wait3A_771 = arith.constant 0 : i32
      %dma_wait3A_772 = tpu.memref_slice %arg6[%dma_wait3A_771] : memref<20480xf32, #tpu.memory_space<hbm>> -> memref<20480xf32, #tpu.memory_space<hbm>>
      tpu.wait_indirect_dma semaphore(%arg19 : memref<!tpu.dma_semaphore, #tpu.memory_space<semaphore_mem>>) src(%dma_wait3A_772 : memref<20480xf32, #tpu.memory_space<hbm>>) dst(%dma_wait3A_767 : memref<128xf32, #tpu.memory_space<vmem>>)
      %dma_wait3A_773 = arith.constant 5 : i32
      %dma_wait3A_774 = arith.constant 1 : i32
      %dma_wait3A_775 = arith.constant 128 : i32
      %dma_wait3A_776 = tpu.memref_slice %arg18[%dma_wait3A_774, %dma_wait3A_775] : memref<2x512xf32, #tpu.memory_space<vmem>> -> memref<1x128xf32, #tpu.memory_space<vmem>>
      %dma_wait3A_777 = tpu.memref_squeeze %dma_wait3A_776 : memref<1x128xf32, #tpu.memory_space<vmem>> -> memref<128xf32, #tpu.memory_space<vmem>>
      %dma_wait3A_778 = arith.constant 0 : i32
      %dma_wait3A_779 = tpu.memref_slice %arg13[%dma_wait3A_773, %dma_wait3A_778] : memref<8x128xi32, #tpu.memory_space<vmem>> -> memref<1x128xi32, #tpu.memory_space<vmem>>
      %dma_wait3A_780 = tpu.memref_squeeze %dma_wait3A_779 : memref<1x128xi32, #tpu.memory_space<vmem>> -> memref<128xi32, #tpu.memory_space<vmem>>
      %dma_wait3A_781 = arith.constant 0 : i32
      %dma_wait3A_782 = tpu.memref_slice %arg6[%dma_wait3A_781] : memref<20480xf32, #tpu.memory_space<hbm>> -> memref<20480xf32, #tpu.memory_space<hbm>>
      tpu.wait_indirect_dma semaphore(%arg19 : memref<!tpu.dma_semaphore, #tpu.memory_space<semaphore_mem>>) src(%dma_wait3A_782 : memref<20480xf32, #tpu.memory_space<hbm>>) dst(%dma_wait3A_777 : memref<128xf32, #tpu.memory_space<vmem>>)
      %dma_wait3A_783 = arith.constant 6 : i32
      %dma_wait3A_784 = arith.constant 1 : i32
      %dma_wait3A_785 = arith.constant 256 : i32
      %dma_wait3A_786 = tpu.memref_slice %arg18[%dma_wait3A_784, %dma_wait3A_785] : memref<2x512xf32, #tpu.memory_space<vmem>> -> memref<1x128xf32, #tpu.memory_space<vmem>>
      %dma_wait3A_787 = tpu.memref_squeeze %dma_wait3A_786 : memref<1x128xf32, #tpu.memory_space<vmem>> -> memref<128xf32, #tpu.memory_space<vmem>>
      %dma_wait3A_788 = arith.constant 0 : i32
      %dma_wait3A_789 = tpu.memref_slice %arg13[%dma_wait3A_783, %dma_wait3A_788] : memref<8x128xi32, #tpu.memory_space<vmem>> -> memref<1x128xi32, #tpu.memory_space<vmem>>
      %dma_wait3A_790 = tpu.memref_squeeze %dma_wait3A_789 : memref<1x128xi32, #tpu.memory_space<vmem>> -> memref<128xi32, #tpu.memory_space<vmem>>
      %dma_wait3A_791 = arith.constant 0 : i32
      %dma_wait3A_792 = tpu.memref_slice %arg6[%dma_wait3A_791] : memref<20480xf32, #tpu.memory_space<hbm>> -> memref<20480xf32, #tpu.memory_space<hbm>>
      tpu.wait_indirect_dma semaphore(%arg19 : memref<!tpu.dma_semaphore, #tpu.memory_space<semaphore_mem>>) src(%dma_wait3A_792 : memref<20480xf32, #tpu.memory_space<hbm>>) dst(%dma_wait3A_787 : memref<128xf32, #tpu.memory_space<vmem>>)
      %dma_wait3A_793 = arith.constant 7 : i32
      %dma_wait3A_794 = arith.constant 1 : i32
      %dma_wait3A_795 = arith.constant 384 : i32
      %dma_wait3A_796 = tpu.memref_slice %arg18[%dma_wait3A_794, %dma_wait3A_795] : memref<2x512xf32, #tpu.memory_space<vmem>> -> memref<1x128xf32, #tpu.memory_space<vmem>>
      %dma_wait3A_797 = tpu.memref_squeeze %dma_wait3A_796 : memref<1x128xf32, #tpu.memory_space<vmem>> -> memref<128xf32, #tpu.memory_space<vmem>>
      %dma_wait3A_798 = arith.constant 0 : i32
      %dma_wait3A_799 = tpu.memref_slice %arg13[%dma_wait3A_793, %dma_wait3A_798] : memref<8x128xi32, #tpu.memory_space<vmem>> -> memref<1x128xi32, #tpu.memory_space<vmem>>
      %dma_wait3A_800 = tpu.memref_squeeze %dma_wait3A_799 : memref<1x128xi32, #tpu.memory_space<vmem>> -> memref<128xi32, #tpu.memory_space<vmem>>
      %dma_wait3A_801 = arith.constant 0 : i32
      %dma_wait3A_802 = tpu.memref_slice %arg6[%dma_wait3A_801] : memref<20480xf32, #tpu.memory_space<hbm>> -> memref<20480xf32, #tpu.memory_space<hbm>>
      tpu.wait_indirect_dma semaphore(%arg19 : memref<!tpu.dma_semaphore, #tpu.memory_space<semaphore_mem>>) src(%dma_wait3A_802 : memref<20480xf32, #tpu.memory_space<hbm>>) dst(%dma_wait3A_797 : memref<128xf32, #tpu.memory_space<vmem>>)
      %mul3A_803 = arith.constant 2 : i32
      %mul3A_804 = arith.muli %add3A, %mul3A_803 : i32
      "tpu.region"() ({
        %run_scoped3A = tpu.sem_alloc : memref<!tpu.dma_semaphore, #tpu.memory_space<semaphore_mem>>
        %dma_start3A_805 = arith.constant 0 : i32
        %dma_start3A_806 = tpu.memref_slice %arg8[%mul3A_804, %dma_start3A_805] : memref<40x512xf32, #tpu.memory_space<hbm>> -> memref<2x512xf32, #tpu.memory_space<hbm>>
        %dma_start3A_807 = arith.constant 0 : i32
        %dma_start3A_808 = tpu.memref_slice %arg8[%mul3A_804, %dma_start3A_807] : memref<40x512xf32, #tpu.memory_space<hbm>> -> memref<2x512xf32, #tpu.memory_space<hbm>>
        tpu.enqueue_dma source(%arg14 : memref<2x512xf32, #tpu.memory_space<vmem>>) target(%dma_start3A_808 : memref<2x512xf32, #tpu.memory_space<hbm>>) target_semaphore(%run_scoped3A : memref<!tpu.dma_semaphore, #tpu.memory_space<semaphore_mem>>)
        %dma_wait3A_809 = arith.constant 0 : i32
        %dma_wait3A_810 = tpu.memref_slice %arg8[%mul3A_804, %dma_wait3A_809] : memref<40x512xf32, #tpu.memory_space<hbm>> -> memref<2x512xf32, #tpu.memory_space<hbm>>
        %dma_wait3A_811 = arith.constant 0 : i32
        %dma_wait3A_812 = tpu.memref_slice %arg8[%mul3A_804, %dma_wait3A_811] : memref<40x512xf32, #tpu.memory_space<hbm>> -> memref<2x512xf32, #tpu.memory_space<hbm>>
        tpu.wait_dma2 semaphore(%run_scoped3A : memref<!tpu.dma_semaphore, #tpu.memory_space<semaphore_mem>>) src(%arg14 : memref<2x512xf32, #tpu.memory_space<vmem>>) dst(%dma_wait3A_812 : memref<2x512xf32, #tpu.memory_space<hbm>>)
        tpu.yield
      }) : () -> ()
      "tpu.region"() ({
        %run_scoped3A = tpu.sem_alloc : memref<!tpu.dma_semaphore, #tpu.memory_space<semaphore_mem>>
        %dma_start3A_805 = arith.constant 0 : i32
        %dma_start3A_806 = tpu.memref_slice %arg9[%mul3A_804, %dma_start3A_805] : memref<40x512xf32, #tpu.memory_space<hbm>> -> memref<2x512xf32, #tpu.memory_space<hbm>>
        %dma_start3A_807 = arith.constant 0 : i32
        %dma_start3A_808 = tpu.memref_slice %arg9[%mul3A_804, %dma_start3A_807] : memref<40x512xf32, #tpu.memory_space<hbm>> -> memref<2x512xf32, #tpu.memory_space<hbm>>
        tpu.enqueue_dma source(%arg15 : memref<2x512xf32, #tpu.memory_space<vmem>>) target(%dma_start3A_808 : memref<2x512xf32, #tpu.memory_space<hbm>>) target_semaphore(%run_scoped3A : memref<!tpu.dma_semaphore, #tpu.memory_space<semaphore_mem>>)
        %dma_wait3A_809 = arith.constant 0 : i32
        %dma_wait3A_810 = tpu.memref_slice %arg9[%mul3A_804, %dma_wait3A_809] : memref<40x512xf32, #tpu.memory_space<hbm>> -> memref<2x512xf32, #tpu.memory_space<hbm>>
        %dma_wait3A_811 = arith.constant 0 : i32
        %dma_wait3A_812 = tpu.memref_slice %arg9[%mul3A_804, %dma_wait3A_811] : memref<40x512xf32, #tpu.memory_space<hbm>> -> memref<2x512xf32, #tpu.memory_space<hbm>>
        tpu.wait_dma2 semaphore(%run_scoped3A : memref<!tpu.dma_semaphore, #tpu.memory_space<semaphore_mem>>) src(%arg15 : memref<2x512xf32, #tpu.memory_space<vmem>>) dst(%dma_wait3A_812 : memref<2x512xf32, #tpu.memory_space<hbm>>)
        tpu.yield
      }) : () -> ()
      "tpu.region"() ({
        %run_scoped3A = tpu.sem_alloc : memref<!tpu.dma_semaphore, #tpu.memory_space<semaphore_mem>>
        %dma_start3A_805 = arith.constant 0 : i32
        %dma_start3A_806 = tpu.memref_slice %arg10[%mul3A_804, %dma_start3A_805] : memref<40x512xf32, #tpu.memory_space<hbm>> -> memref<2x512xf32, #tpu.memory_space<hbm>>
        %dma_start3A_807 = arith.constant 0 : i32
        %dma_start3A_808 = tpu.memref_slice %arg10[%mul3A_804, %dma_start3A_807] : memref<40x512xf32, #tpu.memory_space<hbm>> -> memref<2x512xf32, #tpu.memory_space<hbm>>
        tpu.enqueue_dma source(%arg16 : memref<2x512xf32, #tpu.memory_space<vmem>>) target(%dma_start3A_808 : memref<2x512xf32, #tpu.memory_space<hbm>>) target_semaphore(%run_scoped3A : memref<!tpu.dma_semaphore, #tpu.memory_space<semaphore_mem>>)
        %dma_wait3A_809 = arith.constant 0 : i32
        %dma_wait3A_810 = tpu.memref_slice %arg10[%mul3A_804, %dma_wait3A_809] : memref<40x512xf32, #tpu.memory_space<hbm>> -> memref<2x512xf32, #tpu.memory_space<hbm>>
        %dma_wait3A_811 = arith.constant 0 : i32
        %dma_wait3A_812 = tpu.memref_slice %arg10[%mul3A_804, %dma_wait3A_811] : memref<40x512xf32, #tpu.memory_space<hbm>> -> memref<2x512xf32, #tpu.memory_space<hbm>>
        tpu.wait_dma2 semaphore(%run_scoped3A : memref<!tpu.dma_semaphore, #tpu.memory_space<semaphore_mem>>) src(%arg16 : memref<2x512xf32, #tpu.memory_space<vmem>>) dst(%dma_wait3A_812 : memref<2x512xf32, #tpu.memory_space<hbm>>)
        tpu.yield
      }) : () -> ()
      "tpu.region"() ({
        %run_scoped3A = tpu.sem_alloc : memref<!tpu.dma_semaphore, #tpu.memory_space<semaphore_mem>>
        %dma_start3A_805 = arith.constant 0 : i32
        %dma_start3A_806 = tpu.memref_slice %arg11[%mul3A_804, %dma_start3A_805] : memref<40x512xf32, #tpu.memory_space<hbm>> -> memref<2x512xf32, #tpu.memory_space<hbm>>
        %dma_start3A_807 = arith.constant 0 : i32
        %dma_start3A_808 = tpu.memref_slice %arg11[%mul3A_804, %dma_start3A_807] : memref<40x512xf32, #tpu.memory_space<hbm>> -> memref<2x512xf32, #tpu.memory_space<hbm>>
        tpu.enqueue_dma source(%arg17 : memref<2x512xf32, #tpu.memory_space<vmem>>) target(%dma_start3A_808 : memref<2x512xf32, #tpu.memory_space<hbm>>) target_semaphore(%run_scoped3A : memref<!tpu.dma_semaphore, #tpu.memory_space<semaphore_mem>>)
        %dma_wait3A_809 = arith.constant 0 : i32
        %dma_wait3A_810 = tpu.memref_slice %arg11[%mul3A_804, %dma_wait3A_809] : memref<40x512xf32, #tpu.memory_space<hbm>> -> memref<2x512xf32, #tpu.memory_space<hbm>>
        %dma_wait3A_811 = arith.constant 0 : i32
        %dma_wait3A_812 = tpu.memref_slice %arg11[%mul3A_804, %dma_wait3A_811] : memref<40x512xf32, #tpu.memory_space<hbm>> -> memref<2x512xf32, #tpu.memory_space<hbm>>
        tpu.wait_dma2 semaphore(%run_scoped3A : memref<!tpu.dma_semaphore, #tpu.memory_space<semaphore_mem>>) src(%arg17 : memref<2x512xf32, #tpu.memory_space<vmem>>) dst(%dma_wait3A_812 : memref<2x512xf32, #tpu.memory_space<hbm>>)
        tpu.yield
      }) : () -> ()
      "tpu.region"() ({
        %run_scoped3A = tpu.sem_alloc : memref<!tpu.dma_semaphore, #tpu.memory_space<semaphore_mem>>
        %dma_start3A_805 = arith.constant 0 : i32
        %dma_start3A_806 = tpu.memref_slice %arg12[%mul3A_804, %dma_start3A_805] : memref<40x512xf32, #tpu.memory_space<hbm>> -> memref<2x512xf32, #tpu.memory_space<hbm>>
        %dma_start3A_807 = arith.constant 0 : i32
        %dma_start3A_808 = tpu.memref_slice %arg12[%mul3A_804, %dma_start3A_807] : memref<40x512xf32, #tpu.memory_space<hbm>> -> memref<2x512xf32, #tpu.memory_space<hbm>>
        tpu.enqueue_dma source(%arg18 : memref<2x512xf32, #tpu.memory_space<vmem>>) target(%dma_start3A_808 : memref<2x512xf32, #tpu.memory_space<hbm>>) target_semaphore(%run_scoped3A : memref<!tpu.dma_semaphore, #tpu.memory_space<semaphore_mem>>)
        %dma_wait3A_809 = arith.constant 0 : i32
        %dma_wait3A_810 = tpu.memref_slice %arg12[%mul3A_804, %dma_wait3A_809] : memref<40x512xf32, #tpu.memory_space<hbm>> -> memref<2x512xf32, #tpu.memory_space<hbm>>
        %dma_wait3A_811 = arith.constant 0 : i32
        %dma_wait3A_812 = tpu.memref_slice %arg12[%mul3A_804, %dma_wait3A_811] : memref<40x512xf32, #tpu.memory_space<hbm>> -> memref<2x512xf32, #tpu.memory_space<hbm>>
        tpu.wait_dma2 semaphore(%run_scoped3A : memref<!tpu.dma_semaphore, #tpu.memory_space<semaphore_mem>>) src(%arg18 : memref<2x512xf32, #tpu.memory_space<vmem>>) dst(%dma_wait3A_812 : memref<2x512xf32, #tpu.memory_space<hbm>>)
        tpu.yield
      }) : () -> ()
    } else {
    }
    return
  }
}

#map = affine_map<(d0, d1) -> (0, 0)>
#map1 = affine_map<(d0, d1) -> (0)>
module attributes {stable_mosaic.version = 14 : i64} {
  func.func @_sc_scatter_keep(%arg0: i32, %arg1: i32, %arg2: memref<40x512xf32, #tpu.memory_space<hbm>>, %arg3: memref<160x128xi32, #tpu.memory_space<hbm>>, %arg4: memref<20480xf32, #tpu.memory_space<hbm>>, %arg5: memref<8x128xi32, #tpu.memory_space<vmem>>, %arg6: memref<2x512xf32, #tpu.memory_space<vmem>>, %arg7: memref<!tpu.dma_semaphore, #tpu.memory_space<semaphore_mem>>) attributes {dimension_semantics = [#tpu.dimension_semantics<core_parallel>, #tpu.dimension_semantics<subcore_parallel>], iteration_bounds = array<i64: 2, 16>, scalar_prefetch = 0 : i64, scratch_operands = 3 : i64, tpu.core_type = #tpu.core_type<sc_vector_subcore>, window_params = [{transform_indices = #map}, {transform_indices = #map}, {transform_indices = #map1}]} {
    %mul3A = arith.constant 2 : i32
    %mul3A_0 = arith.muli %arg1, %mul3A : i32
    %add3A = arith.addi %mul3A_0, %arg0 : i32
    %lt3A = arith.constant 20 : i32
    %lt3A_1 = arith.cmpi slt, %add3A, %lt3A : i32
    %convert_element_type3A = arith.extui %lt3A_1 : i1 to i32
    %cond3A = arith.constant 0 : i32
    %cond3A_2 = arith.cmpi ne, %convert_element_type3A, %cond3A : i32
    scf.if %cond3A_2 {
      %mul3A_3 = arith.constant 8 : i32
      %mul3A_4 = arith.muli %add3A, %mul3A_3 : i32
      "tpu.region"() ({
        %run_scoped3A = tpu.sem_alloc : memref<!tpu.dma_semaphore, #tpu.memory_space<semaphore_mem>>
        %dma_start3A_165 = arith.constant 0 : i32
        %dma_start3A_166 = tpu.memref_slice %arg3[%mul3A_4, %dma_start3A_165] : memref<160x128xi32, #tpu.memory_space<hbm>> -> memref<8x128xi32, #tpu.memory_space<hbm>>
        %dma_start3A_167 = arith.constant 0 : i32
        %dma_start3A_168 = tpu.memref_slice %arg3[%mul3A_4, %dma_start3A_167] : memref<160x128xi32, #tpu.memory_space<hbm>> -> memref<8x128xi32, #tpu.memory_space<hbm>>
        tpu.enqueue_dma source(%dma_start3A_168 : memref<8x128xi32, #tpu.memory_space<hbm>>) target(%arg5 : memref<8x128xi32, #tpu.memory_space<vmem>>) target_semaphore(%run_scoped3A : memref<!tpu.dma_semaphore, #tpu.memory_space<semaphore_mem>>)
        %dma_wait3A_169 = arith.constant 0 : i32
        %dma_wait3A_170 = tpu.memref_slice %arg3[%mul3A_4, %dma_wait3A_169] : memref<160x128xi32, #tpu.memory_space<hbm>> -> memref<8x128xi32, #tpu.memory_space<hbm>>
        %dma_wait3A_171 = arith.constant 0 : i32
        %dma_wait3A_172 = tpu.memref_slice %arg3[%mul3A_4, %dma_wait3A_171] : memref<160x128xi32, #tpu.memory_space<hbm>> -> memref<8x128xi32, #tpu.memory_space<hbm>>
        tpu.wait_dma2 semaphore(%run_scoped3A : memref<!tpu.dma_semaphore, #tpu.memory_space<semaphore_mem>>) src(%dma_wait3A_172 : memref<8x128xi32, #tpu.memory_space<hbm>>) dst(%arg5 : memref<8x128xi32, #tpu.memory_space<vmem>>)
        tpu.yield
      }) : () -> ()
      %mul3A_5 = arith.constant 2 : i32
      %mul3A_6 = arith.muli %add3A, %mul3A_5 : i32
      "tpu.region"() ({
        %run_scoped3A = tpu.sem_alloc : memref<!tpu.dma_semaphore, #tpu.memory_space<semaphore_mem>>
        %dma_start3A_165 = arith.constant 0 : i32
        %dma_start3A_166 = tpu.memref_slice %arg2[%mul3A_6, %dma_start3A_165] : memref<40x512xf32, #tpu.memory_space<hbm>> -> memref<2x512xf32, #tpu.memory_space<hbm>>
        %dma_start3A_167 = arith.constant 0 : i32
        %dma_start3A_168 = tpu.memref_slice %arg2[%mul3A_6, %dma_start3A_167] : memref<40x512xf32, #tpu.memory_space<hbm>> -> memref<2x512xf32, #tpu.memory_space<hbm>>
        tpu.enqueue_dma source(%dma_start3A_168 : memref<2x512xf32, #tpu.memory_space<hbm>>) target(%arg6 : memref<2x512xf32, #tpu.memory_space<vmem>>) target_semaphore(%run_scoped3A : memref<!tpu.dma_semaphore, #tpu.memory_space<semaphore_mem>>)
        %dma_wait3A_169 = arith.constant 0 : i32
        %dma_wait3A_170 = tpu.memref_slice %arg2[%mul3A_6, %dma_wait3A_169] : memref<40x512xf32, #tpu.memory_space<hbm>> -> memref<2x512xf32, #tpu.memory_space<hbm>>
        %dma_wait3A_171 = arith.constant 0 : i32
        %dma_wait3A_172 = tpu.memref_slice %arg2[%mul3A_6, %dma_wait3A_171] : memref<40x512xf32, #tpu.memory_space<hbm>> -> memref<2x512xf32, #tpu.memory_space<hbm>>
        tpu.wait_dma2 semaphore(%run_scoped3A : memref<!tpu.dma_semaphore, #tpu.memory_space<semaphore_mem>>) src(%dma_wait3A_172 : memref<2x512xf32, #tpu.memory_space<hbm>>) dst(%arg6 : memref<2x512xf32, #tpu.memory_space<vmem>>)
        tpu.yield
      }) : () -> ()
      %dma_start3A = arith.constant 0 : i32
      %dma_start3A_7 = arith.constant 0 : i32
      %dma_start3A_8 = arith.constant 0 : i32
      %dma_start3A_9 = tpu.memref_slice %arg6[%dma_start3A, %dma_start3A_8] : memref<2x512xf32, #tpu.memory_space<vmem>> -> memref<1x128xf32, #tpu.memory_space<vmem>>
      %dma_start3A_10 = tpu.memref_squeeze %dma_start3A_9 : memref<1x128xf32, #tpu.memory_space<vmem>> -> memref<128xf32, #tpu.memory_space<vmem>>
      %dma_start3A_11 = arith.constant 0 : i32
      %dma_start3A_12 = tpu.memref_slice %arg5[%dma_start3A_7, %dma_start3A_11] : memref<8x128xi32, #tpu.memory_space<vmem>> -> memref<1x128xi32, #tpu.memory_space<vmem>>
      %dma_start3A_13 = tpu.memref_squeeze %dma_start3A_12 : memref<1x128xi32, #tpu.memory_space<vmem>> -> memref<128xi32, #tpu.memory_space<vmem>>
      %dma_start3A_14 = arith.constant 0 : i32
      %dma_start3A_15 = tpu.memref_slice %arg4[%dma_start3A_14] : memref<20480xf32, #tpu.memory_space<hbm>> -> memref<20480xf32, #tpu.memory_space<hbm>>
      tpu.enqueue_indirect_dma source(%dma_start3A_10 : memref<128xf32, #tpu.memory_space<vmem>>) target(%dma_start3A_15 : memref<20480xf32, #tpu.memory_space<hbm>>) offsets(%dma_start3A_13 : memref<128xi32, #tpu.memory_space<vmem>>) semaphore(%arg7 : memref<!tpu.dma_semaphore, #tpu.memory_space<semaphore_mem>>)
      %dma_start3A_16 = arith.constant 0 : i32
      %dma_start3A_17 = arith.constant 1 : i32
      %dma_start3A_18 = arith.constant 128 : i32
      %dma_start3A_19 = tpu.memref_slice %arg6[%dma_start3A_16, %dma_start3A_18] : memref<2x512xf32, #tpu.memory_space<vmem>> -> memref<1x128xf32, #tpu.memory_space<vmem>>
      %dma_start3A_20 = tpu.memref_squeeze %dma_start3A_19 : memref<1x128xf32, #tpu.memory_space<vmem>> -> memref<128xf32, #tpu.memory_space<vmem>>
      %dma_start3A_21 = arith.constant 0 : i32
      %dma_start3A_22 = tpu.memref_slice %arg5[%dma_start3A_17, %dma_start3A_21] : memref<8x128xi32, #tpu.memory_space<vmem>> -> memref<1x128xi32, #tpu.memory_space<vmem>>
      %dma_start3A_23 = tpu.memref_squeeze %dma_start3A_22 : memref<1x128xi32, #tpu.memory_space<vmem>> -> memref<128xi32, #tpu.memory_space<vmem>>
      %dma_start3A_24 = arith.constant 0 : i32
      %dma_start3A_25 = tpu.memref_slice %arg4[%dma_start3A_24] : memref<20480xf32, #tpu.memory_space<hbm>> -> memref<20480xf32, #tpu.memory_space<hbm>>
      tpu.enqueue_indirect_dma source(%dma_start3A_20 : memref<128xf32, #tpu.memory_space<vmem>>) target(%dma_start3A_25 : memref<20480xf32, #tpu.memory_space<hbm>>) offsets(%dma_start3A_23 : memref<128xi32, #tpu.memory_space<vmem>>) semaphore(%arg7 : memref<!tpu.dma_semaphore, #tpu.memory_space<semaphore_mem>>)
      %dma_start3A_26 = arith.constant 0 : i32
      %dma_start3A_27 = arith.constant 2 : i32
      %dma_start3A_28 = arith.constant 256 : i32
      %dma_start3A_29 = tpu.memref_slice %arg6[%dma_start3A_26, %dma_start3A_28] : memref<2x512xf32, #tpu.memory_space<vmem>> -> memref<1x128xf32, #tpu.memory_space<vmem>>
      %dma_start3A_30 = tpu.memref_squeeze %dma_start3A_29 : memref<1x128xf32, #tpu.memory_space<vmem>> -> memref<128xf32, #tpu.memory_space<vmem>>
      %dma_start3A_31 = arith.constant 0 : i32
      %dma_start3A_32 = tpu.memref_slice %arg5[%dma_start3A_27, %dma_start3A_31] : memref<8x128xi32, #tpu.memory_space<vmem>> -> memref<1x128xi32, #tpu.memory_space<vmem>>
      %dma_start3A_33 = tpu.memref_squeeze %dma_start3A_32 : memref<1x128xi32, #tpu.memory_space<vmem>> -> memref<128xi32, #tpu.memory_space<vmem>>
      %dma_start3A_34 = arith.constant 0 : i32
      %dma_start3A_35 = tpu.memref_slice %arg4[%dma_start3A_34] : memref<20480xf32, #tpu.memory_space<hbm>> -> memref<20480xf32, #tpu.memory_space<hbm>>
      tpu.enqueue_indirect_dma source(%dma_start3A_30 : memref<128xf32, #tpu.memory_space<vmem>>) target(%dma_start3A_35 : memref<20480xf32, #tpu.memory_space<hbm>>) offsets(%dma_start3A_33 : memref<128xi32, #tpu.memory_space<vmem>>) semaphore(%arg7 : memref<!tpu.dma_semaphore, #tpu.memory_space<semaphore_mem>>)
      %dma_start3A_36 = arith.constant 0 : i32
      %dma_start3A_37 = arith.constant 3 : i32
      %dma_start3A_38 = arith.constant 384 : i32
      %dma_start3A_39 = tpu.memref_slice %arg6[%dma_start3A_36, %dma_start3A_38] : memref<2x512xf32, #tpu.memory_space<vmem>> -> memref<1x128xf32, #tpu.memory_space<vmem>>
      %dma_start3A_40 = tpu.memref_squeeze %dma_start3A_39 : memref<1x128xf32, #tpu.memory_space<vmem>> -> memref<128xf32, #tpu.memory_space<vmem>>
      %dma_start3A_41 = arith.constant 0 : i32
      %dma_start3A_42 = tpu.memref_slice %arg5[%dma_start3A_37, %dma_start3A_41] : memref<8x128xi32, #tpu.memory_space<vmem>> -> memref<1x128xi32, #tpu.memory_space<vmem>>
      %dma_start3A_43 = tpu.memref_squeeze %dma_start3A_42 : memref<1x128xi32, #tpu.memory_space<vmem>> -> memref<128xi32, #tpu.memory_space<vmem>>
      %dma_start3A_44 = arith.constant 0 : i32
      %dma_start3A_45 = tpu.memref_slice %arg4[%dma_start3A_44] : memref<20480xf32, #tpu.memory_space<hbm>> -> memref<20480xf32, #tpu.memory_space<hbm>>
      tpu.enqueue_indirect_dma source(%dma_start3A_40 : memref<128xf32, #tpu.memory_space<vmem>>) target(%dma_start3A_45 : memref<20480xf32, #tpu.memory_space<hbm>>) offsets(%dma_start3A_43 : memref<128xi32, #tpu.memory_space<vmem>>) semaphore(%arg7 : memref<!tpu.dma_semaphore, #tpu.memory_space<semaphore_mem>>)
      %dma_start3A_46 = arith.constant 1 : i32
      %dma_start3A_47 = arith.constant 4 : i32
      %dma_start3A_48 = arith.constant 0 : i32
      %dma_start3A_49 = tpu.memref_slice %arg6[%dma_start3A_46, %dma_start3A_48] : memref<2x512xf32, #tpu.memory_space<vmem>> -> memref<1x128xf32, #tpu.memory_space<vmem>>
      %dma_start3A_50 = tpu.memref_squeeze %dma_start3A_49 : memref<1x128xf32, #tpu.memory_space<vmem>> -> memref<128xf32, #tpu.memory_space<vmem>>
      %dma_start3A_51 = arith.constant 0 : i32
      %dma_start3A_52 = tpu.memref_slice %arg5[%dma_start3A_47, %dma_start3A_51] : memref<8x128xi32, #tpu.memory_space<vmem>> -> memref<1x128xi32, #tpu.memory_space<vmem>>
      %dma_start3A_53 = tpu.memref_squeeze %dma_start3A_52 : memref<1x128xi32, #tpu.memory_space<vmem>> -> memref<128xi32, #tpu.memory_space<vmem>>
      %dma_start3A_54 = arith.constant 0 : i32
      %dma_start3A_55 = tpu.memref_slice %arg4[%dma_start3A_54] : memref<20480xf32, #tpu.memory_space<hbm>> -> memref<20480xf32, #tpu.memory_space<hbm>>
      tpu.enqueue_indirect_dma source(%dma_start3A_50 : memref<128xf32, #tpu.memory_space<vmem>>) target(%dma_start3A_55 : memref<20480xf32, #tpu.memory_space<hbm>>) offsets(%dma_start3A_53 : memref<128xi32, #tpu.memory_space<vmem>>) semaphore(%arg7 : memref<!tpu.dma_semaphore, #tpu.memory_space<semaphore_mem>>)
      %dma_start3A_56 = arith.constant 1 : i32
      %dma_start3A_57 = arith.constant 5 : i32
      %dma_start3A_58 = arith.constant 128 : i32
      %dma_start3A_59 = tpu.memref_slice %arg6[%dma_start3A_56, %dma_start3A_58] : memref<2x512xf32, #tpu.memory_space<vmem>> -> memref<1x128xf32, #tpu.memory_space<vmem>>
      %dma_start3A_60 = tpu.memref_squeeze %dma_start3A_59 : memref<1x128xf32, #tpu.memory_space<vmem>> -> memref<128xf32, #tpu.memory_space<vmem>>
      %dma_start3A_61 = arith.constant 0 : i32
      %dma_start3A_62 = tpu.memref_slice %arg5[%dma_start3A_57, %dma_start3A_61] : memref<8x128xi32, #tpu.memory_space<vmem>> -> memref<1x128xi32, #tpu.memory_space<vmem>>
      %dma_start3A_63 = tpu.memref_squeeze %dma_start3A_62 : memref<1x128xi32, #tpu.memory_space<vmem>> -> memref<128xi32, #tpu.memory_space<vmem>>
      %dma_start3A_64 = arith.constant 0 : i32
      %dma_start3A_65 = tpu.memref_slice %arg4[%dma_start3A_64] : memref<20480xf32, #tpu.memory_space<hbm>> -> memref<20480xf32, #tpu.memory_space<hbm>>
      tpu.enqueue_indirect_dma source(%dma_start3A_60 : memref<128xf32, #tpu.memory_space<vmem>>) target(%dma_start3A_65 : memref<20480xf32, #tpu.memory_space<hbm>>) offsets(%dma_start3A_63 : memref<128xi32, #tpu.memory_space<vmem>>) semaphore(%arg7 : memref<!tpu.dma_semaphore, #tpu.memory_space<semaphore_mem>>)
      %dma_start3A_66 = arith.constant 1 : i32
      %dma_start3A_67 = arith.constant 6 : i32
      %dma_start3A_68 = arith.constant 256 : i32
      %dma_start3A_69 = tpu.memref_slice %arg6[%dma_start3A_66, %dma_start3A_68] : memref<2x512xf32, #tpu.memory_space<vmem>> -> memref<1x128xf32, #tpu.memory_space<vmem>>
      %dma_start3A_70 = tpu.memref_squeeze %dma_start3A_69 : memref<1x128xf32, #tpu.memory_space<vmem>> -> memref<128xf32, #tpu.memory_space<vmem>>
      %dma_start3A_71 = arith.constant 0 : i32
      %dma_start3A_72 = tpu.memref_slice %arg5[%dma_start3A_67, %dma_start3A_71] : memref<8x128xi32, #tpu.memory_space<vmem>> -> memref<1x128xi32, #tpu.memory_space<vmem>>
      %dma_start3A_73 = tpu.memref_squeeze %dma_start3A_72 : memref<1x128xi32, #tpu.memory_space<vmem>> -> memref<128xi32, #tpu.memory_space<vmem>>
      %dma_start3A_74 = arith.constant 0 : i32
      %dma_start3A_75 = tpu.memref_slice %arg4[%dma_start3A_74] : memref<20480xf32, #tpu.memory_space<hbm>> -> memref<20480xf32, #tpu.memory_space<hbm>>
      tpu.enqueue_indirect_dma source(%dma_start3A_70 : memref<128xf32, #tpu.memory_space<vmem>>) target(%dma_start3A_75 : memref<20480xf32, #tpu.memory_space<hbm>>) offsets(%dma_start3A_73 : memref<128xi32, #tpu.memory_space<vmem>>) semaphore(%arg7 : memref<!tpu.dma_semaphore, #tpu.memory_space<semaphore_mem>>)
      %dma_start3A_76 = arith.constant 1 : i32
      %dma_start3A_77 = arith.constant 7 : i32
      %dma_start3A_78 = arith.constant 384 : i32
      %dma_start3A_79 = tpu.memref_slice %arg6[%dma_start3A_76, %dma_start3A_78] : memref<2x512xf32, #tpu.memory_space<vmem>> -> memref<1x128xf32, #tpu.memory_space<vmem>>
      %dma_start3A_80 = tpu.memref_squeeze %dma_start3A_79 : memref<1x128xf32, #tpu.memory_space<vmem>> -> memref<128xf32, #tpu.memory_space<vmem>>
      %dma_start3A_81 = arith.constant 0 : i32
      %dma_start3A_82 = tpu.memref_slice %arg5[%dma_start3A_77, %dma_start3A_81] : memref<8x128xi32, #tpu.memory_space<vmem>> -> memref<1x128xi32, #tpu.memory_space<vmem>>
      %dma_start3A_83 = tpu.memref_squeeze %dma_start3A_82 : memref<1x128xi32, #tpu.memory_space<vmem>> -> memref<128xi32, #tpu.memory_space<vmem>>
      %dma_start3A_84 = arith.constant 0 : i32
      %dma_start3A_85 = tpu.memref_slice %arg4[%dma_start3A_84] : memref<20480xf32, #tpu.memory_space<hbm>> -> memref<20480xf32, #tpu.memory_space<hbm>>
      tpu.enqueue_indirect_dma source(%dma_start3A_80 : memref<128xf32, #tpu.memory_space<vmem>>) target(%dma_start3A_85 : memref<20480xf32, #tpu.memory_space<hbm>>) offsets(%dma_start3A_83 : memref<128xi32, #tpu.memory_space<vmem>>) semaphore(%arg7 : memref<!tpu.dma_semaphore, #tpu.memory_space<semaphore_mem>>)
      %dma_wait3A = arith.constant 0 : i32
      %dma_wait3A_86 = arith.constant 0 : i32
      %dma_wait3A_87 = arith.constant 0 : i32
      %dma_wait3A_88 = tpu.memref_slice %arg6[%dma_wait3A, %dma_wait3A_87] : memref<2x512xf32, #tpu.memory_space<vmem>> -> memref<1x128xf32, #tpu.memory_space<vmem>>
      %dma_wait3A_89 = tpu.memref_squeeze %dma_wait3A_88 : memref<1x128xf32, #tpu.memory_space<vmem>> -> memref<128xf32, #tpu.memory_space<vmem>>
      %dma_wait3A_90 = arith.constant 0 : i32
      %dma_wait3A_91 = tpu.memref_slice %arg5[%dma_wait3A_86, %dma_wait3A_90] : memref<8x128xi32, #tpu.memory_space<vmem>> -> memref<1x128xi32, #tpu.memory_space<vmem>>
      %dma_wait3A_92 = tpu.memref_squeeze %dma_wait3A_91 : memref<1x128xi32, #tpu.memory_space<vmem>> -> memref<128xi32, #tpu.memory_space<vmem>>
      %dma_wait3A_93 = arith.constant 0 : i32
      %dma_wait3A_94 = tpu.memref_slice %arg4[%dma_wait3A_93] : memref<20480xf32, #tpu.memory_space<hbm>> -> memref<20480xf32, #tpu.memory_space<hbm>>
      tpu.wait_indirect_dma semaphore(%arg7 : memref<!tpu.dma_semaphore, #tpu.memory_space<semaphore_mem>>) src(%dma_wait3A_89 : memref<128xf32, #tpu.memory_space<vmem>>) dst(%dma_wait3A_94 : memref<20480xf32, #tpu.memory_space<hbm>>)
      %dma_wait3A_95 = arith.constant 0 : i32
      %dma_wait3A_96 = arith.constant 1 : i32
      %dma_wait3A_97 = arith.constant 128 : i32
      %dma_wait3A_98 = tpu.memref_slice %arg6[%dma_wait3A_95, %dma_wait3A_97] : memref<2x512xf32, #tpu.memory_space<vmem>> -> memref<1x128xf32, #tpu.memory_space<vmem>>
      %dma_wait3A_99 = tpu.memref_squeeze %dma_wait3A_98 : memref<1x128xf32, #tpu.memory_space<vmem>> -> memref<128xf32, #tpu.memory_space<vmem>>
      %dma_wait3A_100 = arith.constant 0 : i32
      %dma_wait3A_101 = tpu.memref_slice %arg5[%dma_wait3A_96, %dma_wait3A_100] : memref<8x128xi32, #tpu.memory_space<vmem>> -> memref<1x128xi32, #tpu.memory_space<vmem>>
      %dma_wait3A_102 = tpu.memref_squeeze %dma_wait3A_101 : memref<1x128xi32, #tpu.memory_space<vmem>> -> memref<128xi32, #tpu.memory_space<vmem>>
      %dma_wait3A_103 = arith.constant 0 : i32
      %dma_wait3A_104 = tpu.memref_slice %arg4[%dma_wait3A_103] : memref<20480xf32, #tpu.memory_space<hbm>> -> memref<20480xf32, #tpu.memory_space<hbm>>
      tpu.wait_indirect_dma semaphore(%arg7 : memref<!tpu.dma_semaphore, #tpu.memory_space<semaphore_mem>>) src(%dma_wait3A_99 : memref<128xf32, #tpu.memory_space<vmem>>) dst(%dma_wait3A_104 : memref<20480xf32, #tpu.memory_space<hbm>>)
      %dma_wait3A_105 = arith.constant 0 : i32
      %dma_wait3A_106 = arith.constant 2 : i32
      %dma_wait3A_107 = arith.constant 256 : i32
      %dma_wait3A_108 = tpu.memref_slice %arg6[%dma_wait3A_105, %dma_wait3A_107] : memref<2x512xf32, #tpu.memory_space<vmem>> -> memref<1x128xf32, #tpu.memory_space<vmem>>
      %dma_wait3A_109 = tpu.memref_squeeze %dma_wait3A_108 : memref<1x128xf32, #tpu.memory_space<vmem>> -> memref<128xf32, #tpu.memory_space<vmem>>
      %dma_wait3A_110 = arith.constant 0 : i32
      %dma_wait3A_111 = tpu.memref_slice %arg5[%dma_wait3A_106, %dma_wait3A_110] : memref<8x128xi32, #tpu.memory_space<vmem>> -> memref<1x128xi32, #tpu.memory_space<vmem>>
      %dma_wait3A_112 = tpu.memref_squeeze %dma_wait3A_111 : memref<1x128xi32, #tpu.memory_space<vmem>> -> memref<128xi32, #tpu.memory_space<vmem>>
      %dma_wait3A_113 = arith.constant 0 : i32
      %dma_wait3A_114 = tpu.memref_slice %arg4[%dma_wait3A_113] : memref<20480xf32, #tpu.memory_space<hbm>> -> memref<20480xf32, #tpu.memory_space<hbm>>
      tpu.wait_indirect_dma semaphore(%arg7 : memref<!tpu.dma_semaphore, #tpu.memory_space<semaphore_mem>>) src(%dma_wait3A_109 : memref<128xf32, #tpu.memory_space<vmem>>) dst(%dma_wait3A_114 : memref<20480xf32, #tpu.memory_space<hbm>>)
      %dma_wait3A_115 = arith.constant 0 : i32
      %dma_wait3A_116 = arith.constant 3 : i32
      %dma_wait3A_117 = arith.constant 384 : i32
      %dma_wait3A_118 = tpu.memref_slice %arg6[%dma_wait3A_115, %dma_wait3A_117] : memref<2x512xf32, #tpu.memory_space<vmem>> -> memref<1x128xf32, #tpu.memory_space<vmem>>
      %dma_wait3A_119 = tpu.memref_squeeze %dma_wait3A_118 : memref<1x128xf32, #tpu.memory_space<vmem>> -> memref<128xf32, #tpu.memory_space<vmem>>
      %dma_wait3A_120 = arith.constant 0 : i32
      %dma_wait3A_121 = tpu.memref_slice %arg5[%dma_wait3A_116, %dma_wait3A_120] : memref<8x128xi32, #tpu.memory_space<vmem>> -> memref<1x128xi32, #tpu.memory_space<vmem>>
      %dma_wait3A_122 = tpu.memref_squeeze %dma_wait3A_121 : memref<1x128xi32, #tpu.memory_space<vmem>> -> memref<128xi32, #tpu.memory_space<vmem>>
      %dma_wait3A_123 = arith.constant 0 : i32
      %dma_wait3A_124 = tpu.memref_slice %arg4[%dma_wait3A_123] : memref<20480xf32, #tpu.memory_space<hbm>> -> memref<20480xf32, #tpu.memory_space<hbm>>
      tpu.wait_indirect_dma semaphore(%arg7 : memref<!tpu.dma_semaphore, #tpu.memory_space<semaphore_mem>>) src(%dma_wait3A_119 : memref<128xf32, #tpu.memory_space<vmem>>) dst(%dma_wait3A_124 : memref<20480xf32, #tpu.memory_space<hbm>>)
      %dma_wait3A_125 = arith.constant 1 : i32
      %dma_wait3A_126 = arith.constant 4 : i32
      %dma_wait3A_127 = arith.constant 0 : i32
      %dma_wait3A_128 = tpu.memref_slice %arg6[%dma_wait3A_125, %dma_wait3A_127] : memref<2x512xf32, #tpu.memory_space<vmem>> -> memref<1x128xf32, #tpu.memory_space<vmem>>
      %dma_wait3A_129 = tpu.memref_squeeze %dma_wait3A_128 : memref<1x128xf32, #tpu.memory_space<vmem>> -> memref<128xf32, #tpu.memory_space<vmem>>
      %dma_wait3A_130 = arith.constant 0 : i32
      %dma_wait3A_131 = tpu.memref_slice %arg5[%dma_wait3A_126, %dma_wait3A_130] : memref<8x128xi32, #tpu.memory_space<vmem>> -> memref<1x128xi32, #tpu.memory_space<vmem>>
      %dma_wait3A_132 = tpu.memref_squeeze %dma_wait3A_131 : memref<1x128xi32, #tpu.memory_space<vmem>> -> memref<128xi32, #tpu.memory_space<vmem>>
      %dma_wait3A_133 = arith.constant 0 : i32
      %dma_wait3A_134 = tpu.memref_slice %arg4[%dma_wait3A_133] : memref<20480xf32, #tpu.memory_space<hbm>> -> memref<20480xf32, #tpu.memory_space<hbm>>
      tpu.wait_indirect_dma semaphore(%arg7 : memref<!tpu.dma_semaphore, #tpu.memory_space<semaphore_mem>>) src(%dma_wait3A_129 : memref<128xf32, #tpu.memory_space<vmem>>) dst(%dma_wait3A_134 : memref<20480xf32, #tpu.memory_space<hbm>>)
      %dma_wait3A_135 = arith.constant 1 : i32
      %dma_wait3A_136 = arith.constant 5 : i32
      %dma_wait3A_137 = arith.constant 128 : i32
      %dma_wait3A_138 = tpu.memref_slice %arg6[%dma_wait3A_135, %dma_wait3A_137] : memref<2x512xf32, #tpu.memory_space<vmem>> -> memref<1x128xf32, #tpu.memory_space<vmem>>
      %dma_wait3A_139 = tpu.memref_squeeze %dma_wait3A_138 : memref<1x128xf32, #tpu.memory_space<vmem>> -> memref<128xf32, #tpu.memory_space<vmem>>
      %dma_wait3A_140 = arith.constant 0 : i32
      %dma_wait3A_141 = tpu.memref_slice %arg5[%dma_wait3A_136, %dma_wait3A_140] : memref<8x128xi32, #tpu.memory_space<vmem>> -> memref<1x128xi32, #tpu.memory_space<vmem>>
      %dma_wait3A_142 = tpu.memref_squeeze %dma_wait3A_141 : memref<1x128xi32, #tpu.memory_space<vmem>> -> memref<128xi32, #tpu.memory_space<vmem>>
      %dma_wait3A_143 = arith.constant 0 : i32
      %dma_wait3A_144 = tpu.memref_slice %arg4[%dma_wait3A_143] : memref<20480xf32, #tpu.memory_space<hbm>> -> memref<20480xf32, #tpu.memory_space<hbm>>
      tpu.wait_indirect_dma semaphore(%arg7 : memref<!tpu.dma_semaphore, #tpu.memory_space<semaphore_mem>>) src(%dma_wait3A_139 : memref<128xf32, #tpu.memory_space<vmem>>) dst(%dma_wait3A_144 : memref<20480xf32, #tpu.memory_space<hbm>>)
      %dma_wait3A_145 = arith.constant 1 : i32
      %dma_wait3A_146 = arith.constant 6 : i32
      %dma_wait3A_147 = arith.constant 256 : i32
      %dma_wait3A_148 = tpu.memref_slice %arg6[%dma_wait3A_145, %dma_wait3A_147] : memref<2x512xf32, #tpu.memory_space<vmem>> -> memref<1x128xf32, #tpu.memory_space<vmem>>
      %dma_wait3A_149 = tpu.memref_squeeze %dma_wait3A_148 : memref<1x128xf32, #tpu.memory_space<vmem>> -> memref<128xf32, #tpu.memory_space<vmem>>
      %dma_wait3A_150 = arith.constant 0 : i32
      %dma_wait3A_151 = tpu.memref_slice %arg5[%dma_wait3A_146, %dma_wait3A_150] : memref<8x128xi32, #tpu.memory_space<vmem>> -> memref<1x128xi32, #tpu.memory_space<vmem>>
      %dma_wait3A_152 = tpu.memref_squeeze %dma_wait3A_151 : memref<1x128xi32, #tpu.memory_space<vmem>> -> memref<128xi32, #tpu.memory_space<vmem>>
      %dma_wait3A_153 = arith.constant 0 : i32
      %dma_wait3A_154 = tpu.memref_slice %arg4[%dma_wait3A_153] : memref<20480xf32, #tpu.memory_space<hbm>> -> memref<20480xf32, #tpu.memory_space<hbm>>
      tpu.wait_indirect_dma semaphore(%arg7 : memref<!tpu.dma_semaphore, #tpu.memory_space<semaphore_mem>>) src(%dma_wait3A_149 : memref<128xf32, #tpu.memory_space<vmem>>) dst(%dma_wait3A_154 : memref<20480xf32, #tpu.memory_space<hbm>>)
      %dma_wait3A_155 = arith.constant 1 : i32
      %dma_wait3A_156 = arith.constant 7 : i32
      %dma_wait3A_157 = arith.constant 384 : i32
      %dma_wait3A_158 = tpu.memref_slice %arg6[%dma_wait3A_155, %dma_wait3A_157] : memref<2x512xf32, #tpu.memory_space<vmem>> -> memref<1x128xf32, #tpu.memory_space<vmem>>
      %dma_wait3A_159 = tpu.memref_squeeze %dma_wait3A_158 : memref<1x128xf32, #tpu.memory_space<vmem>> -> memref<128xf32, #tpu.memory_space<vmem>>
      %dma_wait3A_160 = arith.constant 0 : i32
      %dma_wait3A_161 = tpu.memref_slice %arg5[%dma_wait3A_156, %dma_wait3A_160] : memref<8x128xi32, #tpu.memory_space<vmem>> -> memref<1x128xi32, #tpu.memory_space<vmem>>
      %dma_wait3A_162 = tpu.memref_squeeze %dma_wait3A_161 : memref<1x128xi32, #tpu.memory_space<vmem>> -> memref<128xi32, #tpu.memory_space<vmem>>
      %dma_wait3A_163 = arith.constant 0 : i32
      %dma_wait3A_164 = tpu.memref_slice %arg4[%dma_wait3A_163] : memref<20480xf32, #tpu.memory_space<hbm>> -> memref<20480xf32, #tpu.memory_space<hbm>>
      tpu.wait_indirect_dma semaphore(%arg7 : memref<!tpu.dma_semaphore, #tpu.memory_space<semaphore_mem>>) src(%dma_wait3A_159 : memref<128xf32, #tpu.memory_space<vmem>>) dst(%dma_wait3A_164 : memref<20480xf32, #tpu.memory_space<hbm>>)
    } else {
    }
    return
  }
}

module attributes {stable_mosaic.version = 14 : i64} {
  func.func @_nms_body(%arg0: memref<1xi32, #tpu.memory_space<smem>>, %arg1: memref<40x512xf32, #tpu.memory_space<vmem>>, %arg2: memref<40x512xf32, #tpu.memory_space<vmem>>, %arg3: memref<40x512xf32, #tpu.memory_space<vmem>>, %arg4: memref<40x512xf32, #tpu.memory_space<vmem>>, %arg5: memref<40x512xf32, #tpu.memory_space<vmem>>, %arg6: memref<40x512xf32, #tpu.memory_space<vmem>>, %arg7: memref<128x128xf32, #tpu.memory_space<vmem>>) attributes {dimension_semantics = [], scalar_prefetch = 0 : i64, scratch_operands = 1 : i64, tpu.core_type = #tpu.core_type<tc>} {
    %iota3A = tpu.iota {dimensions = array<i32: 0>} : vector<128x128xi32>
    %iota3A_0 = tpu.iota {dimensions = array<i32: 1>} : vector<128x128xi32>
    %eq3A = arith.cmpi eq, %iota3A, %iota3A_0 : vector<128x128xi32>
    %convert_element_type3A = arith.extui %eq3A : vector<128x128xi1> to vector<128x128xi32>
    %convert_element_type3A_1 = arith.sitofp %convert_element_type3A : vector<128x128xi32> to vector<128x128xf32>
    %iota3A_2 = tpu.iota {dimensions = array<i32: 0>} : vector<128x128xi32>
    %iota3A_3 = tpu.iota {dimensions = array<i32: 1>} : vector<128x128xi32>
    %get3A = arith.constant 0 : index
    %get3A_4 = arith.constant 0 : index
    %get3A_5 = vector.load %arg5[%get3A, %get3A_4] : memref<40x512xf32, #tpu.memory_space<vmem>>, vector<40x512xf32>
    %swap3A = arith.constant 0 : index
    %swap3A_6 = arith.constant 0 : index
    %swap3A_7 = vector.load %arg6[%swap3A, %swap3A_6] : memref<40x512xf32, #tpu.memory_space<vmem>>, vector<40x512xf32>
    tpu.vector_store %arg6[%swap3A, %swap3A_6], %get3A_5 {strides = array<i32>} : memref<40x512xf32, #tpu.memory_space<vmem>>, vector<40x512xf32>,
    %get3A_8 = arith.constant 0 : index
    %get3A_9 = memref.load %arg0[%get3A_8] : memref<1xi32, #tpu.memory_space<smem>>
    %add3A = arith.constant 511 : i32
    %add3A_10 = arith.addi %get3A_9, %add3A : i32
    %jit3A = arith.constant 512 : i32
    %div3A = arith.divsi %add3A_10, %jit3A : i32
    %sign3A = arith.constant 0 : i32
    %sign3A_11 = arith.cmpi sgt, %add3A_10, %sign3A : i32
    %sign3A_12 = arith.extui %sign3A_11 : i1 to i32
    %sign3A_13 = arith.constant 0 : i32
    %sign3A_14 = arith.cmpi slt, %add3A_10, %sign3A_13 : i32
    %sign3A_15 = arith.extui %sign3A_14 : i1 to i32
    %sign3A_16 = arith.subi %sign3A_12, %sign3A_15 : i32
    %sign3A_17 = arith.constant 0 : i32
    %sign3A_18 = arith.cmpi sgt, %jit3A, %sign3A_17 : i32
    %sign3A_19 = arith.extui %sign3A_18 : i1 to i32
    %sign3A_20 = arith.constant 0 : i32
    %sign3A_21 = arith.cmpi slt, %jit3A, %sign3A_20 : i32
    %sign3A_22 = arith.extui %sign3A_21 : i1 to i32
    %sign3A_23 = arith.subi %sign3A_19, %sign3A_22 : i32
    %ne3A = arith.cmpi ne, %sign3A_16, %sign3A_23 : i32
    %rem3A = arith.remsi %add3A_10, %jit3A : i32
    %ne3A_24 = arith.constant 0 : i32
    %ne3A_25 = arith.cmpi ne, %rem3A, %ne3A_24 : i32
    %and3A = arith.andi %ne3A, %ne3A_25 : i1
    %sub3A = arith.constant 1 : i32
    %sub3A_26 = arith.subi %div3A, %sub3A : i32
    %select_n3A = arith.select %and3A, %sub3A_26, %div3A : i32
    %iota3A_27 = tpu.iota {dimensions = array<i32: 1>} : vector<1x512xi32>
    %jit3A_28 = arith.constant 128 : i32
    %div3A_29 = vector.broadcast %jit3A_28 : i32 to vector<1x512xi32>
    %div3A_30 = arith.divsi %iota3A_27, %div3A_29 : vector<1x512xi32>
    %sign3A_31 = arith.constant 0 : i32
    %sign3A_32 = vector.broadcast %sign3A_31 : i32 to vector<1x512xi32>
    %sign3A_33 = arith.cmpi sgt, %iota3A_27, %sign3A_32 : vector<1x512xi32>
    %sign3A_34 = arith.extui %sign3A_33 : vector<1x512xi1> to vector<1x512xi32>
    %sign3A_35 = arith.constant 0 : i32
    %sign3A_36 = vector.broadcast %sign3A_35 : i32 to vector<1x512xi32>
    %sign3A_37 = arith.cmpi slt, %iota3A_27, %sign3A_36 : vector<1x512xi32>
    %sign3A_38 = arith.extui %sign3A_37 : vector<1x512xi1> to vector<1x512xi32>
    %sign3A_39 = arith.subi %sign3A_34, %sign3A_38 : vector<1x512xi32>
    %sign3A_40 = arith.constant 0 : i32
    %sign3A_41 = arith.cmpi sgt, %jit3A_28, %sign3A_40 : i32
    %sign3A_42 = arith.extui %sign3A_41 : i1 to i32
    %sign3A_43 = arith.constant 0 : i32
    %sign3A_44 = arith.cmpi slt, %jit3A_28, %sign3A_43 : i32
    %sign3A_45 = arith.extui %sign3A_44 : i1 to i32
    %sign3A_46 = arith.subi %sign3A_42, %sign3A_45 : i32
    %ne3A_47 = vector.broadcast %sign3A_46 : i32 to vector<1x512xi32>
    %ne3A_48 = arith.cmpi ne, %sign3A_39, %ne3A_47 : vector<1x512xi32>
    %rem3A_49 = vector.broadcast %jit3A_28 : i32 to vector<1x512xi32>
    %rem3A_50 = arith.remsi %iota3A_27, %rem3A_49 : vector<1x512xi32>
    %ne3A_51 = arith.constant 0 : i32
    %ne3A_52 = vector.broadcast %ne3A_51 : i32 to vector<1x512xi32>
    %ne3A_53 = arith.cmpi ne, %rem3A_50, %ne3A_52 : vector<1x512xi32>
    %and3A_54 = arith.andi %ne3A_48, %ne3A_53 : vector<1x512xi1>
    %sub3A_55 = arith.constant 1 : i32
    %sub3A_56 = vector.broadcast %sub3A_55 : i32 to vector<1x512xi32>
    %sub3A_57 = arith.subi %div3A_30, %sub3A_56 : vector<1x512xi32>
    %select_n3A_58 = arith.select %and3A_54, %sub3A_57, %div3A_30 : vector<1x512xi1>, vector<1x512xi32>
    %while3A = arith.constant 0 : i32
    %while3A_59 = arith.constant 0 : i32
    %while3A_60 = arith.subi %select_n3A, %while3A : i32
    %while3A_61 = arith.addi %while3A, %while3A_60 : i32
    %while3A_62 = arith.constant 1 : i32
    %while3A_63 = arith.divsi %while3A_60, %while3A_62 : i32
    %while3A_64 = arith.muli %while3A_63, %while3A_62 : i32
    %while3A_65 = arith.addi %while3A, %while3A_64 : i32
    %while3A_66 = arith.constant 1 : i32
    %while3A_67 = scf.for %while3A_70 = %while3A to %while3A_65 step %while3A_66 iter_args(%while3A_71 = %while3A_59) -> (i32)  : i32 {
      %get3A_72 = arith.index_cast %while3A_70 : i32 to index
      %get3A_73 = arith.constant 0 : index
      %get3A_74 = vector.load %arg1[%get3A_72, %get3A_73] : memref<40x512xf32, #tpu.memory_space<vmem>>, vector<1x512xf32>
      %get3A_75 = arith.index_cast %while3A_70 : i32 to index
      %get3A_76 = arith.constant 0 : index
      %get3A_77 = vector.load %arg2[%get3A_75, %get3A_76] : memref<40x512xf32, #tpu.memory_space<vmem>>, vector<1x512xf32>
      %get3A_78 = arith.index_cast %while3A_70 : i32 to index
      %get3A_79 = arith.constant 0 : index
      %get3A_80 = vector.load %arg3[%get3A_78, %get3A_79] : memref<40x512xf32, #tpu.memory_space<vmem>>, vector<1x512xf32>
      %get3A_81 = arith.index_cast %while3A_70 : i32 to index
      %get3A_82 = arith.constant 0 : index
      %get3A_83 = vector.load %arg4[%get3A_81, %get3A_82] : memref<40x512xf32, #tpu.memory_space<vmem>>, vector<1x512xf32>
      %slice3A = vector.extract_strided_slice %get3A_74 {offsets = [0, 0], sizes = [1, 128], strides = [1, 1]} : vector<1x512xf32> to vector<1x128xf32>
      %slice3A_84 = vector.extract_strided_slice %get3A_77 {offsets = [0, 0], sizes = [1, 128], strides = [1, 1]} : vector<1x512xf32> to vector<1x128xf32>
      %slice3A_85 = vector.extract_strided_slice %get3A_80 {offsets = [0, 0], sizes = [1, 128], strides = [1, 1]} : vector<1x512xf32> to vector<1x128xf32>
      %slice3A_86 = vector.extract_strided_slice %get3A_83 {offsets = [0, 0], sizes = [1, 128], strides = [1, 1]} : vector<1x512xf32> to vector<1x128xf32>
      %dot_general3A = arith.constant dense<0.000000e+00> : vector<128x1xf32>
      %dot_general3A_87 = tpu.matmul %convert_element_type3A_1, %slice3A, %dot_general3A {dimension_numbers = #tpu.dot_dimension_numbers<[1], [1], [0], [0], [0, 0, 1, 0], [], []>, transpose_lhs_hint = false} : vector<128x128xf32>, vector<1x128xf32>, vector<128x1xf32> -> vector<128x1xf32>
      %dot_general3A_88 = arith.constant dense<0.000000e+00> : vector<128x1xf32>
      %dot_general3A_89 = tpu.matmul %convert_element_type3A_1, %slice3A_84, %dot_general3A_88 {dimension_numbers = #tpu.dot_dimension_numbers<[1], [1], [0], [0], [0, 0, 1, 0], [], []>, transpose_lhs_hint = false} : vector<128x128xf32>, vector<1x128xf32>, vector<128x1xf32> -> vector<128x1xf32>
      %dot_general3A_90 = arith.constant dense<0.000000e+00> : vector<128x1xf32>
      %dot_general3A_91 = tpu.matmul %convert_element_type3A_1, %slice3A_85, %dot_general3A_90 {dimension_numbers = #tpu.dot_dimension_numbers<[1], [1], [0], [0], [0, 0, 1, 0], [], []>, transpose_lhs_hint = false} : vector<128x128xf32>, vector<1x128xf32>, vector<128x1xf32> -> vector<128x1xf32>
      %dot_general3A_92 = arith.constant dense<0.000000e+00> : vector<128x1xf32>
      %dot_general3A_93 = tpu.matmul %convert_element_type3A_1, %slice3A_86, %dot_general3A_92 {dimension_numbers = #tpu.dot_dimension_numbers<[1], [1], [0], [0], [0, 0, 1, 0], [], []>, transpose_lhs_hint = false} : vector<128x128xf32>, vector<1x128xf32>, vector<128x1xf32> -> vector<128x1xf32>
      %sub3A_94 = arith.subf %slice3A_85, %slice3A : vector<1x128xf32>
      %jit3A_95 = arith.constant 0.000000e+00 : f32
      %max3A = vector.broadcast %jit3A_95 : f32 to vector<1x128xf32>
      %max3A_96 = arith.maximumf %max3A, %sub3A_94 : vector<1x128xf32>
      %sub3A_97 = arith.subf %slice3A_86, %slice3A_84 : vector<1x128xf32>
      %jit3A_98 = arith.constant 0.000000e+00 : f32
      %max3A_99 = vector.broadcast %jit3A_98 : f32 to vector<1x128xf32>
      %max3A_100 = arith.maximumf %max3A_99, %sub3A_97 : vector<1x128xf32>
      %mul3A = arith.mulf %max3A_96, %max3A_100 : vector<1x128xf32>
      %sub3A_101 = arith.subf %dot_general3A_91, %dot_general3A_87 : vector<128x1xf32>
      %jit3A_102 = arith.constant 0.000000e+00 : f32
      %max3A_103 = vector.broadcast %jit3A_102 : f32 to vector<128x1xf32>
      %max3A_104 = arith.maximumf %max3A_103, %sub3A_101 : vector<128x1xf32>
      %sub3A_105 = arith.subf %dot_general3A_93, %dot_general3A_89 : vector<128x1xf32>
      %jit3A_106 = arith.constant 0.000000e+00 : f32
      %max3A_107 = vector.broadcast %jit3A_106 : f32 to vector<128x1xf32>
      %max3A_108 = arith.maximumf %max3A_107, %sub3A_105 : vector<128x1xf32>
      %mul3A_109 = arith.mulf %max3A_104, %max3A_108 : vector<128x1xf32>
      %max3A_110 = vector.broadcast %dot_general3A_87 : vector<128x1xf32> to vector<128x128xf32>
      %max3A_111 = vector.broadcast %slice3A : vector<1x128xf32> to vector<128x128xf32>
      %max3A_112 = arith.maximumf %max3A_110, %max3A_111 : vector<128x128xf32>
      %max3A_113 = vector.broadcast %dot_general3A_89 : vector<128x1xf32> to vector<128x128xf32>
      %max3A_114 = vector.broadcast %slice3A_84 : vector<1x128xf32> to vector<128x128xf32>
      %max3A_115 = arith.maximumf %max3A_113, %max3A_114 : vector<128x128xf32>
      %min3A = vector.broadcast %dot_general3A_91 : vector<128x1xf32> to vector<128x128xf32>
      %min3A_116 = vector.broadcast %slice3A_85 : vector<1x128xf32> to vector<128x128xf32>
      %min3A_117 = arith.minimumf %min3A, %min3A_116 : vector<128x128xf32>
      %min3A_118 = vector.broadcast %dot_general3A_93 : vector<128x1xf32> to vector<128x128xf32>
      %min3A_119 = vector.broadcast %slice3A_86 : vector<1x128xf32> to vector<128x128xf32>
      %min3A_120 = arith.minimumf %min3A_118, %min3A_119 : vector<128x128xf32>
      %sub3A_121 = arith.subf %min3A_117, %max3A_112 : vector<128x128xf32>
      %jit3A_122 = arith.constant 0.000000e+00 : f32
      %max3A_123 = vector.broadcast %jit3A_122 : f32 to vector<128x128xf32>
      %max3A_124 = arith.maximumf %max3A_123, %sub3A_121 : vector<128x128xf32>
      %sub3A_125 = arith.subf %min3A_120, %max3A_115 : vector<128x128xf32>
      %jit3A_126 = arith.constant 0.000000e+00 : f32
      %max3A_127 = vector.broadcast %jit3A_126 : f32 to vector<128x128xf32>
      %max3A_128 = arith.maximumf %max3A_127, %sub3A_125 : vector<128x128xf32>
      %mul3A_129 = arith.mulf %max3A_124, %max3A_128 : vector<128x128xf32>
      %add3A_130 = vector.broadcast %mul3A_109 : vector<128x1xf32> to vector<128x128xf32>
      %add3A_131 = vector.broadcast %mul3A : vector<1x128xf32> to vector<128x128xf32>
      %add3A_132 = arith.addf %add3A_130, %add3A_131 : vector<128x128xf32>
      %sub3A_133 = arith.subf %add3A_132, %mul3A_129 : vector<128x128xf32>
      %max3A_134 = arith.constant 9.99999971E-10 : f32
      %max3A_135 = vector.broadcast %max3A_134 : f32 to vector<128x128xf32>
      %max3A_136 = arith.maximumf %sub3A_133, %max3A_135 : vector<128x128xf32>
      %div3A_137 = arith.divf %mul3A_129, %max3A_136 : vector<128x128xf32>
      %gt3A = arith.constant 5.000000e-01 : f32
      %gt3A_138 = vector.broadcast %gt3A : f32 to vector<128x128xf32>
      %gt3A_139 = arith.cmpf ogt, %div3A_137, %gt3A_138 : vector<128x128xf32>
      %lt3A = arith.cmpi slt, %iota3A_2, %iota3A_3 : vector<128x128xi32>
      %and3A_140 = arith.andi %gt3A_139, %lt3A : vector<128x128xi1>
      %jit3A_141 = arith.constant 1.000000e+00 : f32
      %jit3A_142 = arith.constant 0.000000e+00 : f32
      %broadcast_in_dim3A = vector.broadcast %jit3A_141 : f32 to vector<128x128xf32>
      %broadcast_in_dim3A_143 = vector.broadcast %jit3A_142 : f32 to vector<128x128xf32>
      %select_n3A_144 = arith.select %and3A_140, %broadcast_in_dim3A, %broadcast_in_dim3A_143 : vector<128x128xi1>, vector<128x128xf32>
      %swap3A_145 = arith.constant 0 : index
      %swap3A_146 = arith.constant 0 : index
      %swap3A_147 = vector.load %arg7[%swap3A_145, %swap3A_146] : memref<128x128xf32, #tpu.memory_space<vmem>>, vector<128x128xf32>
      tpu.vector_store %arg7[%swap3A_145, %swap3A_146], %select_n3A_144 {strides = array<i32>} : memref<128x128xf32, #tpu.memory_space<vmem>>, vector<128x128xf32>,
      %get3A_148 = arith.index_cast %while3A_70 : i32 to index
      %get3A_149 = arith.constant 0 : index
      %get3A_150 = vector.load %arg6[%get3A_148, %get3A_149] : memref<40x512xf32, #tpu.memory_space<vmem>>, vector<1x512xf32>
      %slice3A_151 = vector.extract_strided_slice %get3A_150 {offsets = [0, 0], sizes = [1, 128], strides = [1, 1]} : vector<1x512xf32> to vector<1x128xf32>
      %broadcast_in_dim3A_152 = arith.constant 0.000000e+00 : f32
      %broadcast_in_dim3A_153 = vector.broadcast %broadcast_in_dim3A_152 : f32 to vector<1x128xf32>
      %while3A_154:2 = scf.while (%while3A_811 = %broadcast_in_dim3A_153, %while3A_812 = %broadcast_in_dim3A_153) : (vector<1x128xf32>, vector<1x128xf32>) -> (vector<1x128xf32>, vector<1x128xf32>) {
        %sub3A_813 = arith.constant 1.000000e+00 : f32
        %sub3A_814 = vector.broadcast %sub3A_813 : f32 to vector<1x128xf32>
        %sub3A_815 = arith.subf %sub3A_814, %while3A_811 : vector<1x128xf32>
        %mul3A_816 = arith.mulf %slice3A_151, %sub3A_815 : vector<1x128xf32>
        %sub3A_817 = arith.constant 1.000000e+00 : f32
        %sub3A_818 = vector.broadcast %sub3A_817 : f32 to vector<1x128xf32>
        %sub3A_819 = arith.subf %sub3A_818, %while3A_812 : vector<1x128xf32>
        %mul3A_820 = arith.mulf %mul3A_816, %sub3A_819 : vector<1x128xf32>
        %reduce_sum3A = vector.shape_cast %mul3A_820 : vector<1x128xf32> to vector<1x1x128xf32>
        %reduce_sum3A_821 = arith.constant dense<0.000000e+00> : vector<1xf32>
        %reduce_sum3A_822 = vector.multi_reduction <add>, %reduce_sum3A, %reduce_sum3A_821 [1, 2] : vector<1x1x128xf32> to vector<1xf32>
        %reduce_sum3A_823 = vector.shape_cast %reduce_sum3A_822 : vector<1xf32> to vector<1x1x1xf32>
        %reduce_sum3A_824 = vector.extract %reduce_sum3A_823[0, 0, 0] : f32 from vector<1x1x1xf32>
        %gt3A_825 = arith.constant 0.000000e+00 : f32
        %gt3A_826 = arith.cmpf ogt, %reduce_sum3A_824, %gt3A_825 : f32
        scf.condition(%gt3A_826) %while3A_811, %while3A_812 : vector<1x128xf32>, vector<1x128xf32>
      } do {
      ^bb0(%while3A_811: vector<1x128xf32>, %while3A_812: vector<1x128xf32>):
        %sub3A_813 = arith.constant 1.000000e+00 : f32
        %sub3A_814 = vector.broadcast %sub3A_813 : f32 to vector<1x128xf32>
        %sub3A_815 = arith.subf %sub3A_814, %while3A_811 : vector<1x128xf32>
        %mul3A_816 = arith.mulf %slice3A_151, %sub3A_815 : vector<1x128xf32>
        %sub3A_817 = arith.constant 1.000000e+00 : f32
        %sub3A_818 = vector.broadcast %sub3A_817 : f32 to vector<1x128xf32>
        %sub3A_819 = arith.subf %sub3A_818, %while3A_812 : vector<1x128xf32>
        %mul3A_820 = arith.mulf %mul3A_816, %sub3A_819 : vector<1x128xf32>
        %get3A_821 = arith.constant 0 : index
        %get3A_822 = arith.constant 0 : index
        %get3A_823 = vector.load %arg7[%get3A_821, %get3A_822] : memref<128x128xf32, #tpu.memory_space<vmem>>, vector<128x128xf32>
        %sub3A_824 = arith.constant 1.000000e+00 : f32
        %sub3A_825 = vector.broadcast %sub3A_824 : f32 to vector<1x128xf32>
        %sub3A_826 = arith.subf %sub3A_825, %while3A_812 : vector<1x128xf32>
        %mul3A_827 = arith.mulf %slice3A_151, %sub3A_826 : vector<1x128xf32>
        %dot_general3A_828 = arith.constant dense<0.000000e+00> : vector<128x1xf32>
        %dot_general3A_829 = tpu.matmul %convert_element_type3A_1, %mul3A_827, %dot_general3A_828 {dimension_numbers = #tpu.dot_dimension_numbers<[1], [1], [0], [0], [0, 0, 1, 0], [], []>, transpose_lhs_hint = false} : vector<128x128xf32>, vector<1x128xf32>, vector<128x1xf32> -> vector<128x1xf32>
        %mul3A_830 = vector.broadcast %dot_general3A_829 : vector<128x1xf32> to vector<128x128xf32>
        %mul3A_831 = arith.mulf %get3A_823, %mul3A_830 : vector<128x128xf32>
        %reduce_max3A_832 = arith.constant dense<0xFF800000> : vector<128xf32>
        %reduce_max3A_833 = vector.multi_reduction <maximumf>, %mul3A_831, %reduce_max3A_832 [0] : vector<128x128xf32> to vector<128xf32>
        %broadcast_in_dim3A_834 = vector.shape_cast %reduce_max3A_833 : vector<128xf32> to vector<1x128xf32>
        %sub3A_835 = arith.constant 1.000000e+00 : f32
        %sub3A_836 = vector.broadcast %sub3A_835 : f32 to vector<1x128xf32>
        %sub3A_837 = arith.subf %sub3A_836, %broadcast_in_dim3A_834 : vector<1x128xf32>
        %mul3A_838 = arith.mulf %mul3A_820, %sub3A_837 : vector<1x128xf32>
        %add3A_839 = arith.addf %while3A_811, %mul3A_838 : vector<1x128xf32>
        %dot_general3A_840 = arith.constant dense<0.000000e+00> : vector<128x1xf32>
        %dot_general3A_841 = tpu.matmul %convert_element_type3A_1, %add3A_839, %dot_general3A_840 {dimension_numbers = #tpu.dot_dimension_numbers<[1], [1], [0], [0], [0, 0, 1, 0], [], []>, transpose_lhs_hint = false} : vector<128x128xf32>, vector<1x128xf32>, vector<128x1xf32> -> vector<128x1xf32>
        %mul3A_842 = vector.broadcast %dot_general3A_841 : vector<128x1xf32> to vector<128x128xf32>
        %mul3A_843 = arith.mulf %get3A_823, %mul3A_842 : vector<128x128xf32>
        %reduce_max3A_844 = arith.constant dense<0xFF800000> : vector<128xf32>
        %reduce_max3A_845 = vector.multi_reduction <maximumf>, %mul3A_843, %reduce_max3A_844 [0] : vector<128x128xf32> to vector<128xf32>
        %broadcast_in_dim3A_846 = vector.shape_cast %reduce_max3A_845 : vector<128xf32> to vector<1x128xf32>
        %mul3A_847 = arith.mulf %mul3A_820, %broadcast_in_dim3A_846 : vector<1x128xf32>
        %add3A_848 = arith.addf %while3A_812, %mul3A_847 : vector<1x128xf32>
        scf.yield %add3A_839, %add3A_848 : vector<1x128xf32>, vector<1x128xf32>
      }
      %dot_general3A_155 = arith.constant dense<0.000000e+00> : vector<128x1xf32>
      %dot_general3A_156 = tpu.matmul %convert_element_type3A_1, %while3A_154#0, %dot_general3A_155 {dimension_numbers = #tpu.dot_dimension_numbers<[1], [1], [0], [0], [0, 0, 1, 0], [], []>, transpose_lhs_hint = false} : vector<128x128xf32>, vector<1x128xf32>, vector<128x1xf32> -> vector<128x1xf32>
      %get3A_157 = arith.index_cast %while3A_70 : i32 to index
      %get3A_158 = arith.constant 0 : index
      %get3A_159 = vector.load %arg1[%get3A_157, %get3A_158] : memref<40x512xf32, #tpu.memory_space<vmem>>, vector<1x512xf32>
      %get3A_160 = arith.index_cast %while3A_70 : i32 to index
      %get3A_161 = arith.constant 0 : index
      %get3A_162 = vector.load %arg2[%get3A_160, %get3A_161] : memref<40x512xf32, #tpu.memory_space<vmem>>, vector<1x512xf32>
      %get3A_163 = arith.index_cast %while3A_70 : i32 to index
      %get3A_164 = arith.constant 0 : index
      %get3A_165 = vector.load %arg3[%get3A_163, %get3A_164] : memref<40x512xf32, #tpu.memory_space<vmem>>, vector<1x512xf32>
      %get3A_166 = arith.index_cast %while3A_70 : i32 to index
      %get3A_167 = arith.constant 0 : index
      %get3A_168 = vector.load %arg4[%get3A_166, %get3A_167] : memref<40x512xf32, #tpu.memory_space<vmem>>, vector<1x512xf32>
      %sub3A_169 = arith.subf %get3A_165, %get3A_159 : vector<1x512xf32>
      %jit3A_170 = arith.constant 0.000000e+00 : f32
      %max3A_171 = vector.broadcast %jit3A_170 : f32 to vector<1x512xf32>
      %max3A_172 = arith.maximumf %max3A_171, %sub3A_169 : vector<1x512xf32>
      %sub3A_173 = arith.subf %get3A_168, %get3A_162 : vector<1x512xf32>
      %jit3A_174 = arith.constant 0.000000e+00 : f32
      %max3A_175 = vector.broadcast %jit3A_174 : f32 to vector<1x512xf32>
      %max3A_176 = arith.maximumf %max3A_175, %sub3A_173 : vector<1x512xf32>
      %mul3A_177 = arith.mulf %max3A_172, %max3A_176 : vector<1x512xf32>
      %max3A_178 = vector.broadcast %dot_general3A_87 : vector<128x1xf32> to vector<128x512xf32>
      %max3A_179 = vector.broadcast %get3A_159 : vector<1x512xf32> to vector<128x512xf32>
      %max3A_180 = arith.maximumf %max3A_178, %max3A_179 : vector<128x512xf32>
      %max3A_181 = vector.broadcast %dot_general3A_89 : vector<128x1xf32> to vector<128x512xf32>
      %max3A_182 = vector.broadcast %get3A_162 : vector<1x512xf32> to vector<128x512xf32>
      %max3A_183 = arith.maximumf %max3A_181, %max3A_182 : vector<128x512xf32>
      %min3A_184 = vector.broadcast %dot_general3A_91 : vector<128x1xf32> to vector<128x512xf32>
      %min3A_185 = vector.broadcast %get3A_165 : vector<1x512xf32> to vector<128x512xf32>
      %min3A_186 = arith.minimumf %min3A_184, %min3A_185 : vector<128x512xf32>
      %min3A_187 = vector.broadcast %dot_general3A_93 : vector<128x1xf32> to vector<128x512xf32>
      %min3A_188 = vector.broadcast %get3A_168 : vector<1x512xf32> to vector<128x512xf32>
      %min3A_189 = arith.minimumf %min3A_187, %min3A_188 : vector<128x512xf32>
      %sub3A_190 = arith.subf %min3A_186, %max3A_180 : vector<128x512xf32>
      %jit3A_191 = arith.constant 0.000000e+00 : f32
      %max3A_192 = vector.broadcast %jit3A_191 : f32 to vector<128x512xf32>
      %max3A_193 = arith.maximumf %max3A_192, %sub3A_190 : vector<128x512xf32>
      %sub3A_194 = arith.subf %min3A_189, %max3A_183 : vector<128x512xf32>
      %jit3A_195 = arith.constant 0.000000e+00 : f32
      %max3A_196 = vector.broadcast %jit3A_195 : f32 to vector<128x512xf32>
      %max3A_197 = arith.maximumf %max3A_196, %sub3A_194 : vector<128x512xf32>
      %mul3A_198 = arith.mulf %max3A_193, %max3A_197 : vector<128x512xf32>
      %add3A_199 = vector.broadcast %mul3A_109 : vector<128x1xf32> to vector<128x512xf32>
      %add3A_200 = vector.broadcast %mul3A_177 : vector<1x512xf32> to vector<128x512xf32>
      %add3A_201 = arith.addf %add3A_199, %add3A_200 : vector<128x512xf32>
      %sub3A_202 = arith.subf %add3A_201, %mul3A_198 : vector<128x512xf32>
      %max3A_203 = arith.constant 9.99999971E-10 : f32
      %max3A_204 = vector.broadcast %max3A_203 : f32 to vector<128x512xf32>
      %max3A_205 = arith.maximumf %sub3A_202, %max3A_204 : vector<128x512xf32>
      %div3A_206 = arith.divf %mul3A_198, %max3A_205 : vector<128x512xf32>
      %gt3A_207 = arith.constant 5.000000e-01 : f32
      %gt3A_208 = vector.broadcast %gt3A_207 : f32 to vector<128x512xf32>
      %gt3A_209 = arith.cmpf ogt, %div3A_206, %gt3A_208 : vector<128x512xf32>
      %jit3A_210 = arith.constant 1.000000e+00 : f32
      %jit3A_211 = arith.constant 0.000000e+00 : f32
      %broadcast_in_dim3A_212 = vector.broadcast %jit3A_210 : f32 to vector<128x512xf32>
      %broadcast_in_dim3A_213 = vector.broadcast %jit3A_211 : f32 to vector<128x512xf32>
      %select_n3A_214 = arith.select %gt3A_209, %broadcast_in_dim3A_212, %broadcast_in_dim3A_213 : vector<128x512xi1>, vector<128x512xf32>
      %mul3A_215 = vector.broadcast %dot_general3A_156 : vector<128x1xf32> to vector<128x512xf32>
      %mul3A_216 = arith.mulf %select_n3A_214, %mul3A_215 : vector<128x512xf32>
      %reduce_max3A = arith.constant dense<0xFF800000> : vector<512xf32>
      %reduce_max3A_217 = vector.multi_reduction <maximumf>, %mul3A_216, %reduce_max3A [0] : vector<128x512xf32> to vector<512xf32>
      %broadcast_in_dim3A_218 = vector.shape_cast %reduce_max3A_217 : vector<512xf32> to vector<1x512xf32>
      %get3A_219 = arith.index_cast %while3A_70 : i32 to index
      %get3A_220 = arith.constant 0 : index
      %get3A_221 = vector.load %arg6[%get3A_219, %get3A_220] : memref<40x512xf32, #tpu.memory_space<vmem>>, vector<1x512xf32>
      %sub3A_222 = arith.constant 1.000000e+00 : f32
      %sub3A_223 = vector.broadcast %sub3A_222 : f32 to vector<1x512xf32>
      %sub3A_224 = arith.subf %sub3A_223, %broadcast_in_dim3A_218 : vector<1x512xf32>
      %mul3A_225 = arith.mulf %get3A_221, %sub3A_224 : vector<1x512xf32>
      %swap3A_226 = arith.index_cast %while3A_70 : i32 to index
      %swap3A_227 = arith.constant 0 : index
      %swap3A_228 = vector.load %arg6[%swap3A_226, %swap3A_227] : memref<40x512xf32, #tpu.memory_space<vmem>>, vector<1x512xf32>
      tpu.vector_store %arg6[%swap3A_226, %swap3A_227], %mul3A_225 {strides = array<i32>} : memref<40x512xf32, #tpu.memory_space<vmem>>, vector<1x512xf32>,
      %get3A_229 = arith.index_cast %while3A_70 : i32 to index
      %get3A_230 = arith.constant 0 : index
      %get3A_231 = vector.load %arg6[%get3A_229, %get3A_230] : memref<40x512xf32, #tpu.memory_space<vmem>>, vector<1x512xf32>
      %broadcast_in_dim3A_232 = arith.constant 0.000000e+00 : f32
      %broadcast_in_dim3A_233 = vector.broadcast %broadcast_in_dim3A_232 : f32 to vector<1x128xf32>
      %broadcast_in_dim3A_234 = arith.constant 0.000000e+00 : f32
      %broadcast_in_dim3A_235 = vector.broadcast %broadcast_in_dim3A_234 : f32 to vector<1x128xf32>
      %broadcast_in_dim3A_236 = arith.constant 0.000000e+00 : f32
      %broadcast_in_dim3A_237 = vector.broadcast %broadcast_in_dim3A_236 : f32 to vector<1x128xf32>
      %concatenate3A = tpu.concatenate %while3A_154#0, %broadcast_in_dim3A_233, %broadcast_in_dim3A_235, %broadcast_in_dim3A_237 in 1 : vector<1x128xf32>, vector<1x128xf32>, vector<1x128xf32>, vector<1x128xf32> -> vector<1x512xf32>
      %eq3A_238 = arith.constant 0 : i32
      %eq3A_239 = vector.broadcast %eq3A_238 : i32 to vector<1x512xi32>
      %eq3A_240 = arith.cmpi eq, %select_n3A_58, %eq3A_239 : vector<1x512xi32>
      %select_n3A_241 = arith.select %eq3A_240, %concatenate3A, %get3A_231 : vector<1x512xi1>, vector<1x512xf32>
      %swap3A_242 = arith.index_cast %while3A_70 : i32 to index
      %swap3A_243 = arith.constant 0 : index
      %swap3A_244 = vector.load %arg6[%swap3A_242, %swap3A_243] : memref<40x512xf32, #tpu.memory_space<vmem>>, vector<1x512xf32>
      tpu.vector_store %arg6[%swap3A_242, %swap3A_243], %select_n3A_241 {strides = array<i32>} : memref<40x512xf32, #tpu.memory_space<vmem>>, vector<1x512xf32>,
      %add3A_245 = arith.constant 1 : i32
      %add3A_246 = arith.addi %while3A_70, %add3A_245 : i32
      %while3A_247 = arith.constant 0 : i32
      %while3A_248 = arith.subi %select_n3A, %add3A_246 : i32
      %while3A_249 = arith.addi %add3A_246, %while3A_248 : i32
      %while3A_250 = arith.constant 1 : i32
      %while3A_251 = arith.divsi %while3A_248, %while3A_250 : i32
      %while3A_252 = arith.muli %while3A_251, %while3A_250 : i32
      %while3A_253 = arith.addi %add3A_246, %while3A_252 : i32
      %while3A_254 = arith.constant 1 : i32
      %while3A_255 = scf.for %while3A_811 = %add3A_246 to %while3A_253 step %while3A_254 iter_args(%while3A_812 = %while3A_247) -> (i32)  : i32 {
        %get3A_813 = arith.index_cast %while3A_811 : i32 to index
        %get3A_814 = arith.constant 0 : index
        %get3A_815 = vector.load %arg1[%get3A_813, %get3A_814] : memref<40x512xf32, #tpu.memory_space<vmem>>, vector<1x512xf32>
        %get3A_816 = arith.index_cast %while3A_811 : i32 to index
        %get3A_817 = arith.constant 0 : index
        %get3A_818 = vector.load %arg2[%get3A_816, %get3A_817] : memref<40x512xf32, #tpu.memory_space<vmem>>, vector<1x512xf32>
        %get3A_819 = arith.index_cast %while3A_811 : i32 to index
        %get3A_820 = arith.constant 0 : index
        %get3A_821 = vector.load %arg3[%get3A_819, %get3A_820] : memref<40x512xf32, #tpu.memory_space<vmem>>, vector<1x512xf32>
        %get3A_822 = arith.index_cast %while3A_811 : i32 to index
        %get3A_823 = arith.constant 0 : index
        %get3A_824 = vector.load %arg4[%get3A_822, %get3A_823] : memref<40x512xf32, #tpu.memory_space<vmem>>, vector<1x512xf32>
        %sub3A_825 = arith.subf %get3A_821, %get3A_815 : vector<1x512xf32>
        %jit3A_826 = arith.constant 0.000000e+00 : f32
        %max3A_827 = vector.broadcast %jit3A_826 : f32 to vector<1x512xf32>
        %max3A_828 = arith.maximumf %max3A_827, %sub3A_825 : vector<1x512xf32>
        %sub3A_829 = arith.subf %get3A_824, %get3A_818 : vector<1x512xf32>
        %jit3A_830 = arith.constant 0.000000e+00 : f32
        %max3A_831 = vector.broadcast %jit3A_830 : f32 to vector<1x512xf32>
        %max3A_832 = arith.maximumf %max3A_831, %sub3A_829 : vector<1x512xf32>
        %mul3A_833 = arith.mulf %max3A_828, %max3A_832 : vector<1x512xf32>
        %max3A_834 = vector.broadcast %dot_general3A_87 : vector<128x1xf32> to vector<128x512xf32>
        %max3A_835 = vector.broadcast %get3A_815 : vector<1x512xf32> to vector<128x512xf32>
        %max3A_836 = arith.maximumf %max3A_834, %max3A_835 : vector<128x512xf32>
        %max3A_837 = vector.broadcast %dot_general3A_89 : vector<128x1xf32> to vector<128x512xf32>
        %max3A_838 = vector.broadcast %get3A_818 : vector<1x512xf32> to vector<128x512xf32>
        %max3A_839 = arith.maximumf %max3A_837, %max3A_838 : vector<128x512xf32>
        %min3A_840 = vector.broadcast %dot_general3A_91 : vector<128x1xf32> to vector<128x512xf32>
        %min3A_841 = vector.broadcast %get3A_821 : vector<1x512xf32> to vector<128x512xf32>
        %min3A_842 = arith.minimumf %min3A_840, %min3A_841 : vector<128x512xf32>
        %min3A_843 = vector.broadcast %dot_general3A_93 : vector<128x1xf32> to vector<128x512xf32>
        %min3A_844 = vector.broadcast %get3A_824 : vector<1x512xf32> to vector<128x512xf32>
        %min3A_845 = arith.minimumf %min3A_843, %min3A_844 : vector<128x512xf32>
        %sub3A_846 = arith.subf %min3A_842, %max3A_836 : vector<128x512xf32>
        %jit3A_847 = arith.constant 0.000000e+00 : f32
        %max3A_848 = vector.broadcast %jit3A_847 : f32 to vector<128x512xf32>
        %max3A_849 = arith.maximumf %max3A_848, %sub3A_846 : vector<128x512xf32>
        %sub3A_850 = arith.subf %min3A_845, %max3A_839 : vector<128x512xf32>
        %jit3A_851 = arith.constant 0.000000e+00 : f32
        %max3A_852 = vector.broadcast %jit3A_851 : f32 to vector<128x512xf32>
        %max3A_853 = arith.maximumf %max3A_852, %sub3A_850 : vector<128x512xf32>
        %mul3A_854 = arith.mulf %max3A_849, %max3A_853 : vector<128x512xf32>
        %add3A_855 = vector.broadcast %mul3A_109 : vector<128x1xf32> to vector<128x512xf32>
        %add3A_856 = vector.broadcast %mul3A_833 : vector<1x512xf32> to vector<128x512xf32>
        %add3A_857 = arith.addf %add3A_855, %add3A_856 : vector<128x512xf32>
        %sub3A_858 = arith.subf %add3A_857, %mul3A_854 : vector<128x512xf32>
        %max3A_859 = arith.constant 9.99999971E-10 : f32
        %max3A_860 = vector.broadcast %max3A_859 : f32 to vector<128x512xf32>
        %max3A_861 = arith.maximumf %sub3A_858, %max3A_860 : vector<128x512xf32>
        %div3A_862 = arith.divf %mul3A_854, %max3A_861 : vector<128x512xf32>
        %gt3A_863 = arith.constant 5.000000e-01 : f32
        %gt3A_864 = vector.broadcast %gt3A_863 : f32 to vector<128x512xf32>
        %gt3A_865 = arith.cmpf ogt, %div3A_862, %gt3A_864 : vector<128x512xf32>
        %jit3A_866 = arith.constant 1.000000e+00 : f32
        %jit3A_867 = arith.constant 0.000000e+00 : f32
        %broadcast_in_dim3A_868 = vector.broadcast %jit3A_866 : f32 to vector<128x512xf32>
        %broadcast_in_dim3A_869 = vector.broadcast %jit3A_867 : f32 to vector<128x512xf32>
        %select_n3A_870 = arith.select %gt3A_865, %broadcast_in_dim3A_868, %broadcast_in_dim3A_869 : vector<128x512xi1>, vector<128x512xf32>
        %mul3A_871 = vector.broadcast %dot_general3A_156 : vector<128x1xf32> to vector<128x512xf32>
        %mul3A_872 = arith.mulf %select_n3A_870, %mul3A_871 : vector<128x512xf32>
        %reduce_max3A_873 = arith.constant dense<0xFF800000> : vector<512xf32>
        %reduce_max3A_874 = vector.multi_reduction <maximumf>, %mul3A_872, %reduce_max3A_873 [0] : vector<128x512xf32> to vector<512xf32>
        %broadcast_in_dim3A_875 = vector.shape_cast %reduce_max3A_874 : vector<512xf32> to vector<1x512xf32>
        %get3A_876 = arith.index_cast %while3A_811 : i32 to index
        %get3A_877 = arith.constant 0 : index
        %get3A_878 = vector.load %arg6[%get3A_876, %get3A_877] : memref<40x512xf32, #tpu.memory_space<vmem>>, vector<1x512xf32>
        %sub3A_879 = arith.constant 1.000000e+00 : f32
        %sub3A_880 = vector.broadcast %sub3A_879 : f32 to vector<1x512xf32>
        %sub3A_881 = arith.subf %sub3A_880, %broadcast_in_dim3A_875 : vector<1x512xf32>
        %mul3A_882 = arith.mulf %get3A_878, %sub3A_881 : vector<1x512xf32>
        %swap3A_883 = arith.index_cast %while3A_811 : i32 to index
        %swap3A_884 = arith.constant 0 : index
        %swap3A_885 = vector.load %arg6[%swap3A_883, %swap3A_884] : memref<40x512xf32, #tpu.memory_space<vmem>>, vector<1x512xf32>
        tpu.vector_store %arg6[%swap3A_883, %swap3A_884], %mul3A_882 {strides = array<i32>} : memref<40x512xf32, #tpu.memory_space<vmem>>, vector<1x512xf32>,
        %while3A_886 = arith.constant 0 : i32
        scf.yield %while3A_886 : i32
      }
      %while3A_256 = arith.constant 1 : i32
      %while3A_257 = scf.for %while3A_811 = %while3A_253 to %while3A_249 step %while3A_256 iter_args(%while3A_812 = %while3A_255) -> (i32)  : i32 {
        %get3A_813 = arith.index_cast %while3A_811 : i32 to index
        %get3A_814 = arith.constant 0 : index
        %get3A_815 = vector.load %arg1[%get3A_813, %get3A_814] : memref<40x512xf32, #tpu.memory_space<vmem>>, vector<1x512xf32>
        %get3A_816 = arith.index_cast %while3A_811 : i32 to index
        %get3A_817 = arith.constant 0 : index
        %get3A_818 = vector.load %arg2[%get3A_816, %get3A_817] : memref<40x512xf32, #tpu.memory_space<vmem>>, vector<1x512xf32>
        %get3A_819 = arith.index_cast %while3A_811 : i32 to index
        %get3A_820 = arith.constant 0 : index
        %get3A_821 = vector.load %arg3[%get3A_819, %get3A_820] : memref<40x512xf32, #tpu.memory_space<vmem>>, vector<1x512xf32>
        %get3A_822 = arith.index_cast %while3A_811 : i32 to index
        %get3A_823 = arith.constant 0 : index
        %get3A_824 = vector.load %arg4[%get3A_822, %get3A_823] : memref<40x512xf32, #tpu.memory_space<vmem>>, vector<1x512xf32>
        %sub3A_825 = arith.subf %get3A_821, %get3A_815 : vector<1x512xf32>
        %jit3A_826 = arith.constant 0.000000e+00 : f32
        %max3A_827 = vector.broadcast %jit3A_826 : f32 to vector<1x512xf32>
        %max3A_828 = arith.maximumf %max3A_827, %sub3A_825 : vector<1x512xf32>
        %sub3A_829 = arith.subf %get3A_824, %get3A_818 : vector<1x512xf32>
        %jit3A_830 = arith.constant 0.000000e+00 : f32
        %max3A_831 = vector.broadcast %jit3A_830 : f32 to vector<1x512xf32>
        %max3A_832 = arith.maximumf %max3A_831, %sub3A_829 : vector<1x512xf32>
        %mul3A_833 = arith.mulf %max3A_828, %max3A_832 : vector<1x512xf32>
        %max3A_834 = vector.broadcast %dot_general3A_87 : vector<128x1xf32> to vector<128x512xf32>
        %max3A_835 = vector.broadcast %get3A_815 : vector<1x512xf32> to vector<128x512xf32>
        %max3A_836 = arith.maximumf %max3A_834, %max3A_835 : vector<128x512xf32>
        %max3A_837 = vector.broadcast %dot_general3A_89 : vector<128x1xf32> to vector<128x512xf32>
        %max3A_838 = vector.broadcast %get3A_818 : vector<1x512xf32> to vector<128x512xf32>
        %max3A_839 = arith.maximumf %max3A_837, %max3A_838 : vector<128x512xf32>
        %min3A_840 = vector.broadcast %dot_general3A_91 : vector<128x1xf32> to vector<128x512xf32>
        %min3A_841 = vector.broadcast %get3A_821 : vector<1x512xf32> to vector<128x512xf32>
        %min3A_842 = arith.minimumf %min3A_840, %min3A_841 : vector<128x512xf32>
        %min3A_843 = vector.broadcast %dot_general3A_93 : vector<128x1xf32> to vector<128x512xf32>
        %min3A_844 = vector.broadcast %get3A_824 : vector<1x512xf32> to vector<128x512xf32>
        %min3A_845 = arith.minimumf %min3A_843, %min3A_844 : vector<128x512xf32>
        %sub3A_846 = arith.subf %min3A_842, %max3A_836 : vector<128x512xf32>
        %jit3A_847 = arith.constant 0.000000e+00 : f32
        %max3A_848 = vector.broadcast %jit3A_847 : f32 to vector<128x512xf32>
        %max3A_849 = arith.maximumf %max3A_848, %sub3A_846 : vector<128x512xf32>
        %sub3A_850 = arith.subf %min3A_845, %max3A_839 : vector<128x512xf32>
        %jit3A_851 = arith.constant 0.000000e+00 : f32
        %max3A_852 = vector.broadcast %jit3A_851 : f32 to vector<128x512xf32>
        %max3A_853 = arith.maximumf %max3A_852, %sub3A_850 : vector<128x512xf32>
        %mul3A_854 = arith.mulf %max3A_849, %max3A_853 : vector<128x512xf32>
        %add3A_855 = vector.broadcast %mul3A_109 : vector<128x1xf32> to vector<128x512xf32>
        %add3A_856 = vector.broadcast %mul3A_833 : vector<1x512xf32> to vector<128x512xf32>
        %add3A_857 = arith.addf %add3A_855, %add3A_856 : vector<128x512xf32>
        %sub3A_858 = arith.subf %add3A_857, %mul3A_854 : vector<128x512xf32>
        %max3A_859 = arith.constant 9.99999971E-10 : f32
        %max3A_860 = vector.broadcast %max3A_859 : f32 to vector<128x512xf32>
        %max3A_861 = arith.maximumf %sub3A_858, %max3A_860 : vector<128x512xf32>
        %div3A_862 = arith.divf %mul3A_854, %max3A_861 : vector<128x512xf32>
        %gt3A_863 = arith.constant 5.000000e-01 : f32
        %gt3A_864 = vector.broadcast %gt3A_863 : f32 to vector<128x512xf32>
        %gt3A_865 = arith.cmpf ogt, %div3A_862, %gt3A_864 : vector<128x512xf32>
        %jit3A_866 = arith.constant 1.000000e+00 : f32
        %jit3A_867 = arith.constant 0.000000e+00 : f32
        %broadcast_in_dim3A_868 = vector.broadcast %jit3A_866 : f32 to vector<128x512xf32>
        %broadcast_in_dim3A_869 = vector.broadcast %jit3A_867 : f32 to vector<128x512xf32>
        %select_n3A_870 = arith.select %gt3A_865, %broadcast_in_dim3A_868, %broadcast_in_dim3A_869 : vector<128x512xi1>, vector<128x512xf32>
        %mul3A_871 = vector.broadcast %dot_general3A_156 : vector<128x1xf32> to vector<128x512xf32>
        %mul3A_872 = arith.mulf %select_n3A_870, %mul3A_871 : vector<128x512xf32>
        %reduce_max3A_873 = arith.constant dense<0xFF800000> : vector<512xf32>
        %reduce_max3A_874 = vector.multi_reduction <maximumf>, %mul3A_872, %reduce_max3A_873 [0] : vector<128x512xf32> to vector<512xf32>
        %broadcast_in_dim3A_875 = vector.shape_cast %reduce_max3A_874 : vector<512xf32> to vector<1x512xf32>
        %get3A_876 = arith.index_cast %while3A_811 : i32 to index
        %get3A_877 = arith.constant 0 : index
        %get3A_878 = vector.load %arg6[%get3A_876, %get3A_877] : memref<40x512xf32, #tpu.memory_space<vmem>>, vector<1x512xf32>
        %sub3A_879 = arith.constant 1.000000e+00 : f32
        %sub3A_880 = vector.broadcast %sub3A_879 : f32 to vector<1x512xf32>
        %sub3A_881 = arith.subf %sub3A_880, %broadcast_in_dim3A_875 : vector<1x512xf32>
        %mul3A_882 = arith.mulf %get3A_878, %sub3A_881 : vector<1x512xf32>
        %swap3A_883 = arith.index_cast %while3A_811 : i32 to index
        %swap3A_884 = arith.constant 0 : index
        %swap3A_885 = vector.load %arg6[%swap3A_883, %swap3A_884] : memref<40x512xf32, #tpu.memory_space<vmem>>, vector<1x512xf32>
        tpu.vector_store %arg6[%swap3A_883, %swap3A_884], %mul3A_882 {strides = array<i32>} : memref<40x512xf32, #tpu.memory_space<vmem>>, vector<1x512xf32>,
        %while3A_886 = arith.constant 0 : i32
        scf.yield %while3A_886 : i32
      }
      %slice3A_258 = vector.extract_strided_slice %get3A_74 {offsets = [0, 128], sizes = [1, 128], strides = [1, 1]} : vector<1x512xf32> to vector<1x128xf32>
      %slice3A_259 = vector.extract_strided_slice %get3A_77 {offsets = [0, 128], sizes = [1, 128], strides = [1, 1]} : vector<1x512xf32> to vector<1x128xf32>
      %slice3A_260 = vector.extract_strided_slice %get3A_80 {offsets = [0, 128], sizes = [1, 128], strides = [1, 1]} : vector<1x512xf32> to vector<1x128xf32>
      %slice3A_261 = vector.extract_strided_slice %get3A_83 {offsets = [0, 128], sizes = [1, 128], strides = [1, 1]} : vector<1x512xf32> to vector<1x128xf32>
      %dot_general3A_262 = arith.constant dense<0.000000e+00> : vector<128x1xf32>
      %dot_general3A_263 = tpu.matmul %convert_element_type3A_1, %slice3A_258, %dot_general3A_262 {dimension_numbers = #tpu.dot_dimension_numbers<[1], [1], [0], [0], [0, 0, 1, 0], [], []>, transpose_lhs_hint = false} : vector<128x128xf32>, vector<1x128xf32>, vector<128x1xf32> -> vector<128x1xf32>
      %dot_general3A_264 = arith.constant dense<0.000000e+00> : vector<128x1xf32>
      %dot_general3A_265 = tpu.matmul %convert_element_type3A_1, %slice3A_259, %dot_general3A_264 {dimension_numbers = #tpu.dot_dimension_numbers<[1], [1], [0], [0], [0, 0, 1, 0], [], []>, transpose_lhs_hint = false} : vector<128x128xf32>, vector<1x128xf32>, vector<128x1xf32> -> vector<128x1xf32>
      %dot_general3A_266 = arith.constant dense<0.000000e+00> : vector<128x1xf32>
      %dot_general3A_267 = tpu.matmul %convert_element_type3A_1, %slice3A_260, %dot_general3A_266 {dimension_numbers = #tpu.dot_dimension_numbers<[1], [1], [0], [0], [0, 0, 1, 0], [], []>, transpose_lhs_hint = false} : vector<128x128xf32>, vector<1x128xf32>, vector<128x1xf32> -> vector<128x1xf32>
      %dot_general3A_268 = arith.constant dense<0.000000e+00> : vector<128x1xf32>
      %dot_general3A_269 = tpu.matmul %convert_element_type3A_1, %slice3A_261, %dot_general3A_268 {dimension_numbers = #tpu.dot_dimension_numbers<[1], [1], [0], [0], [0, 0, 1, 0], [], []>, transpose_lhs_hint = false} : vector<128x128xf32>, vector<1x128xf32>, vector<128x1xf32> -> vector<128x1xf32>
      %sub3A_270 = arith.subf %slice3A_260, %slice3A_258 : vector<1x128xf32>
      %jit3A_271 = arith.constant 0.000000e+00 : f32
      %max3A_272 = vector.broadcast %jit3A_271 : f32 to vector<1x128xf32>
      %max3A_273 = arith.maximumf %max3A_272, %sub3A_270 : vector<1x128xf32>
      %sub3A_274 = arith.subf %slice3A_261, %slice3A_259 : vector<1x128xf32>
      %jit3A_275 = arith.constant 0.000000e+00 : f32
      %max3A_276 = vector.broadcast %jit3A_275 : f32 to vector<1x128xf32>
      %max3A_277 = arith.maximumf %max3A_276, %sub3A_274 : vector<1x128xf32>
      %mul3A_278 = arith.mulf %max3A_273, %max3A_277 : vector<1x128xf32>
      %sub3A_279 = arith.subf %dot_general3A_267, %dot_general3A_263 : vector<128x1xf32>
      %jit3A_280 = arith.constant 0.000000e+00 : f32
      %max3A_281 = vector.broadcast %jit3A_280 : f32 to vector<128x1xf32>
      %max3A_282 = arith.maximumf %max3A_281, %sub3A_279 : vector<128x1xf32>
      %sub3A_283 = arith.subf %dot_general3A_269, %dot_general3A_265 : vector<128x1xf32>
      %jit3A_284 = arith.constant 0.000000e+00 : f32
      %max3A_285 = vector.broadcast %jit3A_284 : f32 to vector<128x1xf32>
      %max3A_286 = arith.maximumf %max3A_285, %sub3A_283 : vector<128x1xf32>
      %mul3A_287 = arith.mulf %max3A_282, %max3A_286 : vector<128x1xf32>
      %max3A_288 = vector.broadcast %dot_general3A_263 : vector<128x1xf32> to vector<128x128xf32>
      %max3A_289 = vector.broadcast %slice3A_258 : vector<1x128xf32> to vector<128x128xf32>
      %max3A_290 = arith.maximumf %max3A_288, %max3A_289 : vector<128x128xf32>
      %max3A_291 = vector.broadcast %dot_general3A_265 : vector<128x1xf32> to vector<128x128xf32>
      %max3A_292 = vector.broadcast %slice3A_259 : vector<1x128xf32> to vector<128x128xf32>
      %max3A_293 = arith.maximumf %max3A_291, %max3A_292 : vector<128x128xf32>
      %min3A_294 = vector.broadcast %dot_general3A_267 : vector<128x1xf32> to vector<128x128xf32>
      %min3A_295 = vector.broadcast %slice3A_260 : vector<1x128xf32> to vector<128x128xf32>
      %min3A_296 = arith.minimumf %min3A_294, %min3A_295 : vector<128x128xf32>
      %min3A_297 = vector.broadcast %dot_general3A_269 : vector<128x1xf32> to vector<128x128xf32>
      %min3A_298 = vector.broadcast %slice3A_261 : vector<1x128xf32> to vector<128x128xf32>
      %min3A_299 = arith.minimumf %min3A_297, %min3A_298 : vector<128x128xf32>
      %sub3A_300 = arith.subf %min3A_296, %max3A_290 : vector<128x128xf32>
      %jit3A_301 = arith.constant 0.000000e+00 : f32
      %max3A_302 = vector.broadcast %jit3A_301 : f32 to vector<128x128xf32>
      %max3A_303 = arith.maximumf %max3A_302, %sub3A_300 : vector<128x128xf32>
      %sub3A_304 = arith.subf %min3A_299, %max3A_293 : vector<128x128xf32>
      %jit3A_305 = arith.constant 0.000000e+00 : f32
      %max3A_306 = vector.broadcast %jit3A_305 : f32 to vector<128x128xf32>
      %max3A_307 = arith.maximumf %max3A_306, %sub3A_304 : vector<128x128xf32>
      %mul3A_308 = arith.mulf %max3A_303, %max3A_307 : vector<128x128xf32>
      %add3A_309 = vector.broadcast %mul3A_287 : vector<128x1xf32> to vector<128x128xf32>
      %add3A_310 = vector.broadcast %mul3A_278 : vector<1x128xf32> to vector<128x128xf32>
      %add3A_311 = arith.addf %add3A_309, %add3A_310 : vector<128x128xf32>
      %sub3A_312 = arith.subf %add3A_311, %mul3A_308 : vector<128x128xf32>
      %max3A_313 = arith.constant 9.99999971E-10 : f32
      %max3A_314 = vector.broadcast %max3A_313 : f32 to vector<128x128xf32>
      %max3A_315 = arith.maximumf %sub3A_312, %max3A_314 : vector<128x128xf32>
      %div3A_316 = arith.divf %mul3A_308, %max3A_315 : vector<128x128xf32>
      %gt3A_317 = arith.constant 5.000000e-01 : f32
      %gt3A_318 = vector.broadcast %gt3A_317 : f32 to vector<128x128xf32>
      %gt3A_319 = arith.cmpf ogt, %div3A_316, %gt3A_318 : vector<128x128xf32>
      %lt3A_320 = arith.cmpi slt, %iota3A_2, %iota3A_3 : vector<128x128xi32>
      %and3A_321 = arith.andi %gt3A_319, %lt3A_320 : vector<128x128xi1>
      %jit3A_322 = arith.constant 1.000000e+00 : f32
      %jit3A_323 = arith.constant 0.000000e+00 : f32
      %broadcast_in_dim3A_324 = vector.broadcast %jit3A_322 : f32 to vector<128x128xf32>
      %broadcast_in_dim3A_325 = vector.broadcast %jit3A_323 : f32 to vector<128x128xf32>
      %select_n3A_326 = arith.select %and3A_321, %broadcast_in_dim3A_324, %broadcast_in_dim3A_325 : vector<128x128xi1>, vector<128x128xf32>
      %swap3A_327 = arith.constant 0 : index
      %swap3A_328 = arith.constant 0 : index
      %swap3A_329 = vector.load %arg7[%swap3A_327, %swap3A_328] : memref<128x128xf32, #tpu.memory_space<vmem>>, vector<128x128xf32>
      tpu.vector_store %arg7[%swap3A_327, %swap3A_328], %select_n3A_326 {strides = array<i32>} : memref<128x128xf32, #tpu.memory_space<vmem>>, vector<128x128xf32>,
      %get3A_330 = arith.index_cast %while3A_70 : i32 to index
      %get3A_331 = arith.constant 0 : index
      %get3A_332 = vector.load %arg6[%get3A_330, %get3A_331] : memref<40x512xf32, #tpu.memory_space<vmem>>, vector<1x512xf32>
      %slice3A_333 = vector.extract_strided_slice %get3A_332 {offsets = [0, 128], sizes = [1, 128], strides = [1, 1]} : vector<1x512xf32> to vector<1x128xf32>
      %broadcast_in_dim3A_334 = arith.constant 0.000000e+00 : f32
      %broadcast_in_dim3A_335 = vector.broadcast %broadcast_in_dim3A_334 : f32 to vector<1x128xf32>
      %while3A_336:2 = scf.while (%while3A_811 = %broadcast_in_dim3A_335, %while3A_812 = %broadcast_in_dim3A_335) : (vector<1x128xf32>, vector<1x128xf32>) -> (vector<1x128xf32>, vector<1x128xf32>) {
        %sub3A_813 = arith.constant 1.000000e+00 : f32
        %sub3A_814 = vector.broadcast %sub3A_813 : f32 to vector<1x128xf32>
        %sub3A_815 = arith.subf %sub3A_814, %while3A_811 : vector<1x128xf32>
        %mul3A_816 = arith.mulf %slice3A_333, %sub3A_815 : vector<1x128xf32>
        %sub3A_817 = arith.constant 1.000000e+00 : f32
        %sub3A_818 = vector.broadcast %sub3A_817 : f32 to vector<1x128xf32>
        %sub3A_819 = arith.subf %sub3A_818, %while3A_812 : vector<1x128xf32>
        %mul3A_820 = arith.mulf %mul3A_816, %sub3A_819 : vector<1x128xf32>
        %reduce_sum3A = vector.shape_cast %mul3A_820 : vector<1x128xf32> to vector<1x1x128xf32>
        %reduce_sum3A_821 = arith.constant dense<0.000000e+00> : vector<1xf32>
        %reduce_sum3A_822 = vector.multi_reduction <add>, %reduce_sum3A, %reduce_sum3A_821 [1, 2] : vector<1x1x128xf32> to vector<1xf32>
        %reduce_sum3A_823 = vector.shape_cast %reduce_sum3A_822 : vector<1xf32> to vector<1x1x1xf32>
        %reduce_sum3A_824 = vector.extract %reduce_sum3A_823[0, 0, 0] : f32 from vector<1x1x1xf32>
        %gt3A_825 = arith.constant 0.000000e+00 : f32
        %gt3A_826 = arith.cmpf ogt, %reduce_sum3A_824, %gt3A_825 : f32
        scf.condition(%gt3A_826) %while3A_811, %while3A_812 : vector<1x128xf32>, vector<1x128xf32>
      } do {
      ^bb0(%while3A_811: vector<1x128xf32>, %while3A_812: vector<1x128xf32>):
        %sub3A_813 = arith.constant 1.000000e+00 : f32
        %sub3A_814 = vector.broadcast %sub3A_813 : f32 to vector<1x128xf32>
        %sub3A_815 = arith.subf %sub3A_814, %while3A_811 : vector<1x128xf32>
        %mul3A_816 = arith.mulf %slice3A_333, %sub3A_815 : vector<1x128xf32>
        %sub3A_817 = arith.constant 1.000000e+00 : f32
        %sub3A_818 = vector.broadcast %sub3A_817 : f32 to vector<1x128xf32>
        %sub3A_819 = arith.subf %sub3A_818, %while3A_812 : vector<1x128xf32>
        %mul3A_820 = arith.mulf %mul3A_816, %sub3A_819 : vector<1x128xf32>
        %get3A_821 = arith.constant 0 : index
        %get3A_822 = arith.constant 0 : index
        %get3A_823 = vector.load %arg7[%get3A_821, %get3A_822] : memref<128x128xf32, #tpu.memory_space<vmem>>, vector<128x128xf32>
        %sub3A_824 = arith.constant 1.000000e+00 : f32
        %sub3A_825 = vector.broadcast %sub3A_824 : f32 to vector<1x128xf32>
        %sub3A_826 = arith.subf %sub3A_825, %while3A_812 : vector<1x128xf32>
        %mul3A_827 = arith.mulf %slice3A_333, %sub3A_826 : vector<1x128xf32>
        %dot_general3A_828 = arith.constant dense<0.000000e+00> : vector<128x1xf32>
        %dot_general3A_829 = tpu.matmul %convert_element_type3A_1, %mul3A_827, %dot_general3A_828 {dimension_numbers = #tpu.dot_dimension_numbers<[1], [1], [0], [0], [0, 0, 1, 0], [], []>, transpose_lhs_hint = false} : vector<128x128xf32>, vector<1x128xf32>, vector<128x1xf32> -> vector<128x1xf32>
        %mul3A_830 = vector.broadcast %dot_general3A_829 : vector<128x1xf32> to vector<128x128xf32>
        %mul3A_831 = arith.mulf %get3A_823, %mul3A_830 : vector<128x128xf32>
        %reduce_max3A_832 = arith.constant dense<0xFF800000> : vector<128xf32>
        %reduce_max3A_833 = vector.multi_reduction <maximumf>, %mul3A_831, %reduce_max3A_832 [0] : vector<128x128xf32> to vector<128xf32>
        %broadcast_in_dim3A_834 = vector.shape_cast %reduce_max3A_833 : vector<128xf32> to vector<1x128xf32>
        %sub3A_835 = arith.constant 1.000000e+00 : f32
        %sub3A_836 = vector.broadcast %sub3A_835 : f32 to vector<1x128xf32>
        %sub3A_837 = arith.subf %sub3A_836, %broadcast_in_dim3A_834 : vector<1x128xf32>
        %mul3A_838 = arith.mulf %mul3A_820, %sub3A_837 : vector<1x128xf32>
        %add3A_839 = arith.addf %while3A_811, %mul3A_838 : vector<1x128xf32>
        %dot_general3A_840 = arith.constant dense<0.000000e+00> : vector<128x1xf32>
        %dot_general3A_841 = tpu.matmul %convert_element_type3A_1, %add3A_839, %dot_general3A_840 {dimension_numbers = #tpu.dot_dimension_numbers<[1], [1], [0], [0], [0, 0, 1, 0], [], []>, transpose_lhs_hint = false} : vector<128x128xf32>, vector<1x128xf32>, vector<128x1xf32> -> vector<128x1xf32>
        %mul3A_842 = vector.broadcast %dot_general3A_841 : vector<128x1xf32> to vector<128x128xf32>
        %mul3A_843 = arith.mulf %get3A_823, %mul3A_842 : vector<128x128xf32>
        %reduce_max3A_844 = arith.constant dense<0xFF800000> : vector<128xf32>
        %reduce_max3A_845 = vector.multi_reduction <maximumf>, %mul3A_843, %reduce_max3A_844 [0] : vector<128x128xf32> to vector<128xf32>
        %broadcast_in_dim3A_846 = vector.shape_cast %reduce_max3A_845 : vector<128xf32> to vector<1x128xf32>
        %mul3A_847 = arith.mulf %mul3A_820, %broadcast_in_dim3A_846 : vector<1x128xf32>
        %add3A_848 = arith.addf %while3A_812, %mul3A_847 : vector<1x128xf32>
        scf.yield %add3A_839, %add3A_848 : vector<1x128xf32>, vector<1x128xf32>
      }
      %dot_general3A_337 = arith.constant dense<0.000000e+00> : vector<128x1xf32>
      %dot_general3A_338 = tpu.matmul %convert_element_type3A_1, %while3A_336#0, %dot_general3A_337 {dimension_numbers = #tpu.dot_dimension_numbers<[1], [1], [0], [0], [0, 0, 1, 0], [], []>, transpose_lhs_hint = false} : vector<128x128xf32>, vector<1x128xf32>, vector<128x1xf32> -> vector<128x1xf32>
      %get3A_339 = arith.index_cast %while3A_70 : i32 to index
      %get3A_340 = arith.constant 0 : index
      %get3A_341 = vector.load %arg1[%get3A_339, %get3A_340] : memref<40x512xf32, #tpu.memory_space<vmem>>, vector<1x512xf32>
      %get3A_342 = arith.index_cast %while3A_70 : i32 to index
      %get3A_343 = arith.constant 0 : index
      %get3A_344 = vector.load %arg2[%get3A_342, %get3A_343] : memref<40x512xf32, #tpu.memory_space<vmem>>, vector<1x512xf32>
      %get3A_345 = arith.index_cast %while3A_70 : i32 to index
      %get3A_346 = arith.constant 0 : index
      %get3A_347 = vector.load %arg3[%get3A_345, %get3A_346] : memref<40x512xf32, #tpu.memory_space<vmem>>, vector<1x512xf32>
      %get3A_348 = arith.index_cast %while3A_70 : i32 to index
      %get3A_349 = arith.constant 0 : index
      %get3A_350 = vector.load %arg4[%get3A_348, %get3A_349] : memref<40x512xf32, #tpu.memory_space<vmem>>, vector<1x512xf32>
      %sub3A_351 = arith.subf %get3A_347, %get3A_341 : vector<1x512xf32>
      %jit3A_352 = arith.constant 0.000000e+00 : f32
      %max3A_353 = vector.broadcast %jit3A_352 : f32 to vector<1x512xf32>
      %max3A_354 = arith.maximumf %max3A_353, %sub3A_351 : vector<1x512xf32>
      %sub3A_355 = arith.subf %get3A_350, %get3A_344 : vector<1x512xf32>
      %jit3A_356 = arith.constant 0.000000e+00 : f32
      %max3A_357 = vector.broadcast %jit3A_356 : f32 to vector<1x512xf32>
      %max3A_358 = arith.maximumf %max3A_357, %sub3A_355 : vector<1x512xf32>
      %mul3A_359 = arith.mulf %max3A_354, %max3A_358 : vector<1x512xf32>
      %max3A_360 = vector.broadcast %dot_general3A_263 : vector<128x1xf32> to vector<128x512xf32>
      %max3A_361 = vector.broadcast %get3A_341 : vector<1x512xf32> to vector<128x512xf32>
      %max3A_362 = arith.maximumf %max3A_360, %max3A_361 : vector<128x512xf32>
      %max3A_363 = vector.broadcast %dot_general3A_265 : vector<128x1xf32> to vector<128x512xf32>
      %max3A_364 = vector.broadcast %get3A_344 : vector<1x512xf32> to vector<128x512xf32>
      %max3A_365 = arith.maximumf %max3A_363, %max3A_364 : vector<128x512xf32>
      %min3A_366 = vector.broadcast %dot_general3A_267 : vector<128x1xf32> to vector<128x512xf32>
      %min3A_367 = vector.broadcast %get3A_347 : vector<1x512xf32> to vector<128x512xf32>
      %min3A_368 = arith.minimumf %min3A_366, %min3A_367 : vector<128x512xf32>
      %min3A_369 = vector.broadcast %dot_general3A_269 : vector<128x1xf32> to vector<128x512xf32>
      %min3A_370 = vector.broadcast %get3A_350 : vector<1x512xf32> to vector<128x512xf32>
      %min3A_371 = arith.minimumf %min3A_369, %min3A_370 : vector<128x512xf32>
      %sub3A_372 = arith.subf %min3A_368, %max3A_362 : vector<128x512xf32>
      %jit3A_373 = arith.constant 0.000000e+00 : f32
      %max3A_374 = vector.broadcast %jit3A_373 : f32 to vector<128x512xf32>
      %max3A_375 = arith.maximumf %max3A_374, %sub3A_372 : vector<128x512xf32>
      %sub3A_376 = arith.subf %min3A_371, %max3A_365 : vector<128x512xf32>
      %jit3A_377 = arith.constant 0.000000e+00 : f32
      %max3A_378 = vector.broadcast %jit3A_377 : f32 to vector<128x512xf32>
      %max3A_379 = arith.maximumf %max3A_378, %sub3A_376 : vector<128x512xf32>
      %mul3A_380 = arith.mulf %max3A_375, %max3A_379 : vector<128x512xf32>
      %add3A_381 = vector.broadcast %mul3A_287 : vector<128x1xf32> to vector<128x512xf32>
      %add3A_382 = vector.broadcast %mul3A_359 : vector<1x512xf32> to vector<128x512xf32>
      %add3A_383 = arith.addf %add3A_381, %add3A_382 : vector<128x512xf32>
      %sub3A_384 = arith.subf %add3A_383, %mul3A_380 : vector<128x512xf32>
      %max3A_385 = arith.constant 9.99999971E-10 : f32
      %max3A_386 = vector.broadcast %max3A_385 : f32 to vector<128x512xf32>
      %max3A_387 = arith.maximumf %sub3A_384, %max3A_386 : vector<128x512xf32>
      %div3A_388 = arith.divf %mul3A_380, %max3A_387 : vector<128x512xf32>
      %gt3A_389 = arith.constant 5.000000e-01 : f32
      %gt3A_390 = vector.broadcast %gt3A_389 : f32 to vector<128x512xf32>
      %gt3A_391 = arith.cmpf ogt, %div3A_388, %gt3A_390 : vector<128x512xf32>
      %jit3A_392 = arith.constant 1.000000e+00 : f32
      %jit3A_393 = arith.constant 0.000000e+00 : f32
      %broadcast_in_dim3A_394 = vector.broadcast %jit3A_392 : f32 to vector<128x512xf32>
      %broadcast_in_dim3A_395 = vector.broadcast %jit3A_393 : f32 to vector<128x512xf32>
      %select_n3A_396 = arith.select %gt3A_391, %broadcast_in_dim3A_394, %broadcast_in_dim3A_395 : vector<128x512xi1>, vector<128x512xf32>
      %mul3A_397 = vector.broadcast %dot_general3A_338 : vector<128x1xf32> to vector<128x512xf32>
      %mul3A_398 = arith.mulf %select_n3A_396, %mul3A_397 : vector<128x512xf32>
      %reduce_max3A_399 = arith.constant dense<0xFF800000> : vector<512xf32>
      %reduce_max3A_400 = vector.multi_reduction <maximumf>, %mul3A_398, %reduce_max3A_399 [0] : vector<128x512xf32> to vector<512xf32>
      %broadcast_in_dim3A_401 = vector.shape_cast %reduce_max3A_400 : vector<512xf32> to vector<1x512xf32>
      %get3A_402 = arith.index_cast %while3A_70 : i32 to index
      %get3A_403 = arith.constant 0 : index
      %get3A_404 = vector.load %arg6[%get3A_402, %get3A_403] : memref<40x512xf32, #tpu.memory_space<vmem>>, vector<1x512xf32>
      %sub3A_405 = arith.constant 1.000000e+00 : f32
      %sub3A_406 = vector.broadcast %sub3A_405 : f32 to vector<1x512xf32>
      %sub3A_407 = arith.subf %sub3A_406, %broadcast_in_dim3A_401 : vector<1x512xf32>
      %mul3A_408 = arith.mulf %get3A_404, %sub3A_407 : vector<1x512xf32>
      %swap3A_409 = arith.index_cast %while3A_70 : i32 to index
      %swap3A_410 = arith.constant 0 : index
      %swap3A_411 = vector.load %arg6[%swap3A_409, %swap3A_410] : memref<40x512xf32, #tpu.memory_space<vmem>>, vector<1x512xf32>
      tpu.vector_store %arg6[%swap3A_409, %swap3A_410], %mul3A_408 {strides = array<i32>} : memref<40x512xf32, #tpu.memory_space<vmem>>, vector<1x512xf32>,
      %get3A_412 = arith.index_cast %while3A_70 : i32 to index
      %get3A_413 = arith.constant 0 : index
      %get3A_414 = vector.load %arg6[%get3A_412, %get3A_413] : memref<40x512xf32, #tpu.memory_space<vmem>>, vector<1x512xf32>
      %broadcast_in_dim3A_415 = arith.constant 0.000000e+00 : f32
      %broadcast_in_dim3A_416 = vector.broadcast %broadcast_in_dim3A_415 : f32 to vector<1x128xf32>
      %broadcast_in_dim3A_417 = arith.constant 0.000000e+00 : f32
      %broadcast_in_dim3A_418 = vector.broadcast %broadcast_in_dim3A_417 : f32 to vector<1x128xf32>
      %broadcast_in_dim3A_419 = arith.constant 0.000000e+00 : f32
      %broadcast_in_dim3A_420 = vector.broadcast %broadcast_in_dim3A_419 : f32 to vector<1x128xf32>
      %concatenate3A_421 = tpu.concatenate %broadcast_in_dim3A_416, %while3A_336#0, %broadcast_in_dim3A_418, %broadcast_in_dim3A_420 in 1 : vector<1x128xf32>, vector<1x128xf32>, vector<1x128xf32>, vector<1x128xf32> -> vector<1x512xf32>
      %eq3A_422 = arith.constant 1 : i32
      %eq3A_423 = vector.broadcast %eq3A_422 : i32 to vector<1x512xi32>
      %eq3A_424 = arith.cmpi eq, %select_n3A_58, %eq3A_423 : vector<1x512xi32>
      %select_n3A_425 = arith.select %eq3A_424, %concatenate3A_421, %get3A_414 : vector<1x512xi1>, vector<1x512xf32>
      %swap3A_426 = arith.index_cast %while3A_70 : i32 to index
      %swap3A_427 = arith.constant 0 : index
      %swap3A_428 = vector.load %arg6[%swap3A_426, %swap3A_427] : memref<40x512xf32, #tpu.memory_space<vmem>>, vector<1x512xf32>
      tpu.vector_store %arg6[%swap3A_426, %swap3A_427], %select_n3A_425 {strides = array<i32>} : memref<40x512xf32, #tpu.memory_space<vmem>>, vector<1x512xf32>,
      %add3A_429 = arith.constant 1 : i32
      %add3A_430 = arith.addi %while3A_70, %add3A_429 : i32
      %while3A_431 = arith.constant 0 : i32
      %while3A_432 = arith.subi %select_n3A, %add3A_430 : i32
      %while3A_433 = arith.addi %add3A_430, %while3A_432 : i32
      %while3A_434 = arith.constant 1 : i32
      %while3A_435 = arith.divsi %while3A_432, %while3A_434 : i32
      %while3A_436 = arith.muli %while3A_435, %while3A_434 : i32
      %while3A_437 = arith.addi %add3A_430, %while3A_436 : i32
      %while3A_438 = arith.constant 1 : i32
      %while3A_439 = scf.for %while3A_811 = %add3A_430 to %while3A_437 step %while3A_438 iter_args(%while3A_812 = %while3A_431) -> (i32)  : i32 {
        %get3A_813 = arith.index_cast %while3A_811 : i32 to index
        %get3A_814 = arith.constant 0 : index
        %get3A_815 = vector.load %arg1[%get3A_813, %get3A_814] : memref<40x512xf32, #tpu.memory_space<vmem>>, vector<1x512xf32>
        %get3A_816 = arith.index_cast %while3A_811 : i32 to index
        %get3A_817 = arith.constant 0 : index
        %get3A_818 = vector.load %arg2[%get3A_816, %get3A_817] : memref<40x512xf32, #tpu.memory_space<vmem>>, vector<1x512xf32>
        %get3A_819 = arith.index_cast %while3A_811 : i32 to index
        %get3A_820 = arith.constant 0 : index
        %get3A_821 = vector.load %arg3[%get3A_819, %get3A_820] : memref<40x512xf32, #tpu.memory_space<vmem>>, vector<1x512xf32>
        %get3A_822 = arith.index_cast %while3A_811 : i32 to index
        %get3A_823 = arith.constant 0 : index
        %get3A_824 = vector.load %arg4[%get3A_822, %get3A_823] : memref<40x512xf32, #tpu.memory_space<vmem>>, vector<1x512xf32>
        %sub3A_825 = arith.subf %get3A_821, %get3A_815 : vector<1x512xf32>
        %jit3A_826 = arith.constant 0.000000e+00 : f32
        %max3A_827 = vector.broadcast %jit3A_826 : f32 to vector<1x512xf32>
        %max3A_828 = arith.maximumf %max3A_827, %sub3A_825 : vector<1x512xf32>
        %sub3A_829 = arith.subf %get3A_824, %get3A_818 : vector<1x512xf32>
        %jit3A_830 = arith.constant 0.000000e+00 : f32
        %max3A_831 = vector.broadcast %jit3A_830 : f32 to vector<1x512xf32>
        %max3A_832 = arith.maximumf %max3A_831, %sub3A_829 : vector<1x512xf32>
        %mul3A_833 = arith.mulf %max3A_828, %max3A_832 : vector<1x512xf32>
        %max3A_834 = vector.broadcast %dot_general3A_263 : vector<128x1xf32> to vector<128x512xf32>
        %max3A_835 = vector.broadcast %get3A_815 : vector<1x512xf32> to vector<128x512xf32>
        %max3A_836 = arith.maximumf %max3A_834, %max3A_835 : vector<128x512xf32>
        %max3A_837 = vector.broadcast %dot_general3A_265 : vector<128x1xf32> to vector<128x512xf32>
        %max3A_838 = vector.broadcast %get3A_818 : vector<1x512xf32> to vector<128x512xf32>
        %max3A_839 = arith.maximumf %max3A_837, %max3A_838 : vector<128x512xf32>
        %min3A_840 = vector.broadcast %dot_general3A_267 : vector<128x1xf32> to vector<128x512xf32>
        %min3A_841 = vector.broadcast %get3A_821 : vector<1x512xf32> to vector<128x512xf32>
        %min3A_842 = arith.minimumf %min3A_840, %min3A_841 : vector<128x512xf32>
        %min3A_843 = vector.broadcast %dot_general3A_269 : vector<128x1xf32> to vector<128x512xf32>
        %min3A_844 = vector.broadcast %get3A_824 : vector<1x512xf32> to vector<128x512xf32>
        %min3A_845 = arith.minimumf %min3A_843, %min3A_844 : vector<128x512xf32>
        %sub3A_846 = arith.subf %min3A_842, %max3A_836 : vector<128x512xf32>
        %jit3A_847 = arith.constant 0.000000e+00 : f32
        %max3A_848 = vector.broadcast %jit3A_847 : f32 to vector<128x512xf32>
        %max3A_849 = arith.maximumf %max3A_848, %sub3A_846 : vector<128x512xf32>
        %sub3A_850 = arith.subf %min3A_845, %max3A_839 : vector<128x512xf32>
        %jit3A_851 = arith.constant 0.000000e+00 : f32
        %max3A_852 = vector.broadcast %jit3A_851 : f32 to vector<128x512xf32>
        %max3A_853 = arith.maximumf %max3A_852, %sub3A_850 : vector<128x512xf32>
        %mul3A_854 = arith.mulf %max3A_849, %max3A_853 : vector<128x512xf32>
        %add3A_855 = vector.broadcast %mul3A_287 : vector<128x1xf32> to vector<128x512xf32>
        %add3A_856 = vector.broadcast %mul3A_833 : vector<1x512xf32> to vector<128x512xf32>
        %add3A_857 = arith.addf %add3A_855, %add3A_856 : vector<128x512xf32>
        %sub3A_858 = arith.subf %add3A_857, %mul3A_854 : vector<128x512xf32>
        %max3A_859 = arith.constant 9.99999971E-10 : f32
        %max3A_860 = vector.broadcast %max3A_859 : f32 to vector<128x512xf32>
        %max3A_861 = arith.maximumf %sub3A_858, %max3A_860 : vector<128x512xf32>
        %div3A_862 = arith.divf %mul3A_854, %max3A_861 : vector<128x512xf32>
        %gt3A_863 = arith.constant 5.000000e-01 : f32
        %gt3A_864 = vector.broadcast %gt3A_863 : f32 to vector<128x512xf32>
        %gt3A_865 = arith.cmpf ogt, %div3A_862, %gt3A_864 : vector<128x512xf32>
        %jit3A_866 = arith.constant 1.000000e+00 : f32
        %jit3A_867 = arith.constant 0.000000e+00 : f32
        %broadcast_in_dim3A_868 = vector.broadcast %jit3A_866 : f32 to vector<128x512xf32>
        %broadcast_in_dim3A_869 = vector.broadcast %jit3A_867 : f32 to vector<128x512xf32>
        %select_n3A_870 = arith.select %gt3A_865, %broadcast_in_dim3A_868, %broadcast_in_dim3A_869 : vector<128x512xi1>, vector<128x512xf32>
        %mul3A_871 = vector.broadcast %dot_general3A_338 : vector<128x1xf32> to vector<128x512xf32>
        %mul3A_872 = arith.mulf %select_n3A_870, %mul3A_871 : vector<128x512xf32>
        %reduce_max3A_873 = arith.constant dense<0xFF800000> : vector<512xf32>
        %reduce_max3A_874 = vector.multi_reduction <maximumf>, %mul3A_872, %reduce_max3A_873 [0] : vector<128x512xf32> to vector<512xf32>
        %broadcast_in_dim3A_875 = vector.shape_cast %reduce_max3A_874 : vector<512xf32> to vector<1x512xf32>
        %get3A_876 = arith.index_cast %while3A_811 : i32 to index
        %get3A_877 = arith.constant 0 : index
        %get3A_878 = vector.load %arg6[%get3A_876, %get3A_877] : memref<40x512xf32, #tpu.memory_space<vmem>>, vector<1x512xf32>
        %sub3A_879 = arith.constant 1.000000e+00 : f32
        %sub3A_880 = vector.broadcast %sub3A_879 : f32 to vector<1x512xf32>
        %sub3A_881 = arith.subf %sub3A_880, %broadcast_in_dim3A_875 : vector<1x512xf32>
        %mul3A_882 = arith.mulf %get3A_878, %sub3A_881 : vector<1x512xf32>
        %swap3A_883 = arith.index_cast %while3A_811 : i32 to index
        %swap3A_884 = arith.constant 0 : index
        %swap3A_885 = vector.load %arg6[%swap3A_883, %swap3A_884] : memref<40x512xf32, #tpu.memory_space<vmem>>, vector<1x512xf32>
        tpu.vector_store %arg6[%swap3A_883, %swap3A_884], %mul3A_882 {strides = array<i32>} : memref<40x512xf32, #tpu.memory_space<vmem>>, vector<1x512xf32>,
        %while3A_886 = arith.constant 0 : i32
        scf.yield %while3A_886 : i32
      }
      %while3A_440 = arith.constant 1 : i32
      %while3A_441 = scf.for %while3A_811 = %while3A_437 to %while3A_433 step %while3A_440 iter_args(%while3A_812 = %while3A_439) -> (i32)  : i32 {
        %get3A_813 = arith.index_cast %while3A_811 : i32 to index
        %get3A_814 = arith.constant 0 : index
        %get3A_815 = vector.load %arg1[%get3A_813, %get3A_814] : memref<40x512xf32, #tpu.memory_space<vmem>>, vector<1x512xf32>
        %get3A_816 = arith.index_cast %while3A_811 : i32 to index
        %get3A_817 = arith.constant 0 : index
        %get3A_818 = vector.load %arg2[%get3A_816, %get3A_817] : memref<40x512xf32, #tpu.memory_space<vmem>>, vector<1x512xf32>
        %get3A_819 = arith.index_cast %while3A_811 : i32 to index
        %get3A_820 = arith.constant 0 : index
        %get3A_821 = vector.load %arg3[%get3A_819, %get3A_820] : memref<40x512xf32, #tpu.memory_space<vmem>>, vector<1x512xf32>
        %get3A_822 = arith.index_cast %while3A_811 : i32 to index
        %get3A_823 = arith.constant 0 : index
        %get3A_824 = vector.load %arg4[%get3A_822, %get3A_823] : memref<40x512xf32, #tpu.memory_space<vmem>>, vector<1x512xf32>
        %sub3A_825 = arith.subf %get3A_821, %get3A_815 : vector<1x512xf32>
        %jit3A_826 = arith.constant 0.000000e+00 : f32
        %max3A_827 = vector.broadcast %jit3A_826 : f32 to vector<1x512xf32>
        %max3A_828 = arith.maximumf %max3A_827, %sub3A_825 : vector<1x512xf32>
        %sub3A_829 = arith.subf %get3A_824, %get3A_818 : vector<1x512xf32>
        %jit3A_830 = arith.constant 0.000000e+00 : f32
        %max3A_831 = vector.broadcast %jit3A_830 : f32 to vector<1x512xf32>
        %max3A_832 = arith.maximumf %max3A_831, %sub3A_829 : vector<1x512xf32>
        %mul3A_833 = arith.mulf %max3A_828, %max3A_832 : vector<1x512xf32>
        %max3A_834 = vector.broadcast %dot_general3A_263 : vector<128x1xf32> to vector<128x512xf32>
        %max3A_835 = vector.broadcast %get3A_815 : vector<1x512xf32> to vector<128x512xf32>
        %max3A_836 = arith.maximumf %max3A_834, %max3A_835 : vector<128x512xf32>
        %max3A_837 = vector.broadcast %dot_general3A_265 : vector<128x1xf32> to vector<128x512xf32>
        %max3A_838 = vector.broadcast %get3A_818 : vector<1x512xf32> to vector<128x512xf32>
        %max3A_839 = arith.maximumf %max3A_837, %max3A_838 : vector<128x512xf32>
        %min3A_840 = vector.broadcast %dot_general3A_267 : vector<128x1xf32> to vector<128x512xf32>
        %min3A_841 = vector.broadcast %get3A_821 : vector<1x512xf32> to vector<128x512xf32>
        %min3A_842 = arith.minimumf %min3A_840, %min3A_841 : vector<128x512xf32>
        %min3A_843 = vector.broadcast %dot_general3A_269 : vector<128x1xf32> to vector<128x512xf32>
        %min3A_844 = vector.broadcast %get3A_824 : vector<1x512xf32> to vector<128x512xf32>
        %min3A_845 = arith.minimumf %min3A_843, %min3A_844 : vector<128x512xf32>
        %sub3A_846 = arith.subf %min3A_842, %max3A_836 : vector<128x512xf32>
        %jit3A_847 = arith.constant 0.000000e+00 : f32
        %max3A_848 = vector.broadcast %jit3A_847 : f32 to vector<128x512xf32>
        %max3A_849 = arith.maximumf %max3A_848, %sub3A_846 : vector<128x512xf32>
        %sub3A_850 = arith.subf %min3A_845, %max3A_839 : vector<128x512xf32>
        %jit3A_851 = arith.constant 0.000000e+00 : f32
        %max3A_852 = vector.broadcast %jit3A_851 : f32 to vector<128x512xf32>
        %max3A_853 = arith.maximumf %max3A_852, %sub3A_850 : vector<128x512xf32>
        %mul3A_854 = arith.mulf %max3A_849, %max3A_853 : vector<128x512xf32>
        %add3A_855 = vector.broadcast %mul3A_287 : vector<128x1xf32> to vector<128x512xf32>
        %add3A_856 = vector.broadcast %mul3A_833 : vector<1x512xf32> to vector<128x512xf32>
        %add3A_857 = arith.addf %add3A_855, %add3A_856 : vector<128x512xf32>
        %sub3A_858 = arith.subf %add3A_857, %mul3A_854 : vector<128x512xf32>
        %max3A_859 = arith.constant 9.99999971E-10 : f32
        %max3A_860 = vector.broadcast %max3A_859 : f32 to vector<128x512xf32>
        %max3A_861 = arith.maximumf %sub3A_858, %max3A_860 : vector<128x512xf32>
        %div3A_862 = arith.divf %mul3A_854, %max3A_861 : vector<128x512xf32>
        %gt3A_863 = arith.constant 5.000000e-01 : f32
        %gt3A_864 = vector.broadcast %gt3A_863 : f32 to vector<128x512xf32>
        %gt3A_865 = arith.cmpf ogt, %div3A_862, %gt3A_864 : vector<128x512xf32>
        %jit3A_866 = arith.constant 1.000000e+00 : f32
        %jit3A_867 = arith.constant 0.000000e+00 : f32
        %broadcast_in_dim3A_868 = vector.broadcast %jit3A_866 : f32 to vector<128x512xf32>
        %broadcast_in_dim3A_869 = vector.broadcast %jit3A_867 : f32 to vector<128x512xf32>
        %select_n3A_870 = arith.select %gt3A_865, %broadcast_in_dim3A_868, %broadcast_in_dim3A_869 : vector<128x512xi1>, vector<128x512xf32>
        %mul3A_871 = vector.broadcast %dot_general3A_338 : vector<128x1xf32> to vector<128x512xf32>
        %mul3A_872 = arith.mulf %select_n3A_870, %mul3A_871 : vector<128x512xf32>
        %reduce_max3A_873 = arith.constant dense<0xFF800000> : vector<512xf32>
        %reduce_max3A_874 = vector.multi_reduction <maximumf>, %mul3A_872, %reduce_max3A_873 [0] : vector<128x512xf32> to vector<512xf32>
        %broadcast_in_dim3A_875 = vector.shape_cast %reduce_max3A_874 : vector<512xf32> to vector<1x512xf32>
        %get3A_876 = arith.index_cast %while3A_811 : i32 to index
        %get3A_877 = arith.constant 0 : index
        %get3A_878 = vector.load %arg6[%get3A_876, %get3A_877] : memref<40x512xf32, #tpu.memory_space<vmem>>, vector<1x512xf32>
        %sub3A_879 = arith.constant 1.000000e+00 : f32
        %sub3A_880 = vector.broadcast %sub3A_879 : f32 to vector<1x512xf32>
        %sub3A_881 = arith.subf %sub3A_880, %broadcast_in_dim3A_875 : vector<1x512xf32>
        %mul3A_882 = arith.mulf %get3A_878, %sub3A_881 : vector<1x512xf32>
        %swap3A_883 = arith.index_cast %while3A_811 : i32 to index
        %swap3A_884 = arith.constant 0 : index
        %swap3A_885 = vector.load %arg6[%swap3A_883, %swap3A_884] : memref<40x512xf32, #tpu.memory_space<vmem>>, vector<1x512xf32>
        tpu.vector_store %arg6[%swap3A_883, %swap3A_884], %mul3A_882 {strides = array<i32>} : memref<40x512xf32, #tpu.memory_space<vmem>>, vector<1x512xf32>,
        %while3A_886 = arith.constant 0 : i32
        scf.yield %while3A_886 : i32
      }
      %slice3A_442 = vector.extract_strided_slice %get3A_74 {offsets = [0, 256], sizes = [1, 128], strides = [1, 1]} : vector<1x512xf32> to vector<1x128xf32>
      %slice3A_443 = vector.extract_strided_slice %get3A_77 {offsets = [0, 256], sizes = [1, 128], strides = [1, 1]} : vector<1x512xf32> to vector<1x128xf32>
      %slice3A_444 = vector.extract_strided_slice %get3A_80 {offsets = [0, 256], sizes = [1, 128], strides = [1, 1]} : vector<1x512xf32> to vector<1x128xf32>
      %slice3A_445 = vector.extract_strided_slice %get3A_83 {offsets = [0, 256], sizes = [1, 128], strides = [1, 1]} : vector<1x512xf32> to vector<1x128xf32>
      %dot_general3A_446 = arith.constant dense<0.000000e+00> : vector<128x1xf32>
      %dot_general3A_447 = tpu.matmul %convert_element_type3A_1, %slice3A_442, %dot_general3A_446 {dimension_numbers = #tpu.dot_dimension_numbers<[1], [1], [0], [0], [0, 0, 1, 0], [], []>, transpose_lhs_hint = false} : vector<128x128xf32>, vector<1x128xf32>, vector<128x1xf32> -> vector<128x1xf32>
      %dot_general3A_448 = arith.constant dense<0.000000e+00> : vector<128x1xf32>
      %dot_general3A_449 = tpu.matmul %convert_element_type3A_1, %slice3A_443, %dot_general3A_448 {dimension_numbers = #tpu.dot_dimension_numbers<[1], [1], [0], [0], [0, 0, 1, 0], [], []>, transpose_lhs_hint = false} : vector<128x128xf32>, vector<1x128xf32>, vector<128x1xf32> -> vector<128x1xf32>
      %dot_general3A_450 = arith.constant dense<0.000000e+00> : vector<128x1xf32>
      %dot_general3A_451 = tpu.matmul %convert_element_type3A_1, %slice3A_444, %dot_general3A_450 {dimension_numbers = #tpu.dot_dimension_numbers<[1], [1], [0], [0], [0, 0, 1, 0], [], []>, transpose_lhs_hint = false} : vector<128x128xf32>, vector<1x128xf32>, vector<128x1xf32> -> vector<128x1xf32>
      %dot_general3A_452 = arith.constant dense<0.000000e+00> : vector<128x1xf32>
      %dot_general3A_453 = tpu.matmul %convert_element_type3A_1, %slice3A_445, %dot_general3A_452 {dimension_numbers = #tpu.dot_dimension_numbers<[1], [1], [0], [0], [0, 0, 1, 0], [], []>, transpose_lhs_hint = false} : vector<128x128xf32>, vector<1x128xf32>, vector<128x1xf32> -> vector<128x1xf32>
      %sub3A_454 = arith.subf %slice3A_444, %slice3A_442 : vector<1x128xf32>
      %jit3A_455 = arith.constant 0.000000e+00 : f32
      %max3A_456 = vector.broadcast %jit3A_455 : f32 to vector<1x128xf32>
      %max3A_457 = arith.maximumf %max3A_456, %sub3A_454 : vector<1x128xf32>
      %sub3A_458 = arith.subf %slice3A_445, %slice3A_443 : vector<1x128xf32>
      %jit3A_459 = arith.constant 0.000000e+00 : f32
      %max3A_460 = vector.broadcast %jit3A_459 : f32 to vector<1x128xf32>
      %max3A_461 = arith.maximumf %max3A_460, %sub3A_458 : vector<1x128xf32>
      %mul3A_462 = arith.mulf %max3A_457, %max3A_461 : vector<1x128xf32>
      %sub3A_463 = arith.subf %dot_general3A_451, %dot_general3A_447 : vector<128x1xf32>
      %jit3A_464 = arith.constant 0.000000e+00 : f32
      %max3A_465 = vector.broadcast %jit3A_464 : f32 to vector<128x1xf32>
      %max3A_466 = arith.maximumf %max3A_465, %sub3A_463 : vector<128x1xf32>
      %sub3A_467 = arith.subf %dot_general3A_453, %dot_general3A_449 : vector<128x1xf32>
      %jit3A_468 = arith.constant 0.000000e+00 : f32
      %max3A_469 = vector.broadcast %jit3A_468 : f32 to vector<128x1xf32>
      %max3A_470 = arith.maximumf %max3A_469, %sub3A_467 : vector<128x1xf32>
      %mul3A_471 = arith.mulf %max3A_466, %max3A_470 : vector<128x1xf32>
      %max3A_472 = vector.broadcast %dot_general3A_447 : vector<128x1xf32> to vector<128x128xf32>
      %max3A_473 = vector.broadcast %slice3A_442 : vector<1x128xf32> to vector<128x128xf32>
      %max3A_474 = arith.maximumf %max3A_472, %max3A_473 : vector<128x128xf32>
      %max3A_475 = vector.broadcast %dot_general3A_449 : vector<128x1xf32> to vector<128x128xf32>
      %max3A_476 = vector.broadcast %slice3A_443 : vector<1x128xf32> to vector<128x128xf32>
      %max3A_477 = arith.maximumf %max3A_475, %max3A_476 : vector<128x128xf32>
      %min3A_478 = vector.broadcast %dot_general3A_451 : vector<128x1xf32> to vector<128x128xf32>
      %min3A_479 = vector.broadcast %slice3A_444 : vector<1x128xf32> to vector<128x128xf32>
      %min3A_480 = arith.minimumf %min3A_478, %min3A_479 : vector<128x128xf32>
      %min3A_481 = vector.broadcast %dot_general3A_453 : vector<128x1xf32> to vector<128x128xf32>
      %min3A_482 = vector.broadcast %slice3A_445 : vector<1x128xf32> to vector<128x128xf32>
      %min3A_483 = arith.minimumf %min3A_481, %min3A_482 : vector<128x128xf32>
      %sub3A_484 = arith.subf %min3A_480, %max3A_474 : vector<128x128xf32>
      %jit3A_485 = arith.constant 0.000000e+00 : f32
      %max3A_486 = vector.broadcast %jit3A_485 : f32 to vector<128x128xf32>
      %max3A_487 = arith.maximumf %max3A_486, %sub3A_484 : vector<128x128xf32>
      %sub3A_488 = arith.subf %min3A_483, %max3A_477 : vector<128x128xf32>
      %jit3A_489 = arith.constant 0.000000e+00 : f32
      %max3A_490 = vector.broadcast %jit3A_489 : f32 to vector<128x128xf32>
      %max3A_491 = arith.maximumf %max3A_490, %sub3A_488 : vector<128x128xf32>
      %mul3A_492 = arith.mulf %max3A_487, %max3A_491 : vector<128x128xf32>
      %add3A_493 = vector.broadcast %mul3A_471 : vector<128x1xf32> to vector<128x128xf32>
      %add3A_494 = vector.broadcast %mul3A_462 : vector<1x128xf32> to vector<128x128xf32>
      %add3A_495 = arith.addf %add3A_493, %add3A_494 : vector<128x128xf32>
      %sub3A_496 = arith.subf %add3A_495, %mul3A_492 : vector<128x128xf32>
      %max3A_497 = arith.constant 9.99999971E-10 : f32
      %max3A_498 = vector.broadcast %max3A_497 : f32 to vector<128x128xf32>
      %max3A_499 = arith.maximumf %sub3A_496, %max3A_498 : vector<128x128xf32>
      %div3A_500 = arith.divf %mul3A_492, %max3A_499 : vector<128x128xf32>
      %gt3A_501 = arith.constant 5.000000e-01 : f32
      %gt3A_502 = vector.broadcast %gt3A_501 : f32 to vector<128x128xf32>
      %gt3A_503 = arith.cmpf ogt, %div3A_500, %gt3A_502 : vector<128x128xf32>
      %lt3A_504 = arith.cmpi slt, %iota3A_2, %iota3A_3 : vector<128x128xi32>
      %and3A_505 = arith.andi %gt3A_503, %lt3A_504 : vector<128x128xi1>
      %jit3A_506 = arith.constant 1.000000e+00 : f32
      %jit3A_507 = arith.constant 0.000000e+00 : f32
      %broadcast_in_dim3A_508 = vector.broadcast %jit3A_506 : f32 to vector<128x128xf32>
      %broadcast_in_dim3A_509 = vector.broadcast %jit3A_507 : f32 to vector<128x128xf32>
      %select_n3A_510 = arith.select %and3A_505, %broadcast_in_dim3A_508, %broadcast_in_dim3A_509 : vector<128x128xi1>, vector<128x128xf32>
      %swap3A_511 = arith.constant 0 : index
      %swap3A_512 = arith.constant 0 : index
      %swap3A_513 = vector.load %arg7[%swap3A_511, %swap3A_512] : memref<128x128xf32, #tpu.memory_space<vmem>>, vector<128x128xf32>
      tpu.vector_store %arg7[%swap3A_511, %swap3A_512], %select_n3A_510 {strides = array<i32>} : memref<128x128xf32, #tpu.memory_space<vmem>>, vector<128x128xf32>,
      %get3A_514 = arith.index_cast %while3A_70 : i32 to index
      %get3A_515 = arith.constant 0 : index
      %get3A_516 = vector.load %arg6[%get3A_514, %get3A_515] : memref<40x512xf32, #tpu.memory_space<vmem>>, vector<1x512xf32>
      %slice3A_517 = vector.extract_strided_slice %get3A_516 {offsets = [0, 256], sizes = [1, 128], strides = [1, 1]} : vector<1x512xf32> to vector<1x128xf32>
      %broadcast_in_dim3A_518 = arith.constant 0.000000e+00 : f32
      %broadcast_in_dim3A_519 = vector.broadcast %broadcast_in_dim3A_518 : f32 to vector<1x128xf32>
      %while3A_520:2 = scf.while (%while3A_811 = %broadcast_in_dim3A_519, %while3A_812 = %broadcast_in_dim3A_519) : (vector<1x128xf32>, vector<1x128xf32>) -> (vector<1x128xf32>, vector<1x128xf32>) {
        %sub3A_813 = arith.constant 1.000000e+00 : f32
        %sub3A_814 = vector.broadcast %sub3A_813 : f32 to vector<1x128xf32>
        %sub3A_815 = arith.subf %sub3A_814, %while3A_811 : vector<1x128xf32>
        %mul3A_816 = arith.mulf %slice3A_517, %sub3A_815 : vector<1x128xf32>
        %sub3A_817 = arith.constant 1.000000e+00 : f32
        %sub3A_818 = vector.broadcast %sub3A_817 : f32 to vector<1x128xf32>
        %sub3A_819 = arith.subf %sub3A_818, %while3A_812 : vector<1x128xf32>
        %mul3A_820 = arith.mulf %mul3A_816, %sub3A_819 : vector<1x128xf32>
        %reduce_sum3A = vector.shape_cast %mul3A_820 : vector<1x128xf32> to vector<1x1x128xf32>
        %reduce_sum3A_821 = arith.constant dense<0.000000e+00> : vector<1xf32>
        %reduce_sum3A_822 = vector.multi_reduction <add>, %reduce_sum3A, %reduce_sum3A_821 [1, 2] : vector<1x1x128xf32> to vector<1xf32>
        %reduce_sum3A_823 = vector.shape_cast %reduce_sum3A_822 : vector<1xf32> to vector<1x1x1xf32>
        %reduce_sum3A_824 = vector.extract %reduce_sum3A_823[0, 0, 0] : f32 from vector<1x1x1xf32>
        %gt3A_825 = arith.constant 0.000000e+00 : f32
        %gt3A_826 = arith.cmpf ogt, %reduce_sum3A_824, %gt3A_825 : f32
        scf.condition(%gt3A_826) %while3A_811, %while3A_812 : vector<1x128xf32>, vector<1x128xf32>
      } do {
      ^bb0(%while3A_811: vector<1x128xf32>, %while3A_812: vector<1x128xf32>):
        %sub3A_813 = arith.constant 1.000000e+00 : f32
        %sub3A_814 = vector.broadcast %sub3A_813 : f32 to vector<1x128xf32>
        %sub3A_815 = arith.subf %sub3A_814, %while3A_811 : vector<1x128xf32>
        %mul3A_816 = arith.mulf %slice3A_517, %sub3A_815 : vector<1x128xf32>
        %sub3A_817 = arith.constant 1.000000e+00 : f32
        %sub3A_818 = vector.broadcast %sub3A_817 : f32 to vector<1x128xf32>
        %sub3A_819 = arith.subf %sub3A_818, %while3A_812 : vector<1x128xf32>
        %mul3A_820 = arith.mulf %mul3A_816, %sub3A_819 : vector<1x128xf32>
        %get3A_821 = arith.constant 0 : index
        %get3A_822 = arith.constant 0 : index
        %get3A_823 = vector.load %arg7[%get3A_821, %get3A_822] : memref<128x128xf32, #tpu.memory_space<vmem>>, vector<128x128xf32>
        %sub3A_824 = arith.constant 1.000000e+00 : f32
        %sub3A_825 = vector.broadcast %sub3A_824 : f32 to vector<1x128xf32>
        %sub3A_826 = arith.subf %sub3A_825, %while3A_812 : vector<1x128xf32>
        %mul3A_827 = arith.mulf %slice3A_517, %sub3A_826 : vector<1x128xf32>
        %dot_general3A_828 = arith.constant dense<0.000000e+00> : vector<128x1xf32>
        %dot_general3A_829 = tpu.matmul %convert_element_type3A_1, %mul3A_827, %dot_general3A_828 {dimension_numbers = #tpu.dot_dimension_numbers<[1], [1], [0], [0], [0, 0, 1, 0], [], []>, transpose_lhs_hint = false} : vector<128x128xf32>, vector<1x128xf32>, vector<128x1xf32> -> vector<128x1xf32>
        %mul3A_830 = vector.broadcast %dot_general3A_829 : vector<128x1xf32> to vector<128x128xf32>
        %mul3A_831 = arith.mulf %get3A_823, %mul3A_830 : vector<128x128xf32>
        %reduce_max3A_832 = arith.constant dense<0xFF800000> : vector<128xf32>
        %reduce_max3A_833 = vector.multi_reduction <maximumf>, %mul3A_831, %reduce_max3A_832 [0] : vector<128x128xf32> to vector<128xf32>
        %broadcast_in_dim3A_834 = vector.shape_cast %reduce_max3A_833 : vector<128xf32> to vector<1x128xf32>
        %sub3A_835 = arith.constant 1.000000e+00 : f32
        %sub3A_836 = vector.broadcast %sub3A_835 : f32 to vector<1x128xf32>
        %sub3A_837 = arith.subf %sub3A_836, %broadcast_in_dim3A_834 : vector<1x128xf32>
        %mul3A_838 = arith.mulf %mul3A_820, %sub3A_837 : vector<1x128xf32>
        %add3A_839 = arith.addf %while3A_811, %mul3A_838 : vector<1x128xf32>
        %dot_general3A_840 = arith.constant dense<0.000000e+00> : vector<128x1xf32>
        %dot_general3A_841 = tpu.matmul %convert_element_type3A_1, %add3A_839, %dot_general3A_840 {dimension_numbers = #tpu.dot_dimension_numbers<[1], [1], [0], [0], [0, 0, 1, 0], [], []>, transpose_lhs_hint = false} : vector<128x128xf32>, vector<1x128xf32>, vector<128x1xf32> -> vector<128x1xf32>
        %mul3A_842 = vector.broadcast %dot_general3A_841 : vector<128x1xf32> to vector<128x128xf32>
        %mul3A_843 = arith.mulf %get3A_823, %mul3A_842 : vector<128x128xf32>
        %reduce_max3A_844 = arith.constant dense<0xFF800000> : vector<128xf32>
        %reduce_max3A_845 = vector.multi_reduction <maximumf>, %mul3A_843, %reduce_max3A_844 [0] : vector<128x128xf32> to vector<128xf32>
        %broadcast_in_dim3A_846 = vector.shape_cast %reduce_max3A_845 : vector<128xf32> to vector<1x128xf32>
        %mul3A_847 = arith.mulf %mul3A_820, %broadcast_in_dim3A_846 : vector<1x128xf32>
        %add3A_848 = arith.addf %while3A_812, %mul3A_847 : vector<1x128xf32>
        scf.yield %add3A_839, %add3A_848 : vector<1x128xf32>, vector<1x128xf32>
      }
      %dot_general3A_521 = arith.constant dense<0.000000e+00> : vector<128x1xf32>
      %dot_general3A_522 = tpu.matmul %convert_element_type3A_1, %while3A_520#0, %dot_general3A_521 {dimension_numbers = #tpu.dot_dimension_numbers<[1], [1], [0], [0], [0, 0, 1, 0], [], []>, transpose_lhs_hint = false} : vector<128x128xf32>, vector<1x128xf32>, vector<128x1xf32> -> vector<128x1xf32>
      %get3A_523 = arith.index_cast %while3A_70 : i32 to index
      %get3A_524 = arith.constant 0 : index
      %get3A_525 = vector.load %arg1[%get3A_523, %get3A_524] : memref<40x512xf32, #tpu.memory_space<vmem>>, vector<1x512xf32>
      %get3A_526 = arith.index_cast %while3A_70 : i32 to index
      %get3A_527 = arith.constant 0 : index
      %get3A_528 = vector.load %arg2[%get3A_526, %get3A_527] : memref<40x512xf32, #tpu.memory_space<vmem>>, vector<1x512xf32>
      %get3A_529 = arith.index_cast %while3A_70 : i32 to index
      %get3A_530 = arith.constant 0 : index
      %get3A_531 = vector.load %arg3[%get3A_529, %get3A_530] : memref<40x512xf32, #tpu.memory_space<vmem>>, vector<1x512xf32>
      %get3A_532 = arith.index_cast %while3A_70 : i32 to index
      %get3A_533 = arith.constant 0 : index
      %get3A_534 = vector.load %arg4[%get3A_532, %get3A_533] : memref<40x512xf32, #tpu.memory_space<vmem>>, vector<1x512xf32>
      %sub3A_535 = arith.subf %get3A_531, %get3A_525 : vector<1x512xf32>
      %jit3A_536 = arith.constant 0.000000e+00 : f32
      %max3A_537 = vector.broadcast %jit3A_536 : f32 to vector<1x512xf32>
      %max3A_538 = arith.maximumf %max3A_537, %sub3A_535 : vector<1x512xf32>
      %sub3A_539 = arith.subf %get3A_534, %get3A_528 : vector<1x512xf32>
      %jit3A_540 = arith.constant 0.000000e+00 : f32
      %max3A_541 = vector.broadcast %jit3A_540 : f32 to vector<1x512xf32>
      %max3A_542 = arith.maximumf %max3A_541, %sub3A_539 : vector<1x512xf32>
      %mul3A_543 = arith.mulf %max3A_538, %max3A_542 : vector<1x512xf32>
      %max3A_544 = vector.broadcast %dot_general3A_447 : vector<128x1xf32> to vector<128x512xf32>
      %max3A_545 = vector.broadcast %get3A_525 : vector<1x512xf32> to vector<128x512xf32>
      %max3A_546 = arith.maximumf %max3A_544, %max3A_545 : vector<128x512xf32>
      %max3A_547 = vector.broadcast %dot_general3A_449 : vector<128x1xf32> to vector<128x512xf32>
      %max3A_548 = vector.broadcast %get3A_528 : vector<1x512xf32> to vector<128x512xf32>
      %max3A_549 = arith.maximumf %max3A_547, %max3A_548 : vector<128x512xf32>
      %min3A_550 = vector.broadcast %dot_general3A_451 : vector<128x1xf32> to vector<128x512xf32>
      %min3A_551 = vector.broadcast %get3A_531 : vector<1x512xf32> to vector<128x512xf32>
      %min3A_552 = arith.minimumf %min3A_550, %min3A_551 : vector<128x512xf32>
      %min3A_553 = vector.broadcast %dot_general3A_453 : vector<128x1xf32> to vector<128x512xf32>
      %min3A_554 = vector.broadcast %get3A_534 : vector<1x512xf32> to vector<128x512xf32>
      %min3A_555 = arith.minimumf %min3A_553, %min3A_554 : vector<128x512xf32>
      %sub3A_556 = arith.subf %min3A_552, %max3A_546 : vector<128x512xf32>
      %jit3A_557 = arith.constant 0.000000e+00 : f32
      %max3A_558 = vector.broadcast %jit3A_557 : f32 to vector<128x512xf32>
      %max3A_559 = arith.maximumf %max3A_558, %sub3A_556 : vector<128x512xf32>
      %sub3A_560 = arith.subf %min3A_555, %max3A_549 : vector<128x512xf32>
      %jit3A_561 = arith.constant 0.000000e+00 : f32
      %max3A_562 = vector.broadcast %jit3A_561 : f32 to vector<128x512xf32>
      %max3A_563 = arith.maximumf %max3A_562, %sub3A_560 : vector<128x512xf32>
      %mul3A_564 = arith.mulf %max3A_559, %max3A_563 : vector<128x512xf32>
      %add3A_565 = vector.broadcast %mul3A_471 : vector<128x1xf32> to vector<128x512xf32>
      %add3A_566 = vector.broadcast %mul3A_543 : vector<1x512xf32> to vector<128x512xf32>
      %add3A_567 = arith.addf %add3A_565, %add3A_566 : vector<128x512xf32>
      %sub3A_568 = arith.subf %add3A_567, %mul3A_564 : vector<128x512xf32>
      %max3A_569 = arith.constant 9.99999971E-10 : f32
      %max3A_570 = vector.broadcast %max3A_569 : f32 to vector<128x512xf32>
      %max3A_571 = arith.maximumf %sub3A_568, %max3A_570 : vector<128x512xf32>
      %div3A_572 = arith.divf %mul3A_564, %max3A_571 : vector<128x512xf32>
      %gt3A_573 = arith.constant 5.000000e-01 : f32
      %gt3A_574 = vector.broadcast %gt3A_573 : f32 to vector<128x512xf32>
      %gt3A_575 = arith.cmpf ogt, %div3A_572, %gt3A_574 : vector<128x512xf32>
      %jit3A_576 = arith.constant 1.000000e+00 : f32
      %jit3A_577 = arith.constant 0.000000e+00 : f32
      %broadcast_in_dim3A_578 = vector.broadcast %jit3A_576 : f32 to vector<128x512xf32>
      %broadcast_in_dim3A_579 = vector.broadcast %jit3A_577 : f32 to vector<128x512xf32>
      %select_n3A_580 = arith.select %gt3A_575, %broadcast_in_dim3A_578, %broadcast_in_dim3A_579 : vector<128x512xi1>, vector<128x512xf32>
      %mul3A_581 = vector.broadcast %dot_general3A_522 : vector<128x1xf32> to vector<128x512xf32>
      %mul3A_582 = arith.mulf %select_n3A_580, %mul3A_581 : vector<128x512xf32>
      %reduce_max3A_583 = arith.constant dense<0xFF800000> : vector<512xf32>
      %reduce_max3A_584 = vector.multi_reduction <maximumf>, %mul3A_582, %reduce_max3A_583 [0] : vector<128x512xf32> to vector<512xf32>
      %broadcast_in_dim3A_585 = vector.shape_cast %reduce_max3A_584 : vector<512xf32> to vector<1x512xf32>
      %get3A_586 = arith.index_cast %while3A_70 : i32 to index
      %get3A_587 = arith.constant 0 : index
      %get3A_588 = vector.load %arg6[%get3A_586, %get3A_587] : memref<40x512xf32, #tpu.memory_space<vmem>>, vector<1x512xf32>
      %sub3A_589 = arith.constant 1.000000e+00 : f32
      %sub3A_590 = vector.broadcast %sub3A_589 : f32 to vector<1x512xf32>
      %sub3A_591 = arith.subf %sub3A_590, %broadcast_in_dim3A_585 : vector<1x512xf32>
      %mul3A_592 = arith.mulf %get3A_588, %sub3A_591 : vector<1x512xf32>
      %swap3A_593 = arith.index_cast %while3A_70 : i32 to index
      %swap3A_594 = arith.constant 0 : index
      %swap3A_595 = vector.load %arg6[%swap3A_593, %swap3A_594] : memref<40x512xf32, #tpu.memory_space<vmem>>, vector<1x512xf32>
      tpu.vector_store %arg6[%swap3A_593, %swap3A_594], %mul3A_592 {strides = array<i32>} : memref<40x512xf32, #tpu.memory_space<vmem>>, vector<1x512xf32>,
      %get3A_596 = arith.index_cast %while3A_70 : i32 to index
      %get3A_597 = arith.constant 0 : index
      %get3A_598 = vector.load %arg6[%get3A_596, %get3A_597] : memref<40x512xf32, #tpu.memory_space<vmem>>, vector<1x512xf32>
      %broadcast_in_dim3A_599 = arith.constant 0.000000e+00 : f32
      %broadcast_in_dim3A_600 = vector.broadcast %broadcast_in_dim3A_599 : f32 to vector<1x128xf32>
      %broadcast_in_dim3A_601 = arith.constant 0.000000e+00 : f32
      %broadcast_in_dim3A_602 = vector.broadcast %broadcast_in_dim3A_601 : f32 to vector<1x128xf32>
      %broadcast_in_dim3A_603 = arith.constant 0.000000e+00 : f32
      %broadcast_in_dim3A_604 = vector.broadcast %broadcast_in_dim3A_603 : f32 to vector<1x128xf32>
      %concatenate3A_605 = tpu.concatenate %broadcast_in_dim3A_600, %broadcast_in_dim3A_602, %while3A_520#0, %broadcast_in_dim3A_604 in 1 : vector<1x128xf32>, vector<1x128xf32>, vector<1x128xf32>, vector<1x128xf32> -> vector<1x512xf32>
      %eq3A_606 = arith.constant 2 : i32
      %eq3A_607 = vector.broadcast %eq3A_606 : i32 to vector<1x512xi32>
      %eq3A_608 = arith.cmpi eq, %select_n3A_58, %eq3A_607 : vector<1x512xi32>
      %select_n3A_609 = arith.select %eq3A_608, %concatenate3A_605, %get3A_598 : vector<1x512xi1>, vector<1x512xf32>
      %swap3A_610 = arith.index_cast %while3A_70 : i32 to index
      %swap3A_611 = arith.constant 0 : index
      %swap3A_612 = vector.load %arg6[%swap3A_610, %swap3A_611] : memref<40x512xf32, #tpu.memory_space<vmem>>, vector<1x512xf32>
      tpu.vector_store %arg6[%swap3A_610, %swap3A_611], %select_n3A_609 {strides = array<i32>} : memref<40x512xf32, #tpu.memory_space<vmem>>, vector<1x512xf32>,
      %add3A_613 = arith.constant 1 : i32
      %add3A_614 = arith.addi %while3A_70, %add3A_613 : i32
      %while3A_615 = arith.constant 0 : i32
      %while3A_616 = arith.subi %select_n3A, %add3A_614 : i32
      %while3A_617 = arith.addi %add3A_614, %while3A_616 : i32
      %while3A_618 = arith.constant 1 : i32
      %while3A_619 = arith.divsi %while3A_616, %while3A_618 : i32
      %while3A_620 = arith.muli %while3A_619, %while3A_618 : i32
      %while3A_621 = arith.addi %add3A_614, %while3A_620 : i32
      %while3A_622 = arith.constant 1 : i32
      %while3A_623 = scf.for %while3A_811 = %add3A_614 to %while3A_621 step %while3A_622 iter_args(%while3A_812 = %while3A_615) -> (i32)  : i32 {
        %get3A_813 = arith.index_cast %while3A_811 : i32 to index
        %get3A_814 = arith.constant 0 : index
        %get3A_815 = vector.load %arg1[%get3A_813, %get3A_814] : memref<40x512xf32, #tpu.memory_space<vmem>>, vector<1x512xf32>
        %get3A_816 = arith.index_cast %while3A_811 : i32 to index
        %get3A_817 = arith.constant 0 : index
        %get3A_818 = vector.load %arg2[%get3A_816, %get3A_817] : memref<40x512xf32, #tpu.memory_space<vmem>>, vector<1x512xf32>
        %get3A_819 = arith.index_cast %while3A_811 : i32 to index
        %get3A_820 = arith.constant 0 : index
        %get3A_821 = vector.load %arg3[%get3A_819, %get3A_820] : memref<40x512xf32, #tpu.memory_space<vmem>>, vector<1x512xf32>
        %get3A_822 = arith.index_cast %while3A_811 : i32 to index
        %get3A_823 = arith.constant 0 : index
        %get3A_824 = vector.load %arg4[%get3A_822, %get3A_823] : memref<40x512xf32, #tpu.memory_space<vmem>>, vector<1x512xf32>
        %sub3A_825 = arith.subf %get3A_821, %get3A_815 : vector<1x512xf32>
        %jit3A_826 = arith.constant 0.000000e+00 : f32
        %max3A_827 = vector.broadcast %jit3A_826 : f32 to vector<1x512xf32>
        %max3A_828 = arith.maximumf %max3A_827, %sub3A_825 : vector<1x512xf32>
        %sub3A_829 = arith.subf %get3A_824, %get3A_818 : vector<1x512xf32>
        %jit3A_830 = arith.constant 0.000000e+00 : f32
        %max3A_831 = vector.broadcast %jit3A_830 : f32 to vector<1x512xf32>
        %max3A_832 = arith.maximumf %max3A_831, %sub3A_829 : vector<1x512xf32>
        %mul3A_833 = arith.mulf %max3A_828, %max3A_832 : vector<1x512xf32>
        %max3A_834 = vector.broadcast %dot_general3A_447 : vector<128x1xf32> to vector<128x512xf32>
        %max3A_835 = vector.broadcast %get3A_815 : vector<1x512xf32> to vector<128x512xf32>
        %max3A_836 = arith.maximumf %max3A_834, %max3A_835 : vector<128x512xf32>
        %max3A_837 = vector.broadcast %dot_general3A_449 : vector<128x1xf32> to vector<128x512xf32>
        %max3A_838 = vector.broadcast %get3A_818 : vector<1x512xf32> to vector<128x512xf32>
        %max3A_839 = arith.maximumf %max3A_837, %max3A_838 : vector<128x512xf32>
        %min3A_840 = vector.broadcast %dot_general3A_451 : vector<128x1xf32> to vector<128x512xf32>
        %min3A_841 = vector.broadcast %get3A_821 : vector<1x512xf32> to vector<128x512xf32>
        %min3A_842 = arith.minimumf %min3A_840, %min3A_841 : vector<128x512xf32>
        %min3A_843 = vector.broadcast %dot_general3A_453 : vector<128x1xf32> to vector<128x512xf32>
        %min3A_844 = vector.broadcast %get3A_824 : vector<1x512xf32> to vector<128x512xf32>
        %min3A_845 = arith.minimumf %min3A_843, %min3A_844 : vector<128x512xf32>
        %sub3A_846 = arith.subf %min3A_842, %max3A_836 : vector<128x512xf32>
        %jit3A_847 = arith.constant 0.000000e+00 : f32
        %max3A_848 = vector.broadcast %jit3A_847 : f32 to vector<128x512xf32>
        %max3A_849 = arith.maximumf %max3A_848, %sub3A_846 : vector<128x512xf32>
        %sub3A_850 = arith.subf %min3A_845, %max3A_839 : vector<128x512xf32>
        %jit3A_851 = arith.constant 0.000000e+00 : f32
        %max3A_852 = vector.broadcast %jit3A_851 : f32 to vector<128x512xf32>
        %max3A_853 = arith.maximumf %max3A_852, %sub3A_850 : vector<128x512xf32>
        %mul3A_854 = arith.mulf %max3A_849, %max3A_853 : vector<128x512xf32>
        %add3A_855 = vector.broadcast %mul3A_471 : vector<128x1xf32> to vector<128x512xf32>
        %add3A_856 = vector.broadcast %mul3A_833 : vector<1x512xf32> to vector<128x512xf32>
        %add3A_857 = arith.addf %add3A_855, %add3A_856 : vector<128x512xf32>
        %sub3A_858 = arith.subf %add3A_857, %mul3A_854 : vector<128x512xf32>
        %max3A_859 = arith.constant 9.99999971E-10 : f32
        %max3A_860 = vector.broadcast %max3A_859 : f32 to vector<128x512xf32>
        %max3A_861 = arith.maximumf %sub3A_858, %max3A_860 : vector<128x512xf32>
        %div3A_862 = arith.divf %mul3A_854, %max3A_861 : vector<128x512xf32>
        %gt3A_863 = arith.constant 5.000000e-01 : f32
        %gt3A_864 = vector.broadcast %gt3A_863 : f32 to vector<128x512xf32>
        %gt3A_865 = arith.cmpf ogt, %div3A_862, %gt3A_864 : vector<128x512xf32>
        %jit3A_866 = arith.constant 1.000000e+00 : f32
        %jit3A_867 = arith.constant 0.000000e+00 : f32
        %broadcast_in_dim3A_868 = vector.broadcast %jit3A_866 : f32 to vector<128x512xf32>
        %broadcast_in_dim3A_869 = vector.broadcast %jit3A_867 : f32 to vector<128x512xf32>
        %select_n3A_870 = arith.select %gt3A_865, %broadcast_in_dim3A_868, %broadcast_in_dim3A_869 : vector<128x512xi1>, vector<128x512xf32>
        %mul3A_871 = vector.broadcast %dot_general3A_522 : vector<128x1xf32> to vector<128x512xf32>
        %mul3A_872 = arith.mulf %select_n3A_870, %mul3A_871 : vector<128x512xf32>
        %reduce_max3A_873 = arith.constant dense<0xFF800000> : vector<512xf32>
        %reduce_max3A_874 = vector.multi_reduction <maximumf>, %mul3A_872, %reduce_max3A_873 [0] : vector<128x512xf32> to vector<512xf32>
        %broadcast_in_dim3A_875 = vector.shape_cast %reduce_max3A_874 : vector<512xf32> to vector<1x512xf32>
        %get3A_876 = arith.index_cast %while3A_811 : i32 to index
        %get3A_877 = arith.constant 0 : index
        %get3A_878 = vector.load %arg6[%get3A_876, %get3A_877] : memref<40x512xf32, #tpu.memory_space<vmem>>, vector<1x512xf32>
        %sub3A_879 = arith.constant 1.000000e+00 : f32
        %sub3A_880 = vector.broadcast %sub3A_879 : f32 to vector<1x512xf32>
        %sub3A_881 = arith.subf %sub3A_880, %broadcast_in_dim3A_875 : vector<1x512xf32>
        %mul3A_882 = arith.mulf %get3A_878, %sub3A_881 : vector<1x512xf32>
        %swap3A_883 = arith.index_cast %while3A_811 : i32 to index
        %swap3A_884 = arith.constant 0 : index
        %swap3A_885 = vector.load %arg6[%swap3A_883, %swap3A_884] : memref<40x512xf32, #tpu.memory_space<vmem>>, vector<1x512xf32>
        tpu.vector_store %arg6[%swap3A_883, %swap3A_884], %mul3A_882 {strides = array<i32>} : memref<40x512xf32, #tpu.memory_space<vmem>>, vector<1x512xf32>,
        %while3A_886 = arith.constant 0 : i32
        scf.yield %while3A_886 : i32
      }
      %while3A_624 = arith.constant 1 : i32
      %while3A_625 = scf.for %while3A_811 = %while3A_621 to %while3A_617 step %while3A_624 iter_args(%while3A_812 = %while3A_623) -> (i32)  : i32 {
        %get3A_813 = arith.index_cast %while3A_811 : i32 to index
        %get3A_814 = arith.constant 0 : index
        %get3A_815 = vector.load %arg1[%get3A_813, %get3A_814] : memref<40x512xf32, #tpu.memory_space<vmem>>, vector<1x512xf32>
        %get3A_816 = arith.index_cast %while3A_811 : i32 to index
        %get3A_817 = arith.constant 0 : index
        %get3A_818 = vector.load %arg2[%get3A_816, %get3A_817] : memref<40x512xf32, #tpu.memory_space<vmem>>, vector<1x512xf32>
        %get3A_819 = arith.index_cast %while3A_811 : i32 to index
        %get3A_820 = arith.constant 0 : index
        %get3A_821 = vector.load %arg3[%get3A_819, %get3A_820] : memref<40x512xf32, #tpu.memory_space<vmem>>, vector<1x512xf32>
        %get3A_822 = arith.index_cast %while3A_811 : i32 to index
        %get3A_823 = arith.constant 0 : index
        %get3A_824 = vector.load %arg4[%get3A_822, %get3A_823] : memref<40x512xf32, #tpu.memory_space<vmem>>, vector<1x512xf32>
        %sub3A_825 = arith.subf %get3A_821, %get3A_815 : vector<1x512xf32>
        %jit3A_826 = arith.constant 0.000000e+00 : f32
        %max3A_827 = vector.broadcast %jit3A_826 : f32 to vector<1x512xf32>
        %max3A_828 = arith.maximumf %max3A_827, %sub3A_825 : vector<1x512xf32>
        %sub3A_829 = arith.subf %get3A_824, %get3A_818 : vector<1x512xf32>
        %jit3A_830 = arith.constant 0.000000e+00 : f32
        %max3A_831 = vector.broadcast %jit3A_830 : f32 to vector<1x512xf32>
        %max3A_832 = arith.maximumf %max3A_831, %sub3A_829 : vector<1x512xf32>
        %mul3A_833 = arith.mulf %max3A_828, %max3A_832 : vector<1x512xf32>
        %max3A_834 = vector.broadcast %dot_general3A_447 : vector<128x1xf32> to vector<128x512xf32>
        %max3A_835 = vector.broadcast %get3A_815 : vector<1x512xf32> to vector<128x512xf32>
        %max3A_836 = arith.maximumf %max3A_834, %max3A_835 : vector<128x512xf32>
        %max3A_837 = vector.broadcast %dot_general3A_449 : vector<128x1xf32> to vector<128x512xf32>
        %max3A_838 = vector.broadcast %get3A_818 : vector<1x512xf32> to vector<128x512xf32>
        %max3A_839 = arith.maximumf %max3A_837, %max3A_838 : vector<128x512xf32>
        %min3A_840 = vector.broadcast %dot_general3A_451 : vector<128x1xf32> to vector<128x512xf32>
        %min3A_841 = vector.broadcast %get3A_821 : vector<1x512xf32> to vector<128x512xf32>
        %min3A_842 = arith.minimumf %min3A_840, %min3A_841 : vector<128x512xf32>
        %min3A_843 = vector.broadcast %dot_general3A_453 : vector<128x1xf32> to vector<128x512xf32>
        %min3A_844 = vector.broadcast %get3A_824 : vector<1x512xf32> to vector<128x512xf32>
        %min3A_845 = arith.minimumf %min3A_843, %min3A_844 : vector<128x512xf32>
        %sub3A_846 = arith.subf %min3A_842, %max3A_836 : vector<128x512xf32>
        %jit3A_847 = arith.constant 0.000000e+00 : f32
        %max3A_848 = vector.broadcast %jit3A_847 : f32 to vector<128x512xf32>
        %max3A_849 = arith.maximumf %max3A_848, %sub3A_846 : vector<128x512xf32>
        %sub3A_850 = arith.subf %min3A_845, %max3A_839 : vector<128x512xf32>
        %jit3A_851 = arith.constant 0.000000e+00 : f32
        %max3A_852 = vector.broadcast %jit3A_851 : f32 to vector<128x512xf32>
        %max3A_853 = arith.maximumf %max3A_852, %sub3A_850 : vector<128x512xf32>
        %mul3A_854 = arith.mulf %max3A_849, %max3A_853 : vector<128x512xf32>
        %add3A_855 = vector.broadcast %mul3A_471 : vector<128x1xf32> to vector<128x512xf32>
        %add3A_856 = vector.broadcast %mul3A_833 : vector<1x512xf32> to vector<128x512xf32>
        %add3A_857 = arith.addf %add3A_855, %add3A_856 : vector<128x512xf32>
        %sub3A_858 = arith.subf %add3A_857, %mul3A_854 : vector<128x512xf32>
        %max3A_859 = arith.constant 9.99999971E-10 : f32
        %max3A_860 = vector.broadcast %max3A_859 : f32 to vector<128x512xf32>
        %max3A_861 = arith.maximumf %sub3A_858, %max3A_860 : vector<128x512xf32>
        %div3A_862 = arith.divf %mul3A_854, %max3A_861 : vector<128x512xf32>
        %gt3A_863 = arith.constant 5.000000e-01 : f32
        %gt3A_864 = vector.broadcast %gt3A_863 : f32 to vector<128x512xf32>
        %gt3A_865 = arith.cmpf ogt, %div3A_862, %gt3A_864 : vector<128x512xf32>
        %jit3A_866 = arith.constant 1.000000e+00 : f32
        %jit3A_867 = arith.constant 0.000000e+00 : f32
        %broadcast_in_dim3A_868 = vector.broadcast %jit3A_866 : f32 to vector<128x512xf32>
        %broadcast_in_dim3A_869 = vector.broadcast %jit3A_867 : f32 to vector<128x512xf32>
        %select_n3A_870 = arith.select %gt3A_865, %broadcast_in_dim3A_868, %broadcast_in_dim3A_869 : vector<128x512xi1>, vector<128x512xf32>
        %mul3A_871 = vector.broadcast %dot_general3A_522 : vector<128x1xf32> to vector<128x512xf32>
        %mul3A_872 = arith.mulf %select_n3A_870, %mul3A_871 : vector<128x512xf32>
        %reduce_max3A_873 = arith.constant dense<0xFF800000> : vector<512xf32>
        %reduce_max3A_874 = vector.multi_reduction <maximumf>, %mul3A_872, %reduce_max3A_873 [0] : vector<128x512xf32> to vector<512xf32>
        %broadcast_in_dim3A_875 = vector.shape_cast %reduce_max3A_874 : vector<512xf32> to vector<1x512xf32>
        %get3A_876 = arith.index_cast %while3A_811 : i32 to index
        %get3A_877 = arith.constant 0 : index
        %get3A_878 = vector.load %arg6[%get3A_876, %get3A_877] : memref<40x512xf32, #tpu.memory_space<vmem>>, vector<1x512xf32>
        %sub3A_879 = arith.constant 1.000000e+00 : f32
        %sub3A_880 = vector.broadcast %sub3A_879 : f32 to vector<1x512xf32>
        %sub3A_881 = arith.subf %sub3A_880, %broadcast_in_dim3A_875 : vector<1x512xf32>
        %mul3A_882 = arith.mulf %get3A_878, %sub3A_881 : vector<1x512xf32>
        %swap3A_883 = arith.index_cast %while3A_811 : i32 to index
        %swap3A_884 = arith.constant 0 : index
        %swap3A_885 = vector.load %arg6[%swap3A_883, %swap3A_884] : memref<40x512xf32, #tpu.memory_space<vmem>>, vector<1x512xf32>
        tpu.vector_store %arg6[%swap3A_883, %swap3A_884], %mul3A_882 {strides = array<i32>} : memref<40x512xf32, #tpu.memory_space<vmem>>, vector<1x512xf32>,
        %while3A_886 = arith.constant 0 : i32
        scf.yield %while3A_886 : i32
      }
      %slice3A_626 = vector.extract_strided_slice %get3A_74 {offsets = [0, 384], sizes = [1, 128], strides = [1, 1]} : vector<1x512xf32> to vector<1x128xf32>
      %slice3A_627 = vector.extract_strided_slice %get3A_77 {offsets = [0, 384], sizes = [1, 128], strides = [1, 1]} : vector<1x512xf32> to vector<1x128xf32>
      %slice3A_628 = vector.extract_strided_slice %get3A_80 {offsets = [0, 384], sizes = [1, 128], strides = [1, 1]} : vector<1x512xf32> to vector<1x128xf32>
      %slice3A_629 = vector.extract_strided_slice %get3A_83 {offsets = [0, 384], sizes = [1, 128], strides = [1, 1]} : vector<1x512xf32> to vector<1x128xf32>
      %dot_general3A_630 = arith.constant dense<0.000000e+00> : vector<128x1xf32>
      %dot_general3A_631 = tpu.matmul %convert_element_type3A_1, %slice3A_626, %dot_general3A_630 {dimension_numbers = #tpu.dot_dimension_numbers<[1], [1], [0], [0], [0, 0, 1, 0], [], []>, transpose_lhs_hint = false} : vector<128x128xf32>, vector<1x128xf32>, vector<128x1xf32> -> vector<128x1xf32>
      %dot_general3A_632 = arith.constant dense<0.000000e+00> : vector<128x1xf32>
      %dot_general3A_633 = tpu.matmul %convert_element_type3A_1, %slice3A_627, %dot_general3A_632 {dimension_numbers = #tpu.dot_dimension_numbers<[1], [1], [0], [0], [0, 0, 1, 0], [], []>, transpose_lhs_hint = false} : vector<128x128xf32>, vector<1x128xf32>, vector<128x1xf32> -> vector<128x1xf32>
      %dot_general3A_634 = arith.constant dense<0.000000e+00> : vector<128x1xf32>
      %dot_general3A_635 = tpu.matmul %convert_element_type3A_1, %slice3A_628, %dot_general3A_634 {dimension_numbers = #tpu.dot_dimension_numbers<[1], [1], [0], [0], [0, 0, 1, 0], [], []>, transpose_lhs_hint = false} : vector<128x128xf32>, vector<1x128xf32>, vector<128x1xf32> -> vector<128x1xf32>
      %dot_general3A_636 = arith.constant dense<0.000000e+00> : vector<128x1xf32>
      %dot_general3A_637 = tpu.matmul %convert_element_type3A_1, %slice3A_629, %dot_general3A_636 {dimension_numbers = #tpu.dot_dimension_numbers<[1], [1], [0], [0], [0, 0, 1, 0], [], []>, transpose_lhs_hint = false} : vector<128x128xf32>, vector<1x128xf32>, vector<128x1xf32> -> vector<128x1xf32>
      %sub3A_638 = arith.subf %slice3A_628, %slice3A_626 : vector<1x128xf32>
      %jit3A_639 = arith.constant 0.000000e+00 : f32
      %max3A_640 = vector.broadcast %jit3A_639 : f32 to vector<1x128xf32>
      %max3A_641 = arith.maximumf %max3A_640, %sub3A_638 : vector<1x128xf32>
      %sub3A_642 = arith.subf %slice3A_629, %slice3A_627 : vector<1x128xf32>
      %jit3A_643 = arith.constant 0.000000e+00 : f32
      %max3A_644 = vector.broadcast %jit3A_643 : f32 to vector<1x128xf32>
      %max3A_645 = arith.maximumf %max3A_644, %sub3A_642 : vector<1x128xf32>
      %mul3A_646 = arith.mulf %max3A_641, %max3A_645 : vector<1x128xf32>
      %sub3A_647 = arith.subf %dot_general3A_635, %dot_general3A_631 : vector<128x1xf32>
      %jit3A_648 = arith.constant 0.000000e+00 : f32
      %max3A_649 = vector.broadcast %jit3A_648 : f32 to vector<128x1xf32>
      %max3A_650 = arith.maximumf %max3A_649, %sub3A_647 : vector<128x1xf32>
      %sub3A_651 = arith.subf %dot_general3A_637, %dot_general3A_633 : vector<128x1xf32>
      %jit3A_652 = arith.constant 0.000000e+00 : f32
      %max3A_653 = vector.broadcast %jit3A_652 : f32 to vector<128x1xf32>
      %max3A_654 = arith.maximumf %max3A_653, %sub3A_651 : vector<128x1xf32>
      %mul3A_655 = arith.mulf %max3A_650, %max3A_654 : vector<128x1xf32>
      %max3A_656 = vector.broadcast %dot_general3A_631 : vector<128x1xf32> to vector<128x128xf32>
      %max3A_657 = vector.broadcast %slice3A_626 : vector<1x128xf32> to vector<128x128xf32>
      %max3A_658 = arith.maximumf %max3A_656, %max3A_657 : vector<128x128xf32>
      %max3A_659 = vector.broadcast %dot_general3A_633 : vector<128x1xf32> to vector<128x128xf32>
      %max3A_660 = vector.broadcast %slice3A_627 : vector<1x128xf32> to vector<128x128xf32>
      %max3A_661 = arith.maximumf %max3A_659, %max3A_660 : vector<128x128xf32>
      %min3A_662 = vector.broadcast %dot_general3A_635 : vector<128x1xf32> to vector<128x128xf32>
      %min3A_663 = vector.broadcast %slice3A_628 : vector<1x128xf32> to vector<128x128xf32>
      %min3A_664 = arith.minimumf %min3A_662, %min3A_663 : vector<128x128xf32>
      %min3A_665 = vector.broadcast %dot_general3A_637 : vector<128x1xf32> to vector<128x128xf32>
      %min3A_666 = vector.broadcast %slice3A_629 : vector<1x128xf32> to vector<128x128xf32>
      %min3A_667 = arith.minimumf %min3A_665, %min3A_666 : vector<128x128xf32>
      %sub3A_668 = arith.subf %min3A_664, %max3A_658 : vector<128x128xf32>
      %jit3A_669 = arith.constant 0.000000e+00 : f32
      %max3A_670 = vector.broadcast %jit3A_669 : f32 to vector<128x128xf32>
      %max3A_671 = arith.maximumf %max3A_670, %sub3A_668 : vector<128x128xf32>
      %sub3A_672 = arith.subf %min3A_667, %max3A_661 : vector<128x128xf32>
      %jit3A_673 = arith.constant 0.000000e+00 : f32
      %max3A_674 = vector.broadcast %jit3A_673 : f32 to vector<128x128xf32>
      %max3A_675 = arith.maximumf %max3A_674, %sub3A_672 : vector<128x128xf32>
      %mul3A_676 = arith.mulf %max3A_671, %max3A_675 : vector<128x128xf32>
      %add3A_677 = vector.broadcast %mul3A_655 : vector<128x1xf32> to vector<128x128xf32>
      %add3A_678 = vector.broadcast %mul3A_646 : vector<1x128xf32> to vector<128x128xf32>
      %add3A_679 = arith.addf %add3A_677, %add3A_678 : vector<128x128xf32>
      %sub3A_680 = arith.subf %add3A_679, %mul3A_676 : vector<128x128xf32>
      %max3A_681 = arith.constant 9.99999971E-10 : f32
      %max3A_682 = vector.broadcast %max3A_681 : f32 to vector<128x128xf32>
      %max3A_683 = arith.maximumf %sub3A_680, %max3A_682 : vector<128x128xf32>
      %div3A_684 = arith.divf %mul3A_676, %max3A_683 : vector<128x128xf32>
      %gt3A_685 = arith.constant 5.000000e-01 : f32
      %gt3A_686 = vector.broadcast %gt3A_685 : f32 to vector<128x128xf32>
      %gt3A_687 = arith.cmpf ogt, %div3A_684, %gt3A_686 : vector<128x128xf32>
      %lt3A_688 = arith.cmpi slt, %iota3A_2, %iota3A_3 : vector<128x128xi32>
      %and3A_689 = arith.andi %gt3A_687, %lt3A_688 : vector<128x128xi1>
      %jit3A_690 = arith.constant 1.000000e+00 : f32
      %jit3A_691 = arith.constant 0.000000e+00 : f32
      %broadcast_in_dim3A_692 = vector.broadcast %jit3A_690 : f32 to vector<128x128xf32>
      %broadcast_in_dim3A_693 = vector.broadcast %jit3A_691 : f32 to vector<128x128xf32>
      %select_n3A_694 = arith.select %and3A_689, %broadcast_in_dim3A_692, %broadcast_in_dim3A_693 : vector<128x128xi1>, vector<128x128xf32>
      %swap3A_695 = arith.constant 0 : index
      %swap3A_696 = arith.constant 0 : index
      %swap3A_697 = vector.load %arg7[%swap3A_695, %swap3A_696] : memref<128x128xf32, #tpu.memory_space<vmem>>, vector<128x128xf32>
      tpu.vector_store %arg7[%swap3A_695, %swap3A_696], %select_n3A_694 {strides = array<i32>} : memref<128x128xf32, #tpu.memory_space<vmem>>, vector<128x128xf32>,
      %get3A_698 = arith.index_cast %while3A_70 : i32 to index
      %get3A_699 = arith.constant 0 : index
      %get3A_700 = vector.load %arg6[%get3A_698, %get3A_699] : memref<40x512xf32, #tpu.memory_space<vmem>>, vector<1x512xf32>
      %slice3A_701 = vector.extract_strided_slice %get3A_700 {offsets = [0, 384], sizes = [1, 128], strides = [1, 1]} : vector<1x512xf32> to vector<1x128xf32>
      %broadcast_in_dim3A_702 = arith.constant 0.000000e+00 : f32
      %broadcast_in_dim3A_703 = vector.broadcast %broadcast_in_dim3A_702 : f32 to vector<1x128xf32>
      %while3A_704:2 = scf.while (%while3A_811 = %broadcast_in_dim3A_703, %while3A_812 = %broadcast_in_dim3A_703) : (vector<1x128xf32>, vector<1x128xf32>) -> (vector<1x128xf32>, vector<1x128xf32>) {
        %sub3A_813 = arith.constant 1.000000e+00 : f32
        %sub3A_814 = vector.broadcast %sub3A_813 : f32 to vector<1x128xf32>
        %sub3A_815 = arith.subf %sub3A_814, %while3A_811 : vector<1x128xf32>
        %mul3A_816 = arith.mulf %slice3A_701, %sub3A_815 : vector<1x128xf32>
        %sub3A_817 = arith.constant 1.000000e+00 : f32
        %sub3A_818 = vector.broadcast %sub3A_817 : f32 to vector<1x128xf32>
        %sub3A_819 = arith.subf %sub3A_818, %while3A_812 : vector<1x128xf32>
        %mul3A_820 = arith.mulf %mul3A_816, %sub3A_819 : vector<1x128xf32>
        %reduce_sum3A = vector.shape_cast %mul3A_820 : vector<1x128xf32> to vector<1x1x128xf32>
        %reduce_sum3A_821 = arith.constant dense<0.000000e+00> : vector<1xf32>
        %reduce_sum3A_822 = vector.multi_reduction <add>, %reduce_sum3A, %reduce_sum3A_821 [1, 2] : vector<1x1x128xf32> to vector<1xf32>
        %reduce_sum3A_823 = vector.shape_cast %reduce_sum3A_822 : vector<1xf32> to vector<1x1x1xf32>
        %reduce_sum3A_824 = vector.extract %reduce_sum3A_823[0, 0, 0] : f32 from vector<1x1x1xf32>
        %gt3A_825 = arith.constant 0.000000e+00 : f32
        %gt3A_826 = arith.cmpf ogt, %reduce_sum3A_824, %gt3A_825 : f32
        scf.condition(%gt3A_826) %while3A_811, %while3A_812 : vector<1x128xf32>, vector<1x128xf32>
      } do {
      ^bb0(%while3A_811: vector<1x128xf32>, %while3A_812: vector<1x128xf32>):
        %sub3A_813 = arith.constant 1.000000e+00 : f32
        %sub3A_814 = vector.broadcast %sub3A_813 : f32 to vector<1x128xf32>
        %sub3A_815 = arith.subf %sub3A_814, %while3A_811 : vector<1x128xf32>
        %mul3A_816 = arith.mulf %slice3A_701, %sub3A_815 : vector<1x128xf32>
        %sub3A_817 = arith.constant 1.000000e+00 : f32
        %sub3A_818 = vector.broadcast %sub3A_817 : f32 to vector<1x128xf32>
        %sub3A_819 = arith.subf %sub3A_818, %while3A_812 : vector<1x128xf32>
        %mul3A_820 = arith.mulf %mul3A_816, %sub3A_819 : vector<1x128xf32>
        %get3A_821 = arith.constant 0 : index
        %get3A_822 = arith.constant 0 : index
        %get3A_823 = vector.load %arg7[%get3A_821, %get3A_822] : memref<128x128xf32, #tpu.memory_space<vmem>>, vector<128x128xf32>
        %sub3A_824 = arith.constant 1.000000e+00 : f32
        %sub3A_825 = vector.broadcast %sub3A_824 : f32 to vector<1x128xf32>
        %sub3A_826 = arith.subf %sub3A_825, %while3A_812 : vector<1x128xf32>
        %mul3A_827 = arith.mulf %slice3A_701, %sub3A_826 : vector<1x128xf32>
        %dot_general3A_828 = arith.constant dense<0.000000e+00> : vector<128x1xf32>
        %dot_general3A_829 = tpu.matmul %convert_element_type3A_1, %mul3A_827, %dot_general3A_828 {dimension_numbers = #tpu.dot_dimension_numbers<[1], [1], [0], [0], [0, 0, 1, 0], [], []>, transpose_lhs_hint = false} : vector<128x128xf32>, vector<1x128xf32>, vector<128x1xf32> -> vector<128x1xf32>
        %mul3A_830 = vector.broadcast %dot_general3A_829 : vector<128x1xf32> to vector<128x128xf32>
        %mul3A_831 = arith.mulf %get3A_823, %mul3A_830 : vector<128x128xf32>
        %reduce_max3A_832 = arith.constant dense<0xFF800000> : vector<128xf32>
        %reduce_max3A_833 = vector.multi_reduction <maximumf>, %mul3A_831, %reduce_max3A_832 [0] : vector<128x128xf32> to vector<128xf32>
        %broadcast_in_dim3A_834 = vector.shape_cast %reduce_max3A_833 : vector<128xf32> to vector<1x128xf32>
        %sub3A_835 = arith.constant 1.000000e+00 : f32
        %sub3A_836 = vector.broadcast %sub3A_835 : f32 to vector<1x128xf32>
        %sub3A_837 = arith.subf %sub3A_836, %broadcast_in_dim3A_834 : vector<1x128xf32>
        %mul3A_838 = arith.mulf %mul3A_820, %sub3A_837 : vector<1x128xf32>
        %add3A_839 = arith.addf %while3A_811, %mul3A_838 : vector<1x128xf32>
        %dot_general3A_840 = arith.constant dense<0.000000e+00> : vector<128x1xf32>
        %dot_general3A_841 = tpu.matmul %convert_element_type3A_1, %add3A_839, %dot_general3A_840 {dimension_numbers = #tpu.dot_dimension_numbers<[1], [1], [0], [0], [0, 0, 1, 0], [], []>, transpose_lhs_hint = false} : vector<128x128xf32>, vector<1x128xf32>, vector<128x1xf32> -> vector<128x1xf32>
        %mul3A_842 = vector.broadcast %dot_general3A_841 : vector<128x1xf32> to vector<128x128xf32>
        %mul3A_843 = arith.mulf %get3A_823, %mul3A_842 : vector<128x128xf32>
        %reduce_max3A_844 = arith.constant dense<0xFF800000> : vector<128xf32>
        %reduce_max3A_845 = vector.multi_reduction <maximumf>, %mul3A_843, %reduce_max3A_844 [0] : vector<128x128xf32> to vector<128xf32>
        %broadcast_in_dim3A_846 = vector.shape_cast %reduce_max3A_845 : vector<128xf32> to vector<1x128xf32>
        %mul3A_847 = arith.mulf %mul3A_820, %broadcast_in_dim3A_846 : vector<1x128xf32>
        %add3A_848 = arith.addf %while3A_812, %mul3A_847 : vector<1x128xf32>
        scf.yield %add3A_839, %add3A_848 : vector<1x128xf32>, vector<1x128xf32>
      }
      %dot_general3A_705 = arith.constant dense<0.000000e+00> : vector<128x1xf32>
      %dot_general3A_706 = tpu.matmul %convert_element_type3A_1, %while3A_704#0, %dot_general3A_705 {dimension_numbers = #tpu.dot_dimension_numbers<[1], [1], [0], [0], [0, 0, 1, 0], [], []>, transpose_lhs_hint = false} : vector<128x128xf32>, vector<1x128xf32>, vector<128x1xf32> -> vector<128x1xf32>
      %get3A_707 = arith.index_cast %while3A_70 : i32 to index
      %get3A_708 = arith.constant 0 : index
      %get3A_709 = vector.load %arg1[%get3A_707, %get3A_708] : memref<40x512xf32, #tpu.memory_space<vmem>>, vector<1x512xf32>
      %get3A_710 = arith.index_cast %while3A_70 : i32 to index
      %get3A_711 = arith.constant 0 : index
      %get3A_712 = vector.load %arg2[%get3A_710, %get3A_711] : memref<40x512xf32, #tpu.memory_space<vmem>>, vector<1x512xf32>
      %get3A_713 = arith.index_cast %while3A_70 : i32 to index
      %get3A_714 = arith.constant 0 : index
      %get3A_715 = vector.load %arg3[%get3A_713, %get3A_714] : memref<40x512xf32, #tpu.memory_space<vmem>>, vector<1x512xf32>
      %get3A_716 = arith.index_cast %while3A_70 : i32 to index
      %get3A_717 = arith.constant 0 : index
      %get3A_718 = vector.load %arg4[%get3A_716, %get3A_717] : memref<40x512xf32, #tpu.memory_space<vmem>>, vector<1x512xf32>
      %sub3A_719 = arith.subf %get3A_715, %get3A_709 : vector<1x512xf32>
      %jit3A_720 = arith.constant 0.000000e+00 : f32
      %max3A_721 = vector.broadcast %jit3A_720 : f32 to vector<1x512xf32>
      %max3A_722 = arith.maximumf %max3A_721, %sub3A_719 : vector<1x512xf32>
      %sub3A_723 = arith.subf %get3A_718, %get3A_712 : vector<1x512xf32>
      %jit3A_724 = arith.constant 0.000000e+00 : f32
      %max3A_725 = vector.broadcast %jit3A_724 : f32 to vector<1x512xf32>
      %max3A_726 = arith.maximumf %max3A_725, %sub3A_723 : vector<1x512xf32>
      %mul3A_727 = arith.mulf %max3A_722, %max3A_726 : vector<1x512xf32>
      %max3A_728 = vector.broadcast %dot_general3A_631 : vector<128x1xf32> to vector<128x512xf32>
      %max3A_729 = vector.broadcast %get3A_709 : vector<1x512xf32> to vector<128x512xf32>
      %max3A_730 = arith.maximumf %max3A_728, %max3A_729 : vector<128x512xf32>
      %max3A_731 = vector.broadcast %dot_general3A_633 : vector<128x1xf32> to vector<128x512xf32>
      %max3A_732 = vector.broadcast %get3A_712 : vector<1x512xf32> to vector<128x512xf32>
      %max3A_733 = arith.maximumf %max3A_731, %max3A_732 : vector<128x512xf32>
      %min3A_734 = vector.broadcast %dot_general3A_635 : vector<128x1xf32> to vector<128x512xf32>
      %min3A_735 = vector.broadcast %get3A_715 : vector<1x512xf32> to vector<128x512xf32>
      %min3A_736 = arith.minimumf %min3A_734, %min3A_735 : vector<128x512xf32>
      %min3A_737 = vector.broadcast %dot_general3A_637 : vector<128x1xf32> to vector<128x512xf32>
      %min3A_738 = vector.broadcast %get3A_718 : vector<1x512xf32> to vector<128x512xf32>
      %min3A_739 = arith.minimumf %min3A_737, %min3A_738 : vector<128x512xf32>
      %sub3A_740 = arith.subf %min3A_736, %max3A_730 : vector<128x512xf32>
      %jit3A_741 = arith.constant 0.000000e+00 : f32
      %max3A_742 = vector.broadcast %jit3A_741 : f32 to vector<128x512xf32>
      %max3A_743 = arith.maximumf %max3A_742, %sub3A_740 : vector<128x512xf32>
      %sub3A_744 = arith.subf %min3A_739, %max3A_733 : vector<128x512xf32>
      %jit3A_745 = arith.constant 0.000000e+00 : f32
      %max3A_746 = vector.broadcast %jit3A_745 : f32 to vector<128x512xf32>
      %max3A_747 = arith.maximumf %max3A_746, %sub3A_744 : vector<128x512xf32>
      %mul3A_748 = arith.mulf %max3A_743, %max3A_747 : vector<128x512xf32>
      %add3A_749 = vector.broadcast %mul3A_655 : vector<128x1xf32> to vector<128x512xf32>
      %add3A_750 = vector.broadcast %mul3A_727 : vector<1x512xf32> to vector<128x512xf32>
      %add3A_751 = arith.addf %add3A_749, %add3A_750 : vector<128x512xf32>
      %sub3A_752 = arith.subf %add3A_751, %mul3A_748 : vector<128x512xf32>
      %max3A_753 = arith.constant 9.99999971E-10 : f32
      %max3A_754 = vector.broadcast %max3A_753 : f32 to vector<128x512xf32>
      %max3A_755 = arith.maximumf %sub3A_752, %max3A_754 : vector<128x512xf32>
      %div3A_756 = arith.divf %mul3A_748, %max3A_755 : vector<128x512xf32>
      %gt3A_757 = arith.constant 5.000000e-01 : f32
      %gt3A_758 = vector.broadcast %gt3A_757 : f32 to vector<128x512xf32>
      %gt3A_759 = arith.cmpf ogt, %div3A_756, %gt3A_758 : vector<128x512xf32>
      %jit3A_760 = arith.constant 1.000000e+00 : f32
      %jit3A_761 = arith.constant 0.000000e+00 : f32
      %broadcast_in_dim3A_762 = vector.broadcast %jit3A_760 : f32 to vector<128x512xf32>
      %broadcast_in_dim3A_763 = vector.broadcast %jit3A_761 : f32 to vector<128x512xf32>
      %select_n3A_764 = arith.select %gt3A_759, %broadcast_in_dim3A_762, %broadcast_in_dim3A_763 : vector<128x512xi1>, vector<128x512xf32>
      %mul3A_765 = vector.broadcast %dot_general3A_706 : vector<128x1xf32> to vector<128x512xf32>
      %mul3A_766 = arith.mulf %select_n3A_764, %mul3A_765 : vector<128x512xf32>
      %reduce_max3A_767 = arith.constant dense<0xFF800000> : vector<512xf32>
      %reduce_max3A_768 = vector.multi_reduction <maximumf>, %mul3A_766, %reduce_max3A_767 [0] : vector<128x512xf32> to vector<512xf32>
      %broadcast_in_dim3A_769 = vector.shape_cast %reduce_max3A_768 : vector<512xf32> to vector<1x512xf32>
      %get3A_770 = arith.index_cast %while3A_70 : i32 to index
      %get3A_771 = arith.constant 0 : index
      %get3A_772 = vector.load %arg6[%get3A_770, %get3A_771] : memref<40x512xf32, #tpu.memory_space<vmem>>, vector<1x512xf32>
      %sub3A_773 = arith.constant 1.000000e+00 : f32
      %sub3A_774 = vector.broadcast %sub3A_773 : f32 to vector<1x512xf32>
      %sub3A_775 = arith.subf %sub3A_774, %broadcast_in_dim3A_769 : vector<1x512xf32>
      %mul3A_776 = arith.mulf %get3A_772, %sub3A_775 : vector<1x512xf32>
      %swap3A_777 = arith.index_cast %while3A_70 : i32 to index
      %swap3A_778 = arith.constant 0 : index
      %swap3A_779 = vector.load %arg6[%swap3A_777, %swap3A_778] : memref<40x512xf32, #tpu.memory_space<vmem>>, vector<1x512xf32>
      tpu.vector_store %arg6[%swap3A_777, %swap3A_778], %mul3A_776 {strides = array<i32>} : memref<40x512xf32, #tpu.memory_space<vmem>>, vector<1x512xf32>,
      %get3A_780 = arith.index_cast %while3A_70 : i32 to index
      %get3A_781 = arith.constant 0 : index
      %get3A_782 = vector.load %arg6[%get3A_780, %get3A_781] : memref<40x512xf32, #tpu.memory_space<vmem>>, vector<1x512xf32>
      %broadcast_in_dim3A_783 = arith.constant 0.000000e+00 : f32
      %broadcast_in_dim3A_784 = vector.broadcast %broadcast_in_dim3A_783 : f32 to vector<1x128xf32>
      %broadcast_in_dim3A_785 = arith.constant 0.000000e+00 : f32
      %broadcast_in_dim3A_786 = vector.broadcast %broadcast_in_dim3A_785 : f32 to vector<1x128xf32>
      %broadcast_in_dim3A_787 = arith.constant 0.000000e+00 : f32
      %broadcast_in_dim3A_788 = vector.broadcast %broadcast_in_dim3A_787 : f32 to vector<1x128xf32>
      %concatenate3A_789 = tpu.concatenate %broadcast_in_dim3A_784, %broadcast_in_dim3A_786, %broadcast_in_dim3A_788, %while3A_704#0 in 1 : vector<1x128xf32>, vector<1x128xf32>, vector<1x128xf32>, vector<1x128xf32> -> vector<1x512xf32>
      %eq3A_790 = arith.constant 3 : i32
      %eq3A_791 = vector.broadcast %eq3A_790 : i32 to vector<1x512xi32>
      %eq3A_792 = arith.cmpi eq, %select_n3A_58, %eq3A_791 : vector<1x512xi32>
      %select_n3A_793 = arith.select %eq3A_792, %concatenate3A_789, %get3A_782 : vector<1x512xi1>, vector<1x512xf32>
      %swap3A_794 = arith.index_cast %while3A_70 : i32 to index
      %swap3A_795 = arith.constant 0 : index
      %swap3A_796 = vector.load %arg6[%swap3A_794, %swap3A_795] : memref<40x512xf32, #tpu.memory_space<vmem>>, vector<1x512xf32>
      tpu.vector_store %arg6[%swap3A_794, %swap3A_795], %select_n3A_793 {strides = array<i32>} : memref<40x512xf32, #tpu.memory_space<vmem>>, vector<1x512xf32>,
      %add3A_797 = arith.constant 1 : i32
      %add3A_798 = arith.addi %while3A_70, %add3A_797 : i32
      %while3A_799 = arith.constant 0 : i32
      %while3A_800 = arith.subi %select_n3A, %add3A_798 : i32
      %while3A_801 = arith.addi %add3A_798, %while3A_800 : i32
      %while3A_802 = arith.constant 1 : i32
      %while3A_803 = arith.divsi %while3A_800, %while3A_802 : i32
      %while3A_804 = arith.muli %while3A_803, %while3A_802 : i32
      %while3A_805 = arith.addi %add3A_798, %while3A_804 : i32
      %while3A_806 = arith.constant 1 : i32
      %while3A_807 = scf.for %while3A_811 = %add3A_798 to %while3A_805 step %while3A_806 iter_args(%while3A_812 = %while3A_799) -> (i32)  : i32 {
        %get3A_813 = arith.index_cast %while3A_811 : i32 to index
        %get3A_814 = arith.constant 0 : index
        %get3A_815 = vector.load %arg1[%get3A_813, %get3A_814] : memref<40x512xf32, #tpu.memory_space<vmem>>, vector<1x512xf32>
        %get3A_816 = arith.index_cast %while3A_811 : i32 to index
        %get3A_817 = arith.constant 0 : index
        %get3A_818 = vector.load %arg2[%get3A_816, %get3A_817] : memref<40x512xf32, #tpu.memory_space<vmem>>, vector<1x512xf32>
        %get3A_819 = arith.index_cast %while3A_811 : i32 to index
        %get3A_820 = arith.constant 0 : index
        %get3A_821 = vector.load %arg3[%get3A_819, %get3A_820] : memref<40x512xf32, #tpu.memory_space<vmem>>, vector<1x512xf32>
        %get3A_822 = arith.index_cast %while3A_811 : i32 to index
        %get3A_823 = arith.constant 0 : index
        %get3A_824 = vector.load %arg4[%get3A_822, %get3A_823] : memref<40x512xf32, #tpu.memory_space<vmem>>, vector<1x512xf32>
        %sub3A_825 = arith.subf %get3A_821, %get3A_815 : vector<1x512xf32>
        %jit3A_826 = arith.constant 0.000000e+00 : f32
        %max3A_827 = vector.broadcast %jit3A_826 : f32 to vector<1x512xf32>
        %max3A_828 = arith.maximumf %max3A_827, %sub3A_825 : vector<1x512xf32>
        %sub3A_829 = arith.subf %get3A_824, %get3A_818 : vector<1x512xf32>
        %jit3A_830 = arith.constant 0.000000e+00 : f32
        %max3A_831 = vector.broadcast %jit3A_830 : f32 to vector<1x512xf32>
        %max3A_832 = arith.maximumf %max3A_831, %sub3A_829 : vector<1x512xf32>
        %mul3A_833 = arith.mulf %max3A_828, %max3A_832 : vector<1x512xf32>
        %max3A_834 = vector.broadcast %dot_general3A_631 : vector<128x1xf32> to vector<128x512xf32>
        %max3A_835 = vector.broadcast %get3A_815 : vector<1x512xf32> to vector<128x512xf32>
        %max3A_836 = arith.maximumf %max3A_834, %max3A_835 : vector<128x512xf32>
        %max3A_837 = vector.broadcast %dot_general3A_633 : vector<128x1xf32> to vector<128x512xf32>
        %max3A_838 = vector.broadcast %get3A_818 : vector<1x512xf32> to vector<128x512xf32>
        %max3A_839 = arith.maximumf %max3A_837, %max3A_838 : vector<128x512xf32>
        %min3A_840 = vector.broadcast %dot_general3A_635 : vector<128x1xf32> to vector<128x512xf32>
        %min3A_841 = vector.broadcast %get3A_821 : vector<1x512xf32> to vector<128x512xf32>
        %min3A_842 = arith.minimumf %min3A_840, %min3A_841 : vector<128x512xf32>
        %min3A_843 = vector.broadcast %dot_general3A_637 : vector<128x1xf32> to vector<128x512xf32>
        %min3A_844 = vector.broadcast %get3A_824 : vector<1x512xf32> to vector<128x512xf32>
        %min3A_845 = arith.minimumf %min3A_843, %min3A_844 : vector<128x512xf32>
        %sub3A_846 = arith.subf %min3A_842, %max3A_836 : vector<128x512xf32>
        %jit3A_847 = arith.constant 0.000000e+00 : f32
        %max3A_848 = vector.broadcast %jit3A_847 : f32 to vector<128x512xf32>
        %max3A_849 = arith.maximumf %max3A_848, %sub3A_846 : vector<128x512xf32>
        %sub3A_850 = arith.subf %min3A_845, %max3A_839 : vector<128x512xf32>
        %jit3A_851 = arith.constant 0.000000e+00 : f32
        %max3A_852 = vector.broadcast %jit3A_851 : f32 to vector<128x512xf32>
        %max3A_853 = arith.maximumf %max3A_852, %sub3A_850 : vector<128x512xf32>
        %mul3A_854 = arith.mulf %max3A_849, %max3A_853 : vector<128x512xf32>
        %add3A_855 = vector.broadcast %mul3A_655 : vector<128x1xf32> to vector<128x512xf32>
        %add3A_856 = vector.broadcast %mul3A_833 : vector<1x512xf32> to vector<128x512xf32>
        %add3A_857 = arith.addf %add3A_855, %add3A_856 : vector<128x512xf32>
        %sub3A_858 = arith.subf %add3A_857, %mul3A_854 : vector<128x512xf32>
        %max3A_859 = arith.constant 9.99999971E-10 : f32
        %max3A_860 = vector.broadcast %max3A_859 : f32 to vector<128x512xf32>
        %max3A_861 = arith.maximumf %sub3A_858, %max3A_860 : vector<128x512xf32>
        %div3A_862 = arith.divf %mul3A_854, %max3A_861 : vector<128x512xf32>
        %gt3A_863 = arith.constant 5.000000e-01 : f32
        %gt3A_864 = vector.broadcast %gt3A_863 : f32 to vector<128x512xf32>
        %gt3A_865 = arith.cmpf ogt, %div3A_862, %gt3A_864 : vector<128x512xf32>
        %jit3A_866 = arith.constant 1.000000e+00 : f32
        %jit3A_867 = arith.constant 0.000000e+00 : f32
        %broadcast_in_dim3A_868 = vector.broadcast %jit3A_866 : f32 to vector<128x512xf32>
        %broadcast_in_dim3A_869 = vector.broadcast %jit3A_867 : f32 to vector<128x512xf32>
        %select_n3A_870 = arith.select %gt3A_865, %broadcast_in_dim3A_868, %broadcast_in_dim3A_869 : vector<128x512xi1>, vector<128x512xf32>
        %mul3A_871 = vector.broadcast %dot_general3A_706 : vector<128x1xf32> to vector<128x512xf32>
        %mul3A_872 = arith.mulf %select_n3A_870, %mul3A_871 : vector<128x512xf32>
        %reduce_max3A_873 = arith.constant dense<0xFF800000> : vector<512xf32>
        %reduce_max3A_874 = vector.multi_reduction <maximumf>, %mul3A_872, %reduce_max3A_873 [0] : vector<128x512xf32> to vector<512xf32>
        %broadcast_in_dim3A_875 = vector.shape_cast %reduce_max3A_874 : vector<512xf32> to vector<1x512xf32>
        %get3A_876 = arith.index_cast %while3A_811 : i32 to index
        %get3A_877 = arith.constant 0 : index
        %get3A_878 = vector.load %arg6[%get3A_876, %get3A_877] : memref<40x512xf32, #tpu.memory_space<vmem>>, vector<1x512xf32>
        %sub3A_879 = arith.constant 1.000000e+00 : f32
        %sub3A_880 = vector.broadcast %sub3A_879 : f32 to vector<1x512xf32>
        %sub3A_881 = arith.subf %sub3A_880, %broadcast_in_dim3A_875 : vector<1x512xf32>
        %mul3A_882 = arith.mulf %get3A_878, %sub3A_881 : vector<1x512xf32>
        %swap3A_883 = arith.index_cast %while3A_811 : i32 to index
        %swap3A_884 = arith.constant 0 : index
        %swap3A_885 = vector.load %arg6[%swap3A_883, %swap3A_884] : memref<40x512xf32, #tpu.memory_space<vmem>>, vector<1x512xf32>
        tpu.vector_store %arg6[%swap3A_883, %swap3A_884], %mul3A_882 {strides = array<i32>} : memref<40x512xf32, #tpu.memory_space<vmem>>, vector<1x512xf32>,
        %while3A_886 = arith.constant 0 : i32
        scf.yield %while3A_886 : i32
      }
      %while3A_808 = arith.constant 1 : i32
      %while3A_809 = scf.for %while3A_811 = %while3A_805 to %while3A_801 step %while3A_808 iter_args(%while3A_812 = %while3A_807) -> (i32)  : i32 {
        %get3A_813 = arith.index_cast %while3A_811 : i32 to index
        %get3A_814 = arith.constant 0 : index
        %get3A_815 = vector.load %arg1[%get3A_813, %get3A_814] : memref<40x512xf32, #tpu.memory_space<vmem>>, vector<1x512xf32>
        %get3A_816 = arith.index_cast %while3A_811 : i32 to index
        %get3A_817 = arith.constant 0 : index
        %get3A_818 = vector.load %arg2[%get3A_816, %get3A_817] : memref<40x512xf32, #tpu.memory_space<vmem>>, vector<1x512xf32>
        %get3A_819 = arith.index_cast %while3A_811 : i32 to index
        %get3A_820 = arith.constant 0 : index
        %get3A_821 = vector.load %arg3[%get3A_819, %get3A_820] : memref<40x512xf32, #tpu.memory_space<vmem>>, vector<1x512xf32>
        %get3A_822 = arith.index_cast %while3A_811 : i32 to index
        %get3A_823 = arith.constant 0 : index
        %get3A_824 = vector.load %arg4[%get3A_822, %get3A_823] : memref<40x512xf32, #tpu.memory_space<vmem>>, vector<1x512xf32>
        %sub3A_825 = arith.subf %get3A_821, %get3A_815 : vector<1x512xf32>
        %jit3A_826 = arith.constant 0.000000e+00 : f32
        %max3A_827 = vector.broadcast %jit3A_826 : f32 to vector<1x512xf32>
        %max3A_828 = arith.maximumf %max3A_827, %sub3A_825 : vector<1x512xf32>
        %sub3A_829 = arith.subf %get3A_824, %get3A_818 : vector<1x512xf32>
        %jit3A_830 = arith.constant 0.000000e+00 : f32
        %max3A_831 = vector.broadcast %jit3A_830 : f32 to vector<1x512xf32>
        %max3A_832 = arith.maximumf %max3A_831, %sub3A_829 : vector<1x512xf32>
        %mul3A_833 = arith.mulf %max3A_828, %max3A_832 : vector<1x512xf32>
        %max3A_834 = vector.broadcast %dot_general3A_631 : vector<128x1xf32> to vector<128x512xf32>
        %max3A_835 = vector.broadcast %get3A_815 : vector<1x512xf32> to vector<128x512xf32>
        %max3A_836 = arith.maximumf %max3A_834, %max3A_835 : vector<128x512xf32>
        %max3A_837 = vector.broadcast %dot_general3A_633 : vector<128x1xf32> to vector<128x512xf32>
        %max3A_838 = vector.broadcast %get3A_818 : vector<1x512xf32> to vector<128x512xf32>
        %max3A_839 = arith.maximumf %max3A_837, %max3A_838 : vector<128x512xf32>
        %min3A_840 = vector.broadcast %dot_general3A_635 : vector<128x1xf32> to vector<128x512xf32>
        %min3A_841 = vector.broadcast %get3A_821 : vector<1x512xf32> to vector<128x512xf32>
        %min3A_842 = arith.minimumf %min3A_840, %min3A_841 : vector<128x512xf32>
        %min3A_843 = vector.broadcast %dot_general3A_637 : vector<128x1xf32> to vector<128x512xf32>
        %min3A_844 = vector.broadcast %get3A_824 : vector<1x512xf32> to vector<128x512xf32>
        %min3A_845 = arith.minimumf %min3A_843, %min3A_844 : vector<128x512xf32>
        %sub3A_846 = arith.subf %min3A_842, %max3A_836 : vector<128x512xf32>
        %jit3A_847 = arith.constant 0.000000e+00 : f32
        %max3A_848 = vector.broadcast %jit3A_847 : f32 to vector<128x512xf32>
        %max3A_849 = arith.maximumf %max3A_848, %sub3A_846 : vector<128x512xf32>
        %sub3A_850 = arith.subf %min3A_845, %max3A_839 : vector<128x512xf32>
        %jit3A_851 = arith.constant 0.000000e+00 : f32
        %max3A_852 = vector.broadcast %jit3A_851 : f32 to vector<128x512xf32>
        %max3A_853 = arith.maximumf %max3A_852, %sub3A_850 : vector<128x512xf32>
        %mul3A_854 = arith.mulf %max3A_849, %max3A_853 : vector<128x512xf32>
        %add3A_855 = vector.broadcast %mul3A_655 : vector<128x1xf32> to vector<128x512xf32>
        %add3A_856 = vector.broadcast %mul3A_833 : vector<1x512xf32> to vector<128x512xf32>
        %add3A_857 = arith.addf %add3A_855, %add3A_856 : vector<128x512xf32>
        %sub3A_858 = arith.subf %add3A_857, %mul3A_854 : vector<128x512xf32>
        %max3A_859 = arith.constant 9.99999971E-10 : f32
        %max3A_860 = vector.broadcast %max3A_859 : f32 to vector<128x512xf32>
        %max3A_861 = arith.maximumf %sub3A_858, %max3A_860 : vector<128x512xf32>
        %div3A_862 = arith.divf %mul3A_854, %max3A_861 : vector<128x512xf32>
        %gt3A_863 = arith.constant 5.000000e-01 : f32
        %gt3A_864 = vector.broadcast %gt3A_863 : f32 to vector<128x512xf32>
        %gt3A_865 = arith.cmpf ogt, %div3A_862, %gt3A_864 : vector<128x512xf32>
        %jit3A_866 = arith.constant 1.000000e+00 : f32
        %jit3A_867 = arith.constant 0.000000e+00 : f32
        %broadcast_in_dim3A_868 = vector.broadcast %jit3A_866 : f32 to vector<128x512xf32>
        %broadcast_in_dim3A_869 = vector.broadcast %jit3A_867 : f32 to vector<128x512xf32>
        %select_n3A_870 = arith.select %gt3A_865, %broadcast_in_dim3A_868, %broadcast_in_dim3A_869 : vector<128x512xi1>, vector<128x512xf32>
        %mul3A_871 = vector.broadcast %dot_general3A_706 : vector<128x1xf32> to vector<128x512xf32>
        %mul3A_872 = arith.mulf %select_n3A_870, %mul3A_871 : vector<128x512xf32>
        %reduce_max3A_873 = arith.constant dense<0xFF800000> : vector<512xf32>
        %reduce_max3A_874 = vector.multi_reduction <maximumf>, %mul3A_872, %reduce_max3A_873 [0] : vector<128x512xf32> to vector<512xf32>
        %broadcast_in_dim3A_875 = vector.shape_cast %reduce_max3A_874 : vector<512xf32> to vector<1x512xf32>
        %get3A_876 = arith.index_cast %while3A_811 : i32 to index
        %get3A_877 = arith.constant 0 : index
        %get3A_878 = vector.load %arg6[%get3A_876, %get3A_877] : memref<40x512xf32, #tpu.memory_space<vmem>>, vector<1x512xf32>
        %sub3A_879 = arith.constant 1.000000e+00 : f32
        %sub3A_880 = vector.broadcast %sub3A_879 : f32 to vector<1x512xf32>
        %sub3A_881 = arith.subf %sub3A_880, %broadcast_in_dim3A_875 : vector<1x512xf32>
        %mul3A_882 = arith.mulf %get3A_878, %sub3A_881 : vector<1x512xf32>
        %swap3A_883 = arith.index_cast %while3A_811 : i32 to index
        %swap3A_884 = arith.constant 0 : index
        %swap3A_885 = vector.load %arg6[%swap3A_883, %swap3A_884] : memref<40x512xf32, #tpu.memory_space<vmem>>, vector<1x512xf32>
        tpu.vector_store %arg6[%swap3A_883, %swap3A_884], %mul3A_882 {strides = array<i32>} : memref<40x512xf32, #tpu.memory_space<vmem>>, vector<1x512xf32>,
        %while3A_886 = arith.constant 0 : i32
        scf.yield %while3A_886 : i32
      }
      %while3A_810 = arith.constant 0 : i32
      scf.yield %while3A_810 : i32
    }
    %while3A_68 = arith.constant 1 : i32
    %while3A_69 = scf.for %while3A_70 = %while3A_65 to %while3A_61 step %while3A_68 iter_args(%while3A_71 = %while3A_67) -> (i32)  : i32 {
      %get3A_72 = arith.index_cast %while3A_70 : i32 to index
      %get3A_73 = arith.constant 0 : index
      %get3A_74 = vector.load %arg1[%get3A_72, %get3A_73] : memref<40x512xf32, #tpu.memory_space<vmem>>, vector<1x512xf32>
      %get3A_75 = arith.index_cast %while3A_70 : i32 to index
      %get3A_76 = arith.constant 0 : index
      %get3A_77 = vector.load %arg2[%get3A_75, %get3A_76] : memref<40x512xf32, #tpu.memory_space<vmem>>, vector<1x512xf32>
      %get3A_78 = arith.index_cast %while3A_70 : i32 to index
      %get3A_79 = arith.constant 0 : index
      %get3A_80 = vector.load %arg3[%get3A_78, %get3A_79] : memref<40x512xf32, #tpu.memory_space<vmem>>, vector<1x512xf32>
      %get3A_81 = arith.index_cast %while3A_70 : i32 to index
      %get3A_82 = arith.constant 0 : index
      %get3A_83 = vector.load %arg4[%get3A_81, %get3A_82] : memref<40x512xf32, #tpu.memory_space<vmem>>, vector<1x512xf32>
      %slice3A = vector.extract_strided_slice %get3A_74 {offsets = [0, 0], sizes = [1, 128], strides = [1, 1]} : vector<1x512xf32> to vector<1x128xf32>
      %slice3A_84 = vector.extract_strided_slice %get3A_77 {offsets = [0, 0], sizes = [1, 128], strides = [1, 1]} : vector<1x512xf32> to vector<1x128xf32>
      %slice3A_85 = vector.extract_strided_slice %get3A_80 {offsets = [0, 0], sizes = [1, 128], strides = [1, 1]} : vector<1x512xf32> to vector<1x128xf32>
      %slice3A_86 = vector.extract_strided_slice %get3A_83 {offsets = [0, 0], sizes = [1, 128], strides = [1, 1]} : vector<1x512xf32> to vector<1x128xf32>
      %dot_general3A = arith.constant dense<0.000000e+00> : vector<128x1xf32>
      %dot_general3A_87 = tpu.matmul %convert_element_type3A_1, %slice3A, %dot_general3A {dimension_numbers = #tpu.dot_dimension_numbers<[1], [1], [0], [0], [0, 0, 1, 0], [], []>, transpose_lhs_hint = false} : vector<128x128xf32>, vector<1x128xf32>, vector<128x1xf32> -> vector<128x1xf32>
      %dot_general3A_88 = arith.constant dense<0.000000e+00> : vector<128x1xf32>
      %dot_general3A_89 = tpu.matmul %convert_element_type3A_1, %slice3A_84, %dot_general3A_88 {dimension_numbers = #tpu.dot_dimension_numbers<[1], [1], [0], [0], [0, 0, 1, 0], [], []>, transpose_lhs_hint = false} : vector<128x128xf32>, vector<1x128xf32>, vector<128x1xf32> -> vector<128x1xf32>
      %dot_general3A_90 = arith.constant dense<0.000000e+00> : vector<128x1xf32>
      %dot_general3A_91 = tpu.matmul %convert_element_type3A_1, %slice3A_85, %dot_general3A_90 {dimension_numbers = #tpu.dot_dimension_numbers<[1], [1], [0], [0], [0, 0, 1, 0], [], []>, transpose_lhs_hint = false} : vector<128x128xf32>, vector<1x128xf32>, vector<128x1xf32> -> vector<128x1xf32>
      %dot_general3A_92 = arith.constant dense<0.000000e+00> : vector<128x1xf32>
      %dot_general3A_93 = tpu.matmul %convert_element_type3A_1, %slice3A_86, %dot_general3A_92 {dimension_numbers = #tpu.dot_dimension_numbers<[1], [1], [0], [0], [0, 0, 1, 0], [], []>, transpose_lhs_hint = false} : vector<128x128xf32>, vector<1x128xf32>, vector<128x1xf32> -> vector<128x1xf32>
      %sub3A_94 = arith.subf %slice3A_85, %slice3A : vector<1x128xf32>
      %jit3A_95 = arith.constant 0.000000e+00 : f32
      %max3A = vector.broadcast %jit3A_95 : f32 to vector<1x128xf32>
      %max3A_96 = arith.maximumf %max3A, %sub3A_94 : vector<1x128xf32>
      %sub3A_97 = arith.subf %slice3A_86, %slice3A_84 : vector<1x128xf32>
      %jit3A_98 = arith.constant 0.000000e+00 : f32
      %max3A_99 = vector.broadcast %jit3A_98 : f32 to vector<1x128xf32>
      %max3A_100 = arith.maximumf %max3A_99, %sub3A_97 : vector<1x128xf32>
      %mul3A = arith.mulf %max3A_96, %max3A_100 : vector<1x128xf32>
      %sub3A_101 = arith.subf %dot_general3A_91, %dot_general3A_87 : vector<128x1xf32>
      %jit3A_102 = arith.constant 0.000000e+00 : f32
      %max3A_103 = vector.broadcast %jit3A_102 : f32 to vector<128x1xf32>
      %max3A_104 = arith.maximumf %max3A_103, %sub3A_101 : vector<128x1xf32>
      %sub3A_105 = arith.subf %dot_general3A_93, %dot_general3A_89 : vector<128x1xf32>
      %jit3A_106 = arith.constant 0.000000e+00 : f32
      %max3A_107 = vector.broadcast %jit3A_106 : f32 to vector<128x1xf32>
      %max3A_108 = arith.maximumf %max3A_107, %sub3A_105 : vector<128x1xf32>
      %mul3A_109 = arith.mulf %max3A_104, %max3A_108 : vector<128x1xf32>
      %max3A_110 = vector.broadcast %dot_general3A_87 : vector<128x1xf32> to vector<128x128xf32>
      %max3A_111 = vector.broadcast %slice3A : vector<1x128xf32> to vector<128x128xf32>
      %max3A_112 = arith.maximumf %max3A_110, %max3A_111 : vector<128x128xf32>
      %max3A_113 = vector.broadcast %dot_general3A_89 : vector<128x1xf32> to vector<128x128xf32>
      %max3A_114 = vector.broadcast %slice3A_84 : vector<1x128xf32> to vector<128x128xf32>
      %max3A_115 = arith.maximumf %max3A_113, %max3A_114 : vector<128x128xf32>
      %min3A = vector.broadcast %dot_general3A_91 : vector<128x1xf32> to vector<128x128xf32>
      %min3A_116 = vector.broadcast %slice3A_85 : vector<1x128xf32> to vector<128x128xf32>
      %min3A_117 = arith.minimumf %min3A, %min3A_116 : vector<128x128xf32>
      %min3A_118 = vector.broadcast %dot_general3A_93 : vector<128x1xf32> to vector<128x128xf32>
      %min3A_119 = vector.broadcast %slice3A_86 : vector<1x128xf32> to vector<128x128xf32>
      %min3A_120 = arith.minimumf %min3A_118, %min3A_119 : vector<128x128xf32>
      %sub3A_121 = arith.subf %min3A_117, %max3A_112 : vector<128x128xf32>
      %jit3A_122 = arith.constant 0.000000e+00 : f32
      %max3A_123 = vector.broadcast %jit3A_122 : f32 to vector<128x128xf32>
      %max3A_124 = arith.maximumf %max3A_123, %sub3A_121 : vector<128x128xf32>
      %sub3A_125 = arith.subf %min3A_120, %max3A_115 : vector<128x128xf32>
      %jit3A_126 = arith.constant 0.000000e+00 : f32
      %max3A_127 = vector.broadcast %jit3A_126 : f32 to vector<128x128xf32>
      %max3A_128 = arith.maximumf %max3A_127, %sub3A_125 : vector<128x128xf32>
      %mul3A_129 = arith.mulf %max3A_124, %max3A_128 : vector<128x128xf32>
      %add3A_130 = vector.broadcast %mul3A_109 : vector<128x1xf32> to vector<128x128xf32>
      %add3A_131 = vector.broadcast %mul3A : vector<1x128xf32> to vector<128x128xf32>
      %add3A_132 = arith.addf %add3A_130, %add3A_131 : vector<128x128xf32>
      %sub3A_133 = arith.subf %add3A_132, %mul3A_129 : vector<128x128xf32>
      %max3A_134 = arith.constant 9.99999971E-10 : f32
      %max3A_135 = vector.broadcast %max3A_134 : f32 to vector<128x128xf32>
      %max3A_136 = arith.maximumf %sub3A_133, %max3A_135 : vector<128x128xf32>
      %div3A_137 = arith.divf %mul3A_129, %max3A_136 : vector<128x128xf32>
      %gt3A = arith.constant 5.000000e-01 : f32
      %gt3A_138 = vector.broadcast %gt3A : f32 to vector<128x128xf32>
      %gt3A_139 = arith.cmpf ogt, %div3A_137, %gt3A_138 : vector<128x128xf32>
      %lt3A = arith.cmpi slt, %iota3A_2, %iota3A_3 : vector<128x128xi32>
      %and3A_140 = arith.andi %gt3A_139, %lt3A : vector<128x128xi1>
      %jit3A_141 = arith.constant 1.000000e+00 : f32
      %jit3A_142 = arith.constant 0.000000e+00 : f32
      %broadcast_in_dim3A = vector.broadcast %jit3A_141 : f32 to vector<128x128xf32>
      %broadcast_in_dim3A_143 = vector.broadcast %jit3A_142 : f32 to vector<128x128xf32>
      %select_n3A_144 = arith.select %and3A_140, %broadcast_in_dim3A, %broadcast_in_dim3A_143 : vector<128x128xi1>, vector<128x128xf32>
      %swap3A_145 = arith.constant 0 : index
      %swap3A_146 = arith.constant 0 : index
      %swap3A_147 = vector.load %arg7[%swap3A_145, %swap3A_146] : memref<128x128xf32, #tpu.memory_space<vmem>>, vector<128x128xf32>
      tpu.vector_store %arg7[%swap3A_145, %swap3A_146], %select_n3A_144 {strides = array<i32>} : memref<128x128xf32, #tpu.memory_space<vmem>>, vector<128x128xf32>,
      %get3A_148 = arith.index_cast %while3A_70 : i32 to index
      %get3A_149 = arith.constant 0 : index
      %get3A_150 = vector.load %arg6[%get3A_148, %get3A_149] : memref<40x512xf32, #tpu.memory_space<vmem>>, vector<1x512xf32>
      %slice3A_151 = vector.extract_strided_slice %get3A_150 {offsets = [0, 0], sizes = [1, 128], strides = [1, 1]} : vector<1x512xf32> to vector<1x128xf32>
      %broadcast_in_dim3A_152 = arith.constant 0.000000e+00 : f32
      %broadcast_in_dim3A_153 = vector.broadcast %broadcast_in_dim3A_152 : f32 to vector<1x128xf32>
      %while3A_154:2 = scf.while (%while3A_811 = %broadcast_in_dim3A_153, %while3A_812 = %broadcast_in_dim3A_153) : (vector<1x128xf32>, vector<1x128xf32>) -> (vector<1x128xf32>, vector<1x128xf32>) {
        %sub3A_813 = arith.constant 1.000000e+00 : f32
        %sub3A_814 = vector.broadcast %sub3A_813 : f32 to vector<1x128xf32>
        %sub3A_815 = arith.subf %sub3A_814, %while3A_811 : vector<1x128xf32>
        %mul3A_816 = arith.mulf %slice3A_151, %sub3A_815 : vector<1x128xf32>
        %sub3A_817 = arith.constant 1.000000e+00 : f32
        %sub3A_818 = vector.broadcast %sub3A_817 : f32 to vector<1x128xf32>
        %sub3A_819 = arith.subf %sub3A_818, %while3A_812 : vector<1x128xf32>
        %mul3A_820 = arith.mulf %mul3A_816, %sub3A_819 : vector<1x128xf32>
        %reduce_sum3A = vector.shape_cast %mul3A_820 : vector<1x128xf32> to vector<1x1x128xf32>
        %reduce_sum3A_821 = arith.constant dense<0.000000e+00> : vector<1xf32>
        %reduce_sum3A_822 = vector.multi_reduction <add>, %reduce_sum3A, %reduce_sum3A_821 [1, 2] : vector<1x1x128xf32> to vector<1xf32>
        %reduce_sum3A_823 = vector.shape_cast %reduce_sum3A_822 : vector<1xf32> to vector<1x1x1xf32>
        %reduce_sum3A_824 = vector.extract %reduce_sum3A_823[0, 0, 0] : f32 from vector<1x1x1xf32>
        %gt3A_825 = arith.constant 0.000000e+00 : f32
        %gt3A_826 = arith.cmpf ogt, %reduce_sum3A_824, %gt3A_825 : f32
        scf.condition(%gt3A_826) %while3A_811, %while3A_812 : vector<1x128xf32>, vector<1x128xf32>
      } do {
      ^bb0(%while3A_811: vector<1x128xf32>, %while3A_812: vector<1x128xf32>):
        %sub3A_813 = arith.constant 1.000000e+00 : f32
        %sub3A_814 = vector.broadcast %sub3A_813 : f32 to vector<1x128xf32>
        %sub3A_815 = arith.subf %sub3A_814, %while3A_811 : vector<1x128xf32>
        %mul3A_816 = arith.mulf %slice3A_151, %sub3A_815 : vector<1x128xf32>
        %sub3A_817 = arith.constant 1.000000e+00 : f32
        %sub3A_818 = vector.broadcast %sub3A_817 : f32 to vector<1x128xf32>
        %sub3A_819 = arith.subf %sub3A_818, %while3A_812 : vector<1x128xf32>
        %mul3A_820 = arith.mulf %mul3A_816, %sub3A_819 : vector<1x128xf32>
        %get3A_821 = arith.constant 0 : index
        %get3A_822 = arith.constant 0 : index
        %get3A_823 = vector.load %arg7[%get3A_821, %get3A_822] : memref<128x128xf32, #tpu.memory_space<vmem>>, vector<128x128xf32>
        %sub3A_824 = arith.constant 1.000000e+00 : f32
        %sub3A_825 = vector.broadcast %sub3A_824 : f32 to vector<1x128xf32>
        %sub3A_826 = arith.subf %sub3A_825, %while3A_812 : vector<1x128xf32>
        %mul3A_827 = arith.mulf %slice3A_151, %sub3A_826 : vector<1x128xf32>
        %dot_general3A_828 = arith.constant dense<0.000000e+00> : vector<128x1xf32>
        %dot_general3A_829 = tpu.matmul %convert_element_type3A_1, %mul3A_827, %dot_general3A_828 {dimension_numbers = #tpu.dot_dimension_numbers<[1], [1], [0], [0], [0, 0, 1, 0], [], []>, transpose_lhs_hint = false} : vector<128x128xf32>, vector<1x128xf32>, vector<128x1xf32> -> vector<128x1xf32>
        %mul3A_830 = vector.broadcast %dot_general3A_829 : vector<128x1xf32> to vector<128x128xf32>
        %mul3A_831 = arith.mulf %get3A_823, %mul3A_830 : vector<128x128xf32>
        %reduce_max3A_832 = arith.constant dense<0xFF800000> : vector<128xf32>
        %reduce_max3A_833 = vector.multi_reduction <maximumf>, %mul3A_831, %reduce_max3A_832 [0] : vector<128x128xf32> to vector<128xf32>
        %broadcast_in_dim3A_834 = vector.shape_cast %reduce_max3A_833 : vector<128xf32> to vector<1x128xf32>
        %sub3A_835 = arith.constant 1.000000e+00 : f32
        %sub3A_836 = vector.broadcast %sub3A_835 : f32 to vector<1x128xf32>
        %sub3A_837 = arith.subf %sub3A_836, %broadcast_in_dim3A_834 : vector<1x128xf32>
        %mul3A_838 = arith.mulf %mul3A_820, %sub3A_837 : vector<1x128xf32>
        %add3A_839 = arith.addf %while3A_811, %mul3A_838 : vector<1x128xf32>
        %dot_general3A_840 = arith.constant dense<0.000000e+00> : vector<128x1xf32>
        %dot_general3A_841 = tpu.matmul %convert_element_type3A_1, %add3A_839, %dot_general3A_840 {dimension_numbers = #tpu.dot_dimension_numbers<[1], [1], [0], [0], [0, 0, 1, 0], [], []>, transpose_lhs_hint = false} : vector<128x128xf32>, vector<1x128xf32>, vector<128x1xf32> -> vector<128x1xf32>
        %mul3A_842 = vector.broadcast %dot_general3A_841 : vector<128x1xf32> to vector<128x128xf32>
        %mul3A_843 = arith.mulf %get3A_823, %mul3A_842 : vector<128x128xf32>
        %reduce_max3A_844 = arith.constant dense<0xFF800000> : vector<128xf32>
        %reduce_max3A_845 = vector.multi_reduction <maximumf>, %mul3A_843, %reduce_max3A_844 [0] : vector<128x128xf32> to vector<128xf32>
        %broadcast_in_dim3A_846 = vector.shape_cast %reduce_max3A_845 : vector<128xf32> to vector<1x128xf32>
        %mul3A_847 = arith.mulf %mul3A_820, %broadcast_in_dim3A_846 : vector<1x128xf32>
        %add3A_848 = arith.addf %while3A_812, %mul3A_847 : vector<1x128xf32>
        scf.yield %add3A_839, %add3A_848 : vector<1x128xf32>, vector<1x128xf32>
      }
      %dot_general3A_155 = arith.constant dense<0.000000e+00> : vector<128x1xf32>
      %dot_general3A_156 = tpu.matmul %convert_element_type3A_1, %while3A_154#0, %dot_general3A_155 {dimension_numbers = #tpu.dot_dimension_numbers<[1], [1], [0], [0], [0, 0, 1, 0], [], []>, transpose_lhs_hint = false} : vector<128x128xf32>, vector<1x128xf32>, vector<128x1xf32> -> vector<128x1xf32>
      %get3A_157 = arith.index_cast %while3A_70 : i32 to index
      %get3A_158 = arith.constant 0 : index
      %get3A_159 = vector.load %arg1[%get3A_157, %get3A_158] : memref<40x512xf32, #tpu.memory_space<vmem>>, vector<1x512xf32>
      %get3A_160 = arith.index_cast %while3A_70 : i32 to index
      %get3A_161 = arith.constant 0 : index
      %get3A_162 = vector.load %arg2[%get3A_160, %get3A_161] : memref<40x512xf32, #tpu.memory_space<vmem>>, vector<1x512xf32>
      %get3A_163 = arith.index_cast %while3A_70 : i32 to index
      %get3A_164 = arith.constant 0 : index
      %get3A_165 = vector.load %arg3[%get3A_163, %get3A_164] : memref<40x512xf32, #tpu.memory_space<vmem>>, vector<1x512xf32>
      %get3A_166 = arith.index_cast %while3A_70 : i32 to index
      %get3A_167 = arith.constant 0 : index
      %get3A_168 = vector.load %arg4[%get3A_166, %get3A_167] : memref<40x512xf32, #tpu.memory_space<vmem>>, vector<1x512xf32>
      %sub3A_169 = arith.subf %get3A_165, %get3A_159 : vector<1x512xf32>
      %jit3A_170 = arith.constant 0.000000e+00 : f32
      %max3A_171 = vector.broadcast %jit3A_170 : f32 to vector<1x512xf32>
      %max3A_172 = arith.maximumf %max3A_171, %sub3A_169 : vector<1x512xf32>
      %sub3A_173 = arith.subf %get3A_168, %get3A_162 : vector<1x512xf32>
      %jit3A_174 = arith.constant 0.000000e+00 : f32
      %max3A_175 = vector.broadcast %jit3A_174 : f32 to vector<1x512xf32>
      %max3A_176 = arith.maximumf %max3A_175, %sub3A_173 : vector<1x512xf32>
      %mul3A_177 = arith.mulf %max3A_172, %max3A_176 : vector<1x512xf32>
      %max3A_178 = vector.broadcast %dot_general3A_87 : vector<128x1xf32> to vector<128x512xf32>
      %max3A_179 = vector.broadcast %get3A_159 : vector<1x512xf32> to vector<128x512xf32>
      %max3A_180 = arith.maximumf %max3A_178, %max3A_179 : vector<128x512xf32>
      %max3A_181 = vector.broadcast %dot_general3A_89 : vector<128x1xf32> to vector<128x512xf32>
      %max3A_182 = vector.broadcast %get3A_162 : vector<1x512xf32> to vector<128x512xf32>
      %max3A_183 = arith.maximumf %max3A_181, %max3A_182 : vector<128x512xf32>
      %min3A_184 = vector.broadcast %dot_general3A_91 : vector<128x1xf32> to vector<128x512xf32>
      %min3A_185 = vector.broadcast %get3A_165 : vector<1x512xf32> to vector<128x512xf32>
      %min3A_186 = arith.minimumf %min3A_184, %min3A_185 : vector<128x512xf32>
      %min3A_187 = vector.broadcast %dot_general3A_93 : vector<128x1xf32> to vector<128x512xf32>
      %min3A_188 = vector.broadcast %get3A_168 : vector<1x512xf32> to vector<128x512xf32>
      %min3A_189 = arith.minimumf %min3A_187, %min3A_188 : vector<128x512xf32>
      %sub3A_190 = arith.subf %min3A_186, %max3A_180 : vector<128x512xf32>
      %jit3A_191 = arith.constant 0.000000e+00 : f32
      %max3A_192 = vector.broadcast %jit3A_191 : f32 to vector<128x512xf32>
      %max3A_193 = arith.maximumf %max3A_192, %sub3A_190 : vector<128x512xf32>
      %sub3A_194 = arith.subf %min3A_189, %max3A_183 : vector<128x512xf32>
      %jit3A_195 = arith.constant 0.000000e+00 : f32
      %max3A_196 = vector.broadcast %jit3A_195 : f32 to vector<128x512xf32>
      %max3A_197 = arith.maximumf %max3A_196, %sub3A_194 : vector<128x512xf32>
      %mul3A_198 = arith.mulf %max3A_193, %max3A_197 : vector<128x512xf32>
      %add3A_199 = vector.broadcast %mul3A_109 : vector<128x1xf32> to vector<128x512xf32>
      %add3A_200 = vector.broadcast %mul3A_177 : vector<1x512xf32> to vector<128x512xf32>
      %add3A_201 = arith.addf %add3A_199, %add3A_200 : vector<128x512xf32>
      %sub3A_202 = arith.subf %add3A_201, %mul3A_198 : vector<128x512xf32>
      %max3A_203 = arith.constant 9.99999971E-10 : f32
      %max3A_204 = vector.broadcast %max3A_203 : f32 to vector<128x512xf32>
      %max3A_205 = arith.maximumf %sub3A_202, %max3A_204 : vector<128x512xf32>
      %div3A_206 = arith.divf %mul3A_198, %max3A_205 : vector<128x512xf32>
      %gt3A_207 = arith.constant 5.000000e-01 : f32
      %gt3A_208 = vector.broadcast %gt3A_207 : f32 to vector<128x512xf32>
      %gt3A_209 = arith.cmpf ogt, %div3A_206, %gt3A_208 : vector<128x512xf32>
      %jit3A_210 = arith.constant 1.000000e+00 : f32
      %jit3A_211 = arith.constant 0.000000e+00 : f32
      %broadcast_in_dim3A_212 = vector.broadcast %jit3A_210 : f32 to vector<128x512xf32>
      %broadcast_in_dim3A_213 = vector.broadcast %jit3A_211 : f32 to vector<128x512xf32>
      %select_n3A_214 = arith.select %gt3A_209, %broadcast_in_dim3A_212, %broadcast_in_dim3A_213 : vector<128x512xi1>, vector<128x512xf32>
      %mul3A_215 = vector.broadcast %dot_general3A_156 : vector<128x1xf32> to vector<128x512xf32>
      %mul3A_216 = arith.mulf %select_n3A_214, %mul3A_215 : vector<128x512xf32>
      %reduce_max3A = arith.constant dense<0xFF800000> : vector<512xf32>
      %reduce_max3A_217 = vector.multi_reduction <maximumf>, %mul3A_216, %reduce_max3A [0] : vector<128x512xf32> to vector<512xf32>
      %broadcast_in_dim3A_218 = vector.shape_cast %reduce_max3A_217 : vector<512xf32> to vector<1x512xf32>
      %get3A_219 = arith.index_cast %while3A_70 : i32 to index
      %get3A_220 = arith.constant 0 : index
      %get3A_221 = vector.load %arg6[%get3A_219, %get3A_220] : memref<40x512xf32, #tpu.memory_space<vmem>>, vector<1x512xf32>
      %sub3A_222 = arith.constant 1.000000e+00 : f32
      %sub3A_223 = vector.broadcast %sub3A_222 : f32 to vector<1x512xf32>
      %sub3A_224 = arith.subf %sub3A_223, %broadcast_in_dim3A_218 : vector<1x512xf32>
      %mul3A_225 = arith.mulf %get3A_221, %sub3A_224 : vector<1x512xf32>
      %swap3A_226 = arith.index_cast %while3A_70 : i32 to index
      %swap3A_227 = arith.constant 0 : index
      %swap3A_228 = vector.load %arg6[%swap3A_226, %swap3A_227] : memref<40x512xf32, #tpu.memory_space<vmem>>, vector<1x512xf32>
      tpu.vector_store %arg6[%swap3A_226, %swap3A_227], %mul3A_225 {strides = array<i32>} : memref<40x512xf32, #tpu.memory_space<vmem>>, vector<1x512xf32>,
      %get3A_229 = arith.index_cast %while3A_70 : i32 to index
      %get3A_230 = arith.constant 0 : index
      %get3A_231 = vector.load %arg6[%get3A_229, %get3A_230] : memref<40x512xf32, #tpu.memory_space<vmem>>, vector<1x512xf32>
      %broadcast_in_dim3A_232 = arith.constant 0.000000e+00 : f32
      %broadcast_in_dim3A_233 = vector.broadcast %broadcast_in_dim3A_232 : f32 to vector<1x128xf32>
      %broadcast_in_dim3A_234 = arith.constant 0.000000e+00 : f32
      %broadcast_in_dim3A_235 = vector.broadcast %broadcast_in_dim3A_234 : f32 to vector<1x128xf32>
      %broadcast_in_dim3A_236 = arith.constant 0.000000e+00 : f32
      %broadcast_in_dim3A_237 = vector.broadcast %broadcast_in_dim3A_236 : f32 to vector<1x128xf32>
      %concatenate3A = tpu.concatenate %while3A_154#0, %broadcast_in_dim3A_233, %broadcast_in_dim3A_235, %broadcast_in_dim3A_237 in 1 : vector<1x128xf32>, vector<1x128xf32>, vector<1x128xf32>, vector<1x128xf32> -> vector<1x512xf32>
      %eq3A_238 = arith.constant 0 : i32
      %eq3A_239 = vector.broadcast %eq3A_238 : i32 to vector<1x512xi32>
      %eq3A_240 = arith.cmpi eq, %select_n3A_58, %eq3A_239 : vector<1x512xi32>
      %select_n3A_241 = arith.select %eq3A_240, %concatenate3A, %get3A_231 : vector<1x512xi1>, vector<1x512xf32>
      %swap3A_242 = arith.index_cast %while3A_70 : i32 to index
      %swap3A_243 = arith.constant 0 : index
      %swap3A_244 = vector.load %arg6[%swap3A_242, %swap3A_243] : memref<40x512xf32, #tpu.memory_space<vmem>>, vector<1x512xf32>
      tpu.vector_store %arg6[%swap3A_242, %swap3A_243], %select_n3A_241 {strides = array<i32>} : memref<40x512xf32, #tpu.memory_space<vmem>>, vector<1x512xf32>,
      %add3A_245 = arith.constant 1 : i32
      %add3A_246 = arith.addi %while3A_70, %add3A_245 : i32
      %while3A_247 = arith.constant 0 : i32
      %while3A_248 = arith.subi %select_n3A, %add3A_246 : i32
      %while3A_249 = arith.addi %add3A_246, %while3A_248 : i32
      %while3A_250 = arith.constant 1 : i32
      %while3A_251 = arith.divsi %while3A_248, %while3A_250 : i32
      %while3A_252 = arith.muli %while3A_251, %while3A_250 : i32
      %while3A_253 = arith.addi %add3A_246, %while3A_252 : i32
      %while3A_254 = arith.constant 1 : i32
      %while3A_255 = scf.for %while3A_811 = %add3A_246 to %while3A_253 step %while3A_254 iter_args(%while3A_812 = %while3A_247) -> (i32)  : i32 {
        %get3A_813 = arith.index_cast %while3A_811 : i32 to index
        %get3A_814 = arith.constant 0 : index
        %get3A_815 = vector.load %arg1[%get3A_813, %get3A_814] : memref<40x512xf32, #tpu.memory_space<vmem>>, vector<1x512xf32>
        %get3A_816 = arith.index_cast %while3A_811 : i32 to index
        %get3A_817 = arith.constant 0 : index
        %get3A_818 = vector.load %arg2[%get3A_816, %get3A_817] : memref<40x512xf32, #tpu.memory_space<vmem>>, vector<1x512xf32>
        %get3A_819 = arith.index_cast %while3A_811 : i32 to index
        %get3A_820 = arith.constant 0 : index
        %get3A_821 = vector.load %arg3[%get3A_819, %get3A_820] : memref<40x512xf32, #tpu.memory_space<vmem>>, vector<1x512xf32>
        %get3A_822 = arith.index_cast %while3A_811 : i32 to index
        %get3A_823 = arith.constant 0 : index
        %get3A_824 = vector.load %arg4[%get3A_822, %get3A_823] : memref<40x512xf32, #tpu.memory_space<vmem>>, vector<1x512xf32>
        %sub3A_825 = arith.subf %get3A_821, %get3A_815 : vector<1x512xf32>
        %jit3A_826 = arith.constant 0.000000e+00 : f32
        %max3A_827 = vector.broadcast %jit3A_826 : f32 to vector<1x512xf32>
        %max3A_828 = arith.maximumf %max3A_827, %sub3A_825 : vector<1x512xf32>
        %sub3A_829 = arith.subf %get3A_824, %get3A_818 : vector<1x512xf32>
        %jit3A_830 = arith.constant 0.000000e+00 : f32
        %max3A_831 = vector.broadcast %jit3A_830 : f32 to vector<1x512xf32>
        %max3A_832 = arith.maximumf %max3A_831, %sub3A_829 : vector<1x512xf32>
        %mul3A_833 = arith.mulf %max3A_828, %max3A_832 : vector<1x512xf32>
        %max3A_834 = vector.broadcast %dot_general3A_87 : vector<128x1xf32> to vector<128x512xf32>
        %max3A_835 = vector.broadcast %get3A_815 : vector<1x512xf32> to vector<128x512xf32>
        %max3A_836 = arith.maximumf %max3A_834, %max3A_835 : vector<128x512xf32>
        %max3A_837 = vector.broadcast %dot_general3A_89 : vector<128x1xf32> to vector<128x512xf32>
        %max3A_838 = vector.broadcast %get3A_818 : vector<1x512xf32> to vector<128x512xf32>
        %max3A_839 = arith.maximumf %max3A_837, %max3A_838 : vector<128x512xf32>
        %min3A_840 = vector.broadcast %dot_general3A_91 : vector<128x1xf32> to vector<128x512xf32>
        %min3A_841 = vector.broadcast %get3A_821 : vector<1x512xf32> to vector<128x512xf32>
        %min3A_842 = arith.minimumf %min3A_840, %min3A_841 : vector<128x512xf32>
        %min3A_843 = vector.broadcast %dot_general3A_93 : vector<128x1xf32> to vector<128x512xf32>
        %min3A_844 = vector.broadcast %get3A_824 : vector<1x512xf32> to vector<128x512xf32>
        %min3A_845 = arith.minimumf %min3A_843, %min3A_844 : vector<128x512xf32>
        %sub3A_846 = arith.subf %min3A_842, %max3A_836 : vector<128x512xf32>
        %jit3A_847 = arith.constant 0.000000e+00 : f32
        %max3A_848 = vector.broadcast %jit3A_847 : f32 to vector<128x512xf32>
        %max3A_849 = arith.maximumf %max3A_848, %sub3A_846 : vector<128x512xf32>
        %sub3A_850 = arith.subf %min3A_845, %max3A_839 : vector<128x512xf32>
        %jit3A_851 = arith.constant 0.000000e+00 : f32
        %max3A_852 = vector.broadcast %jit3A_851 : f32 to vector<128x512xf32>
        %max3A_853 = arith.maximumf %max3A_852, %sub3A_850 : vector<128x512xf32>
        %mul3A_854 = arith.mulf %max3A_849, %max3A_853 : vector<128x512xf32>
        %add3A_855 = vector.broadcast %mul3A_109 : vector<128x1xf32> to vector<128x512xf32>
        %add3A_856 = vector.broadcast %mul3A_833 : vector<1x512xf32> to vector<128x512xf32>
        %add3A_857 = arith.addf %add3A_855, %add3A_856 : vector<128x512xf32>
        %sub3A_858 = arith.subf %add3A_857, %mul3A_854 : vector<128x512xf32>
        %max3A_859 = arith.constant 9.99999971E-10 : f32
        %max3A_860 = vector.broadcast %max3A_859 : f32 to vector<128x512xf32>
        %max3A_861 = arith.maximumf %sub3A_858, %max3A_860 : vector<128x512xf32>
        %div3A_862 = arith.divf %mul3A_854, %max3A_861 : vector<128x512xf32>
        %gt3A_863 = arith.constant 5.000000e-01 : f32
        %gt3A_864 = vector.broadcast %gt3A_863 : f32 to vector<128x512xf32>
        %gt3A_865 = arith.cmpf ogt, %div3A_862, %gt3A_864 : vector<128x512xf32>
        %jit3A_866 = arith.constant 1.000000e+00 : f32
        %jit3A_867 = arith.constant 0.000000e+00 : f32
        %broadcast_in_dim3A_868 = vector.broadcast %jit3A_866 : f32 to vector<128x512xf32>
        %broadcast_in_dim3A_869 = vector.broadcast %jit3A_867 : f32 to vector<128x512xf32>
        %select_n3A_870 = arith.select %gt3A_865, %broadcast_in_dim3A_868, %broadcast_in_dim3A_869 : vector<128x512xi1>, vector<128x512xf32>
        %mul3A_871 = vector.broadcast %dot_general3A_156 : vector<128x1xf32> to vector<128x512xf32>
        %mul3A_872 = arith.mulf %select_n3A_870, %mul3A_871 : vector<128x512xf32>
        %reduce_max3A_873 = arith.constant dense<0xFF800000> : vector<512xf32>
        %reduce_max3A_874 = vector.multi_reduction <maximumf>, %mul3A_872, %reduce_max3A_873 [0] : vector<128x512xf32> to vector<512xf32>
        %broadcast_in_dim3A_875 = vector.shape_cast %reduce_max3A_874 : vector<512xf32> to vector<1x512xf32>
        %get3A_876 = arith.index_cast %while3A_811 : i32 to index
        %get3A_877 = arith.constant 0 : index
        %get3A_878 = vector.load %arg6[%get3A_876, %get3A_877] : memref<40x512xf32, #tpu.memory_space<vmem>>, vector<1x512xf32>
        %sub3A_879 = arith.constant 1.000000e+00 : f32
        %sub3A_880 = vector.broadcast %sub3A_879 : f32 to vector<1x512xf32>
        %sub3A_881 = arith.subf %sub3A_880, %broadcast_in_dim3A_875 : vector<1x512xf32>
        %mul3A_882 = arith.mulf %get3A_878, %sub3A_881 : vector<1x512xf32>
        %swap3A_883 = arith.index_cast %while3A_811 : i32 to index
        %swap3A_884 = arith.constant 0 : index
        %swap3A_885 = vector.load %arg6[%swap3A_883, %swap3A_884] : memref<40x512xf32, #tpu.memory_space<vmem>>, vector<1x512xf32>
        tpu.vector_store %arg6[%swap3A_883, %swap3A_884], %mul3A_882 {strides = array<i32>} : memref<40x512xf32, #tpu.memory_space<vmem>>, vector<1x512xf32>,
        %while3A_886 = arith.constant 0 : i32
        scf.yield %while3A_886 : i32
      }
      %while3A_256 = arith.constant 1 : i32
      %while3A_257 = scf.for %while3A_811 = %while3A_253 to %while3A_249 step %while3A_256 iter_args(%while3A_812 = %while3A_255) -> (i32)  : i32 {
        %get3A_813 = arith.index_cast %while3A_811 : i32 to index
        %get3A_814 = arith.constant 0 : index
        %get3A_815 = vector.load %arg1[%get3A_813, %get3A_814] : memref<40x512xf32, #tpu.memory_space<vmem>>, vector<1x512xf32>
        %get3A_816 = arith.index_cast %while3A_811 : i32 to index
        %get3A_817 = arith.constant 0 : index
        %get3A_818 = vector.load %arg2[%get3A_816, %get3A_817] : memref<40x512xf32, #tpu.memory_space<vmem>>, vector<1x512xf32>
        %get3A_819 = arith.index_cast %while3A_811 : i32 to index
        %get3A_820 = arith.constant 0 : index
        %get3A_821 = vector.load %arg3[%get3A_819, %get3A_820] : memref<40x512xf32, #tpu.memory_space<vmem>>, vector<1x512xf32>
        %get3A_822 = arith.index_cast %while3A_811 : i32 to index
        %get3A_823 = arith.constant 0 : index
        %get3A_824 = vector.load %arg4[%get3A_822, %get3A_823] : memref<40x512xf32, #tpu.memory_space<vmem>>, vector<1x512xf32>
        %sub3A_825 = arith.subf %get3A_821, %get3A_815 : vector<1x512xf32>
        %jit3A_826 = arith.constant 0.000000e+00 : f32
        %max3A_827 = vector.broadcast %jit3A_826 : f32 to vector<1x512xf32>
        %max3A_828 = arith.maximumf %max3A_827, %sub3A_825 : vector<1x512xf32>
        %sub3A_829 = arith.subf %get3A_824, %get3A_818 : vector<1x512xf32>
        %jit3A_830 = arith.constant 0.000000e+00 : f32
        %max3A_831 = vector.broadcast %jit3A_830 : f32 to vector<1x512xf32>
        %max3A_832 = arith.maximumf %max3A_831, %sub3A_829 : vector<1x512xf32>
        %mul3A_833 = arith.mulf %max3A_828, %max3A_832 : vector<1x512xf32>
        %max3A_834 = vector.broadcast %dot_general3A_87 : vector<128x1xf32> to vector<128x512xf32>
        %max3A_835 = vector.broadcast %get3A_815 : vector<1x512xf32> to vector<128x512xf32>
        %max3A_836 = arith.maximumf %max3A_834, %max3A_835 : vector<128x512xf32>
        %max3A_837 = vector.broadcast %dot_general3A_89 : vector<128x1xf32> to vector<128x512xf32>
        %max3A_838 = vector.broadcast %get3A_818 : vector<1x512xf32> to vector<128x512xf32>
        %max3A_839 = arith.maximumf %max3A_837, %max3A_838 : vector<128x512xf32>
        %min3A_840 = vector.broadcast %dot_general3A_91 : vector<128x1xf32> to vector<128x512xf32>
        %min3A_841 = vector.broadcast %get3A_821 : vector<1x512xf32> to vector<128x512xf32>
        %min3A_842 = arith.minimumf %min3A_840, %min3A_841 : vector<128x512xf32>
        %min3A_843 = vector.broadcast %dot_general3A_93 : vector<128x1xf32> to vector<128x512xf32>
        %min3A_844 = vector.broadcast %get3A_824 : vector<1x512xf32> to vector<128x512xf32>
        %min3A_845 = arith.minimumf %min3A_843, %min3A_844 : vector<128x512xf32>
        %sub3A_846 = arith.subf %min3A_842, %max3A_836 : vector<128x512xf32>
        %jit3A_847 = arith.constant 0.000000e+00 : f32
        %max3A_848 = vector.broadcast %jit3A_847 : f32 to vector<128x512xf32>
        %max3A_849 = arith.maximumf %max3A_848, %sub3A_846 : vector<128x512xf32>
        %sub3A_850 = arith.subf %min3A_845, %max3A_839 : vector<128x512xf32>
        %jit3A_851 = arith.constant 0.000000e+00 : f32
        %max3A_852 = vector.broadcast %jit3A_851 : f32 to vector<128x512xf32>
        %max3A_853 = arith.maximumf %max3A_852, %sub3A_850 : vector<128x512xf32>
        %mul3A_854 = arith.mulf %max3A_849, %max3A_853 : vector<128x512xf32>
        %add3A_855 = vector.broadcast %mul3A_109 : vector<128x1xf32> to vector<128x512xf32>
        %add3A_856 = vector.broadcast %mul3A_833 : vector<1x512xf32> to vector<128x512xf32>
        %add3A_857 = arith.addf %add3A_855, %add3A_856 : vector<128x512xf32>
        %sub3A_858 = arith.subf %add3A_857, %mul3A_854 : vector<128x512xf32>
        %max3A_859 = arith.constant 9.99999971E-10 : f32
        %max3A_860 = vector.broadcast %max3A_859 : f32 to vector<128x512xf32>
        %max3A_861 = arith.maximumf %sub3A_858, %max3A_860 : vector<128x512xf32>
        %div3A_862 = arith.divf %mul3A_854, %max3A_861 : vector<128x512xf32>
        %gt3A_863 = arith.constant 5.000000e-01 : f32
        %gt3A_864 = vector.broadcast %gt3A_863 : f32 to vector<128x512xf32>
        %gt3A_865 = arith.cmpf ogt, %div3A_862, %gt3A_864 : vector<128x512xf32>
        %jit3A_866 = arith.constant 1.000000e+00 : f32
        %jit3A_867 = arith.constant 0.000000e+00 : f32
        %broadcast_in_dim3A_868 = vector.broadcast %jit3A_866 : f32 to vector<128x512xf32>
        %broadcast_in_dim3A_869 = vector.broadcast %jit3A_867 : f32 to vector<128x512xf32>
        %select_n3A_870 = arith.select %gt3A_865, %broadcast_in_dim3A_868, %broadcast_in_dim3A_869 : vector<128x512xi1>, vector<128x512xf32>
        %mul3A_871 = vector.broadcast %dot_general3A_156 : vector<128x1xf32> to vector<128x512xf32>
        %mul3A_872 = arith.mulf %select_n3A_870, %mul3A_871 : vector<128x512xf32>
        %reduce_max3A_873 = arith.constant dense<0xFF800000> : vector<512xf32>
        %reduce_max3A_874 = vector.multi_reduction <maximumf>, %mul3A_872, %reduce_max3A_873 [0] : vector<128x512xf32> to vector<512xf32>
        %broadcast_in_dim3A_875 = vector.shape_cast %reduce_max3A_874 : vector<512xf32> to vector<1x512xf32>
        %get3A_876 = arith.index_cast %while3A_811 : i32 to index
        %get3A_877 = arith.constant 0 : index
        %get3A_878 = vector.load %arg6[%get3A_876, %get3A_877] : memref<40x512xf32, #tpu.memory_space<vmem>>, vector<1x512xf32>
        %sub3A_879 = arith.constant 1.000000e+00 : f32
        %sub3A_880 = vector.broadcast %sub3A_879 : f32 to vector<1x512xf32>
        %sub3A_881 = arith.subf %sub3A_880, %broadcast_in_dim3A_875 : vector<1x512xf32>
        %mul3A_882 = arith.mulf %get3A_878, %sub3A_881 : vector<1x512xf32>
        %swap3A_883 = arith.index_cast %while3A_811 : i32 to index
        %swap3A_884 = arith.constant 0 : index
        %swap3A_885 = vector.load %arg6[%swap3A_883, %swap3A_884] : memref<40x512xf32, #tpu.memory_space<vmem>>, vector<1x512xf32>
        tpu.vector_store %arg6[%swap3A_883, %swap3A_884], %mul3A_882 {strides = array<i32>} : memref<40x512xf32, #tpu.memory_space<vmem>>, vector<1x512xf32>,
        %while3A_886 = arith.constant 0 : i32
        scf.yield %while3A_886 : i32
      }
      %slice3A_258 = vector.extract_strided_slice %get3A_74 {offsets = [0, 128], sizes = [1, 128], strides = [1, 1]} : vector<1x512xf32> to vector<1x128xf32>
      %slice3A_259 = vector.extract_strided_slice %get3A_77 {offsets = [0, 128], sizes = [1, 128], strides = [1, 1]} : vector<1x512xf32> to vector<1x128xf32>
      %slice3A_260 = vector.extract_strided_slice %get3A_80 {offsets = [0, 128], sizes = [1, 128], strides = [1, 1]} : vector<1x512xf32> to vector<1x128xf32>
      %slice3A_261 = vector.extract_strided_slice %get3A_83 {offsets = [0, 128], sizes = [1, 128], strides = [1, 1]} : vector<1x512xf32> to vector<1x128xf32>
      %dot_general3A_262 = arith.constant dense<0.000000e+00> : vector<128x1xf32>
      %dot_general3A_263 = tpu.matmul %convert_element_type3A_1, %slice3A_258, %dot_general3A_262 {dimension_numbers = #tpu.dot_dimension_numbers<[1], [1], [0], [0], [0, 0, 1, 0], [], []>, transpose_lhs_hint = false} : vector<128x128xf32>, vector<1x128xf32>, vector<128x1xf32> -> vector<128x1xf32>
      %dot_general3A_264 = arith.constant dense<0.000000e+00> : vector<128x1xf32>
      %dot_general3A_265 = tpu.matmul %convert_element_type3A_1, %slice3A_259, %dot_general3A_264 {dimension_numbers = #tpu.dot_dimension_numbers<[1], [1], [0], [0], [0, 0, 1, 0], [], []>, transpose_lhs_hint = false} : vector<128x128xf32>, vector<1x128xf32>, vector<128x1xf32> -> vector<128x1xf32>
      %dot_general3A_266 = arith.constant dense<0.000000e+00> : vector<128x1xf32>
      %dot_general3A_267 = tpu.matmul %convert_element_type3A_1, %slice3A_260, %dot_general3A_266 {dimension_numbers = #tpu.dot_dimension_numbers<[1], [1], [0], [0], [0, 0, 1, 0], [], []>, transpose_lhs_hint = false} : vector<128x128xf32>, vector<1x128xf32>, vector<128x1xf32> -> vector<128x1xf32>
      %dot_general3A_268 = arith.constant dense<0.000000e+00> : vector<128x1xf32>
      %dot_general3A_269 = tpu.matmul %convert_element_type3A_1, %slice3A_261, %dot_general3A_268 {dimension_numbers = #tpu.dot_dimension_numbers<[1], [1], [0], [0], [0, 0, 1, 0], [], []>, transpose_lhs_hint = false} : vector<128x128xf32>, vector<1x128xf32>, vector<128x1xf32> -> vector<128x1xf32>
      %sub3A_270 = arith.subf %slice3A_260, %slice3A_258 : vector<1x128xf32>
      %jit3A_271 = arith.constant 0.000000e+00 : f32
      %max3A_272 = vector.broadcast %jit3A_271 : f32 to vector<1x128xf32>
      %max3A_273 = arith.maximumf %max3A_272, %sub3A_270 : vector<1x128xf32>
      %sub3A_274 = arith.subf %slice3A_261, %slice3A_259 : vector<1x128xf32>
      %jit3A_275 = arith.constant 0.000000e+00 : f32
      %max3A_276 = vector.broadcast %jit3A_275 : f32 to vector<1x128xf32>
      %max3A_277 = arith.maximumf %max3A_276, %sub3A_274 : vector<1x128xf32>
      %mul3A_278 = arith.mulf %max3A_273, %max3A_277 : vector<1x128xf32>
      %sub3A_279 = arith.subf %dot_general3A_267, %dot_general3A_263 : vector<128x1xf32>
      %jit3A_280 = arith.constant 0.000000e+00 : f32
      %max3A_281 = vector.broadcast %jit3A_280 : f32 to vector<128x1xf32>
      %max3A_282 = arith.maximumf %max3A_281, %sub3A_279 : vector<128x1xf32>
      %sub3A_283 = arith.subf %dot_general3A_269, %dot_general3A_265 : vector<128x1xf32>
      %jit3A_284 = arith.constant 0.000000e+00 : f32
      %max3A_285 = vector.broadcast %jit3A_284 : f32 to vector<128x1xf32>
      %max3A_286 = arith.maximumf %max3A_285, %sub3A_283 : vector<128x1xf32>
      %mul3A_287 = arith.mulf %max3A_282, %max3A_286 : vector<128x1xf32>
      %max3A_288 = vector.broadcast %dot_general3A_263 : vector<128x1xf32> to vector<128x128xf32>
      %max3A_289 = vector.broadcast %slice3A_258 : vector<1x128xf32> to vector<128x128xf32>
      %max3A_290 = arith.maximumf %max3A_288, %max3A_289 : vector<128x128xf32>
      %max3A_291 = vector.broadcast %dot_general3A_265 : vector<128x1xf32> to vector<128x128xf32>
      %max3A_292 = vector.broadcast %slice3A_259 : vector<1x128xf32> to vector<128x128xf32>
      %max3A_293 = arith.maximumf %max3A_291, %max3A_292 : vector<128x128xf32>
      %min3A_294 = vector.broadcast %dot_general3A_267 : vector<128x1xf32> to vector<128x128xf32>
      %min3A_295 = vector.broadcast %slice3A_260 : vector<1x128xf32> to vector<128x128xf32>
      %min3A_296 = arith.minimumf %min3A_294, %min3A_295 : vector<128x128xf32>
      %min3A_297 = vector.broadcast %dot_general3A_269 : vector<128x1xf32> to vector<128x128xf32>
      %min3A_298 = vector.broadcast %slice3A_261 : vector<1x128xf32> to vector<128x128xf32>
      %min3A_299 = arith.minimumf %min3A_297, %min3A_298 : vector<128x128xf32>
      %sub3A_300 = arith.subf %min3A_296, %max3A_290 : vector<128x128xf32>
      %jit3A_301 = arith.constant 0.000000e+00 : f32
      %max3A_302 = vector.broadcast %jit3A_301 : f32 to vector<128x128xf32>
      %max3A_303 = arith.maximumf %max3A_302, %sub3A_300 : vector<128x128xf32>
      %sub3A_304 = arith.subf %min3A_299, %max3A_293 : vector<128x128xf32>
      %jit3A_305 = arith.constant 0.000000e+00 : f32
      %max3A_306 = vector.broadcast %jit3A_305 : f32 to vector<128x128xf32>
      %max3A_307 = arith.maximumf %max3A_306, %sub3A_304 : vector<128x128xf32>
      %mul3A_308 = arith.mulf %max3A_303, %max3A_307 : vector<128x128xf32>
      %add3A_309 = vector.broadcast %mul3A_287 : vector<128x1xf32> to vector<128x128xf32>
      %add3A_310 = vector.broadcast %mul3A_278 : vector<1x128xf32> to vector<128x128xf32>
      %add3A_311 = arith.addf %add3A_309, %add3A_310 : vector<128x128xf32>
      %sub3A_312 = arith.subf %add3A_311, %mul3A_308 : vector<128x128xf32>
      %max3A_313 = arith.constant 9.99999971E-10 : f32
      %max3A_314 = vector.broadcast %max3A_313 : f32 to vector<128x128xf32>
      %max3A_315 = arith.maximumf %sub3A_312, %max3A_314 : vector<128x128xf32>
      %div3A_316 = arith.divf %mul3A_308, %max3A_315 : vector<128x128xf32>
      %gt3A_317 = arith.constant 5.000000e-01 : f32
      %gt3A_318 = vector.broadcast %gt3A_317 : f32 to vector<128x128xf32>
      %gt3A_319 = arith.cmpf ogt, %div3A_316, %gt3A_318 : vector<128x128xf32>
      %lt3A_320 = arith.cmpi slt, %iota3A_2, %iota3A_3 : vector<128x128xi32>
      %and3A_321 = arith.andi %gt3A_319, %lt3A_320 : vector<128x128xi1>
      %jit3A_322 = arith.constant 1.000000e+00 : f32
      %jit3A_323 = arith.constant 0.000000e+00 : f32
      %broadcast_in_dim3A_324 = vector.broadcast %jit3A_322 : f32 to vector<128x128xf32>
      %broadcast_in_dim3A_325 = vector.broadcast %jit3A_323 : f32 to vector<128x128xf32>
      %select_n3A_326 = arith.select %and3A_321, %broadcast_in_dim3A_324, %broadcast_in_dim3A_325 : vector<128x128xi1>, vector<128x128xf32>
      %swap3A_327 = arith.constant 0 : index
      %swap3A_328 = arith.constant 0 : index
      %swap3A_329 = vector.load %arg7[%swap3A_327, %swap3A_328] : memref<128x128xf32, #tpu.memory_space<vmem>>, vector<128x128xf32>
      tpu.vector_store %arg7[%swap3A_327, %swap3A_328], %select_n3A_326 {strides = array<i32>} : memref<128x128xf32, #tpu.memory_space<vmem>>, vector<128x128xf32>,
      %get3A_330 = arith.index_cast %while3A_70 : i32 to index
      %get3A_331 = arith.constant 0 : index
      %get3A_332 = vector.load %arg6[%get3A_330, %get3A_331] : memref<40x512xf32, #tpu.memory_space<vmem>>, vector<1x512xf32>
      %slice3A_333 = vector.extract_strided_slice %get3A_332 {offsets = [0, 128], sizes = [1, 128], strides = [1, 1]} : vector<1x512xf32> to vector<1x128xf32>
      %broadcast_in_dim3A_334 = arith.constant 0.000000e+00 : f32
      %broadcast_in_dim3A_335 = vector.broadcast %broadcast_in_dim3A_334 : f32 to vector<1x128xf32>
      %while3A_336:2 = scf.while (%while3A_811 = %broadcast_in_dim3A_335, %while3A_812 = %broadcast_in_dim3A_335) : (vector<1x128xf32>, vector<1x128xf32>) -> (vector<1x128xf32>, vector<1x128xf32>) {
        %sub3A_813 = arith.constant 1.000000e+00 : f32
        %sub3A_814 = vector.broadcast %sub3A_813 : f32 to vector<1x128xf32>
        %sub3A_815 = arith.subf %sub3A_814, %while3A_811 : vector<1x128xf32>
        %mul3A_816 = arith.mulf %slice3A_333, %sub3A_815 : vector<1x128xf32>
        %sub3A_817 = arith.constant 1.000000e+00 : f32
        %sub3A_818 = vector.broadcast %sub3A_817 : f32 to vector<1x128xf32>
        %sub3A_819 = arith.subf %sub3A_818, %while3A_812 : vector<1x128xf32>
        %mul3A_820 = arith.mulf %mul3A_816, %sub3A_819 : vector<1x128xf32>
        %reduce_sum3A = vector.shape_cast %mul3A_820 : vector<1x128xf32> to vector<1x1x128xf32>
        %reduce_sum3A_821 = arith.constant dense<0.000000e+00> : vector<1xf32>
        %reduce_sum3A_822 = vector.multi_reduction <add>, %reduce_sum3A, %reduce_sum3A_821 [1, 2] : vector<1x1x128xf32> to vector<1xf32>
        %reduce_sum3A_823 = vector.shape_cast %reduce_sum3A_822 : vector<1xf32> to vector<1x1x1xf32>
        %reduce_sum3A_824 = vector.extract %reduce_sum3A_823[0, 0, 0] : f32 from vector<1x1x1xf32>
        %gt3A_825 = arith.constant 0.000000e+00 : f32
        %gt3A_826 = arith.cmpf ogt, %reduce_sum3A_824, %gt3A_825 : f32
        scf.condition(%gt3A_826) %while3A_811, %while3A_812 : vector<1x128xf32>, vector<1x128xf32>
      } do {
      ^bb0(%while3A_811: vector<1x128xf32>, %while3A_812: vector<1x128xf32>):
        %sub3A_813 = arith.constant 1.000000e+00 : f32
        %sub3A_814 = vector.broadcast %sub3A_813 : f32 to vector<1x128xf32>
        %sub3A_815 = arith.subf %sub3A_814, %while3A_811 : vector<1x128xf32>
        %mul3A_816 = arith.mulf %slice3A_333, %sub3A_815 : vector<1x128xf32>
        %sub3A_817 = arith.constant 1.000000e+00 : f32
        %sub3A_818 = vector.broadcast %sub3A_817 : f32 to vector<1x128xf32>
        %sub3A_819 = arith.subf %sub3A_818, %while3A_812 : vector<1x128xf32>
        %mul3A_820 = arith.mulf %mul3A_816, %sub3A_819 : vector<1x128xf32>
        %get3A_821 = arith.constant 0 : index
        %get3A_822 = arith.constant 0 : index
        %get3A_823 = vector.load %arg7[%get3A_821, %get3A_822] : memref<128x128xf32, #tpu.memory_space<vmem>>, vector<128x128xf32>
        %sub3A_824 = arith.constant 1.000000e+00 : f32
        %sub3A_825 = vector.broadcast %sub3A_824 : f32 to vector<1x128xf32>
        %sub3A_826 = arith.subf %sub3A_825, %while3A_812 : vector<1x128xf32>
        %mul3A_827 = arith.mulf %slice3A_333, %sub3A_826 : vector<1x128xf32>
        %dot_general3A_828 = arith.constant dense<0.000000e+00> : vector<128x1xf32>
        %dot_general3A_829 = tpu.matmul %convert_element_type3A_1, %mul3A_827, %dot_general3A_828 {dimension_numbers = #tpu.dot_dimension_numbers<[1], [1], [0], [0], [0, 0, 1, 0], [], []>, transpose_lhs_hint = false} : vector<128x128xf32>, vector<1x128xf32>, vector<128x1xf32> -> vector<128x1xf32>
        %mul3A_830 = vector.broadcast %dot_general3A_829 : vector<128x1xf32> to vector<128x128xf32>
        %mul3A_831 = arith.mulf %get3A_823, %mul3A_830 : vector<128x128xf32>
        %reduce_max3A_832 = arith.constant dense<0xFF800000> : vector<128xf32>
        %reduce_max3A_833 = vector.multi_reduction <maximumf>, %mul3A_831, %reduce_max3A_832 [0] : vector<128x128xf32> to vector<128xf32>
        %broadcast_in_dim3A_834 = vector.shape_cast %reduce_max3A_833 : vector<128xf32> to vector<1x128xf32>
        %sub3A_835 = arith.constant 1.000000e+00 : f32
        %sub3A_836 = vector.broadcast %sub3A_835 : f32 to vector<1x128xf32>
        %sub3A_837 = arith.subf %sub3A_836, %broadcast_in_dim3A_834 : vector<1x128xf32>
        %mul3A_838 = arith.mulf %mul3A_820, %sub3A_837 : vector<1x128xf32>
        %add3A_839 = arith.addf %while3A_811, %mul3A_838 : vector<1x128xf32>
        %dot_general3A_840 = arith.constant dense<0.000000e+00> : vector<128x1xf32>
        %dot_general3A_841 = tpu.matmul %convert_element_type3A_1, %add3A_839, %dot_general3A_840 {dimension_numbers = #tpu.dot_dimension_numbers<[1], [1], [0], [0], [0, 0, 1, 0], [], []>, transpose_lhs_hint = false} : vector<128x128xf32>, vector<1x128xf32>, vector<128x1xf32> -> vector<128x1xf32>
        %mul3A_842 = vector.broadcast %dot_general3A_841 : vector<128x1xf32> to vector<128x128xf32>
        %mul3A_843 = arith.mulf %get3A_823, %mul3A_842 : vector<128x128xf32>
        %reduce_max3A_844 = arith.constant dense<0xFF800000> : vector<128xf32>
        %reduce_max3A_845 = vector.multi_reduction <maximumf>, %mul3A_843, %reduce_max3A_844 [0] : vector<128x128xf32> to vector<128xf32>
        %broadcast_in_dim3A_846 = vector.shape_cast %reduce_max3A_845 : vector<128xf32> to vector<1x128xf32>
        %mul3A_847 = arith.mulf %mul3A_820, %broadcast_in_dim3A_846 : vector<1x128xf32>
        %add3A_848 = arith.addf %while3A_812, %mul3A_847 : vector<1x128xf32>
        scf.yield %add3A_839, %add3A_848 : vector<1x128xf32>, vector<1x128xf32>
      }
      %dot_general3A_337 = arith.constant dense<0.000000e+00> : vector<128x1xf32>
      %dot_general3A_338 = tpu.matmul %convert_element_type3A_1, %while3A_336#0, %dot_general3A_337 {dimension_numbers = #tpu.dot_dimension_numbers<[1], [1], [0], [0], [0, 0, 1, 0], [], []>, transpose_lhs_hint = false} : vector<128x128xf32>, vector<1x128xf32>, vector<128x1xf32> -> vector<128x1xf32>
      %get3A_339 = arith.index_cast %while3A_70 : i32 to index
      %get3A_340 = arith.constant 0 : index
      %get3A_341 = vector.load %arg1[%get3A_339, %get3A_340] : memref<40x512xf32, #tpu.memory_space<vmem>>, vector<1x512xf32>
      %get3A_342 = arith.index_cast %while3A_70 : i32 to index
      %get3A_343 = arith.constant 0 : index
      %get3A_344 = vector.load %arg2[%get3A_342, %get3A_343] : memref<40x512xf32, #tpu.memory_space<vmem>>, vector<1x512xf32>
      %get3A_345 = arith.index_cast %while3A_70 : i32 to index
      %get3A_346 = arith.constant 0 : index
      %get3A_347 = vector.load %arg3[%get3A_345, %get3A_346] : memref<40x512xf32, #tpu.memory_space<vmem>>, vector<1x512xf32>
      %get3A_348 = arith.index_cast %while3A_70 : i32 to index
      %get3A_349 = arith.constant 0 : index
      %get3A_350 = vector.load %arg4[%get3A_348, %get3A_349] : memref<40x512xf32, #tpu.memory_space<vmem>>, vector<1x512xf32>
      %sub3A_351 = arith.subf %get3A_347, %get3A_341 : vector<1x512xf32>
      %jit3A_352 = arith.constant 0.000000e+00 : f32
      %max3A_353 = vector.broadcast %jit3A_352 : f32 to vector<1x512xf32>
      %max3A_354 = arith.maximumf %max3A_353, %sub3A_351 : vector<1x512xf32>
      %sub3A_355 = arith.subf %get3A_350, %get3A_344 : vector<1x512xf32>
      %jit3A_356 = arith.constant 0.000000e+00 : f32
      %max3A_357 = vector.broadcast %jit3A_356 : f32 to vector<1x512xf32>
      %max3A_358 = arith.maximumf %max3A_357, %sub3A_355 : vector<1x512xf32>
      %mul3A_359 = arith.mulf %max3A_354, %max3A_358 : vector<1x512xf32>
      %max3A_360 = vector.broadcast %dot_general3A_263 : vector<128x1xf32> to vector<128x512xf32>
      %max3A_361 = vector.broadcast %get3A_341 : vector<1x512xf32> to vector<128x512xf32>
      %max3A_362 = arith.maximumf %max3A_360, %max3A_361 : vector<128x512xf32>
      %max3A_363 = vector.broadcast %dot_general3A_265 : vector<128x1xf32> to vector<128x512xf32>
      %max3A_364 = vector.broadcast %get3A_344 : vector<1x512xf32> to vector<128x512xf32>
      %max3A_365 = arith.maximumf %max3A_363, %max3A_364 : vector<128x512xf32>
      %min3A_366 = vector.broadcast %dot_general3A_267 : vector<128x1xf32> to vector<128x512xf32>
      %min3A_367 = vector.broadcast %get3A_347 : vector<1x512xf32> to vector<128x512xf32>
      %min3A_368 = arith.minimumf %min3A_366, %min3A_367 : vector<128x512xf32>
      %min3A_369 = vector.broadcast %dot_general3A_269 : vector<128x1xf32> to vector<128x512xf32>
      %min3A_370 = vector.broadcast %get3A_350 : vector<1x512xf32> to vector<128x512xf32>
      %min3A_371 = arith.minimumf %min3A_369, %min3A_370 : vector<128x512xf32>
      %sub3A_372 = arith.subf %min3A_368, %max3A_362 : vector<128x512xf32>
      %jit3A_373 = arith.constant 0.000000e+00 : f32
      %max3A_374 = vector.broadcast %jit3A_373 : f32 to vector<128x512xf32>
      %max3A_375 = arith.maximumf %max3A_374, %sub3A_372 : vector<128x512xf32>
      %sub3A_376 = arith.subf %min3A_371, %max3A_365 : vector<128x512xf32>
      %jit3A_377 = arith.constant 0.000000e+00 : f32
      %max3A_378 = vector.broadcast %jit3A_377 : f32 to vector<128x512xf32>
      %max3A_379 = arith.maximumf %max3A_378, %sub3A_376 : vector<128x512xf32>
      %mul3A_380 = arith.mulf %max3A_375, %max3A_379 : vector<128x512xf32>
      %add3A_381 = vector.broadcast %mul3A_287 : vector<128x1xf32> to vector<128x512xf32>
      %add3A_382 = vector.broadcast %mul3A_359 : vector<1x512xf32> to vector<128x512xf32>
      %add3A_383 = arith.addf %add3A_381, %add3A_382 : vector<128x512xf32>
      %sub3A_384 = arith.subf %add3A_383, %mul3A_380 : vector<128x512xf32>
      %max3A_385 = arith.constant 9.99999971E-10 : f32
      %max3A_386 = vector.broadcast %max3A_385 : f32 to vector<128x512xf32>
      %max3A_387 = arith.maximumf %sub3A_384, %max3A_386 : vector<128x512xf32>
      %div3A_388 = arith.divf %mul3A_380, %max3A_387 : vector<128x512xf32>
      %gt3A_389 = arith.constant 5.000000e-01 : f32
      %gt3A_390 = vector.broadcast %gt3A_389 : f32 to vector<128x512xf32>
      %gt3A_391 = arith.cmpf ogt, %div3A_388, %gt3A_390 : vector<128x512xf32>
      %jit3A_392 = arith.constant 1.000000e+00 : f32
      %jit3A_393 = arith.constant 0.000000e+00 : f32
      %broadcast_in_dim3A_394 = vector.broadcast %jit3A_392 : f32 to vector<128x512xf32>
      %broadcast_in_dim3A_395 = vector.broadcast %jit3A_393 : f32 to vector<128x512xf32>
      %select_n3A_396 = arith.select %gt3A_391, %broadcast_in_dim3A_394, %broadcast_in_dim3A_395 : vector<128x512xi1>, vector<128x512xf32>
      %mul3A_397 = vector.broadcast %dot_general3A_338 : vector<128x1xf32> to vector<128x512xf32>
      %mul3A_398 = arith.mulf %select_n3A_396, %mul3A_397 : vector<128x512xf32>
      %reduce_max3A_399 = arith.constant dense<0xFF800000> : vector<512xf32>
      %reduce_max3A_400 = vector.multi_reduction <maximumf>, %mul3A_398, %reduce_max3A_399 [0] : vector<128x512xf32> to vector<512xf32>
      %broadcast_in_dim3A_401 = vector.shape_cast %reduce_max3A_400 : vector<512xf32> to vector<1x512xf32>
      %get3A_402 = arith.index_cast %while3A_70 : i32 to index
      %get3A_403 = arith.constant 0 : index
      %get3A_404 = vector.load %arg6[%get3A_402, %get3A_403] : memref<40x512xf32, #tpu.memory_space<vmem>>, vector<1x512xf32>
      %sub3A_405 = arith.constant 1.000000e+00 : f32
      %sub3A_406 = vector.broadcast %sub3A_405 : f32 to vector<1x512xf32>
      %sub3A_407 = arith.subf %sub3A_406, %broadcast_in_dim3A_401 : vector<1x512xf32>
      %mul3A_408 = arith.mulf %get3A_404, %sub3A_407 : vector<1x512xf32>
      %swap3A_409 = arith.index_cast %while3A_70 : i32 to index
      %swap3A_410 = arith.constant 0 : index
      %swap3A_411 = vector.load %arg6[%swap3A_409, %swap3A_410] : memref<40x512xf32, #tpu.memory_space<vmem>>, vector<1x512xf32>
      tpu.vector_store %arg6[%swap3A_409, %swap3A_410], %mul3A_408 {strides = array<i32>} : memref<40x512xf32, #tpu.memory_space<vmem>>, vector<1x512xf32>,
      %get3A_412 = arith.index_cast %while3A_70 : i32 to index
      %get3A_413 = arith.constant 0 : index
      %get3A_414 = vector.load %arg6[%get3A_412, %get3A_413] : memref<40x512xf32, #tpu.memory_space<vmem>>, vector<1x512xf32>
      %broadcast_in_dim3A_415 = arith.constant 0.000000e+00 : f32
      %broadcast_in_dim3A_416 = vector.broadcast %broadcast_in_dim3A_415 : f32 to vector<1x128xf32>
      %broadcast_in_dim3A_417 = arith.constant 0.000000e+00 : f32
      %broadcast_in_dim3A_418 = vector.broadcast %broadcast_in_dim3A_417 : f32 to vector<1x128xf32>
      %broadcast_in_dim3A_419 = arith.constant 0.000000e+00 : f32
      %broadcast_in_dim3A_420 = vector.broadcast %broadcast_in_dim3A_419 : f32 to vector<1x128xf32>
      %concatenate3A_421 = tpu.concatenate %broadcast_in_dim3A_416, %while3A_336#0, %broadcast_in_dim3A_418, %broadcast_in_dim3A_420 in 1 : vector<1x128xf32>, vector<1x128xf32>, vector<1x128xf32>, vector<1x128xf32> -> vector<1x512xf32>
      %eq3A_422 = arith.constant 1 : i32
      %eq3A_423 = vector.broadcast %eq3A_422 : i32 to vector<1x512xi32>
      %eq3A_424 = arith.cmpi eq, %select_n3A_58, %eq3A_423 : vector<1x512xi32>
      %select_n3A_425 = arith.select %eq3A_424, %concatenate3A_421, %get3A_414 : vector<1x512xi1>, vector<1x512xf32>
      %swap3A_426 = arith.index_cast %while3A_70 : i32 to index
      %swap3A_427 = arith.constant 0 : index
      %swap3A_428 = vector.load %arg6[%swap3A_426, %swap3A_427] : memref<40x512xf32, #tpu.memory_space<vmem>>, vector<1x512xf32>
      tpu.vector_store %arg6[%swap3A_426, %swap3A_427], %select_n3A_425 {strides = array<i32>} : memref<40x512xf32, #tpu.memory_space<vmem>>, vector<1x512xf32>,
      %add3A_429 = arith.constant 1 : i32
      %add3A_430 = arith.addi %while3A_70, %add3A_429 : i32
      %while3A_431 = arith.constant 0 : i32
      %while3A_432 = arith.subi %select_n3A, %add3A_430 : i32
      %while3A_433 = arith.addi %add3A_430, %while3A_432 : i32
      %while3A_434 = arith.constant 1 : i32
      %while3A_435 = arith.divsi %while3A_432, %while3A_434 : i32
      %while3A_436 = arith.muli %while3A_435, %while3A_434 : i32
      %while3A_437 = arith.addi %add3A_430, %while3A_436 : i32
      %while3A_438 = arith.constant 1 : i32
      %while3A_439 = scf.for %while3A_811 = %add3A_430 to %while3A_437 step %while3A_438 iter_args(%while3A_812 = %while3A_431) -> (i32)  : i32 {
        %get3A_813 = arith.index_cast %while3A_811 : i32 to index
        %get3A_814 = arith.constant 0 : index
        %get3A_815 = vector.load %arg1[%get3A_813, %get3A_814] : memref<40x512xf32, #tpu.memory_space<vmem>>, vector<1x512xf32>
        %get3A_816 = arith.index_cast %while3A_811 : i32 to index
        %get3A_817 = arith.constant 0 : index
        %get3A_818 = vector.load %arg2[%get3A_816, %get3A_817] : memref<40x512xf32, #tpu.memory_space<vmem>>, vector<1x512xf32>
        %get3A_819 = arith.index_cast %while3A_811 : i32 to index
        %get3A_820 = arith.constant 0 : index
        %get3A_821 = vector.load %arg3[%get3A_819, %get3A_820] : memref<40x512xf32, #tpu.memory_space<vmem>>, vector<1x512xf32>
        %get3A_822 = arith.index_cast %while3A_811 : i32 to index
        %get3A_823 = arith.constant 0 : index
        %get3A_824 = vector.load %arg4[%get3A_822, %get3A_823] : memref<40x512xf32, #tpu.memory_space<vmem>>, vector<1x512xf32>
        %sub3A_825 = arith.subf %get3A_821, %get3A_815 : vector<1x512xf32>
        %jit3A_826 = arith.constant 0.000000e+00 : f32
        %max3A_827 = vector.broadcast %jit3A_826 : f32 to vector<1x512xf32>
        %max3A_828 = arith.maximumf %max3A_827, %sub3A_825 : vector<1x512xf32>
        %sub3A_829 = arith.subf %get3A_824, %get3A_818 : vector<1x512xf32>
        %jit3A_830 = arith.constant 0.000000e+00 : f32
        %max3A_831 = vector.broadcast %jit3A_830 : f32 to vector<1x512xf32>
        %max3A_832 = arith.maximumf %max3A_831, %sub3A_829 : vector<1x512xf32>
        %mul3A_833 = arith.mulf %max3A_828, %max3A_832 : vector<1x512xf32>
        %max3A_834 = vector.broadcast %dot_general3A_263 : vector<128x1xf32> to vector<128x512xf32>
        %max3A_835 = vector.broadcast %get3A_815 : vector<1x512xf32> to vector<128x512xf32>
        %max3A_836 = arith.maximumf %max3A_834, %max3A_835 : vector<128x512xf32>
        %max3A_837 = vector.broadcast %dot_general3A_265 : vector<128x1xf32> to vector<128x512xf32>
        %max3A_838 = vector.broadcast %get3A_818 : vector<1x512xf32> to vector<128x512xf32>
        %max3A_839 = arith.maximumf %max3A_837, %max3A_838 : vector<128x512xf32>
        %min3A_840 = vector.broadcast %dot_general3A_267 : vector<128x1xf32> to vector<128x512xf32>
        %min3A_841 = vector.broadcast %get3A_821 : vector<1x512xf32> to vector<128x512xf32>
        %min3A_842 = arith.minimumf %min3A_840, %min3A_841 : vector<128x512xf32>
        %min3A_843 = vector.broadcast %dot_general3A_269 : vector<128x1xf32> to vector<128x512xf32>
        %min3A_844 = vector.broadcast %get3A_824 : vector<1x512xf32> to vector<128x512xf32>
        %min3A_845 = arith.minimumf %min3A_843, %min3A_844 : vector<128x512xf32>
        %sub3A_846 = arith.subf %min3A_842, %max3A_836 : vector<128x512xf32>
        %jit3A_847 = arith.constant 0.000000e+00 : f32
        %max3A_848 = vector.broadcast %jit3A_847 : f32 to vector<128x512xf32>
        %max3A_849 = arith.maximumf %max3A_848, %sub3A_846 : vector<128x512xf32>
        %sub3A_850 = arith.subf %min3A_845, %max3A_839 : vector<128x512xf32>
        %jit3A_851 = arith.constant 0.000000e+00 : f32
        %max3A_852 = vector.broadcast %jit3A_851 : f32 to vector<128x512xf32>
        %max3A_853 = arith.maximumf %max3A_852, %sub3A_850 : vector<128x512xf32>
        %mul3A_854 = arith.mulf %max3A_849, %max3A_853 : vector<128x512xf32>
        %add3A_855 = vector.broadcast %mul3A_287 : vector<128x1xf32> to vector<128x512xf32>
        %add3A_856 = vector.broadcast %mul3A_833 : vector<1x512xf32> to vector<128x512xf32>
        %add3A_857 = arith.addf %add3A_855, %add3A_856 : vector<128x512xf32>
        %sub3A_858 = arith.subf %add3A_857, %mul3A_854 : vector<128x512xf32>
        %max3A_859 = arith.constant 9.99999971E-10 : f32
        %max3A_860 = vector.broadcast %max3A_859 : f32 to vector<128x512xf32>
        %max3A_861 = arith.maximumf %sub3A_858, %max3A_860 : vector<128x512xf32>
        %div3A_862 = arith.divf %mul3A_854, %max3A_861 : vector<128x512xf32>
        %gt3A_863 = arith.constant 5.000000e-01 : f32
        %gt3A_864 = vector.broadcast %gt3A_863 : f32 to vector<128x512xf32>
        %gt3A_865 = arith.cmpf ogt, %div3A_862, %gt3A_864 : vector<128x512xf32>
        %jit3A_866 = arith.constant 1.000000e+00 : f32
        %jit3A_867 = arith.constant 0.000000e+00 : f32
        %broadcast_in_dim3A_868 = vector.broadcast %jit3A_866 : f32 to vector<128x512xf32>
        %broadcast_in_dim3A_869 = vector.broadcast %jit3A_867 : f32 to vector<128x512xf32>
        %select_n3A_870 = arith.select %gt3A_865, %broadcast_in_dim3A_868, %broadcast_in_dim3A_869 : vector<128x512xi1>, vector<128x512xf32>
        %mul3A_871 = vector.broadcast %dot_general3A_338 : vector<128x1xf32> to vector<128x512xf32>
        %mul3A_872 = arith.mulf %select_n3A_870, %mul3A_871 : vector<128x512xf32>
        %reduce_max3A_873 = arith.constant dense<0xFF800000> : vector<512xf32>
        %reduce_max3A_874 = vector.multi_reduction <maximumf>, %mul3A_872, %reduce_max3A_873 [0] : vector<128x512xf32> to vector<512xf32>
        %broadcast_in_dim3A_875 = vector.shape_cast %reduce_max3A_874 : vector<512xf32> to vector<1x512xf32>
        %get3A_876 = arith.index_cast %while3A_811 : i32 to index
        %get3A_877 = arith.constant 0 : index
        %get3A_878 = vector.load %arg6[%get3A_876, %get3A_877] : memref<40x512xf32, #tpu.memory_space<vmem>>, vector<1x512xf32>
        %sub3A_879 = arith.constant 1.000000e+00 : f32
        %sub3A_880 = vector.broadcast %sub3A_879 : f32 to vector<1x512xf32>
        %sub3A_881 = arith.subf %sub3A_880, %broadcast_in_dim3A_875 : vector<1x512xf32>
        %mul3A_882 = arith.mulf %get3A_878, %sub3A_881 : vector<1x512xf32>
        %swap3A_883 = arith.index_cast %while3A_811 : i32 to index
        %swap3A_884 = arith.constant 0 : index
        %swap3A_885 = vector.load %arg6[%swap3A_883, %swap3A_884] : memref<40x512xf32, #tpu.memory_space<vmem>>, vector<1x512xf32>
        tpu.vector_store %arg6[%swap3A_883, %swap3A_884], %mul3A_882 {strides = array<i32>} : memref<40x512xf32, #tpu.memory_space<vmem>>, vector<1x512xf32>,
        %while3A_886 = arith.constant 0 : i32
        scf.yield %while3A_886 : i32
      }
      %while3A_440 = arith.constant 1 : i32
      %while3A_441 = scf.for %while3A_811 = %while3A_437 to %while3A_433 step %while3A_440 iter_args(%while3A_812 = %while3A_439) -> (i32)  : i32 {
        %get3A_813 = arith.index_cast %while3A_811 : i32 to index
        %get3A_814 = arith.constant 0 : index
        %get3A_815 = vector.load %arg1[%get3A_813, %get3A_814] : memref<40x512xf32, #tpu.memory_space<vmem>>, vector<1x512xf32>
        %get3A_816 = arith.index_cast %while3A_811 : i32 to index
        %get3A_817 = arith.constant 0 : index
        %get3A_818 = vector.load %arg2[%get3A_816, %get3A_817] : memref<40x512xf32, #tpu.memory_space<vmem>>, vector<1x512xf32>
        %get3A_819 = arith.index_cast %while3A_811 : i32 to index
        %get3A_820 = arith.constant 0 : index
        %get3A_821 = vector.load %arg3[%get3A_819, %get3A_820] : memref<40x512xf32, #tpu.memory_space<vmem>>, vector<1x512xf32>
        %get3A_822 = arith.index_cast %while3A_811 : i32 to index
        %get3A_823 = arith.constant 0 : index
        %get3A_824 = vector.load %arg4[%get3A_822, %get3A_823] : memref<40x512xf32, #tpu.memory_space<vmem>>, vector<1x512xf32>
        %sub3A_825 = arith.subf %get3A_821, %get3A_815 : vector<1x512xf32>
        %jit3A_826 = arith.constant 0.000000e+00 : f32
        %max3A_827 = vector.broadcast %jit3A_826 : f32 to vector<1x512xf32>
        %max3A_828 = arith.maximumf %max3A_827, %sub3A_825 : vector<1x512xf32>
        %sub3A_829 = arith.subf %get3A_824, %get3A_818 : vector<1x512xf32>
        %jit3A_830 = arith.constant 0.000000e+00 : f32
        %max3A_831 = vector.broadcast %jit3A_830 : f32 to vector<1x512xf32>
        %max3A_832 = arith.maximumf %max3A_831, %sub3A_829 : vector<1x512xf32>
        %mul3A_833 = arith.mulf %max3A_828, %max3A_832 : vector<1x512xf32>
        %max3A_834 = vector.broadcast %dot_general3A_263 : vector<128x1xf32> to vector<128x512xf32>
        %max3A_835 = vector.broadcast %get3A_815 : vector<1x512xf32> to vector<128x512xf32>
        %max3A_836 = arith.maximumf %max3A_834, %max3A_835 : vector<128x512xf32>
        %max3A_837 = vector.broadcast %dot_general3A_265 : vector<128x1xf32> to vector<128x512xf32>
        %max3A_838 = vector.broadcast %get3A_818 : vector<1x512xf32> to vector<128x512xf32>
        %max3A_839 = arith.maximumf %max3A_837, %max3A_838 : vector<128x512xf32>
        %min3A_840 = vector.broadcast %dot_general3A_267 : vector<128x1xf32> to vector<128x512xf32>
        %min3A_841 = vector.broadcast %get3A_821 : vector<1x512xf32> to vector<128x512xf32>
        %min3A_842 = arith.minimumf %min3A_840, %min3A_841 : vector<128x512xf32>
        %min3A_843 = vector.broadcast %dot_general3A_269 : vector<128x1xf32> to vector<128x512xf32>
        %min3A_844 = vector.broadcast %get3A_824 : vector<1x512xf32> to vector<128x512xf32>
        %min3A_845 = arith.minimumf %min3A_843, %min3A_844 : vector<128x512xf32>
        %sub3A_846 = arith.subf %min3A_842, %max3A_836 : vector<128x512xf32>
        %jit3A_847 = arith.constant 0.000000e+00 : f32
        %max3A_848 = vector.broadcast %jit3A_847 : f32 to vector<128x512xf32>
        %max3A_849 = arith.maximumf %max3A_848, %sub3A_846 : vector<128x512xf32>
        %sub3A_850 = arith.subf %min3A_845, %max3A_839 : vector<128x512xf32>
        %jit3A_851 = arith.constant 0.000000e+00 : f32
        %max3A_852 = vector.broadcast %jit3A_851 : f32 to vector<128x512xf32>
        %max3A_853 = arith.maximumf %max3A_852, %sub3A_850 : vector<128x512xf32>
        %mul3A_854 = arith.mulf %max3A_849, %max3A_853 : vector<128x512xf32>
        %add3A_855 = vector.broadcast %mul3A_287 : vector<128x1xf32> to vector<128x512xf32>
        %add3A_856 = vector.broadcast %mul3A_833 : vector<1x512xf32> to vector<128x512xf32>
        %add3A_857 = arith.addf %add3A_855, %add3A_856 : vector<128x512xf32>
        %sub3A_858 = arith.subf %add3A_857, %mul3A_854 : vector<128x512xf32>
        %max3A_859 = arith.constant 9.99999971E-10 : f32
        %max3A_860 = vector.broadcast %max3A_859 : f32 to vector<128x512xf32>
        %max3A_861 = arith.maximumf %sub3A_858, %max3A_860 : vector<128x512xf32>
        %div3A_862 = arith.divf %mul3A_854, %max3A_861 : vector<128x512xf32>
        %gt3A_863 = arith.constant 5.000000e-01 : f32
        %gt3A_864 = vector.broadcast %gt3A_863 : f32 to vector<128x512xf32>
        %gt3A_865 = arith.cmpf ogt, %div3A_862, %gt3A_864 : vector<128x512xf32>
        %jit3A_866 = arith.constant 1.000000e+00 : f32
        %jit3A_867 = arith.constant 0.000000e+00 : f32
        %broadcast_in_dim3A_868 = vector.broadcast %jit3A_866 : f32 to vector<128x512xf32>
        %broadcast_in_dim3A_869 = vector.broadcast %jit3A_867 : f32 to vector<128x512xf32>
        %select_n3A_870 = arith.select %gt3A_865, %broadcast_in_dim3A_868, %broadcast_in_dim3A_869 : vector<128x512xi1>, vector<128x512xf32>
        %mul3A_871 = vector.broadcast %dot_general3A_338 : vector<128x1xf32> to vector<128x512xf32>
        %mul3A_872 = arith.mulf %select_n3A_870, %mul3A_871 : vector<128x512xf32>
        %reduce_max3A_873 = arith.constant dense<0xFF800000> : vector<512xf32>
        %reduce_max3A_874 = vector.multi_reduction <maximumf>, %mul3A_872, %reduce_max3A_873 [0] : vector<128x512xf32> to vector<512xf32>
        %broadcast_in_dim3A_875 = vector.shape_cast %reduce_max3A_874 : vector<512xf32> to vector<1x512xf32>
        %get3A_876 = arith.index_cast %while3A_811 : i32 to index
        %get3A_877 = arith.constant 0 : index
        %get3A_878 = vector.load %arg6[%get3A_876, %get3A_877] : memref<40x512xf32, #tpu.memory_space<vmem>>, vector<1x512xf32>
        %sub3A_879 = arith.constant 1.000000e+00 : f32
        %sub3A_880 = vector.broadcast %sub3A_879 : f32 to vector<1x512xf32>
        %sub3A_881 = arith.subf %sub3A_880, %broadcast_in_dim3A_875 : vector<1x512xf32>
        %mul3A_882 = arith.mulf %get3A_878, %sub3A_881 : vector<1x512xf32>
        %swap3A_883 = arith.index_cast %while3A_811 : i32 to index
        %swap3A_884 = arith.constant 0 : index
        %swap3A_885 = vector.load %arg6[%swap3A_883, %swap3A_884] : memref<40x512xf32, #tpu.memory_space<vmem>>, vector<1x512xf32>
        tpu.vector_store %arg6[%swap3A_883, %swap3A_884], %mul3A_882 {strides = array<i32>} : memref<40x512xf32, #tpu.memory_space<vmem>>, vector<1x512xf32>,
        %while3A_886 = arith.constant 0 : i32
        scf.yield %while3A_886 : i32
      }
      %slice3A_442 = vector.extract_strided_slice %get3A_74 {offsets = [0, 256], sizes = [1, 128], strides = [1, 1]} : vector<1x512xf32> to vector<1x128xf32>
      %slice3A_443 = vector.extract_strided_slice %get3A_77 {offsets = [0, 256], sizes = [1, 128], strides = [1, 1]} : vector<1x512xf32> to vector<1x128xf32>
      %slice3A_444 = vector.extract_strided_slice %get3A_80 {offsets = [0, 256], sizes = [1, 128], strides = [1, 1]} : vector<1x512xf32> to vector<1x128xf32>
      %slice3A_445 = vector.extract_strided_slice %get3A_83 {offsets = [0, 256], sizes = [1, 128], strides = [1, 1]} : vector<1x512xf32> to vector<1x128xf32>
      %dot_general3A_446 = arith.constant dense<0.000000e+00> : vector<128x1xf32>
      %dot_general3A_447 = tpu.matmul %convert_element_type3A_1, %slice3A_442, %dot_general3A_446 {dimension_numbers = #tpu.dot_dimension_numbers<[1], [1], [0], [0], [0, 0, 1, 0], [], []>, transpose_lhs_hint = false} : vector<128x128xf32>, vector<1x128xf32>, vector<128x1xf32> -> vector<128x1xf32>
      %dot_general3A_448 = arith.constant dense<0.000000e+00> : vector<128x1xf32>
      %dot_general3A_449 = tpu.matmul %convert_element_type3A_1, %slice3A_443, %dot_general3A_448 {dimension_numbers = #tpu.dot_dimension_numbers<[1], [1], [0], [0], [0, 0, 1, 0], [], []>, transpose_lhs_hint = false} : vector<128x128xf32>, vector<1x128xf32>, vector<128x1xf32> -> vector<128x1xf32>
      %dot_general3A_450 = arith.constant dense<0.000000e+00> : vector<128x1xf32>
      %dot_general3A_451 = tpu.matmul %convert_element_type3A_1, %slice3A_444, %dot_general3A_450 {dimension_numbers = #tpu.dot_dimension_numbers<[1], [1], [0], [0], [0, 0, 1, 0], [], []>, transpose_lhs_hint = false} : vector<128x128xf32>, vector<1x128xf32>, vector<128x1xf32> -> vector<128x1xf32>
      %dot_general3A_452 = arith.constant dense<0.000000e+00> : vector<128x1xf32>
      %dot_general3A_453 = tpu.matmul %convert_element_type3A_1, %slice3A_445, %dot_general3A_452 {dimension_numbers = #tpu.dot_dimension_numbers<[1], [1], [0], [0], [0, 0, 1, 0], [], []>, transpose_lhs_hint = false} : vector<128x128xf32>, vector<1x128xf32>, vector<128x1xf32> -> vector<128x1xf32>
      %sub3A_454 = arith.subf %slice3A_444, %slice3A_442 : vector<1x128xf32>
      %jit3A_455 = arith.constant 0.000000e+00 : f32
      %max3A_456 = vector.broadcast %jit3A_455 : f32 to vector<1x128xf32>
      %max3A_457 = arith.maximumf %max3A_456, %sub3A_454 : vector<1x128xf32>
      %sub3A_458 = arith.subf %slice3A_445, %slice3A_443 : vector<1x128xf32>
      %jit3A_459 = arith.constant 0.000000e+00 : f32
      %max3A_460 = vector.broadcast %jit3A_459 : f32 to vector<1x128xf32>
      %max3A_461 = arith.maximumf %max3A_460, %sub3A_458 : vector<1x128xf32>
      %mul3A_462 = arith.mulf %max3A_457, %max3A_461 : vector<1x128xf32>
      %sub3A_463 = arith.subf %dot_general3A_451, %dot_general3A_447 : vector<128x1xf32>
      %jit3A_464 = arith.constant 0.000000e+00 : f32
      %max3A_465 = vector.broadcast %jit3A_464 : f32 to vector<128x1xf32>
      %max3A_466 = arith.maximumf %max3A_465, %sub3A_463 : vector<128x1xf32>
      %sub3A_467 = arith.subf %dot_general3A_453, %dot_general3A_449 : vector<128x1xf32>
      %jit3A_468 = arith.constant 0.000000e+00 : f32
      %max3A_469 = vector.broadcast %jit3A_468 : f32 to vector<128x1xf32>
      %max3A_470 = arith.maximumf %max3A_469, %sub3A_467 : vector<128x1xf32>
      %mul3A_471 = arith.mulf %max3A_466, %max3A_470 : vector<128x1xf32>
      %max3A_472 = vector.broadcast %dot_general3A_447 : vector<128x1xf32> to vector<128x128xf32>
      %max3A_473 = vector.broadcast %slice3A_442 : vector<1x128xf32> to vector<128x128xf32>
      %max3A_474 = arith.maximumf %max3A_472, %max3A_473 : vector<128x128xf32>
      %max3A_475 = vector.broadcast %dot_general3A_449 : vector<128x1xf32> to vector<128x128xf32>
      %max3A_476 = vector.broadcast %slice3A_443 : vector<1x128xf32> to vector<128x128xf32>
      %max3A_477 = arith.maximumf %max3A_475, %max3A_476 : vector<128x128xf32>
      %min3A_478 = vector.broadcast %dot_general3A_451 : vector<128x1xf32> to vector<128x128xf32>
      %min3A_479 = vector.broadcast %slice3A_444 : vector<1x128xf32> to vector<128x128xf32>
      %min3A_480 = arith.minimumf %min3A_478, %min3A_479 : vector<128x128xf32>
      %min3A_481 = vector.broadcast %dot_general3A_453 : vector<128x1xf32> to vector<128x128xf32>
      %min3A_482 = vector.broadcast %slice3A_445 : vector<1x128xf32> to vector<128x128xf32>
      %min3A_483 = arith.minimumf %min3A_481, %min3A_482 : vector<128x128xf32>
      %sub3A_484 = arith.subf %min3A_480, %max3A_474 : vector<128x128xf32>
      %jit3A_485 = arith.constant 0.000000e+00 : f32
      %max3A_486 = vector.broadcast %jit3A_485 : f32 to vector<128x128xf32>
      %max3A_487 = arith.maximumf %max3A_486, %sub3A_484 : vector<128x128xf32>
      %sub3A_488 = arith.subf %min3A_483, %max3A_477 : vector<128x128xf32>
      %jit3A_489 = arith.constant 0.000000e+00 : f32
      %max3A_490 = vector.broadcast %jit3A_489 : f32 to vector<128x128xf32>
      %max3A_491 = arith.maximumf %max3A_490, %sub3A_488 : vector<128x128xf32>
      %mul3A_492 = arith.mulf %max3A_487, %max3A_491 : vector<128x128xf32>
      %add3A_493 = vector.broadcast %mul3A_471 : vector<128x1xf32> to vector<128x128xf32>
      %add3A_494 = vector.broadcast %mul3A_462 : vector<1x128xf32> to vector<128x128xf32>
      %add3A_495 = arith.addf %add3A_493, %add3A_494 : vector<128x128xf32>
      %sub3A_496 = arith.subf %add3A_495, %mul3A_492 : vector<128x128xf32>
      %max3A_497 = arith.constant 9.99999971E-10 : f32
      %max3A_498 = vector.broadcast %max3A_497 : f32 to vector<128x128xf32>
      %max3A_499 = arith.maximumf %sub3A_496, %max3A_498 : vector<128x128xf32>
      %div3A_500 = arith.divf %mul3A_492, %max3A_499 : vector<128x128xf32>
      %gt3A_501 = arith.constant 5.000000e-01 : f32
      %gt3A_502 = vector.broadcast %gt3A_501 : f32 to vector<128x128xf32>
      %gt3A_503 = arith.cmpf ogt, %div3A_500, %gt3A_502 : vector<128x128xf32>
      %lt3A_504 = arith.cmpi slt, %iota3A_2, %iota3A_3 : vector<128x128xi32>
      %and3A_505 = arith.andi %gt3A_503, %lt3A_504 : vector<128x128xi1>
      %jit3A_506 = arith.constant 1.000000e+00 : f32
      %jit3A_507 = arith.constant 0.000000e+00 : f32
      %broadcast_in_dim3A_508 = vector.broadcast %jit3A_506 : f32 to vector<128x128xf32>
      %broadcast_in_dim3A_509 = vector.broadcast %jit3A_507 : f32 to vector<128x128xf32>
      %select_n3A_510 = arith.select %and3A_505, %broadcast_in_dim3A_508, %broadcast_in_dim3A_509 : vector<128x128xi1>, vector<128x128xf32>
      %swap3A_511 = arith.constant 0 : index
      %swap3A_512 = arith.constant 0 : index
      %swap3A_513 = vector.load %arg7[%swap3A_511, %swap3A_512] : memref<128x128xf32, #tpu.memory_space<vmem>>, vector<128x128xf32>
      tpu.vector_store %arg7[%swap3A_511, %swap3A_512], %select_n3A_510 {strides = array<i32>} : memref<128x128xf32, #tpu.memory_space<vmem>>, vector<128x128xf32>,
      %get3A_514 = arith.index_cast %while3A_70 : i32 to index
      %get3A_515 = arith.constant 0 : index
      %get3A_516 = vector.load %arg6[%get3A_514, %get3A_515] : memref<40x512xf32, #tpu.memory_space<vmem>>, vector<1x512xf32>
      %slice3A_517 = vector.extract_strided_slice %get3A_516 {offsets = [0, 256], sizes = [1, 128], strides = [1, 1]} : vector<1x512xf32> to vector<1x128xf32>
      %broadcast_in_dim3A_518 = arith.constant 0.000000e+00 : f32
      %broadcast_in_dim3A_519 = vector.broadcast %broadcast_in_dim3A_518 : f32 to vector<1x128xf32>
      %while3A_520:2 = scf.while (%while3A_811 = %broadcast_in_dim3A_519, %while3A_812 = %broadcast_in_dim3A_519) : (vector<1x128xf32>, vector<1x128xf32>) -> (vector<1x128xf32>, vector<1x128xf32>) {
        %sub3A_813 = arith.constant 1.000000e+00 : f32
        %sub3A_814 = vector.broadcast %sub3A_813 : f32 to vector<1x128xf32>
        %sub3A_815 = arith.subf %sub3A_814, %while3A_811 : vector<1x128xf32>
        %mul3A_816 = arith.mulf %slice3A_517, %sub3A_815 : vector<1x128xf32>
        %sub3A_817 = arith.constant 1.000000e+00 : f32
        %sub3A_818 = vector.broadcast %sub3A_817 : f32 to vector<1x128xf32>
        %sub3A_819 = arith.subf %sub3A_818, %while3A_812 : vector<1x128xf32>
        %mul3A_820 = arith.mulf %mul3A_816, %sub3A_819 : vector<1x128xf32>
        %reduce_sum3A = vector.shape_cast %mul3A_820 : vector<1x128xf32> to vector<1x1x128xf32>
        %reduce_sum3A_821 = arith.constant dense<0.000000e+00> : vector<1xf32>
        %reduce_sum3A_822 = vector.multi_reduction <add>, %reduce_sum3A, %reduce_sum3A_821 [1, 2] : vector<1x1x128xf32> to vector<1xf32>
        %reduce_sum3A_823 = vector.shape_cast %reduce_sum3A_822 : vector<1xf32> to vector<1x1x1xf32>
        %reduce_sum3A_824 = vector.extract %reduce_sum3A_823[0, 0, 0] : f32 from vector<1x1x1xf32>
        %gt3A_825 = arith.constant 0.000000e+00 : f32
        %gt3A_826 = arith.cmpf ogt, %reduce_sum3A_824, %gt3A_825 : f32
        scf.condition(%gt3A_826) %while3A_811, %while3A_812 : vector<1x128xf32>, vector<1x128xf32>
      } do {
      ^bb0(%while3A_811: vector<1x128xf32>, %while3A_812: vector<1x128xf32>):
        %sub3A_813 = arith.constant 1.000000e+00 : f32
        %sub3A_814 = vector.broadcast %sub3A_813 : f32 to vector<1x128xf32>
        %sub3A_815 = arith.subf %sub3A_814, %while3A_811 : vector<1x128xf32>
        %mul3A_816 = arith.mulf %slice3A_517, %sub3A_815 : vector<1x128xf32>
        %sub3A_817 = arith.constant 1.000000e+00 : f32
        %sub3A_818 = vector.broadcast %sub3A_817 : f32 to vector<1x128xf32>
        %sub3A_819 = arith.subf %sub3A_818, %while3A_812 : vector<1x128xf32>
        %mul3A_820 = arith.mulf %mul3A_816, %sub3A_819 : vector<1x128xf32>
        %get3A_821 = arith.constant 0 : index
        %get3A_822 = arith.constant 0 : index
        %get3A_823 = vector.load %arg7[%get3A_821, %get3A_822] : memref<128x128xf32, #tpu.memory_space<vmem>>, vector<128x128xf32>
        %sub3A_824 = arith.constant 1.000000e+00 : f32
        %sub3A_825 = vector.broadcast %sub3A_824 : f32 to vector<1x128xf32>
        %sub3A_826 = arith.subf %sub3A_825, %while3A_812 : vector<1x128xf32>
        %mul3A_827 = arith.mulf %slice3A_517, %sub3A_826 : vector<1x128xf32>
        %dot_general3A_828 = arith.constant dense<0.000000e+00> : vector<128x1xf32>
        %dot_general3A_829 = tpu.matmul %convert_element_type3A_1, %mul3A_827, %dot_general3A_828 {dimension_numbers = #tpu.dot_dimension_numbers<[1], [1], [0], [0], [0, 0, 1, 0], [], []>, transpose_lhs_hint = false} : vector<128x128xf32>, vector<1x128xf32>, vector<128x1xf32> -> vector<128x1xf32>
        %mul3A_830 = vector.broadcast %dot_general3A_829 : vector<128x1xf32> to vector<128x128xf32>
        %mul3A_831 = arith.mulf %get3A_823, %mul3A_830 : vector<128x128xf32>
        %reduce_max3A_832 = arith.constant dense<0xFF800000> : vector<128xf32>
        %reduce_max3A_833 = vector.multi_reduction <maximumf>, %mul3A_831, %reduce_max3A_832 [0] : vector<128x128xf32> to vector<128xf32>
        %broadcast_in_dim3A_834 = vector.shape_cast %reduce_max3A_833 : vector<128xf32> to vector<1x128xf32>
        %sub3A_835 = arith.constant 1.000000e+00 : f32
        %sub3A_836 = vector.broadcast %sub3A_835 : f32 to vector<1x128xf32>
        %sub3A_837 = arith.subf %sub3A_836, %broadcast_in_dim3A_834 : vector<1x128xf32>
        %mul3A_838 = arith.mulf %mul3A_820, %sub3A_837 : vector<1x128xf32>
        %add3A_839 = arith.addf %while3A_811, %mul3A_838 : vector<1x128xf32>
        %dot_general3A_840 = arith.constant dense<0.000000e+00> : vector<128x1xf32>
        %dot_general3A_841 = tpu.matmul %convert_element_type3A_1, %add3A_839, %dot_general3A_840 {dimension_numbers = #tpu.dot_dimension_numbers<[1], [1], [0], [0], [0, 0, 1, 0], [], []>, transpose_lhs_hint = false} : vector<128x128xf32>, vector<1x128xf32>, vector<128x1xf32> -> vector<128x1xf32>
        %mul3A_842 = vector.broadcast %dot_general3A_841 : vector<128x1xf32> to vector<128x128xf32>
        %mul3A_843 = arith.mulf %get3A_823, %mul3A_842 : vector<128x128xf32>
        %reduce_max3A_844 = arith.constant dense<0xFF800000> : vector<128xf32>
        %reduce_max3A_845 = vector.multi_reduction <maximumf>, %mul3A_843, %reduce_max3A_844 [0] : vector<128x128xf32> to vector<128xf32>
        %broadcast_in_dim3A_846 = vector.shape_cast %reduce_max3A_845 : vector<128xf32> to vector<1x128xf32>
        %mul3A_847 = arith.mulf %mul3A_820, %broadcast_in_dim3A_846 : vector<1x128xf32>
        %add3A_848 = arith.addf %while3A_812, %mul3A_847 : vector<1x128xf32>
        scf.yield %add3A_839, %add3A_848 : vector<1x128xf32>, vector<1x128xf32>
      }
      %dot_general3A_521 = arith.constant dense<0.000000e+00> : vector<128x1xf32>
      %dot_general3A_522 = tpu.matmul %convert_element_type3A_1, %while3A_520#0, %dot_general3A_521 {dimension_numbers = #tpu.dot_dimension_numbers<[1], [1], [0], [0], [0, 0, 1, 0], [], []>, transpose_lhs_hint = false} : vector<128x128xf32>, vector<1x128xf32>, vector<128x1xf32> -> vector<128x1xf32>
      %get3A_523 = arith.index_cast %while3A_70 : i32 to index
      %get3A_524 = arith.constant 0 : index
      %get3A_525 = vector.load %arg1[%get3A_523, %get3A_524] : memref<40x512xf32, #tpu.memory_space<vmem>>, vector<1x512xf32>
      %get3A_526 = arith.index_cast %while3A_70 : i32 to index
      %get3A_527 = arith.constant 0 : index
      %get3A_528 = vector.load %arg2[%get3A_526, %get3A_527] : memref<40x512xf32, #tpu.memory_space<vmem>>, vector<1x512xf32>
      %get3A_529 = arith.index_cast %while3A_70 : i32 to index
      %get3A_530 = arith.constant 0 : index
      %get3A_531 = vector.load %arg3[%get3A_529, %get3A_530] : memref<40x512xf32, #tpu.memory_space<vmem>>, vector<1x512xf32>
      %get3A_532 = arith.index_cast %while3A_70 : i32 to index
      %get3A_533 = arith.constant 0 : index
      %get3A_534 = vector.load %arg4[%get3A_532, %get3A_533] : memref<40x512xf32, #tpu.memory_space<vmem>>, vector<1x512xf32>
      %sub3A_535 = arith.subf %get3A_531, %get3A_525 : vector<1x512xf32>
      %jit3A_536 = arith.constant 0.000000e+00 : f32
      %max3A_537 = vector.broadcast %jit3A_536 : f32 to vector<1x512xf32>
      %max3A_538 = arith.maximumf %max3A_537, %sub3A_535 : vector<1x512xf32>
      %sub3A_539 = arith.subf %get3A_534, %get3A_528 : vector<1x512xf32>
      %jit3A_540 = arith.constant 0.000000e+00 : f32
      %max3A_541 = vector.broadcast %jit3A_540 : f32 to vector<1x512xf32>
      %max3A_542 = arith.maximumf %max3A_541, %sub3A_539 : vector<1x512xf32>
      %mul3A_543 = arith.mulf %max3A_538, %max3A_542 : vector<1x512xf32>
      %max3A_544 = vector.broadcast %dot_general3A_447 : vector<128x1xf32> to vector<128x512xf32>
      %max3A_545 = vector.broadcast %get3A_525 : vector<1x512xf32> to vector<128x512xf32>
      %max3A_546 = arith.maximumf %max3A_544, %max3A_545 : vector<128x512xf32>
      %max3A_547 = vector.broadcast %dot_general3A_449 : vector<128x1xf32> to vector<128x512xf32>
      %max3A_548 = vector.broadcast %get3A_528 : vector<1x512xf32> to vector<128x512xf32>
      %max3A_549 = arith.maximumf %max3A_547, %max3A_548 : vector<128x512xf32>
      %min3A_550 = vector.broadcast %dot_general3A_451 : vector<128x1xf32> to vector<128x512xf32>
      %min3A_551 = vector.broadcast %get3A_531 : vector<1x512xf32> to vector<128x512xf32>
      %min3A_552 = arith.minimumf %min3A_550, %min3A_551 : vector<128x512xf32>
      %min3A_553 = vector.broadcast %dot_general3A_453 : vector<128x1xf32> to vector<128x512xf32>
      %min3A_554 = vector.broadcast %get3A_534 : vector<1x512xf32> to vector<128x512xf32>
      %min3A_555 = arith.minimumf %min3A_553, %min3A_554 : vector<128x512xf32>
      %sub3A_556 = arith.subf %min3A_552, %max3A_546 : vector<128x512xf32>
      %jit3A_557 = arith.constant 0.000000e+00 : f32
      %max3A_558 = vector.broadcast %jit3A_557 : f32 to vector<128x512xf32>
      %max3A_559 = arith.maximumf %max3A_558, %sub3A_556 : vector<128x512xf32>
      %sub3A_560 = arith.subf %min3A_555, %max3A_549 : vector<128x512xf32>
      %jit3A_561 = arith.constant 0.000000e+00 : f32
      %max3A_562 = vector.broadcast %jit3A_561 : f32 to vector<128x512xf32>
      %max3A_563 = arith.maximumf %max3A_562, %sub3A_560 : vector<128x512xf32>
      %mul3A_564 = arith.mulf %max3A_559, %max3A_563 : vector<128x512xf32>
      %add3A_565 = vector.broadcast %mul3A_471 : vector<128x1xf32> to vector<128x512xf32>
      %add3A_566 = vector.broadcast %mul3A_543 : vector<1x512xf32> to vector<128x512xf32>
      %add3A_567 = arith.addf %add3A_565, %add3A_566 : vector<128x512xf32>
      %sub3A_568 = arith.subf %add3A_567, %mul3A_564 : vector<128x512xf32>
      %max3A_569 = arith.constant 9.99999971E-10 : f32
      %max3A_570 = vector.broadcast %max3A_569 : f32 to vector<128x512xf32>
      %max3A_571 = arith.maximumf %sub3A_568, %max3A_570 : vector<128x512xf32>
      %div3A_572 = arith.divf %mul3A_564, %max3A_571 : vector<128x512xf32>
      %gt3A_573 = arith.constant 5.000000e-01 : f32
      %gt3A_574 = vector.broadcast %gt3A_573 : f32 to vector<128x512xf32>
      %gt3A_575 = arith.cmpf ogt, %div3A_572, %gt3A_574 : vector<128x512xf32>
      %jit3A_576 = arith.constant 1.000000e+00 : f32
      %jit3A_577 = arith.constant 0.000000e+00 : f32
      %broadcast_in_dim3A_578 = vector.broadcast %jit3A_576 : f32 to vector<128x512xf32>
      %broadcast_in_dim3A_579 = vector.broadcast %jit3A_577 : f32 to vector<128x512xf32>
      %select_n3A_580 = arith.select %gt3A_575, %broadcast_in_dim3A_578, %broadcast_in_dim3A_579 : vector<128x512xi1>, vector<128x512xf32>
      %mul3A_581 = vector.broadcast %dot_general3A_522 : vector<128x1xf32> to vector<128x512xf32>
      %mul3A_582 = arith.mulf %select_n3A_580, %mul3A_581 : vector<128x512xf32>
      %reduce_max3A_583 = arith.constant dense<0xFF800000> : vector<512xf32>
      %reduce_max3A_584 = vector.multi_reduction <maximumf>, %mul3A_582, %reduce_max3A_583 [0] : vector<128x512xf32> to vector<512xf32>
      %broadcast_in_dim3A_585 = vector.shape_cast %reduce_max3A_584 : vector<512xf32> to vector<1x512xf32>
      %get3A_586 = arith.index_cast %while3A_70 : i32 to index
      %get3A_587 = arith.constant 0 : index
      %get3A_588 = vector.load %arg6[%get3A_586, %get3A_587] : memref<40x512xf32, #tpu.memory_space<vmem>>, vector<1x512xf32>
      %sub3A_589 = arith.constant 1.000000e+00 : f32
      %sub3A_590 = vector.broadcast %sub3A_589 : f32 to vector<1x512xf32>
      %sub3A_591 = arith.subf %sub3A_590, %broadcast_in_dim3A_585 : vector<1x512xf32>
      %mul3A_592 = arith.mulf %get3A_588, %sub3A_591 : vector<1x512xf32>
      %swap3A_593 = arith.index_cast %while3A_70 : i32 to index
      %swap3A_594 = arith.constant 0 : index
      %swap3A_595 = vector.load %arg6[%swap3A_593, %swap3A_594] : memref<40x512xf32, #tpu.memory_space<vmem>>, vector<1x512xf32>
      tpu.vector_store %arg6[%swap3A_593, %swap3A_594], %mul3A_592 {strides = array<i32>} : memref<40x512xf32, #tpu.memory_space<vmem>>, vector<1x512xf32>,
      %get3A_596 = arith.index_cast %while3A_70 : i32 to index
      %get3A_597 = arith.constant 0 : index
      %get3A_598 = vector.load %arg6[%get3A_596, %get3A_597] : memref<40x512xf32, #tpu.memory_space<vmem>>, vector<1x512xf32>
      %broadcast_in_dim3A_599 = arith.constant 0.000000e+00 : f32
      %broadcast_in_dim3A_600 = vector.broadcast %broadcast_in_dim3A_599 : f32 to vector<1x128xf32>
      %broadcast_in_dim3A_601 = arith.constant 0.000000e+00 : f32
      %broadcast_in_dim3A_602 = vector.broadcast %broadcast_in_dim3A_601 : f32 to vector<1x128xf32>
      %broadcast_in_dim3A_603 = arith.constant 0.000000e+00 : f32
      %broadcast_in_dim3A_604 = vector.broadcast %broadcast_in_dim3A_603 : f32 to vector<1x128xf32>
      %concatenate3A_605 = tpu.concatenate %broadcast_in_dim3A_600, %broadcast_in_dim3A_602, %while3A_520#0, %broadcast_in_dim3A_604 in 1 : vector<1x128xf32>, vector<1x128xf32>, vector<1x128xf32>, vector<1x128xf32> -> vector<1x512xf32>
      %eq3A_606 = arith.constant 2 : i32
      %eq3A_607 = vector.broadcast %eq3A_606 : i32 to vector<1x512xi32>
      %eq3A_608 = arith.cmpi eq, %select_n3A_58, %eq3A_607 : vector<1x512xi32>
      %select_n3A_609 = arith.select %eq3A_608, %concatenate3A_605, %get3A_598 : vector<1x512xi1>, vector<1x512xf32>
      %swap3A_610 = arith.index_cast %while3A_70 : i32 to index
      %swap3A_611 = arith.constant 0 : index
      %swap3A_612 = vector.load %arg6[%swap3A_610, %swap3A_611] : memref<40x512xf32, #tpu.memory_space<vmem>>, vector<1x512xf32>
      tpu.vector_store %arg6[%swap3A_610, %swap3A_611], %select_n3A_609 {strides = array<i32>} : memref<40x512xf32, #tpu.memory_space<vmem>>, vector<1x512xf32>,
      %add3A_613 = arith.constant 1 : i32
      %add3A_614 = arith.addi %while3A_70, %add3A_613 : i32
      %while3A_615 = arith.constant 0 : i32
      %while3A_616 = arith.subi %select_n3A, %add3A_614 : i32
      %while3A_617 = arith.addi %add3A_614, %while3A_616 : i32
      %while3A_618 = arith.constant 1 : i32
      %while3A_619 = arith.divsi %while3A_616, %while3A_618 : i32
      %while3A_620 = arith.muli %while3A_619, %while3A_618 : i32
      %while3A_621 = arith.addi %add3A_614, %while3A_620 : i32
      %while3A_622 = arith.constant 1 : i32
      %while3A_623 = scf.for %while3A_811 = %add3A_614 to %while3A_621 step %while3A_622 iter_args(%while3A_812 = %while3A_615) -> (i32)  : i32 {
        %get3A_813 = arith.index_cast %while3A_811 : i32 to index
        %get3A_814 = arith.constant 0 : index
        %get3A_815 = vector.load %arg1[%get3A_813, %get3A_814] : memref<40x512xf32, #tpu.memory_space<vmem>>, vector<1x512xf32>
        %get3A_816 = arith.index_cast %while3A_811 : i32 to index
        %get3A_817 = arith.constant 0 : index
        %get3A_818 = vector.load %arg2[%get3A_816, %get3A_817] : memref<40x512xf32, #tpu.memory_space<vmem>>, vector<1x512xf32>
        %get3A_819 = arith.index_cast %while3A_811 : i32 to index
        %get3A_820 = arith.constant 0 : index
        %get3A_821 = vector.load %arg3[%get3A_819, %get3A_820] : memref<40x512xf32, #tpu.memory_space<vmem>>, vector<1x512xf32>
        %get3A_822 = arith.index_cast %while3A_811 : i32 to index
        %get3A_823 = arith.constant 0 : index
        %get3A_824 = vector.load %arg4[%get3A_822, %get3A_823] : memref<40x512xf32, #tpu.memory_space<vmem>>, vector<1x512xf32>
        %sub3A_825 = arith.subf %get3A_821, %get3A_815 : vector<1x512xf32>
        %jit3A_826 = arith.constant 0.000000e+00 : f32
        %max3A_827 = vector.broadcast %jit3A_826 : f32 to vector<1x512xf32>
        %max3A_828 = arith.maximumf %max3A_827, %sub3A_825 : vector<1x512xf32>
        %sub3A_829 = arith.subf %get3A_824, %get3A_818 : vector<1x512xf32>
        %jit3A_830 = arith.constant 0.000000e+00 : f32
        %max3A_831 = vector.broadcast %jit3A_830 : f32 to vector<1x512xf32>
        %max3A_832 = arith.maximumf %max3A_831, %sub3A_829 : vector<1x512xf32>
        %mul3A_833 = arith.mulf %max3A_828, %max3A_832 : vector<1x512xf32>
        %max3A_834 = vector.broadcast %dot_general3A_447 : vector<128x1xf32> to vector<128x512xf32>
        %max3A_835 = vector.broadcast %get3A_815 : vector<1x512xf32> to vector<128x512xf32>
        %max3A_836 = arith.maximumf %max3A_834, %max3A_835 : vector<128x512xf32>
        %max3A_837 = vector.broadcast %dot_general3A_449 : vector<128x1xf32> to vector<128x512xf32>
        %max3A_838 = vector.broadcast %get3A_818 : vector<1x512xf32> to vector<128x512xf32>
        %max3A_839 = arith.maximumf %max3A_837, %max3A_838 : vector<128x512xf32>
        %min3A_840 = vector.broadcast %dot_general3A_451 : vector<128x1xf32> to vector<128x512xf32>
        %min3A_841 = vector.broadcast %get3A_821 : vector<1x512xf32> to vector<128x512xf32>
        %min3A_842 = arith.minimumf %min3A_840, %min3A_841 : vector<128x512xf32>
        %min3A_843 = vector.broadcast %dot_general3A_453 : vector<128x1xf32> to vector<128x512xf32>
        %min3A_844 = vector.broadcast %get3A_824 : vector<1x512xf32> to vector<128x512xf32>
        %min3A_845 = arith.minimumf %min3A_843, %min3A_844 : vector<128x512xf32>
        %sub3A_846 = arith.subf %min3A_842, %max3A_836 : vector<128x512xf32>
        %jit3A_847 = arith.constant 0.000000e+00 : f32
        %max3A_848 = vector.broadcast %jit3A_847 : f32 to vector<128x512xf32>
        %max3A_849 = arith.maximumf %max3A_848, %sub3A_846 : vector<128x512xf32>
        %sub3A_850 = arith.subf %min3A_845, %max3A_839 : vector<128x512xf32>
        %jit3A_851 = arith.constant 0.000000e+00 : f32
        %max3A_852 = vector.broadcast %jit3A_851 : f32 to vector<128x512xf32>
        %max3A_853 = arith.maximumf %max3A_852, %sub3A_850 : vector<128x512xf32>
        %mul3A_854 = arith.mulf %max3A_849, %max3A_853 : vector<128x512xf32>
        %add3A_855 = vector.broadcast %mul3A_471 : vector<128x1xf32> to vector<128x512xf32>
        %add3A_856 = vector.broadcast %mul3A_833 : vector<1x512xf32> to vector<128x512xf32>
        %add3A_857 = arith.addf %add3A_855, %add3A_856 : vector<128x512xf32>
        %sub3A_858 = arith.subf %add3A_857, %mul3A_854 : vector<128x512xf32>
        %max3A_859 = arith.constant 9.99999971E-10 : f32
        %max3A_860 = vector.broadcast %max3A_859 : f32 to vector<128x512xf32>
        %max3A_861 = arith.maximumf %sub3A_858, %max3A_860 : vector<128x512xf32>
        %div3A_862 = arith.divf %mul3A_854, %max3A_861 : vector<128x512xf32>
        %gt3A_863 = arith.constant 5.000000e-01 : f32
        %gt3A_864 = vector.broadcast %gt3A_863 : f32 to vector<128x512xf32>
        %gt3A_865 = arith.cmpf ogt, %div3A_862, %gt3A_864 : vector<128x512xf32>
        %jit3A_866 = arith.constant 1.000000e+00 : f32
        %jit3A_867 = arith.constant 0.000000e+00 : f32
        %broadcast_in_dim3A_868 = vector.broadcast %jit3A_866 : f32 to vector<128x512xf32>
        %broadcast_in_dim3A_869 = vector.broadcast %jit3A_867 : f32 to vector<128x512xf32>
        %select_n3A_870 = arith.select %gt3A_865, %broadcast_in_dim3A_868, %broadcast_in_dim3A_869 : vector<128x512xi1>, vector<128x512xf32>
        %mul3A_871 = vector.broadcast %dot_general3A_522 : vector<128x1xf32> to vector<128x512xf32>
        %mul3A_872 = arith.mulf %select_n3A_870, %mul3A_871 : vector<128x512xf32>
        %reduce_max3A_873 = arith.constant dense<0xFF800000> : vector<512xf32>
        %reduce_max3A_874 = vector.multi_reduction <maximumf>, %mul3A_872, %reduce_max3A_873 [0] : vector<128x512xf32> to vector<512xf32>
        %broadcast_in_dim3A_875 = vector.shape_cast %reduce_max3A_874 : vector<512xf32> to vector<1x512xf32>
        %get3A_876 = arith.index_cast %while3A_811 : i32 to index
        %get3A_877 = arith.constant 0 : index
        %get3A_878 = vector.load %arg6[%get3A_876, %get3A_877] : memref<40x512xf32, #tpu.memory_space<vmem>>, vector<1x512xf32>
        %sub3A_879 = arith.constant 1.000000e+00 : f32
        %sub3A_880 = vector.broadcast %sub3A_879 : f32 to vector<1x512xf32>
        %sub3A_881 = arith.subf %sub3A_880, %broadcast_in_dim3A_875 : vector<1x512xf32>
        %mul3A_882 = arith.mulf %get3A_878, %sub3A_881 : vector<1x512xf32>
        %swap3A_883 = arith.index_cast %while3A_811 : i32 to index
        %swap3A_884 = arith.constant 0 : index
        %swap3A_885 = vector.load %arg6[%swap3A_883, %swap3A_884] : memref<40x512xf32, #tpu.memory_space<vmem>>, vector<1x512xf32>
        tpu.vector_store %arg6[%swap3A_883, %swap3A_884], %mul3A_882 {strides = array<i32>} : memref<40x512xf32, #tpu.memory_space<vmem>>, vector<1x512xf32>,
        %while3A_886 = arith.constant 0 : i32
        scf.yield %while3A_886 : i32
      }
      %while3A_624 = arith.constant 1 : i32
      %while3A_625 = scf.for %while3A_811 = %while3A_621 to %while3A_617 step %while3A_624 iter_args(%while3A_812 = %while3A_623) -> (i32)  : i32 {
        %get3A_813 = arith.index_cast %while3A_811 : i32 to index
        %get3A_814 = arith.constant 0 : index
        %get3A_815 = vector.load %arg1[%get3A_813, %get3A_814] : memref<40x512xf32, #tpu.memory_space<vmem>>, vector<1x512xf32>
        %get3A_816 = arith.index_cast %while3A_811 : i32 to index
        %get3A_817 = arith.constant 0 : index
        %get3A_818 = vector.load %arg2[%get3A_816, %get3A_817] : memref<40x512xf32, #tpu.memory_space<vmem>>, vector<1x512xf32>
        %get3A_819 = arith.index_cast %while3A_811 : i32 to index
        %get3A_820 = arith.constant 0 : index
        %get3A_821 = vector.load %arg3[%get3A_819, %get3A_820] : memref<40x512xf32, #tpu.memory_space<vmem>>, vector<1x512xf32>
        %get3A_822 = arith.index_cast %while3A_811 : i32 to index
        %get3A_823 = arith.constant 0 : index
        %get3A_824 = vector.load %arg4[%get3A_822, %get3A_823] : memref<40x512xf32, #tpu.memory_space<vmem>>, vector<1x512xf32>
        %sub3A_825 = arith.subf %get3A_821, %get3A_815 : vector<1x512xf32>
        %jit3A_826 = arith.constant 0.000000e+00 : f32
        %max3A_827 = vector.broadcast %jit3A_826 : f32 to vector<1x512xf32>
        %max3A_828 = arith.maximumf %max3A_827, %sub3A_825 : vector<1x512xf32>
        %sub3A_829 = arith.subf %get3A_824, %get3A_818 : vector<1x512xf32>
        %jit3A_830 = arith.constant 0.000000e+00 : f32
        %max3A_831 = vector.broadcast %jit3A_830 : f32 to vector<1x512xf32>
        %max3A_832 = arith.maximumf %max3A_831, %sub3A_829 : vector<1x512xf32>
        %mul3A_833 = arith.mulf %max3A_828, %max3A_832 : vector<1x512xf32>
        %max3A_834 = vector.broadcast %dot_general3A_447 : vector<128x1xf32> to vector<128x512xf32>
        %max3A_835 = vector.broadcast %get3A_815 : vector<1x512xf32> to vector<128x512xf32>
        %max3A_836 = arith.maximumf %max3A_834, %max3A_835 : vector<128x512xf32>
        %max3A_837 = vector.broadcast %dot_general3A_449 : vector<128x1xf32> to vector<128x512xf32>
        %max3A_838 = vector.broadcast %get3A_818 : vector<1x512xf32> to vector<128x512xf32>
        %max3A_839 = arith.maximumf %max3A_837, %max3A_838 : vector<128x512xf32>
        %min3A_840 = vector.broadcast %dot_general3A_451 : vector<128x1xf32> to vector<128x512xf32>
        %min3A_841 = vector.broadcast %get3A_821 : vector<1x512xf32> to vector<128x512xf32>
        %min3A_842 = arith.minimumf %min3A_840, %min3A_841 : vector<128x512xf32>
        %min3A_843 = vector.broadcast %dot_general3A_453 : vector<128x1xf32> to vector<128x512xf32>
        %min3A_844 = vector.broadcast %get3A_824 : vector<1x512xf32> to vector<128x512xf32>
        %min3A_845 = arith.minimumf %min3A_843, %min3A_844 : vector<128x512xf32>
        %sub3A_846 = arith.subf %min3A_842, %max3A_836 : vector<128x512xf32>
        %jit3A_847 = arith.constant 0.000000e+00 : f32
        %max3A_848 = vector.broadcast %jit3A_847 : f32 to vector<128x512xf32>
        %max3A_849 = arith.maximumf %max3A_848, %sub3A_846 : vector<128x512xf32>
        %sub3A_850 = arith.subf %min3A_845, %max3A_839 : vector<128x512xf32>
        %jit3A_851 = arith.constant 0.000000e+00 : f32
        %max3A_852 = vector.broadcast %jit3A_851 : f32 to vector<128x512xf32>
        %max3A_853 = arith.maximumf %max3A_852, %sub3A_850 : vector<128x512xf32>
        %mul3A_854 = arith.mulf %max3A_849, %max3A_853 : vector<128x512xf32>
        %add3A_855 = vector.broadcast %mul3A_471 : vector<128x1xf32> to vector<128x512xf32>
        %add3A_856 = vector.broadcast %mul3A_833 : vector<1x512xf32> to vector<128x512xf32>
        %add3A_857 = arith.addf %add3A_855, %add3A_856 : vector<128x512xf32>
        %sub3A_858 = arith.subf %add3A_857, %mul3A_854 : vector<128x512xf32>
        %max3A_859 = arith.constant 9.99999971E-10 : f32
        %max3A_860 = vector.broadcast %max3A_859 : f32 to vector<128x512xf32>
        %max3A_861 = arith.maximumf %sub3A_858, %max3A_860 : vector<128x512xf32>
        %div3A_862 = arith.divf %mul3A_854, %max3A_861 : vector<128x512xf32>
        %gt3A_863 = arith.constant 5.000000e-01 : f32
        %gt3A_864 = vector.broadcast %gt3A_863 : f32 to vector<128x512xf32>
        %gt3A_865 = arith.cmpf ogt, %div3A_862, %gt3A_864 : vector<128x512xf32>
        %jit3A_866 = arith.constant 1.000000e+00 : f32
        %jit3A_867 = arith.constant 0.000000e+00 : f32
        %broadcast_in_dim3A_868 = vector.broadcast %jit3A_866 : f32 to vector<128x512xf32>
        %broadcast_in_dim3A_869 = vector.broadcast %jit3A_867 : f32 to vector<128x512xf32>
        %select_n3A_870 = arith.select %gt3A_865, %broadcast_in_dim3A_868, %broadcast_in_dim3A_869 : vector<128x512xi1>, vector<128x512xf32>
        %mul3A_871 = vector.broadcast %dot_general3A_522 : vector<128x1xf32> to vector<128x512xf32>
        %mul3A_872 = arith.mulf %select_n3A_870, %mul3A_871 : vector<128x512xf32>
        %reduce_max3A_873 = arith.constant dense<0xFF800000> : vector<512xf32>
        %reduce_max3A_874 = vector.multi_reduction <maximumf>, %mul3A_872, %reduce_max3A_873 [0] : vector<128x512xf32> to vector<512xf32>
        %broadcast_in_dim3A_875 = vector.shape_cast %reduce_max3A_874 : vector<512xf32> to vector<1x512xf32>
        %get3A_876 = arith.index_cast %while3A_811 : i32 to index
        %get3A_877 = arith.constant 0 : index
        %get3A_878 = vector.load %arg6[%get3A_876, %get3A_877] : memref<40x512xf32, #tpu.memory_space<vmem>>, vector<1x512xf32>
        %sub3A_879 = arith.constant 1.000000e+00 : f32
        %sub3A_880 = vector.broadcast %sub3A_879 : f32 to vector<1x512xf32>
        %sub3A_881 = arith.subf %sub3A_880, %broadcast_in_dim3A_875 : vector<1x512xf32>
        %mul3A_882 = arith.mulf %get3A_878, %sub3A_881 : vector<1x512xf32>
        %swap3A_883 = arith.index_cast %while3A_811 : i32 to index
        %swap3A_884 = arith.constant 0 : index
        %swap3A_885 = vector.load %arg6[%swap3A_883, %swap3A_884] : memref<40x512xf32, #tpu.memory_space<vmem>>, vector<1x512xf32>
        tpu.vector_store %arg6[%swap3A_883, %swap3A_884], %mul3A_882 {strides = array<i32>} : memref<40x512xf32, #tpu.memory_space<vmem>>, vector<1x512xf32>,
        %while3A_886 = arith.constant 0 : i32
        scf.yield %while3A_886 : i32
      }
      %slice3A_626 = vector.extract_strided_slice %get3A_74 {offsets = [0, 384], sizes = [1, 128], strides = [1, 1]} : vector<1x512xf32> to vector<1x128xf32>
      %slice3A_627 = vector.extract_strided_slice %get3A_77 {offsets = [0, 384], sizes = [1, 128], strides = [1, 1]} : vector<1x512xf32> to vector<1x128xf32>
      %slice3A_628 = vector.extract_strided_slice %get3A_80 {offsets = [0, 384], sizes = [1, 128], strides = [1, 1]} : vector<1x512xf32> to vector<1x128xf32>
      %slice3A_629 = vector.extract_strided_slice %get3A_83 {offsets = [0, 384], sizes = [1, 128], strides = [1, 1]} : vector<1x512xf32> to vector<1x128xf32>
      %dot_general3A_630 = arith.constant dense<0.000000e+00> : vector<128x1xf32>
      %dot_general3A_631 = tpu.matmul %convert_element_type3A_1, %slice3A_626, %dot_general3A_630 {dimension_numbers = #tpu.dot_dimension_numbers<[1], [1], [0], [0], [0, 0, 1, 0], [], []>, transpose_lhs_hint = false} : vector<128x128xf32>, vector<1x128xf32>, vector<128x1xf32> -> vector<128x1xf32>
      %dot_general3A_632 = arith.constant dense<0.000000e+00> : vector<128x1xf32>
      %dot_general3A_633 = tpu.matmul %convert_element_type3A_1, %slice3A_627, %dot_general3A_632 {dimension_numbers = #tpu.dot_dimension_numbers<[1], [1], [0], [0], [0, 0, 1, 0], [], []>, transpose_lhs_hint = false} : vector<128x128xf32>, vector<1x128xf32>, vector<128x1xf32> -> vector<128x1xf32>
      %dot_general3A_634 = arith.constant dense<0.000000e+00> : vector<128x1xf32>
      %dot_general3A_635 = tpu.matmul %convert_element_type3A_1, %slice3A_628, %dot_general3A_634 {dimension_numbers = #tpu.dot_dimension_numbers<[1], [1], [0], [0], [0, 0, 1, 0], [], []>, transpose_lhs_hint = false} : vector<128x128xf32>, vector<1x128xf32>, vector<128x1xf32> -> vector<128x1xf32>
      %dot_general3A_636 = arith.constant dense<0.000000e+00> : vector<128x1xf32>
      %dot_general3A_637 = tpu.matmul %convert_element_type3A_1, %slice3A_629, %dot_general3A_636 {dimension_numbers = #tpu.dot_dimension_numbers<[1], [1], [0], [0], [0, 0, 1, 0], [], []>, transpose_lhs_hint = false} : vector<128x128xf32>, vector<1x128xf32>, vector<128x1xf32> -> vector<128x1xf32>
      %sub3A_638 = arith.subf %slice3A_628, %slice3A_626 : vector<1x128xf32>
      %jit3A_639 = arith.constant 0.000000e+00 : f32
      %max3A_640 = vector.broadcast %jit3A_639 : f32 to vector<1x128xf32>
      %max3A_641 = arith.maximumf %max3A_640, %sub3A_638 : vector<1x128xf32>
      %sub3A_642 = arith.subf %slice3A_629, %slice3A_627 : vector<1x128xf32>
      %jit3A_643 = arith.constant 0.000000e+00 : f32
      %max3A_644 = vector.broadcast %jit3A_643 : f32 to vector<1x128xf32>
      %max3A_645 = arith.maximumf %max3A_644, %sub3A_642 : vector<1x128xf32>
      %mul3A_646 = arith.mulf %max3A_641, %max3A_645 : vector<1x128xf32>
      %sub3A_647 = arith.subf %dot_general3A_635, %dot_general3A_631 : vector<128x1xf32>
      %jit3A_648 = arith.constant 0.000000e+00 : f32
      %max3A_649 = vector.broadcast %jit3A_648 : f32 to vector<128x1xf32>
      %max3A_650 = arith.maximumf %max3A_649, %sub3A_647 : vector<128x1xf32>
      %sub3A_651 = arith.subf %dot_general3A_637, %dot_general3A_633 : vector<128x1xf32>
      %jit3A_652 = arith.constant 0.000000e+00 : f32
      %max3A_653 = vector.broadcast %jit3A_652 : f32 to vector<128x1xf32>
      %max3A_654 = arith.maximumf %max3A_653, %sub3A_651 : vector<128x1xf32>
      %mul3A_655 = arith.mulf %max3A_650, %max3A_654 : vector<128x1xf32>
      %max3A_656 = vector.broadcast %dot_general3A_631 : vector<128x1xf32> to vector<128x128xf32>
      %max3A_657 = vector.broadcast %slice3A_626 : vector<1x128xf32> to vector<128x128xf32>
      %max3A_658 = arith.maximumf %max3A_656, %max3A_657 : vector<128x128xf32>
      %max3A_659 = vector.broadcast %dot_general3A_633 : vector<128x1xf32> to vector<128x128xf32>
      %max3A_660 = vector.broadcast %slice3A_627 : vector<1x128xf32> to vector<128x128xf32>
      %max3A_661 = arith.maximumf %max3A_659, %max3A_660 : vector<128x128xf32>
      %min3A_662 = vector.broadcast %dot_general3A_635 : vector<128x1xf32> to vector<128x128xf32>
      %min3A_663 = vector.broadcast %slice3A_628 : vector<1x128xf32> to vector<128x128xf32>
      %min3A_664 = arith.minimumf %min3A_662, %min3A_663 : vector<128x128xf32>
      %min3A_665 = vector.broadcast %dot_general3A_637 : vector<128x1xf32> to vector<128x128xf32>
      %min3A_666 = vector.broadcast %slice3A_629 : vector<1x128xf32> to vector<128x128xf32>
      %min3A_667 = arith.minimumf %min3A_665, %min3A_666 : vector<128x128xf32>
      %sub3A_668 = arith.subf %min3A_664, %max3A_658 : vector<128x128xf32>
      %jit3A_669 = arith.constant 0.000000e+00 : f32
      %max3A_670 = vector.broadcast %jit3A_669 : f32 to vector<128x128xf32>
      %max3A_671 = arith.maximumf %max3A_670, %sub3A_668 : vector<128x128xf32>
      %sub3A_672 = arith.subf %min3A_667, %max3A_661 : vector<128x128xf32>
      %jit3A_673 = arith.constant 0.000000e+00 : f32
      %max3A_674 = vector.broadcast %jit3A_673 : f32 to vector<128x128xf32>
      %max3A_675 = arith.maximumf %max3A_674, %sub3A_672 : vector<128x128xf32>
      %mul3A_676 = arith.mulf %max3A_671, %max3A_675 : vector<128x128xf32>
      %add3A_677 = vector.broadcast %mul3A_655 : vector<128x1xf32> to vector<128x128xf32>
      %add3A_678 = vector.broadcast %mul3A_646 : vector<1x128xf32> to vector<128x128xf32>
      %add3A_679 = arith.addf %add3A_677, %add3A_678 : vector<128x128xf32>
      %sub3A_680 = arith.subf %add3A_679, %mul3A_676 : vector<128x128xf32>
      %max3A_681 = arith.constant 9.99999971E-10 : f32
      %max3A_682 = vector.broadcast %max3A_681 : f32 to vector<128x128xf32>
      %max3A_683 = arith.maximumf %sub3A_680, %max3A_682 : vector<128x128xf32>
      %div3A_684 = arith.divf %mul3A_676, %max3A_683 : vector<128x128xf32>
      %gt3A_685 = arith.constant 5.000000e-01 : f32
      %gt3A_686 = vector.broadcast %gt3A_685 : f32 to vector<128x128xf32>
      %gt3A_687 = arith.cmpf ogt, %div3A_684, %gt3A_686 : vector<128x128xf32>
      %lt3A_688 = arith.cmpi slt, %iota3A_2, %iota3A_3 : vector<128x128xi32>
      %and3A_689 = arith.andi %gt3A_687, %lt3A_688 : vector<128x128xi1>
      %jit3A_690 = arith.constant 1.000000e+00 : f32
      %jit3A_691 = arith.constant 0.000000e+00 : f32
      %broadcast_in_dim3A_692 = vector.broadcast %jit3A_690 : f32 to vector<128x128xf32>
      %broadcast_in_dim3A_693 = vector.broadcast %jit3A_691 : f32 to vector<128x128xf32>
      %select_n3A_694 = arith.select %and3A_689, %broadcast_in_dim3A_692, %broadcast_in_dim3A_693 : vector<128x128xi1>, vector<128x128xf32>
      %swap3A_695 = arith.constant 0 : index
      %swap3A_696 = arith.constant 0 : index
      %swap3A_697 = vector.load %arg7[%swap3A_695, %swap3A_696] : memref<128x128xf32, #tpu.memory_space<vmem>>, vector<128x128xf32>
      tpu.vector_store %arg7[%swap3A_695, %swap3A_696], %select_n3A_694 {strides = array<i32>} : memref<128x128xf32, #tpu.memory_space<vmem>>, vector<128x128xf32>,
      %get3A_698 = arith.index_cast %while3A_70 : i32 to index
      %get3A_699 = arith.constant 0 : index
      %get3A_700 = vector.load %arg6[%get3A_698, %get3A_699] : memref<40x512xf32, #tpu.memory_space<vmem>>, vector<1x512xf32>
      %slice3A_701 = vector.extract_strided_slice %get3A_700 {offsets = [0, 384], sizes = [1, 128], strides = [1, 1]} : vector<1x512xf32> to vector<1x128xf32>
      %broadcast_in_dim3A_702 = arith.constant 0.000000e+00 : f32
      %broadcast_in_dim3A_703 = vector.broadcast %broadcast_in_dim3A_702 : f32 to vector<1x128xf32>
      %while3A_704:2 = scf.while (%while3A_811 = %broadcast_in_dim3A_703, %while3A_812 = %broadcast_in_dim3A_703) : (vector<1x128xf32>, vector<1x128xf32>) -> (vector<1x128xf32>, vector<1x128xf32>) {
        %sub3A_813 = arith.constant 1.000000e+00 : f32
        %sub3A_814 = vector.broadcast %sub3A_813 : f32 to vector<1x128xf32>
        %sub3A_815 = arith.subf %sub3A_814, %while3A_811 : vector<1x128xf32>
        %mul3A_816 = arith.mulf %slice3A_701, %sub3A_815 : vector<1x128xf32>
        %sub3A_817 = arith.constant 1.000000e+00 : f32
        %sub3A_818 = vector.broadcast %sub3A_817 : f32 to vector<1x128xf32>
        %sub3A_819 = arith.subf %sub3A_818, %while3A_812 : vector<1x128xf32>
        %mul3A_820 = arith.mulf %mul3A_816, %sub3A_819 : vector<1x128xf32>
        %reduce_sum3A = vector.shape_cast %mul3A_820 : vector<1x128xf32> to vector<1x1x128xf32>
        %reduce_sum3A_821 = arith.constant dense<0.000000e+00> : vector<1xf32>
        %reduce_sum3A_822 = vector.multi_reduction <add>, %reduce_sum3A, %reduce_sum3A_821 [1, 2] : vector<1x1x128xf32> to vector<1xf32>
        %reduce_sum3A_823 = vector.shape_cast %reduce_sum3A_822 : vector<1xf32> to vector<1x1x1xf32>
        %reduce_sum3A_824 = vector.extract %reduce_sum3A_823[0, 0, 0] : f32 from vector<1x1x1xf32>
        %gt3A_825 = arith.constant 0.000000e+00 : f32
        %gt3A_826 = arith.cmpf ogt, %reduce_sum3A_824, %gt3A_825 : f32
        scf.condition(%gt3A_826) %while3A_811, %while3A_812 : vector<1x128xf32>, vector<1x128xf32>
      } do {
      ^bb0(%while3A_811: vector<1x128xf32>, %while3A_812: vector<1x128xf32>):
        %sub3A_813 = arith.constant 1.000000e+00 : f32
        %sub3A_814 = vector.broadcast %sub3A_813 : f32 to vector<1x128xf32>
        %sub3A_815 = arith.subf %sub3A_814, %while3A_811 : vector<1x128xf32>
        %mul3A_816 = arith.mulf %slice3A_701, %sub3A_815 : vector<1x128xf32>
        %sub3A_817 = arith.constant 1.000000e+00 : f32
        %sub3A_818 = vector.broadcast %sub3A_817 : f32 to vector<1x128xf32>
        %sub3A_819 = arith.subf %sub3A_818, %while3A_812 : vector<1x128xf32>
        %mul3A_820 = arith.mulf %mul3A_816, %sub3A_819 : vector<1x128xf32>
        %get3A_821 = arith.constant 0 : index
        %get3A_822 = arith.constant 0 : index
        %get3A_823 = vector.load %arg7[%get3A_821, %get3A_822] : memref<128x128xf32, #tpu.memory_space<vmem>>, vector<128x128xf32>
        %sub3A_824 = arith.constant 1.000000e+00 : f32
        %sub3A_825 = vector.broadcast %sub3A_824 : f32 to vector<1x128xf32>
        %sub3A_826 = arith.subf %sub3A_825, %while3A_812 : vector<1x128xf32>
        %mul3A_827 = arith.mulf %slice3A_701, %sub3A_826 : vector<1x128xf32>
        %dot_general3A_828 = arith.constant dense<0.000000e+00> : vector<128x1xf32>
        %dot_general3A_829 = tpu.matmul %convert_element_type3A_1, %mul3A_827, %dot_general3A_828 {dimension_numbers = #tpu.dot_dimension_numbers<[1], [1], [0], [0], [0, 0, 1, 0], [], []>, transpose_lhs_hint = false} : vector<128x128xf32>, vector<1x128xf32>, vector<128x1xf32> -> vector<128x1xf32>
        %mul3A_830 = vector.broadcast %dot_general3A_829 : vector<128x1xf32> to vector<128x128xf32>
        %mul3A_831 = arith.mulf %get3A_823, %mul3A_830 : vector<128x128xf32>
        %reduce_max3A_832 = arith.constant dense<0xFF800000> : vector<128xf32>
        %reduce_max3A_833 = vector.multi_reduction <maximumf>, %mul3A_831, %reduce_max3A_832 [0] : vector<128x128xf32> to vector<128xf32>
        %broadcast_in_dim3A_834 = vector.shape_cast %reduce_max3A_833 : vector<128xf32> to vector<1x128xf32>
        %sub3A_835 = arith.constant 1.000000e+00 : f32
        %sub3A_836 = vector.broadcast %sub3A_835 : f32 to vector<1x128xf32>
        %sub3A_837 = arith.subf %sub3A_836, %broadcast_in_dim3A_834 : vector<1x128xf32>
        %mul3A_838 = arith.mulf %mul3A_820, %sub3A_837 : vector<1x128xf32>
        %add3A_839 = arith.addf %while3A_811, %mul3A_838 : vector<1x128xf32>
        %dot_general3A_840 = arith.constant dense<0.000000e+00> : vector<128x1xf32>
        %dot_general3A_841 = tpu.matmul %convert_element_type3A_1, %add3A_839, %dot_general3A_840 {dimension_numbers = #tpu.dot_dimension_numbers<[1], [1], [0], [0], [0, 0, 1, 0], [], []>, transpose_lhs_hint = false} : vector<128x128xf32>, vector<1x128xf32>, vector<128x1xf32> -> vector<128x1xf32>
        %mul3A_842 = vector.broadcast %dot_general3A_841 : vector<128x1xf32> to vector<128x128xf32>
        %mul3A_843 = arith.mulf %get3A_823, %mul3A_842 : vector<128x128xf32>
        %reduce_max3A_844 = arith.constant dense<0xFF800000> : vector<128xf32>
        %reduce_max3A_845 = vector.multi_reduction <maximumf>, %mul3A_843, %reduce_max3A_844 [0] : vector<128x128xf32> to vector<128xf32>
        %broadcast_in_dim3A_846 = vector.shape_cast %reduce_max3A_845 : vector<128xf32> to vector<1x128xf32>
        %mul3A_847 = arith.mulf %mul3A_820, %broadcast_in_dim3A_846 : vector<1x128xf32>
        %add3A_848 = arith.addf %while3A_812, %mul3A_847 : vector<1x128xf32>
        scf.yield %add3A_839, %add3A_848 : vector<1x128xf32>, vector<1x128xf32>
      }
      %dot_general3A_705 = arith.constant dense<0.000000e+00> : vector<128x1xf32>
      %dot_general3A_706 = tpu.matmul %convert_element_type3A_1, %while3A_704#0, %dot_general3A_705 {dimension_numbers = #tpu.dot_dimension_numbers<[1], [1], [0], [0], [0, 0, 1, 0], [], []>, transpose_lhs_hint = false} : vector<128x128xf32>, vector<1x128xf32>, vector<128x1xf32> -> vector<128x1xf32>
      %get3A_707 = arith.index_cast %while3A_70 : i32 to index
      %get3A_708 = arith.constant 0 : index
      %get3A_709 = vector.load %arg1[%get3A_707, %get3A_708] : memref<40x512xf32, #tpu.memory_space<vmem>>, vector<1x512xf32>
      %get3A_710 = arith.index_cast %while3A_70 : i32 to index
      %get3A_711 = arith.constant 0 : index
      %get3A_712 = vector.load %arg2[%get3A_710, %get3A_711] : memref<40x512xf32, #tpu.memory_space<vmem>>, vector<1x512xf32>
      %get3A_713 = arith.index_cast %while3A_70 : i32 to index
      %get3A_714 = arith.constant 0 : index
      %get3A_715 = vector.load %arg3[%get3A_713, %get3A_714] : memref<40x512xf32, #tpu.memory_space<vmem>>, vector<1x512xf32>
      %get3A_716 = arith.index_cast %while3A_70 : i32 to index
      %get3A_717 = arith.constant 0 : index
      %get3A_718 = vector.load %arg4[%get3A_716, %get3A_717] : memref<40x512xf32, #tpu.memory_space<vmem>>, vector<1x512xf32>
      %sub3A_719 = arith.subf %get3A_715, %get3A_709 : vector<1x512xf32>
      %jit3A_720 = arith.constant 0.000000e+00 : f32
      %max3A_721 = vector.broadcast %jit3A_720 : f32 to vector<1x512xf32>
      %max3A_722 = arith.maximumf %max3A_721, %sub3A_719 : vector<1x512xf32>
      %sub3A_723 = arith.subf %get3A_718, %get3A_712 : vector<1x512xf32>
      %jit3A_724 = arith.constant 0.000000e+00 : f32
      %max3A_725 = vector.broadcast %jit3A_724 : f32 to vector<1x512xf32>
      %max3A_726 = arith.maximumf %max3A_725, %sub3A_723 : vector<1x512xf32>
      %mul3A_727 = arith.mulf %max3A_722, %max3A_726 : vector<1x512xf32>
      %max3A_728 = vector.broadcast %dot_general3A_631 : vector<128x1xf32> to vector<128x512xf32>
      %max3A_729 = vector.broadcast %get3A_709 : vector<1x512xf32> to vector<128x512xf32>
      %max3A_730 = arith.maximumf %max3A_728, %max3A_729 : vector<128x512xf32>
      %max3A_731 = vector.broadcast %dot_general3A_633 : vector<128x1xf32> to vector<128x512xf32>
      %max3A_732 = vector.broadcast %get3A_712 : vector<1x512xf32> to vector<128x512xf32>
      %max3A_733 = arith.maximumf %max3A_731, %max3A_732 : vector<128x512xf32>
      %min3A_734 = vector.broadcast %dot_general3A_635 : vector<128x1xf32> to vector<128x512xf32>
      %min3A_735 = vector.broadcast %get3A_715 : vector<1x512xf32> to vector<128x512xf32>
      %min3A_736 = arith.minimumf %min3A_734, %min3A_735 : vector<128x512xf32>
      %min3A_737 = vector.broadcast %dot_general3A_637 : vector<128x1xf32> to vector<128x512xf32>
      %min3A_738 = vector.broadcast %get3A_718 : vector<1x512xf32> to vector<128x512xf32>
      %min3A_739 = arith.minimumf %min3A_737, %min3A_738 : vector<128x512xf32>
      %sub3A_740 = arith.subf %min3A_736, %max3A_730 : vector<128x512xf32>
      %jit3A_741 = arith.constant 0.000000e+00 : f32
      %max3A_742 = vector.broadcast %jit3A_741 : f32 to vector<128x512xf32>
      %max3A_743 = arith.maximumf %max3A_742, %sub3A_740 : vector<128x512xf32>
      %sub3A_744 = arith.subf %min3A_739, %max3A_733 : vector<128x512xf32>
      %jit3A_745 = arith.constant 0.000000e+00 : f32
      %max3A_746 = vector.broadcast %jit3A_745 : f32 to vector<128x512xf32>
      %max3A_747 = arith.maximumf %max3A_746, %sub3A_744 : vector<128x512xf32>
      %mul3A_748 = arith.mulf %max3A_743, %max3A_747 : vector<128x512xf32>
      %add3A_749 = vector.broadcast %mul3A_655 : vector<128x1xf32> to vector<128x512xf32>
      %add3A_750 = vector.broadcast %mul3A_727 : vector<1x512xf32> to vector<128x512xf32>
      %add3A_751 = arith.addf %add3A_749, %add3A_750 : vector<128x512xf32>
      %sub3A_752 = arith.subf %add3A_751, %mul3A_748 : vector<128x512xf32>
      %max3A_753 = arith.constant 9.99999971E-10 : f32
      %max3A_754 = vector.broadcast %max3A_753 : f32 to vector<128x512xf32>
      %max3A_755 = arith.maximumf %sub3A_752, %max3A_754 : vector<128x512xf32>
      %div3A_756 = arith.divf %mul3A_748, %max3A_755 : vector<128x512xf32>
      %gt3A_757 = arith.constant 5.000000e-01 : f32
      %gt3A_758 = vector.broadcast %gt3A_757 : f32 to vector<128x512xf32>
      %gt3A_759 = arith.cmpf ogt, %div3A_756, %gt3A_758 : vector<128x512xf32>
      %jit3A_760 = arith.constant 1.000000e+00 : f32
      %jit3A_761 = arith.constant 0.000000e+00 : f32
      %broadcast_in_dim3A_762 = vector.broadcast %jit3A_760 : f32 to vector<128x512xf32>
      %broadcast_in_dim3A_763 = vector.broadcast %jit3A_761 : f32 to vector<128x512xf32>
      %select_n3A_764 = arith.select %gt3A_759, %broadcast_in_dim3A_762, %broadcast_in_dim3A_763 : vector<128x512xi1>, vector<128x512xf32>
      %mul3A_765 = vector.broadcast %dot_general3A_706 : vector<128x1xf32> to vector<128x512xf32>
      %mul3A_766 = arith.mulf %select_n3A_764, %mul3A_765 : vector<128x512xf32>
      %reduce_max3A_767 = arith.constant dense<0xFF800000> : vector<512xf32>
      %reduce_max3A_768 = vector.multi_reduction <maximumf>, %mul3A_766, %reduce_max3A_767 [0] : vector<128x512xf32> to vector<512xf32>
      %broadcast_in_dim3A_769 = vector.shape_cast %reduce_max3A_768 : vector<512xf32> to vector<1x512xf32>
      %get3A_770 = arith.index_cast %while3A_70 : i32 to index
      %get3A_771 = arith.constant 0 : index
      %get3A_772 = vector.load %arg6[%get3A_770, %get3A_771] : memref<40x512xf32, #tpu.memory_space<vmem>>, vector<1x512xf32>
      %sub3A_773 = arith.constant 1.000000e+00 : f32
      %sub3A_774 = vector.broadcast %sub3A_773 : f32 to vector<1x512xf32>
      %sub3A_775 = arith.subf %sub3A_774, %broadcast_in_dim3A_769 : vector<1x512xf32>
      %mul3A_776 = arith.mulf %get3A_772, %sub3A_775 : vector<1x512xf32>
      %swap3A_777 = arith.index_cast %while3A_70 : i32 to index
      %swap3A_778 = arith.constant 0 : index
      %swap3A_779 = vector.load %arg6[%swap3A_777, %swap3A_778] : memref<40x512xf32, #tpu.memory_space<vmem>>, vector<1x512xf32>
      tpu.vector_store %arg6[%swap3A_777, %swap3A_778], %mul3A_776 {strides = array<i32>} : memref<40x512xf32, #tpu.memory_space<vmem>>, vector<1x512xf32>,
      %get3A_780 = arith.index_cast %while3A_70 : i32 to index
      %get3A_781 = arith.constant 0 : index
      %get3A_782 = vector.load %arg6[%get3A_780, %get3A_781] : memref<40x512xf32, #tpu.memory_space<vmem>>, vector<1x512xf32>
      %broadcast_in_dim3A_783 = arith.constant 0.000000e+00 : f32
      %broadcast_in_dim3A_784 = vector.broadcast %broadcast_in_dim3A_783 : f32 to vector<1x128xf32>
      %broadcast_in_dim3A_785 = arith.constant 0.000000e+00 : f32
      %broadcast_in_dim3A_786 = vector.broadcast %broadcast_in_dim3A_785 : f32 to vector<1x128xf32>
      %broadcast_in_dim3A_787 = arith.constant 0.000000e+00 : f32
      %broadcast_in_dim3A_788 = vector.broadcast %broadcast_in_dim3A_787 : f32 to vector<1x128xf32>
      %concatenate3A_789 = tpu.concatenate %broadcast_in_dim3A_784, %broadcast_in_dim3A_786, %broadcast_in_dim3A_788, %while3A_704#0 in 1 : vector<1x128xf32>, vector<1x128xf32>, vector<1x128xf32>, vector<1x128xf32> -> vector<1x512xf32>
      %eq3A_790 = arith.constant 3 : i32
      %eq3A_791 = vector.broadcast %eq3A_790 : i32 to vector<1x512xi32>
      %eq3A_792 = arith.cmpi eq, %select_n3A_58, %eq3A_791 : vector<1x512xi32>
      %select_n3A_793 = arith.select %eq3A_792, %concatenate3A_789, %get3A_782 : vector<1x512xi1>, vector<1x512xf32>
      %swap3A_794 = arith.index_cast %while3A_70 : i32 to index
      %swap3A_795 = arith.constant 0 : index
      %swap3A_796 = vector.load %arg6[%swap3A_794, %swap3A_795] : memref<40x512xf32, #tpu.memory_space<vmem>>, vector<1x512xf32>
      tpu.vector_store %arg6[%swap3A_794, %swap3A_795], %select_n3A_793 {strides = array<i32>} : memref<40x512xf32, #tpu.memory_space<vmem>>, vector<1x512xf32>,
      %add3A_797 = arith.constant 1 : i32
      %add3A_798 = arith.addi %while3A_70, %add3A_797 : i32
      %while3A_799 = arith.constant 0 : i32
      %while3A_800 = arith.subi %select_n3A, %add3A_798 : i32
      %while3A_801 = arith.addi %add3A_798, %while3A_800 : i32
      %while3A_802 = arith.constant 1 : i32
      %while3A_803 = arith.divsi %while3A_800, %while3A_802 : i32
      %while3A_804 = arith.muli %while3A_803, %while3A_802 : i32
      %while3A_805 = arith.addi %add3A_798, %while3A_804 : i32
      %while3A_806 = arith.constant 1 : i32
      %while3A_807 = scf.for %while3A_811 = %add3A_798 to %while3A_805 step %while3A_806 iter_args(%while3A_812 = %while3A_799) -> (i32)  : i32 {
        %get3A_813 = arith.index_cast %while3A_811 : i32 to index
        %get3A_814 = arith.constant 0 : index
        %get3A_815 = vector.load %arg1[%get3A_813, %get3A_814] : memref<40x512xf32, #tpu.memory_space<vmem>>, vector<1x512xf32>
        %get3A_816 = arith.index_cast %while3A_811 : i32 to index
        %get3A_817 = arith.constant 0 : index
        %get3A_818 = vector.load %arg2[%get3A_816, %get3A_817] : memref<40x512xf32, #tpu.memory_space<vmem>>, vector<1x512xf32>
        %get3A_819 = arith.index_cast %while3A_811 : i32 to index
        %get3A_820 = arith.constant 0 : index
        %get3A_821 = vector.load %arg3[%get3A_819, %get3A_820] : memref<40x512xf32, #tpu.memory_space<vmem>>, vector<1x512xf32>
        %get3A_822 = arith.index_cast %while3A_811 : i32 to index
        %get3A_823 = arith.constant 0 : index
        %get3A_824 = vector.load %arg4[%get3A_822, %get3A_823] : memref<40x512xf32, #tpu.memory_space<vmem>>, vector<1x512xf32>
        %sub3A_825 = arith.subf %get3A_821, %get3A_815 : vector<1x512xf32>
        %jit3A_826 = arith.constant 0.000000e+00 : f32
        %max3A_827 = vector.broadcast %jit3A_826 : f32 to vector<1x512xf32>
        %max3A_828 = arith.maximumf %max3A_827, %sub3A_825 : vector<1x512xf32>
        %sub3A_829 = arith.subf %get3A_824, %get3A_818 : vector<1x512xf32>
        %jit3A_830 = arith.constant 0.000000e+00 : f32
        %max3A_831 = vector.broadcast %jit3A_830 : f32 to vector<1x512xf32>
        %max3A_832 = arith.maximumf %max3A_831, %sub3A_829 : vector<1x512xf32>
        %mul3A_833 = arith.mulf %max3A_828, %max3A_832 : vector<1x512xf32>
        %max3A_834 = vector.broadcast %dot_general3A_631 : vector<128x1xf32> to vector<128x512xf32>
        %max3A_835 = vector.broadcast %get3A_815 : vector<1x512xf32> to vector<128x512xf32>
        %max3A_836 = arith.maximumf %max3A_834, %max3A_835 : vector<128x512xf32>
        %max3A_837 = vector.broadcast %dot_general3A_633 : vector<128x1xf32> to vector<128x512xf32>
        %max3A_838 = vector.broadcast %get3A_818 : vector<1x512xf32> to vector<128x512xf32>
        %max3A_839 = arith.maximumf %max3A_837, %max3A_838 : vector<128x512xf32>
        %min3A_840 = vector.broadcast %dot_general3A_635 : vector<128x1xf32> to vector<128x512xf32>
        %min3A_841 = vector.broadcast %get3A_821 : vector<1x512xf32> to vector<128x512xf32>
        %min3A_842 = arith.minimumf %min3A_840, %min3A_841 : vector<128x512xf32>
        %min3A_843 = vector.broadcast %dot_general3A_637 : vector<128x1xf32> to vector<128x512xf32>
        %min3A_844 = vector.broadcast %get3A_824 : vector<1x512xf32> to vector<128x512xf32>
        %min3A_845 = arith.minimumf %min3A_843, %min3A_844 : vector<128x512xf32>
        %sub3A_846 = arith.subf %min3A_842, %max3A_836 : vector<128x512xf32>
        %jit3A_847 = arith.constant 0.000000e+00 : f32
        %max3A_848 = vector.broadcast %jit3A_847 : f32 to vector<128x512xf32>
        %max3A_849 = arith.maximumf %max3A_848, %sub3A_846 : vector<128x512xf32>
        %sub3A_850 = arith.subf %min3A_845, %max3A_839 : vector<128x512xf32>
        %jit3A_851 = arith.constant 0.000000e+00 : f32
        %max3A_852 = vector.broadcast %jit3A_851 : f32 to vector<128x512xf32>
        %max3A_853 = arith.maximumf %max3A_852, %sub3A_850 : vector<128x512xf32>
        %mul3A_854 = arith.mulf %max3A_849, %max3A_853 : vector<128x512xf32>
        %add3A_855 = vector.broadcast %mul3A_655 : vector<128x1xf32> to vector<128x512xf32>
        %add3A_856 = vector.broadcast %mul3A_833 : vector<1x512xf32> to vector<128x512xf32>
        %add3A_857 = arith.addf %add3A_855, %add3A_856 : vector<128x512xf32>
        %sub3A_858 = arith.subf %add3A_857, %mul3A_854 : vector<128x512xf32>
        %max3A_859 = arith.constant 9.99999971E-10 : f32
        %max3A_860 = vector.broadcast %max3A_859 : f32 to vector<128x512xf32>
        %max3A_861 = arith.maximumf %sub3A_858, %max3A_860 : vector<128x512xf32>
        %div3A_862 = arith.divf %mul3A_854, %max3A_861 : vector<128x512xf32>
        %gt3A_863 = arith.constant 5.000000e-01 : f32
        %gt3A_864 = vector.broadcast %gt3A_863 : f32 to vector<128x512xf32>
        %gt3A_865 = arith.cmpf ogt, %div3A_862, %gt3A_864 : vector<128x512xf32>
        %jit3A_866 = arith.constant 1.000000e+00 : f32
        %jit3A_867 = arith.constant 0.000000e+00 : f32
        %broadcast_in_dim3A_868 = vector.broadcast %jit3A_866 : f32 to vector<128x512xf32>
        %broadcast_in_dim3A_869 = vector.broadcast %jit3A_867 : f32 to vector<128x512xf32>
        %select_n3A_870 = arith.select %gt3A_865, %broadcast_in_dim3A_868, %broadcast_in_dim3A_869 : vector<128x512xi1>, vector<128x512xf32>
        %mul3A_871 = vector.broadcast %dot_general3A_706 : vector<128x1xf32> to vector<128x512xf32>
        %mul3A_872 = arith.mulf %select_n3A_870, %mul3A_871 : vector<128x512xf32>
        %reduce_max3A_873 = arith.constant dense<0xFF800000> : vector<512xf32>
        %reduce_max3A_874 = vector.multi_reduction <maximumf>, %mul3A_872, %reduce_max3A_873 [0] : vector<128x512xf32> to vector<512xf32>
        %broadcast_in_dim3A_875 = vector.shape_cast %reduce_max3A_874 : vector<512xf32> to vector<1x512xf32>
        %get3A_876 = arith.index_cast %while3A_811 : i32 to index
        %get3A_877 = arith.constant 0 : index
        %get3A_878 = vector.load %arg6[%get3A_876, %get3A_877] : memref<40x512xf32, #tpu.memory_space<vmem>>, vector<1x512xf32>
        %sub3A_879 = arith.constant 1.000000e+00 : f32
        %sub3A_880 = vector.broadcast %sub3A_879 : f32 to vector<1x512xf32>
        %sub3A_881 = arith.subf %sub3A_880, %broadcast_in_dim3A_875 : vector<1x512xf32>
        %mul3A_882 = arith.mulf %get3A_878, %sub3A_881 : vector<1x512xf32>
        %swap3A_883 = arith.index_cast %while3A_811 : i32 to index
        %swap3A_884 = arith.constant 0 : index
        %swap3A_885 = vector.load %arg6[%swap3A_883, %swap3A_884] : memref<40x512xf32, #tpu.memory_space<vmem>>, vector<1x512xf32>
        tpu.vector_store %arg6[%swap3A_883, %swap3A_884], %mul3A_882 {strides = array<i32>} : memref<40x512xf32, #tpu.memory_space<vmem>>, vector<1x512xf32>,
        %while3A_886 = arith.constant 0 : i32
        scf.yield %while3A_886 : i32
      }
      %while3A_808 = arith.constant 1 : i32
      %while3A_809 = scf.for %while3A_811 = %while3A_805 to %while3A_801 step %while3A_808 iter_args(%while3A_812 = %while3A_807) -> (i32)  : i32 {
        %get3A_813 = arith.index_cast %while3A_811 : i32 to index
        %get3A_814 = arith.constant 0 : index
        %get3A_815 = vector.load %arg1[%get3A_813, %get3A_814] : memref<40x512xf32, #tpu.memory_space<vmem>>, vector<1x512xf32>
        %get3A_816 = arith.index_cast %while3A_811 : i32 to index
        %get3A_817 = arith.constant 0 : index
        %get3A_818 = vector.load %arg2[%get3A_816, %get3A_817] : memref<40x512xf32, #tpu.memory_space<vmem>>, vector<1x512xf32>
        %get3A_819 = arith.index_cast %while3A_811 : i32 to index
        %get3A_820 = arith.constant 0 : index
        %get3A_821 = vector.load %arg3[%get3A_819, %get3A_820] : memref<40x512xf32, #tpu.memory_space<vmem>>, vector<1x512xf32>
        %get3A_822 = arith.index_cast %while3A_811 : i32 to index
        %get3A_823 = arith.constant 0 : index
        %get3A_824 = vector.load %arg4[%get3A_822, %get3A_823] : memref<40x512xf32, #tpu.memory_space<vmem>>, vector<1x512xf32>
        %sub3A_825 = arith.subf %get3A_821, %get3A_815 : vector<1x512xf32>
        %jit3A_826 = arith.constant 0.000000e+00 : f32
        %max3A_827 = vector.broadcast %jit3A_826 : f32 to vector<1x512xf32>
        %max3A_828 = arith.maximumf %max3A_827, %sub3A_825 : vector<1x512xf32>
        %sub3A_829 = arith.subf %get3A_824, %get3A_818 : vector<1x512xf32>
        %jit3A_830 = arith.constant 0.000000e+00 : f32
        %max3A_831 = vector.broadcast %jit3A_830 : f32 to vector<1x512xf32>
        %max3A_832 = arith.maximumf %max3A_831, %sub3A_829 : vector<1x512xf32>
        %mul3A_833 = arith.mulf %max3A_828, %max3A_832 : vector<1x512xf32>
        %max3A_834 = vector.broadcast %dot_general3A_631 : vector<128x1xf32> to vector<128x512xf32>
        %max3A_835 = vector.broadcast %get3A_815 : vector<1x512xf32> to vector<128x512xf32>
        %max3A_836 = arith.maximumf %max3A_834, %max3A_835 : vector<128x512xf32>
        %max3A_837 = vector.broadcast %dot_general3A_633 : vector<128x1xf32> to vector<128x512xf32>
        %max3A_838 = vector.broadcast %get3A_818 : vector<1x512xf32> to vector<128x512xf32>
        %max3A_839 = arith.maximumf %max3A_837, %max3A_838 : vector<128x512xf32>
        %min3A_840 = vector.broadcast %dot_general3A_635 : vector<128x1xf32> to vector<128x512xf32>
        %min3A_841 = vector.broadcast %get3A_821 : vector<1x512xf32> to vector<128x512xf32>
        %min3A_842 = arith.minimumf %min3A_840, %min3A_841 : vector<128x512xf32>
        %min3A_843 = vector.broadcast %dot_general3A_637 : vector<128x1xf32> to vector<128x512xf32>
        %min3A_844 = vector.broadcast %get3A_824 : vector<1x512xf32> to vector<128x512xf32>
        %min3A_845 = arith.minimumf %min3A_843, %min3A_844 : vector<128x512xf32>
        %sub3A_846 = arith.subf %min3A_842, %max3A_836 : vector<128x512xf32>
        %jit3A_847 = arith.constant 0.000000e+00 : f32
        %max3A_848 = vector.broadcast %jit3A_847 : f32 to vector<128x512xf32>
        %max3A_849 = arith.maximumf %max3A_848, %sub3A_846 : vector<128x512xf32>
        %sub3A_850 = arith.subf %min3A_845, %max3A_839 : vector<128x512xf32>
        %jit3A_851 = arith.constant 0.000000e+00 : f32
        %max3A_852 = vector.broadcast %jit3A_851 : f32 to vector<128x512xf32>
        %max3A_853 = arith.maximumf %max3A_852, %sub3A_850 : vector<128x512xf32>
        %mul3A_854 = arith.mulf %max3A_849, %max3A_853 : vector<128x512xf32>
        %add3A_855 = vector.broadcast %mul3A_655 : vector<128x1xf32> to vector<128x512xf32>
        %add3A_856 = vector.broadcast %mul3A_833 : vector<1x512xf32> to vector<128x512xf32>
        %add3A_857 = arith.addf %add3A_855, %add3A_856 : vector<128x512xf32>
        %sub3A_858 = arith.subf %add3A_857, %mul3A_854 : vector<128x512xf32>
        %max3A_859 = arith.constant 9.99999971E-10 : f32
        %max3A_860 = vector.broadcast %max3A_859 : f32 to vector<128x512xf32>
        %max3A_861 = arith.maximumf %sub3A_858, %max3A_860 : vector<128x512xf32>
        %div3A_862 = arith.divf %mul3A_854, %max3A_861 : vector<128x512xf32>
        %gt3A_863 = arith.constant 5.000000e-01 : f32
        %gt3A_864 = vector.broadcast %gt3A_863 : f32 to vector<128x512xf32>
        %gt3A_865 = arith.cmpf ogt, %div3A_862, %gt3A_864 : vector<128x512xf32>
        %jit3A_866 = arith.constant 1.000000e+00 : f32
        %jit3A_867 = arith.constant 0.000000e+00 : f32
        %broadcast_in_dim3A_868 = vector.broadcast %jit3A_866 : f32 to vector<128x512xf32>
        %broadcast_in_dim3A_869 = vector.broadcast %jit3A_867 : f32 to vector<128x512xf32>
        %select_n3A_870 = arith.select %gt3A_865, %broadcast_in_dim3A_868, %broadcast_in_dim3A_869 : vector<128x512xi1>, vector<128x512xf32>
        %mul3A_871 = vector.broadcast %dot_general3A_706 : vector<128x1xf32> to vector<128x512xf32>
        %mul3A_872 = arith.mulf %select_n3A_870, %mul3A_871 : vector<128x512xf32>
        %reduce_max3A_873 = arith.constant dense<0xFF800000> : vector<512xf32>
        %reduce_max3A_874 = vector.multi_reduction <maximumf>, %mul3A_872, %reduce_max3A_873 [0] : vector<128x512xf32> to vector<512xf32>
        %broadcast_in_dim3A_875 = vector.shape_cast %reduce_max3A_874 : vector<512xf32> to vector<1x512xf32>
        %get3A_876 = arith.index_cast %while3A_811 : i32 to index
        %get3A_877 = arith.constant 0 : index
        %get3A_878 = vector.load %arg6[%get3A_876, %get3A_877] : memref<40x512xf32, #tpu.memory_space<vmem>>, vector<1x512xf32>
        %sub3A_879 = arith.constant 1.000000e+00 : f32
        %sub3A_880 = vector.broadcast %sub3A_879 : f32 to vector<1x512xf32>
        %sub3A_881 = arith.subf %sub3A_880, %broadcast_in_dim3A_875 : vector<1x512xf32>
        %mul3A_882 = arith.mulf %get3A_878, %sub3A_881 : vector<1x512xf32>
        %swap3A_883 = arith.index_cast %while3A_811 : i32 to index
        %swap3A_884 = arith.constant 0 : index
        %swap3A_885 = vector.load %arg6[%swap3A_883, %swap3A_884] : memref<40x512xf32, #tpu.memory_space<vmem>>, vector<1x512xf32>
        tpu.vector_store %arg6[%swap3A_883, %swap3A_884], %mul3A_882 {strides = array<i32>} : memref<40x512xf32, #tpu.memory_space<vmem>>, vector<1x512xf32>,
        %while3A_886 = arith.constant 0 : i32
        scf.yield %while3A_886 : i32
      }
      %while3A_810 = arith.constant 0 : i32
      scf.yield %while3A_810 : i32
    }
    return
  }
}

</mosaic_0001>

<sc_bundles>
// kernel: kernel.5.cloned.1.call-start
scs
__scs_entry_jumppad:
0x0: {  	(pc) =	sbr.rel $0x88, $3  }
0x1: {  	(tag) =	ssettag $0x0;
	lr =	simm.s32 $0x1  }
0x2: {  	[smem:$0x3F9F] =	sst lr;
	_ =	strace $0xD0000000  }
0x3: {  	_ = 	snop  }
0x4: {  	_ = 	snop  }
0x5: {  	_ = 	snop  }
0x6: {  	_ = 	snop  }
0x7: {  	_ = 	snop  }
__scs_overlays_trampoline_lowered:
0x8: {  	[smem:$0x3FAE] =	sst s0  }
0x9: {  	[smem:$0x3FAF] =	sst s1  }
0xa: {  	[smem:$0x3FB0] =	sst s2  }
0xb: {  	[smem:$0x3FB1] =	sst s3  }
0xc: {  	[smem:$0x3FB2] =	sst s4  }
0xd: {  	[smem:$0x3FB3] =	sst s5  }
0xe: {  	[smem:$0x3FB4] =	sst s6  }
0xf: {  	[smem:$0x3FB5] =	sst s7  }
0x10: {  	[smem:$0x3FB6] =	sst s8  }
0x11: {  	[smem:$0x3FB7] =	sst s9;
	s0 =	simm.s32 @!p0 $0x0  }
0x12: {  	s1 =	sld [smem:$0x3F9D];
	s0 =	simm.s32 @p0 $0x1  }
0x13: {  	[smem:$0x3FB8] =	sst s0;
	s0 =	simm.s32 @!p1 $0x0  }
0x14: {  	s2 =	sld [smem:$0x3F9C];
	s0 =	simm.s32 @p1 $0x1  }
0x15: {  	[smem:$0x3FB9] =	sst s0;
	s0 =	simm.s32 @!p2 $0x0  }
0x16: {  	s3 =	sld [smem:$0x3FDB];
	s0 =	simm.s32 @p2 $0x1  }
0x17: {  	s4 =	simm.s32 $0x1BF5;
	[smem:$0x3FBB] =	sst s0  }
0x18: {  	s0 =	sld [smem:$0x3F9E];
	_ =	swait.ge [sflag:s4], $0x0  }
0x19: {  	s7 =	sld [smem:$0x3F9F]  }
0x1a: {  	s8 =	sadd.s32 $0xFFFFE003, lr  }
0x1b: {  	s9 =	sadd.s32 $0xFFFFFEF7, lr;
	s5 =	simm.s32 $0xFFFFFFFF;
	p2 =	slt.u32 s8, $0xFFFFF086  }
0x1c: {  	p1 =	slt.u32 s9, $0xF7A;
	s5 =	simm.s32 @!p2 $0x0  }
0x1d: {  	s5 =	simm.s32 @p1 $0x1;
	p0 =	seq.s32 s7, s2  }
0x1e: {  	s7 =	smul.u32 @!p0 $0xF7A, s2;
	p2 =	seq.s32 @!p0 s5, $0x0  }
0x1f: {  	s9 =	smul.u32 $0xF7A, s1;
	s8 =	simm.s32 @!p0 $0x1BF5;
	p2 =	por !p2, p0  }
0x20: {  	[sflag:s8] =	ssyncset.s32 @!p0 $0xFFFFF086;
	s6 =	sadd.s32 @!p0 s3, s7;
	s7 =	simm.s32 @!p0 $0x108  }
0x21: {  	s3 =	sadd.s32 s3, s9;
	s6 =	sadd.s32 @!p0 $0x88, s6;
	s7 =	simm.s32 @p2 $0x1082  }
0x22: {  	[simem:s7], [sflag:s8] =	dma.local @!p0 [hbm:s6], $0xF7A  }
0x23: {  	s9 =	sor.u32 $0xD0000000, s2;
	s6 =	simm.s32 $0x108;
	_ =	swait.ge @!p0 [sflag:s8], $0x0  }
0x24: {  	s3 =	sadd.s32 $0x88, s3;
	s6 =	simm.s32 @!p1 $0x1082;
	[sflag:s4] =	ssyncset.s32 $0xFFFFF086  }
0x25: {  	[simem:s6], [sflag:s4] =	dma.local [hbm:s3], $0xF7A  }
0x26: {  	[smem:$0x3F9F] =	sst s1;
	(tag) =	ssettag s2;
	_ =	strace s9  }
0x27: {  	s1 =	sld [smem:$0x3FAF]  }
0x28: {  	s2 =	sld [smem:$0x3FB0]  }
0x29: {  	s4 =	sld [smem:$0x3FB2]  }
0x2a: {  	p0 =	seq.s32 s5, $0x0;
	s5 =	sld [smem:$0x3FB3]  }
0x2b: {  	s6 =	sld [smem:$0x3FB4]  }
0x2c: {  	s7 =	sld [smem:$0x3FB5]  }
0x2d: {  	s3 =	simm.s32 $0x108;
	s8 =	sld [smem:$0x3FB6]  }
0x2e: {  	s3 =	simm.s32 @!p0 $0x1082;
	s9 =	sld [smem:$0x3FB7]  }
0x2f: {  	lr =	sadd.s32 s0, s3;
	s0 =	sld [smem:$0x3FAE]  }
0x30: {  	s3 =	sld [smem:$0x3FB1]  }
0x31: {  	[smem:$0x3FBA] =	sst s10  }
0x32: {  	s10 =	sld [smem:$0x3FB8];
	_ =	sdelay $0x3  }
0x33: {  	p0 =	seq.s32 s10, $0x1;
	s10 =	sld [smem:$0x3FBA];
	_ =	sdelay $0x3  }
0x34: {  	[smem:$0x3FBA] =	sst s10  }
0x35: {  	s10 =	sld [smem:$0x3FB9];
	_ =	sdelay $0x3  }
0x36: {  	p1 =	seq.s32 s10, $0x1;
	s10 =	sld [smem:$0x3FBA];
	_ =	sdelay $0x3  }
0x37: {  	[smem:$0x3FBA] =	sst s10  }
0x38: {  	s10 =	sld [smem:$0x3FBB]  }
0x39: {  	_ = 	snop;
	(pc) =	sbr.ind lr, $3  }
0x3a: {  	_ = 	snop  }
0x3b: {  	_ = 	snop  }
0x3c: {  	p2 =	seq.s32 s10, $0x1;
	s10 =	sld [smem:$0x3FBA]  }
0x3d: {  	_ =	shalt  }
0x3e: {  	_ =	shalt  }
0x3f: {  	_ =	shalt  }
0x40: {  	_ =	shalt  }
0x41: {  	_ =	shalt  }
0x42: {  	_ =	shalt  }
0x43: {  	_ =	shalt  }
0x44: {  	_ =	shalt  }
0x45: {  	_ =	shalt  }
0x46: {  	_ =	shalt  }
0x47: {  	_ =	shalt  }
0x48: {  	_ =	shalt  }
0x49: {  	_ =	shalt  }
0x4a: {  	_ =	shalt  }
0x4b: {  	_ =	shalt  }
0x4c: {  	_ =	shalt  }
0x4d: {  	_ =	shalt  }
0x4e: {  	_ =	shalt  }
0x4f: {  	_ =	shalt  }
0x50: {  	_ =	shalt  }
0x51: {  	_ =	shalt  }
0x52: {  	_ =	shalt  }
0x53: {  	_ =	shalt  }
0x54: {  	_ =	shalt  }
0x55: {  	_ =	shalt  }
0x56: {  	_ =	shalt  }
0x57: {  	_ =	shalt  }
0x58: {  	_ =	shalt  }
0x59: {  	_ =	shalt  }
0x5a: {  	_ =	shalt  }
0x5b: {  	_ =	shalt  }
0x5c: {  	_ =	shalt  }
0x5d: {  	_ =	shalt  }
0x5e: {  	_ =	shalt  }
0x5f: {  	_ =	shalt  }
0x60: {  	_ =	shalt  }
0x61: {  	_ =	shalt  }
0x62: {  	_ =	shalt  }
0x63: {  	_ =	shalt  }
0x64: {  	_ =	shalt  }
0x65: {  	_ =	shalt  }
0x66: {  	_ =	shalt  }
0x67: {  	_ =	shalt  }
0x68: {  	_ =	shalt  }
0x69: {  	_ =	shalt  }
0x6a: {  	_ =	shalt  }
0x6b: {  	_ =	shalt  }
0x6c: {  	_ =	shalt  }
0x6d: {  	_ =	shalt  }
0x6e: {  	_ =	shalt  }
0x6f: {  	_ =	shalt  }
0x70: {  	_ =	shalt  }
0x71: {  	_ =	shalt  }
0x72: {  	_ =	shalt  }
0x73: {  	_ =	shalt  }
0x74: {  	_ =	shalt  }
0x75: {  	_ =	shalt  }
0x76: {  	_ =	shalt  }
0x77: {  	_ =	shalt  }
0x78: {  	_ =	shalt  }
0x79: {  	_ =	shalt  }
0x7a: {  	_ =	shalt  }
0x7b: {  	_ =	shalt  }
0x7c: {  	_ =	shalt  }
0x7d: {  	_ =	shalt  }
0x7e: {  	_ =	shalt  }
0x7f: {  	_ =	shalt  }
0x80: {  	_ =	shalt  }
0x81: {  	_ =	shalt  }
0x82: {  	_ =	shalt  }
0x83: {  	_ =	shalt  }
0x84: {  	_ =	shalt  }
0x85: {  	_ =	shalt  }
0x86: {  	_ =	shalt  }
0x87: {  	_ =	shalt  }
.Lfunc_end0:
.L_simem_size_0:
called_computation_lowered:
.L_overlay_start_0:
0x88: {  	s2 =	sld [smem:$0x3FD9]  }
0x89: {  	s3 =	sld [smem:$0x3FFE];
	_ =	sdelay $0x1  }
0x8a: {  	s1 =	srdreg.scid  }
0x8b: {  	s0 =	sand.u32 $0x1, s1  }
0x8c: {  	s14 =	sshll.u32 s0, $0xA;
	s2 =	sadd.s32 s3, s2  }
0x8d: {  	s2 =	sadd.s32 s2, s14  }
0x8e: {  	[smem:$0x3FC6] =	sst s2  }
0x8f: {  	_ = 	snop  }
0x90: {  	s2 =	sld [smem:$0x3FD0];
	_ =	sdelay $0x2  }
0x91: {  	s15 =	simm.s32 $0xA;
	s4 =	simm.s32 $0x10  }
0x92: {  	[smem:s4], [sflag:s15] =	dma.local [hbm:s2], $0x1  }
0x93: {  	_ =	swait.eq [sflag:s15], $0x1  }
0x94: {  	[sflag:s15] =	ssyncset.done $0x0  }
0x95: {  	s16 =	sld [smem:$0x10];
	[sflag:s15] =	ssyncadd.s32 $0xFFFFFFFF  }
0x96: {  	s17 =	sld [smem:$0x11];
	(tm) =	ssettm $0x1  }
0x97: {  	s18 =	sld [smem:$0x3FFB];
	_ =	sdelay $0x3  }
0x98: {  	_ =	strace s18  }
0x99: {  	s4 =	sld [smem:$0x3FFC];
	_ =	sdelay $0x3  }
0x9a: {  	_ =	strace s4  }
0x9b: {  	s4 =	sld [smem:$0x3FFD];
	_ =	sdelay $0x3  }
0x9c: {  	_ =	strace s4  }
0x9d: {  	_ =	strace $0x8FFFFFFF  }
0x9e: {  	s19 =	sld [smem:$0x3FDB];
	_ =	sdelay $0x1  }
0x9f: {  	s5 =	simm.s32 $_scs_section_size  }
0xa0: {  	s6 =	simm.s32 $_size__tile_overlayer_lowered;
	s7 =	simm.s32 $_tile_overlayer_lowered  }
0xa1: {  	s22 =	simm.s32 $0x1BFF;
	s21 =	sshll.u32 s7, $0x1;
	s4 =	sadd.s32 s5, s19  }
0xa2: {  	s8 =	simm.s32 $0x0;
	s20 =	sshll.u32 s6, $0x1;
	s6 =	sadd.s32 s21, s4  }
0xa3: {  	[timem:s8], [sflag:s22] =	dma.local [hbm:s6], s20  }
0xa4: {  	_ =	swait.ge [sflag:s22], s20  }
0xa5: {  	s5 =	ssub.s32 $0x0, s20;
	[sflag:s22] =	ssyncset.done $0x0  }
0xa6: {  	[sflag:s22] =	ssyncadd.s32 s5;
	_ =	sdelay $0x1  }
0xa7: {  	s23 =	simm.s32 $0x1B8B  }
0xa8: {  	_ =	swait.ge [sflag:s23], $0x1  }
0xa9: {  	[sflag:s23] =	ssyncset.done $0x0  }
0xaa: {  	s25 =	simm.s32 $0x1B8E;
	s24 =	sld [smem:$0x3FFE];
	[sflag:s23] =	ssyncadd.s32 $0xFFFFFFFF  }
0xab: {  	s26 =	simm.s32 $execute0_lowered;
	[smem:$0x3FD2] =	sst s25  }
0xac: {  	s6 =	sshll.u32 s26, $0x1;
	_ =	strace $0x80000046;
	[dreg:$0x1] =	wrdreg $0xFFFFFFFF  }
0xad: {  	s28 =	simm.s32 $_size_execute0_lowered;
	s4 =	sadd.s32 s4, s6;
	[dreg:$0x0] =	wrdreg $0x0  }
0xae: {  	s6 =	sshll.u32 s28, $0x1;
	[dreg:$0x2] =	wrdreg s4  }
0xaf: {  	[dreg:$0x3] =	wrdreg s6  }
0xb0: {  	[dreg:$0x4] =	wrdreg $0xC0  }
0xb1: {  	_ =	task [dreg:s8], $0x5FFFF  }
0xb2: {  	[dreg:$0x1] =	wrdreg $0xFFFFFFFF  }
0xb3: {  	[dreg:$0x0] =	wrdreg $0x60  }
0xb4: {  	[dreg:$0x2] =	wrdreg s24  }
0xb5: {  	[dreg:$0x3] =	wrdreg s17  }
0xb6: {  	[dreg:$0x4] =	wrdreg s16  }
0xb7: {  	[dreg:$0x5] =	wrdreg $0x9  }
0xb8: {  	_ =	task.clear_ibuf [dreg:s8], $0x6FFFF;
	_ =	strace $0x90000046  }
0xb9: {  	s29 =	simm.s32 $0x9;
	_ =	strace $0x80000048  }
0xba: {  	_ =	swait.ge [sflag:s29], $0x1  }
0xbb: {  	[sflag:s29] =	ssyncadd.s32 $0xFFFFFFFF  }
0xbc: {  	_ =	strace $0x90000048  }
0xbd: {  	_ =	sfence  }
0xbe: {  	s30 =	sld [smem:$0x0];
	_ =	sdelay $0x2  }
0xbf: {  	s31 =	sshll.u32 s1, $0xD;
	s1 =	sshrl.u32 s1, $0x2  }
0xc0: {  	s3 =	sand.u32 $0x4000, s31;
	s1 =	sadd.s32 s1, s30  }
0xc1: {  	s0 =	sor.u32 s3, s0;
	s1 =	sshll.u32 s1, $0x11  }
0xc2: {  	s0 =	sor.u32 s1, s0  }
0xc3: {  	s0 =	sadd.s32 $0x8F2B, s0  }
0xc4: {  	[sflag:s0] =	ssyncadd.remote.s32 $0x1  }
0xc5: {  	_ =	sfence.sel $0xFFFF  }
0xc6: {  	[dreg:$0x0] =	wrdreg $0xFFFFFFFF;
	(pc) =	sbr.abs _section_cstart, $3  }
0xc7: {  	[dreg:$0x1] =	wrdreg $0xFFFFFFFF  }
0xc8: {  	_ =	task.clear_ibuf [dreg:s8], $0x2FFFF;
	_ =	strace $0x9FFFFFFF  }
0xc9: {  	(tm) =	ssettm $0x7FFFFFFF  }
tec
execute0_lowered:
.L_overlay_start_1:
0x0: {  	(tag) =	ssettag $0x1  }
0x1: {  	s0 =	stileid.u32  }
0x2: {  	p0 =	sgt.u32 s0, $0x9  }
.Ltmp0:
0x3: {  	s12 =	rddreg [dreg:$0x0];
	(pc) =	sbr.rel @p0 .LBB2_8-.Ltmp0, $4  }
0x4: {  	s11 =	rddreg [dreg:$0x1]  }
0x5: {  	s10 =	rddreg [dreg:$0x2];
	s2 =	simm.s32 $0x0  }
0x6: {  	[smem:$0x7FF] =	sst s2  }
0x7: {  	s22 =	rddreg [dreg:$0x3];
	_ =	strace $0x80000047  }
0x8: {  	s17 =	simm.s32 $0x480  }
0x9: {  	s18 =	simm.s32 $0x500;
	[dreg:$0xa] =	wrdreg s17  }
0xa: {  	s0 =	srdreg.scid;
	s19 =	simm.s32 $0x580;
	[dreg:$0xb] =	wrdreg s18  }
0xb: {  	s1 =	stileid.u32;
	s20 =	simm.s32 $0x600;
	[dreg:$0xc] =	wrdreg s19  }
0xc: {  	s5 =	sadd.s32 $0x1E00, s12;
	s21 =	simm.s32 $0x680;
	[dreg:$0xd] =	wrdreg s20  }
0xd: {  	s23 =	simm.s32 $0x700;
	s24 =	simm.s32 $0x780;
	[dreg:$0xe] =	wrdreg s21  }
0xe: {  	s25 =	simm.s32 $0x880;
	s26 =	simm.s32 $0x900;
	[dreg:$0xf] =	wrdreg s23  }
0xf: {  	s6 =	simm.s32 $0xB00;
	s8 =	simm.s32 $0xB80;
	[dreg:$0x10] =	wrdreg s24  }
0x10: {  	s9 =	simm.s32 $0xC80;
	s13 =	simm.s32 $0xD00;
	[dreg:$0x11] =	wrdreg s25  }
0x11: {  	s28 =	simm.s32 $0x1580;
	s29 =	simm.s32 $0x1600;
	[dreg:$0x12] =	wrdreg s26  }
0x12: {  	s30 =	simm.s32 $0x1680;
	s31 =	simm.s32 $0x1700;
	[dreg:$0x16] =	wrdreg s6  }
0x13: {  	p0 =	por $0x0, $0x0;
	s0 =	sand.u32 $0x1, s0;
	[dreg:$0x17] =	wrdreg s8  }
0x14: {  	s1 =	sshll.u32 s1, $0x8;
	s21 =	sadd.s32 $0x1400, s12;
	[dreg:$0x18] =	wrdreg s9  }
0x15: {  	s18 =	sadd.s32 $0xA00, s12;
	[dreg:$0x19] =	wrdreg s13;
	s13 =	simm.s32 $0x80  }
0x16: {  	s17 =	simm.s32 $0xF00;
	s19 =	simm.s32 $0xF80;
	s20 =	simm.s32 $0x1080  }
0x17: {  	s23 =	simm.s32 $0x1100;
	s24 =	simm.s32 $0x1180;
	[dreg:$0x1d] =	wrdreg s17  }
0x18: {  	s25 =	simm.s32 $0x1200;
	s8 =	simm.s32 $0x800;
	[dreg:$0x1e] =	wrdreg s19  }
0x19: {  	s26 =	simm.s32 $0x1280;
	s6 =	simm.s32 $0x1000;
	[dreg:$0x1f] =	wrdreg s20  }
0x1a: {  	s9 =	simm.s32 $0x1;
	s3 =	sshll.u32 s0, $0x7;
	[smem:$0x7FA] =	sst s23  }
0x1b: {  	s0 =	ssub.s32 $0x2, s0;
	s17 =	simm.s32 $0x280;
	[smem:$0x7FB] =	sst s24  }
0x1c: {  	s19 =	simm.s32 $0x300;
	s20 =	simm.s32 $0x380;
	[smem:$0x7FC] =	sst s25  }
0x1d: {  	[smem:$0x7FD] =	sst s26;
	s24 =	simm.s32 $0x1380;
	s1 =	sor.u32 s3, s1  }
0x1e: {  	s25 =	simm.s32 $0x1480;
	s3 =	sadd.s32 s1, s12;
	s1 =	sadd.s32 s5, s1  }
0x1f: {  	s26 =	simm.s32 $0x1500;
	s5 =	simm.s32 $0xA80;
	[dreg:$0x9] =	wrdreg s1  }
0x20: {  	s23 =	simm.s32 $0x1780;
	s4 =	sadd.s32 $0x5000, s3;
	[dreg:$0x15] =	wrdreg s5  }
0x21: {  	s7 =	sshrl.u32 s0, $0x1;
	s14 =	sadd.s32 $0x4600, s3;
	[dreg:$0x4] =	wrdreg s4  }
0x22: {  	s0 =	ssub.s32 s0, s7;
	s15 =	sadd.s32 $0x3C00, s3;
	[dreg:$0x5] =	wrdreg s14  }
0x23: {  	s7 =	simm.s32 $0xC00;
	s16 =	sadd.s32 $0x3200, s3;
	[dreg:$0x6] =	wrdreg s15  }
0x24: {  	s3 =	sadd.s32 $0x2800, s3;
	s0 =	smax.u32 s0, $0x1;
	[dreg:$0x7] =	wrdreg s16  }
0x25: {  	s5 =	simm.s32 $0x1400;
	[dreg:$0x8] =	wrdreg s3;
	s3 =	simm.s32 $0x980  }
0x26: {  	s4 =	simm.s32 $0xA00;
	p1 =	sne.s32 s0, $0x1;
	s1 =	rddreg [dreg:$0x9]  }
.Ltmp1:
0x27: {  	s14 =	simm.s32 $0xD80;
	[dreg:$0x13] =	wrdreg s3;
	(pc) =	sbr.rel @!p1 .LBB2_2-.Ltmp1, $4  }
0x28: {  	s15 =	simm.s32 $0xE00;
	s16 =	simm.s32 $0xE80;
	[dreg:$0x14] =	wrdreg s4  }
0x29: {  	s0 =	sadd.s32 $0xFFFFFFFF, s0;
	s3 =	simm.s32 $0x2;
	[dreg:$0x1a] =	wrdreg s14  }
0x2a: {  	s4 =	simm.s32 $0x400;
	[dreg:$0x1b] =	wrdreg s15;
	s14 =	simm.s32 $0x100  }
0x2b: {  	[dreg:$0x1c] =	wrdreg s16;
	s15 =	simm.s32 $0x180;
	s16 =	simm.s32 $0x200  }
0x2c: {  	[tilespmem:s2], [sflag:$0x2] =	stream.linear.gather [hbm4b:s1+s2], $0x400, $0x38;
	[tilespmem:$0x1800] =	vst v63  }
0x2d: {  	_ =	swait.ge [sflag:s3], $0x400  }
0x2e: {  	[sflag:s3] =	ssyncset.done $0x0  }
0x2f: {  	[sflag:s3] =	ssyncadd.s32 $0xFFFFFC00  }
0x30: {  	[tilespmem:s4], [sflag:$0x1] =	stream.indirect.gather [hbm4b:s21+s13], $0x1, s2, s13, $0xb8;
	[tilespmem:$0x1800] =	vst v63  }
0x31: {  	s1 =	rddreg [dreg:$0xa]  }
0x32: {  	[tilespmem:s1], [sflag:$0x1] =	stream.indirect.gather [hbm4b:s21+s13], $0x1, s13, s13, $0xb8;
	[tilespmem:$0x1800] =	vst v63  }
0x33: {  	s22 =	smov.u32 s0;
	s0 =	rddreg [dreg:$0xb]  }
0x34: {  	[tilespmem:s0], [sflag:$0x1] =	stream.indirect.gather [hbm4b:s21+s13], $0x1, s14, s13, $0xb8;
	[tilespmem:$0x1800] =	vst v63  }
0x35: {  	s1 =	rddreg [dreg:$0xc]  }
0x36: {  	[tilespmem:s1], [sflag:$0x1] =	stream.indirect.gather [hbm4b:s21+s13], $0x1, s15, s13, $0xb8;
	[tilespmem:$0x1800] =	vst v63  }
0x37: {  	s0 =	rddreg [dreg:$0xd]  }
0x38: {  	[tilespmem:s0], [sflag:$0x1] =	stream.indirect.gather [hbm4b:s21+s13], $0x1, s16, s13, $0xb8;
	[tilespmem:$0x1800] =	vst v63  }
0x39: {  	s1 =	rddreg [dreg:$0xe]  }
0x3a: {  	[tilespmem:s1], [sflag:$0x1] =	stream.indirect.gather [hbm4b:s21+s13], $0x1, s17, s13, $0xb8;
	[tilespmem:$0x1800] =	vst v63  }
0x3b: {  	s0 =	rddreg [dreg:$0xf]  }
0x3c: {  	[tilespmem:s0], [sflag:$0x1] =	stream.indirect.gather [hbm4b:s21+s13], $0x1, s19, s13, $0xb8;
	[tilespmem:$0x1800] =	vst v63  }
0x3d: {  	s1 =	rddreg [dreg:$0x10]  }
0x3e: {  	[tilespmem:s1], [sflag:$0x1] =	stream.indirect.gather [hbm4b:s21+s13], $0x1, s20, s13, $0xb8;
	[tilespmem:$0x1800] =	vst v63  }
0x3f: {  	_ = 	snop  }
0x40: {  	[tilespmem:s8], [sflag:$0x1] =	stream.indirect.gather [hbm4b:s18+s13], $0x1, s2, s13, $0xb8;
	[tilespmem:$0x1800] =	vst v63  }
0x41: {  	s0 =	rddreg [dreg:$0x11]  }
0x42: {  	[tilespmem:s0], [sflag:$0x1] =	stream.indirect.gather [hbm4b:s18+s13], $0x1, s13, s13, $0xb8;
	[tilespmem:$0x1800] =	vst v63  }
0x43: {  	s1 =	rddreg [dreg:$0x12]  }
0x44: {  	[tilespmem:s1], [sflag:$0x1] =	stream.indirect.gather [hbm4b:s18+s13], $0x1, s14, s13, $0xb8;
	[tilespmem:$0x1800] =	vst v63  }
0x45: {  	s0 =	rddreg [dreg:$0x13]  }
0x46: {  	[tilespmem:s0], [sflag:$0x1] =	stream.indirect.gather [hbm4b:s18+s13], $0x1, s15, s13, $0xb8;
	[tilespmem:$0x1800] =	vst v63  }
0x47: {  	s1 =	rddreg [dreg:$0x14]  }
0x48: {  	[tilespmem:s1], [sflag:$0x1] =	stream.indirect.gather [hbm4b:s18+s13], $0x1, s16, s13, $0xb8;
	[tilespmem:$0x1800] =	vst v63  }
0x49: {  	s0 =	rddreg [dreg:$0x15]  }
0x4a: {  	[tilespmem:s0], [sflag:$0x1] =	stream.indirect.gather [hbm4b:s18+s13], $0x1, s17, s13, $0xb8;
	[tilespmem:$0x1800] =	vst v63  }
0x4b: {  	s1 =	rddreg [dreg:$0x16]  }
0x4c: {  	[tilespmem:s1], [sflag:$0x1] =	stream.indirect.gather [hbm4b:s18+s13], $0x1, s19, s13, $0xb8;
	[tilespmem:$0x1800] =	vst v63  }
0x4d: {  	s0 =	rddreg [dreg:$0x17]  }
0x4e: {  	[tilespmem:s0], [sflag:$0x1] =	stream.indirect.gather [hbm4b:s18+s13], $0x1, s20, s13, $0xb8;
	[tilespmem:$0x1800] =	vst v63  }
0x4f: {  	_ = 	snop  }
0x50: {  	[tilespmem:s7], [sflag:$0x1] =	stream.indirect.gather [hbm4b:s12+s13], $0x1, s2, s13, $0xb8;
	[tilespmem:$0x1800] =	vst v63  }
0x51: {  	s0 =	rddreg [dreg:$0x18]  }
0x52: {  	[tilespmem:s0], [sflag:$0x1] =	stream.indirect.gather [hbm4b:s12+s13], $0x1, s13, s13, $0xb8;
	[tilespmem:$0x1800] =	vst v63  }
0x53: {  	s1 =	rddreg [dreg:$0x19]  }
0x54: {  	[tilespmem:s1], [sflag:$0x1] =	stream.indirect.gather [hbm4b:s12+s13], $0x1, s14, s13, $0xb8;
	[tilespmem:$0x1800] =	vst v63  }
0x55: {  	s0 =	rddreg [dreg:$0x1a]  }
0x56: {  	[tilespmem:s0], [sflag:$0x1] =	stream.indirect.gather [hbm4b:s12+s13], $0x1, s15, s13, $0xb8;
	[tilespmem:$0x1800] =	vst v63  }
0x57: {  	s1 =	rddreg [dreg:$0x1b]  }
0x58: {  	[tilespmem:s1], [sflag:$0x1] =	stream.indirect.gather [hbm4b:s12+s13], $0x1, s16, s13, $0xb8;
	[tilespmem:$0x1800] =	vst v63  }
0x59: {  	s0 =	rddreg [dreg:$0x1c]  }
0x5a: {  	[tilespmem:s0], [sflag:$0x1] =	stream.indirect.gather [hbm4b:s12+s13], $0x1, s17, s13, $0xb8;
	[tilespmem:$0x1800] =	vst v63  }
0x5b: {  	s1 =	rddreg [dreg:$0x1d]  }
0x5c: {  	[tilespmem:s1], [sflag:$0x1] =	stream.indirect.gather [hbm4b:s12+s13], $0x1, s19, s13, $0xb8;
	[tilespmem:$0x1800] =	vst v63  }
0x5d: {  	s0 =	rddreg [dreg:$0x1e]  }
0x5e: {  	[tilespmem:s0], [sflag:$0x1] =	stream.indirect.gather [hbm4b:s12+s13], $0x1, s20, s13, $0xb8;
	[tilespmem:$0x1800] =	vst v63  }
0x5f: {  	s1 =	sld [smem:$0x7FA]  }
0x60: {  	[tilespmem:s6], [sflag:$0x1] =	stream.indirect.gather [hbm4b:s11+s13], $0x1, s2, s13, $0xb8;
	[tilespmem:$0x1800] =	vst v63  }
0x61: {  	s0 =	rddreg [dreg:$0x1f]  }
0x62: {  	[tilespmem:s0], [sflag:$0x1] =	stream.indirect.gather [hbm4b:s11+s13], $0x1, s13, s13, $0xb8;
	[tilespmem:$0x1800] =	vst v63  }
0x63: {  	s0 =	sld [smem:$0x7FB]  }
0x64: {  	[tilespmem:s1], [sflag:$0x1] =	stream.indirect.gather [hbm4b:s11+s13], $0x1, s14, s13, $0xb8;
	[tilespmem:$0x1800] =	vst v63  }
0x65: {  	s1 =	sld [smem:$0x7FC]  }
0x66: {  	[tilespmem:s0], [sflag:$0x1] =	stream.indirect.gather [hbm4b:s11+s13], $0x1, s15, s13, $0xb8;
	[tilespmem:$0x1800] =	vst v63  }
0x67: {  	s0 =	sld [smem:$0x7FD]  }
0x68: {  	[tilespmem:s1], [sflag:$0x1] =	stream.indirect.gather [hbm4b:s11+s13], $0x1, s16, s13, $0xb8;
	[tilespmem:$0x1800] =	vst v63  }
0x69: {  	_ = 	snop  }
0x6a: {  	[tilespmem:s0], [sflag:$0x1] =	stream.indirect.gather [hbm4b:s11+s13], $0x1, s17, s13, $0xb8;
	[tilespmem:$0x1800] =	vst v63  }
0x6b: {  	s1 =	simm.s32 $0x1300  }
0x6c: {  	[tilespmem:s1], [sflag:$0x1] =	stream.indirect.gather [hbm4b:s11+s13], $0x1, s19, s13, $0xb8;
	[tilespmem:$0x1800] =	vst v63  }
0x6d: {  	_ = 	snop  }
0x6e: {  	[tilespmem:s24], [sflag:$0x1] =	stream.indirect.gather [hbm4b:s11+s13], $0x1, s20, s13, $0xb8;
	[tilespmem:$0x1800] =	vst v63  }
0x6f: {  	_ = 	snop  }
0x70: {  	[tilespmem:s5], [sflag:$0x1] =	stream.indirect.gather [hbm4b:s10+s13], $0x1, s2, s13, $0xb8;
	[tilespmem:$0x1800] =	vst v63  }
0x71: {  	_ = 	snop  }
0x72: {  	[tilespmem:s25], [sflag:$0x1] =	stream.indirect.gather [hbm4b:s10+s13], $0x1, s13, s13, $0xb8;
	[tilespmem:$0x1800] =	vst v63  }
0x73: {  	_ = 	snop  }
0x74: {  	[tilespmem:s26], [sflag:$0x1] =	stream.indirect.gather [hbm4b:s10+s13], $0x1, s14, s13, $0xb8;
	[tilespmem:$0x1800] =	vst v63  }
0x75: {  	_ = 	snop  }
0x76: {  	[tilespmem:s28], [sflag:$0x1] =	stream.indirect.gather [hbm4b:s10+s13], $0x1, s15, s13, $0xb8;
	[tilespmem:$0x1800] =	vst v63  }
0x77: {  	_ = 	snop  }
0x78: {  	[tilespmem:s29], [sflag:$0x1] =	stream.indirect.gather [hbm4b:s10+s13], $0x1, s16, s13, $0xb8;
	[tilespmem:$0x1800] =	vst v63  }
0x79: {  	_ = 	snop  }
0x7a: {  	[tilespmem:s30], [sflag:$0x1] =	stream.indirect.gather [hbm4b:s10+s13], $0x1, s17, s13, $0xb8;
	[tilespmem:$0x1800] =	vst v63  }
0x7b: {  	_ = 	snop  }
0x7c: {  	[tilespmem:s31], [sflag:$0x1] =	stream.indirect.gather [hbm4b:s10+s13], $0x1, s19, s13, $0xb8;
	[tilespmem:$0x1800] =	vst v63  }
0x7d: {  	_ = 	snop  }
0x7e: {  	[tilespmem:s23], [sflag:$0x1] =	stream.indirect.gather [hbm4b:s10+s13], $0x1, s20, s13, $0xb8;
	[tilespmem:$0x1800] =	vst v63  }
0x7f: {  	_ =	swait.ge [sflag:s9], $0x80  }
0x80: {  	[sflag:s9] =	ssyncset.done $0x0  }
0x81: {  	[sflag:s9] =	ssyncadd.s32 $0xFFFFFF80  }
0x82: {  	_ =	swait.ge [sflag:s9], $0x80  }
0x83: {  	[sflag:s9] =	ssyncset.done $0x0  }
0x84: {  	[sflag:s9] =	ssyncadd.s32 $0xFFFFFF80  }
0x85: {  	_ =	swait.ge [sflag:s9], $0x80  }
0x86: {  	[sflag:s9] =	ssyncset.done $0x0  }
0x87: {  	[sflag:s9] =	ssyncadd.s32 $0xFFFFFF80  }
0x88: {  	_ =	swait.ge [sflag:s9], $0x80  }
0x89: {  	[sflag:s9] =	ssyncset.done $0x0  }
0x8a: {  	[sflag:s9] =	ssyncadd.s32 $0xFFFFFF80  }
0x8b: {  	_ =	swait.ge [sflag:s9], $0x80  }
0x8c: {  	[sflag:s9] =	ssyncset.done $0x0  }
0x8d: {  	[sflag:s9] =	ssyncadd.s32 $0xFFFFFF80  }
0x8e: {  	_ =	swait.ge [sflag:s9], $0x80  }
0x8f: {  	[sflag:s9] =	ssyncset.done $0x0  }
0x90: {  	[sflag:s9] =	ssyncadd.s32 $0xFFFFFF80  }
0x91: {  	_ =	swait.ge [sflag:s9], $0x80  }
0x92: {  	[sflag:s9] =	ssyncset.done $0x0  }
0x93: {  	[sflag:s9] =	ssyncadd.s32 $0xFFFFFF80  }
0x94: {  	_ =	swait.ge [sflag:s9], $0x80  }
0x95: {  	[sflag:s9] =	ssyncset.done $0x0  }
0x96: {  	[sflag:s9] =	ssyncadd.s32 $0xFFFFFF80  }
0x97: {  	_ =	swait.ge [sflag:s9], $0x80  }
0x98: {  	[sflag:s9] =	ssyncset.done $0x0  }
0x99: {  	[sflag:s9] =	ssyncadd.s32 $0xFFFFFF80  }
0x9a: {  	_ =	swait.ge [sflag:s9], $0x80  }
0x9b: {  	[sflag:s9] =	ssyncset.done $0x0  }
0x9c: {  	[sflag:s9] =	ssyncadd.s32 $0xFFFFFF80  }
0x9d: {  	_ =	swait.ge [sflag:s9], $0x80  }
0x9e: {  	[sflag:s9] =	ssyncset.done $0x0  }
0x9f: {  	[sflag:s9] =	ssyncadd.s32 $0xFFFFFF80  }
0xa0: {  	_ =	swait.ge [sflag:s9], $0x80  }
0xa1: {  	[sflag:s9] =	ssyncset.done $0x0  }
0xa2: {  	[sflag:s9] =	ssyncadd.s32 $0xFFFFFF80  }
0xa3: {  	_ =	swait.ge [sflag:s9], $0x80  }
0xa4: {  	[sflag:s9] =	ssyncset.done $0x0  }
0xa5: {  	[sflag:s9] =	ssyncadd.s32 $0xFFFFFF80  }
0xa6: {  	_ =	swait.ge [sflag:s9], $0x80  }
0xa7: {  	[sflag:s9] =	ssyncset.done $0x0  }
0xa8: {  	[sflag:s9] =	ssyncadd.s32 $0xFFFFFF80  }
0xa9: {  	_ =	swait.ge [sflag:s9], $0x80  }
0xaa: {  	[sflag:s9] =	ssyncset.done $0x0  }
0xab: {  	[sflag:s9] =	ssyncadd.s32 $0xFFFFFF80  }
0xac: {  	_ =	swait.ge [sflag:s9], $0x80  }
0xad: {  	[sflag:s9] =	ssyncset.done $0x0  }
0xae: {  	[sflag:s9] =	ssyncadd.s32 $0xFFFFFF80  }
0xaf: {  	_ =	swait.ge [sflag:s9], $0x80  }
0xb0: {  	[sflag:s9] =	ssyncset.done $0x0  }
0xb1: {  	[sflag:s9] =	ssyncadd.s32 $0xFFFFFF80  }
0xb2: {  	_ =	swait.ge [sflag:s9], $0x80  }
0xb3: {  	[sflag:s9] =	ssyncset.done $0x0  }
0xb4: {  	[sflag:s9] =	ssyncadd.s32 $0xFFFFFF80  }
0xb5: {  	_ =	swait.ge [sflag:s9], $0x80  }
0xb6: {  	[sflag:s9] =	ssyncset.done $0x0  }
0xb7: {  	[sflag:s9] =	ssyncadd.s32 $0xFFFFFF80  }
0xb8: {  	_ =	swait.ge [sflag:s9], $0x80  }
0xb9: {  	[sflag:s9] =	ssyncset.done $0x0  }
0xba: {  	[sflag:s9] =	ssyncadd.s32 $0xFFFFFF80  }
0xbb: {  	_ =	swait.ge [sflag:s9], $0x80  }
0xbc: {  	[sflag:s9] =	ssyncset.done $0x0  }
0xbd: {  	[sflag:s9] =	ssyncadd.s32 $0xFFFFFF80  }
0xbe: {  	_ =	swait.ge [sflag:s9], $0x80  }
0xbf: {  	[sflag:s9] =	ssyncset.done $0x0  }
0xc0: {  	[sflag:s9] =	ssyncadd.s32 $0xFFFFFF80  }
0xc1: {  	_ =	swait.ge [sflag:s9], $0x80  }
0xc2: {  	[sflag:s9] =	ssyncset.done $0x0  }
0xc3: {  	[sflag:s9] =	ssyncadd.s32 $0xFFFFFF80  }
0xc4: {  	_ =	swait.ge [sflag:s9], $0x80  }
0xc5: {  	[sflag:s9] =	ssyncset.done $0x0  }
0xc6: {  	[sflag:s9] =	ssyncadd.s32 $0xFFFFFF80  }
0xc7: {  	_ =	swait.ge [sflag:s9], $0x80  }
0xc8: {  	[sflag:s9] =	ssyncset.done $0x0  }
0xc9: {  	[sflag:s9] =	ssyncadd.s32 $0xFFFFFF80  }
0xca: {  	_ =	swait.ge [sflag:s9], $0x80  }
0xcb: {  	[sflag:s9] =	ssyncset.done $0x0  }
0xcc: {  	[sflag:s9] =	ssyncadd.s32 $0xFFFFFF80  }
0xcd: {  	_ =	swait.ge [sflag:s9], $0x80  }
0xce: {  	[sflag:s9] =	ssyncset.done $0x0  }
0xcf: {  	[sflag:s9] =	ssyncadd.s32 $0xFFFFFF80  }
0xd0: {  	_ =	swait.ge [sflag:s9], $0x80  }
0xd1: {  	[sflag:s9] =	ssyncset.done $0x0  }
0xd2: {  	[sflag:s9] =	ssyncadd.s32 $0xFFFFFF80  }
0xd3: {  	_ =	swait.ge [sflag:s9], $0x80  }
0xd4: {  	[sflag:s9] =	ssyncset.done $0x0  }
0xd5: {  	[sflag:s9] =	ssyncadd.s32 $0xFFFFFF80  }
0xd6: {  	_ =	swait.ge [sflag:s9], $0x80  }
0xd7: {  	[sflag:s9] =	ssyncset.done $0x0  }
0xd8: {  	[sflag:s9] =	ssyncadd.s32 $0xFFFFFF80  }
0xd9: {  	_ =	swait.ge [sflag:s9], $0x80  }
0xda: {  	[sflag:s9] =	ssyncset.done $0x0  }
0xdb: {  	[sflag:s9] =	ssyncadd.s32 $0xFFFFFF80  }
0xdc: {  	_ =	swait.ge [sflag:s9], $0x80  }
0xdd: {  	[sflag:s9] =	ssyncset.done $0x0  }
0xde: {  	[sflag:s9] =	ssyncadd.s32 $0xFFFFFF80  }
0xdf: {  	_ =	swait.ge [sflag:s9], $0x80  }
0xe0: {  	[sflag:s9] =	ssyncset.done $0x0  }
0xe1: {  	[sflag:s9] =	ssyncadd.s32 $0xFFFFFF80  }
0xe2: {  	_ =	swait.ge [sflag:s9], $0x80  }
0xe3: {  	[sflag:s9] =	ssyncset.done $0x0  }
0xe4: {  	[sflag:s9] =	ssyncadd.s32 $0xFFFFFF80  }
0xe5: {  	_ =	swait.ge [sflag:s9], $0x80  }
0xe6: {  	[sflag:s9] =	ssyncset.done $0x0  }
0xe7: {  	[sflag:s9] =	ssyncadd.s32 $0xFFFFFF80  }
0xe8: {  	_ =	swait.ge [sflag:s9], $0x80  }
0xe9: {  	[sflag:s9] =	ssyncset.done $0x0  }
0xea: {  	[sflag:s9] =	ssyncadd.s32 $0xFFFFFF80  }
0xeb: {  	_ =	swait.ge [sflag:s9], $0x80  }
0xec: {  	[sflag:s9] =	ssyncset.done $0x0  }
0xed: {  	[sflag:s9] =	ssyncadd.s32 $0xFFFFFF80  }
0xee: {  	_ =	swait.ge [sflag:s9], $0x80  }
0xef: {  	[sflag:s9] =	ssyncset.done $0x0  }
0xf0: {  	[sflag:s9] =	ssyncadd.s32 $0xFFFFFF80  }
0xf1: {  	_ =	swait.ge [sflag:s9], $0x80  }
0xf2: {  	[sflag:s9] =	ssyncset.done $0x0  }
0xf3: {  	[sflag:s9] =	ssyncadd.s32 $0xFFFFFF80  }
0xf4: {  	_ =	swait.ge [sflag:s9], $0x80  }
0xf5: {  	[sflag:s9] =	ssyncset.done $0x0  }
0xf6: {  	s1 =	rddreg [dreg:$0x4];
	[sflag:s9] =	ssyncadd.s32 $0xFFFFFF80  }
0xf7: {  	[hbm4b:s1+s2] =	stream.linear.scatter [tilespmem:s4], [sflag:$0x2], $0x400, $0x38;
	[tilespmem:$0x1800] =	vst v63  }
0xf8: {  	_ =	swait.ge [sflag:s3], $0x400  }
0xf9: {  	[sflag:s3] =	ssyncset.done $0x0  }
0xfa: {  	s1 =	rddreg [dreg:$0x5];
	[sflag:s3] =	ssyncadd.s32 $0xFFFFFC00  }
0xfb: {  	[hbm4b:s1+s2] =	stream.linear.scatter [tilespmem:s8], [sflag:$0x2], $0x400, $0x38;
	[tilespmem:$0x1800] =	vst v63  }
0xfc: {  	_ =	swait.ge [sflag:s3], $0x400  }
0xfd: {  	[sflag:s3] =	ssyncset.done $0x0  }
0xfe: {  	s1 =	rddreg [dreg:$0x6];
	[sflag:s3] =	ssyncadd.s32 $0xFFFFFC00  }
0xff: {  	[hbm4b:s1+s2] =	stream.linear.scatter [tilespmem:s7], [sflag:$0x2], $0x400, $0x38;
	[tilespmem:$0x1800] =	vst v63  }
0x100: {  	_ =	swait.ge [sflag:s3], $0x400  }
0x101: {  	[sflag:s3] =	ssyncset.done $0x0  }
0x102: {  	s1 =	rddreg [dreg:$0x7];
	[sflag:s3] =	ssyncadd.s32 $0xFFFFFC00  }
0x103: {  	[hbm4b:s1+s2] =	stream.linear.scatter [tilespmem:s6], [sflag:$0x2], $0x400, $0x38;
	[tilespmem:$0x1800] =	vst v63  }
0x104: {  	p1 =	sne.s32 s22, $0x1;
	_ =	swait.ge [sflag:s3], $0x400  }
.Ltmp2:
0x105: {  	[sflag:s3] =	ssyncset.done $0x0;
	(pc) =	sbr.rel @!p1 .LBB2_4-.Ltmp2, $4  }
0x106: {  	s1 =	rddreg [dreg:$0x8];
	[sflag:s3] =	ssyncadd.s32 $0xFFFFFC00  }
0x107: {  	[hbm4b:s1+s2] =	stream.linear.scatter [tilespmem:s5], [sflag:$0x2], $0x400, $0x38;
	[tilespmem:$0x1800] =	vst v63  }
0x108: {  	p0 =	por $0x1, $0x1;
	_ =	swait.ge [sflag:s3], $0x400  }
0x109: {  	s0 =	sadd.s32 $0xFFFFFFFF, s22;
	s1 =	rddreg [dreg:$0x9];
	[sflag:s3] =	ssyncset.done $0x0  }
.LBB2_5:
0x10a: {  	[sflag:s3] =	ssyncadd.s32 $0xFFFFFC00  }
0x10b: {  	[tilespmem:s2], [sflag:$0x2] =	stream.linear.gather [hbm4b:s1+s2], $0x400, $0x38;
	[tilespmem:$0x1800] =	vst v63  }
0x10c: {  	_ =	swait.ge [sflag:s3], $0x400  }
0x10d: {  	[sflag:s3] =	ssyncset.done $0x0  }
0x10e: {  	[sflag:s3] =	ssyncadd.s32 $0xFFFFFC00  }
0x10f: {  	[tilespmem:s4], [sflag:$0x1] =	stream.indirect.gather [hbm4b:s21+s13], $0x1, s2, s13, $0xb8;
	[tilespmem:$0x1800] =	vst v63  }
0x110: {  	s1 =	rddreg [dreg:$0xa]  }
0x111: {  	[tilespmem:s1], [sflag:$0x1] =	stream.indirect.gather [hbm4b:s21+s13], $0x1, s13, s13, $0xb8;
	[tilespmem:$0x1800] =	vst v63  }
0x112: {  	s22 =	rddreg [dreg:$0xb]  }
0x113: {  	[tilespmem:s22], [sflag:$0x1] =	stream.indirect.gather [hbm4b:s21+s13], $0x1, s14, s13, $0xb8;
	[tilespmem:$0x1800] =	vst v63  }
0x114: {  	s1 =	rddreg [dreg:$0xc]  }
0x115: {  	[tilespmem:s1], [sflag:$0x1] =	stream.indirect.gather [hbm4b:s21+s13], $0x1, s15, s13, $0xb8;
	[tilespmem:$0x1800] =	vst v63  }
0x116: {  	s22 =	rddreg [dreg:$0xd]  }
0x117: {  	[tilespmem:s22], [sflag:$0x1] =	stream.indirect.gather [hbm4b:s21+s13], $0x1, s16, s13, $0xb8;
	[tilespmem:$0x1800] =	vst v63  }
0x118: {  	s1 =	rddreg [dreg:$0xe]  }
0x119: {  	[tilespmem:s1], [sflag:$0x1] =	stream.indirect.gather [hbm4b:s21+s13], $0x1, s17, s13, $0xb8;
	[tilespmem:$0x1800] =	vst v63  }
0x11a: {  	s22 =	rddreg [dreg:$0xf]  }
0x11b: {  	[tilespmem:s22], [sflag:$0x1] =	stream.indirect.gather [hbm4b:s21+s13], $0x1, s19, s13, $0xb8;
	[tilespmem:$0x1800] =	vst v63  }
0x11c: {  	s1 =	rddreg [dreg:$0x10]  }
0x11d: {  	[tilespmem:s1], [sflag:$0x1] =	stream.indirect.gather [hbm4b:s21+s13], $0x1, s20, s13, $0xb8;
	[tilespmem:$0x1800] =	vst v63  }
0x11e: {  	_ = 	snop  }
0x11f: {  	[tilespmem:s8], [sflag:$0x1] =	stream.indirect.gather [hbm4b:s18+s13], $0x1, s2, s13, $0xb8;
	[tilespmem:$0x1800] =	vst v63  }
0x120: {  	s1 =	rddreg [dreg:$0x11]  }
0x121: {  	[tilespmem:s1], [sflag:$0x1] =	stream.indirect.gather [hbm4b:s18+s13], $0x1, s13, s13, $0xb8;
	[tilespmem:$0x1800] =	vst v63  }
0x122: {  	s22 =	rddreg [dreg:$0x12]  }
0x123: {  	[tilespmem:s22], [sflag:$0x1] =	stream.indirect.gather [hbm4b:s18+s13], $0x1, s14, s13, $0xb8;
	[tilespmem:$0x1800] =	vst v63  }
0x124: {  	s1 =	rddreg [dreg:$0x13]  }
0x125: {  	[tilespmem:s1], [sflag:$0x1] =	stream.indirect.gather [hbm4b:s18+s13], $0x1, s15, s13, $0xb8;
	[tilespmem:$0x1800] =	vst v63  }
0x126: {  	s22 =	rddreg [dreg:$0x14]  }
0x127: {  	[tilespmem:s22], [sflag:$0x1] =	stream.indirect.gather [hbm4b:s18+s13], $0x1, s16, s13, $0xb8;
	[tilespmem:$0x1800] =	vst v63  }
0x128: {  	s1 =	rddreg [dreg:$0x15]  }
0x129: {  	[tilespmem:s1], [sflag:$0x1] =	stream.indirect.gather [hbm4b:s18+s13], $0x1, s17, s13, $0xb8;
	[tilespmem:$0x1800] =	vst v63  }
0x12a: {  	s22 =	rddreg [dreg:$0x16]  }
0x12b: {  	[tilespmem:s22], [sflag:$0x1] =	stream.indirect.gather [hbm4b:s18+s13], $0x1, s19, s13, $0xb8;
	[tilespmem:$0x1800] =	vst v63  }
0x12c: {  	s1 =	rddreg [dreg:$0x17]  }
0x12d: {  	[tilespmem:s1], [sflag:$0x1] =	stream.indirect.gather [hbm4b:s18+s13], $0x1, s20, s13, $0xb8;
	[tilespmem:$0x1800] =	vst v63  }
0x12e: {  	_ = 	snop  }
0x12f: {  	[tilespmem:s7], [sflag:$0x1] =	stream.indirect.gather [hbm4b:s12+s13], $0x1, s2, s13, $0xb8;
	[tilespmem:$0x1800] =	vst v63  }
0x130: {  	s1 =	rddreg [dreg:$0x18]  }
0x131: {  	[tilespmem:s1], [sflag:$0x1] =	stream.indirect.gather [hbm4b:s12+s13], $0x1, s13, s13, $0xb8;
	[tilespmem:$0x1800] =	vst v63  }
0x132: {  	s22 =	rddreg [dreg:$0x19]  }
0x133: {  	[tilespmem:s22], [sflag:$0x1] =	stream.indirect.gather [hbm4b:s12+s13], $0x1, s14, s13, $0xb8;
	[tilespmem:$0x1800] =	vst v63  }
0x134: {  	s1 =	rddreg [dreg:$0x1a]  }
0x135: {  	[tilespmem:s1], [sflag:$0x1] =	stream.indirect.gather [hbm4b:s12+s13], $0x1, s15, s13, $0xb8;
	[tilespmem:$0x1800] =	vst v63  }
0x136: {  	s22 =	rddreg [dreg:$0x1b]  }
0x137: {  	[tilespmem:s22], [sflag:$0x1] =	stream.indirect.gather [hbm4b:s12+s13], $0x1, s16, s13, $0xb8;
	[tilespmem:$0x1800] =	vst v63  }
0x138: {  	s1 =	rddreg [dreg:$0x1c]  }
0x139: {  	[tilespmem:s1], [sflag:$0x1] =	stream.indirect.gather [hbm4b:s12+s13], $0x1, s17, s13, $0xb8;
	[tilespmem:$0x1800] =	vst v63  }
0x13a: {  	s22 =	rddreg [dreg:$0x1d]  }
0x13b: {  	[tilespmem:s22], [sflag:$0x1] =	stream.indirect.gather [hbm4b:s12+s13], $0x1, s19, s13, $0xb8;
	[tilespmem:$0x1800] =	vst v63  }
0x13c: {  	s1 =	rddreg [dreg:$0x1e]  }
0x13d: {  	[tilespmem:s1], [sflag:$0x1] =	stream.indirect.gather [hbm4b:s12+s13], $0x1, s20, s13, $0xb8;
	[tilespmem:$0x1800] =	vst v63  }
0x13e: {  	s22 =	sld [smem:$0x7FA]  }
0x13f: {  	[tilespmem:s6], [sflag:$0x1] =	stream.indirect.gather [hbm4b:s11+s13], $0x1, s2, s13, $0xb8;
	[tilespmem:$0x1800] =	vst v63  }
0x140: {  	s1 =	rddreg [dreg:$0x1f]  }
0x141: {  	[tilespmem:s1], [sflag:$0x1] =	stream.indirect.gather [hbm4b:s11+s13], $0x1, s13, s13, $0xb8;
	[tilespmem:$0x1800] =	vst v63  }
0x142: {  	s1 =	sld [smem:$0x7FB]  }
0x143: {  	[tilespmem:s22], [sflag:$0x1] =	stream.indirect.gather [hbm4b:s11+s13], $0x1, s14, s13, $0xb8;
	[tilespmem:$0x1800] =	vst v63  }
0x144: {  	s22 =	sld [smem:$0x7FC]  }
0x145: {  	[tilespmem:s1], [sflag:$0x1] =	stream.indirect.gather [hbm4b:s11+s13], $0x1, s15, s13, $0xb8;
	[tilespmem:$0x1800] =	vst v63  }
0x146: {  	s1 =	sld [smem:$0x7FD]  }
0x147: {  	[tilespmem:s22], [sflag:$0x1] =	stream.indirect.gather [hbm4b:s11+s13], $0x1, s16, s13, $0xb8;
	[tilespmem:$0x1800] =	vst v63  }
0x148: {  	_ = 	snop  }
0x149: {  	[tilespmem:s1], [sflag:$0x1] =	stream.indirect.gather [hbm4b:s11+s13], $0x1, s17, s13, $0xb8;
	[tilespmem:$0x1800] =	vst v63  }
0x14a: {  	s22 =	simm.s32 $0x1300  }
0x14b: {  	[tilespmem:s22], [sflag:$0x1] =	stream.indirect.gather [hbm4b:s11+s13], $0x1, s19, s13, $0xb8;
	[tilespmem:$0x1800] =	vst v63  }
0x14c: {  	_ = 	snop  }
0x14d: {  	[tilespmem:s24], [sflag:$0x1] =	stream.indirect.gather [hbm4b:s11+s13], $0x1, s20, s13, $0xb8;
	[tilespmem:$0x1800] =	vst v63  }
0x14e: {  	_ = 	snop  }
0x14f: {  	[tilespmem:s5], [sflag:$0x1] =	stream.indirect.gather [hbm4b:s10+s13], $0x1, s2, s13, $0xb8;
	[tilespmem:$0x1800] =	vst v63  }
0x150: {  	_ = 	snop  }
0x151: {  	[tilespmem:s25], [sflag:$0x1] =	stream.indirect.gather [hbm4b:s10+s13], $0x1, s13, s13, $0xb8;
	[tilespmem:$0x1800] =	vst v63  }
0x152: {  	_ = 	snop  }
0x153: {  	[tilespmem:s26], [sflag:$0x1] =	stream.indirect.gather [hbm4b:s10+s13], $0x1, s14, s13, $0xb8;
	[tilespmem:$0x1800] =	vst v63  }
0x154: {  	_ = 	snop  }
0x155: {  	[tilespmem:s28], [sflag:$0x1] =	stream.indirect.gather [hbm4b:s10+s13], $0x1, s15, s13, $0xb8;
	[tilespmem:$0x1800] =	vst v63  }
0x156: {  	_ = 	snop  }
0x157: {  	[tilespmem:s29], [sflag:$0x1] =	stream.indirect.gather [hbm4b:s10+s13], $0x1, s16, s13, $0xb8;
	[tilespmem:$0x1800] =	vst v63  }
0x158: {  	_ = 	snop  }
0x159: {  	[tilespmem:s30], [sflag:$0x1] =	stream.indirect.gather [hbm4b:s10+s13], $0x1, s17, s13, $0xb8;
	[tilespmem:$0x1800] =	vst v63  }
0x15a: {  	_ = 	snop  }
0x15b: {  	[tilespmem:s31], [sflag:$0x1] =	stream.indirect.gather [hbm4b:s10+s13], $0x1, s19, s13, $0xb8;
	[tilespmem:$0x1800] =	vst v63  }
0x15c: {  	_ = 	snop  }
0x15d: {  	[tilespmem:s23], [sflag:$0x1] =	stream.indirect.gather [hbm4b:s10+s13], $0x1, s20, s13, $0xb8;
	[tilespmem:$0x1800] =	vst v63  }
0x15e: {  	_ =	swait.ge [sflag:s9], $0x80  }
0x15f: {  	[sflag:s9] =	ssyncset.done $0x0  }
0x160: {  	[sflag:s9] =	ssyncadd.s32 $0xFFFFFF80  }
0x161: {  	_ =	swait.ge [sflag:s9], $0x80  }
0x162: {  	[sflag:s9] =	ssyncset.done $0x0  }
0x163: {  	[sflag:s9] =	ssyncadd.s32 $0xFFFFFF80  }
0x164: {  	_ =	swait.ge [sflag:s9], $0x80  }
0x165: {  	[sflag:s9] =	ssyncset.done $0x0  }
0x166: {  	[sflag:s9] =	ssyncadd.s32 $0xFFFFFF80  }
0x167: {  	_ =	swait.ge [sflag:s9], $0x80  }
0x168: {  	[sflag:s9] =	ssyncset.done $0x0  }
0x169: {  	[sflag:s9] =	ssyncadd.s32 $0xFFFFFF80  }
0x16a: {  	_ =	swait.ge [sflag:s9], $0x80  }
0x16b: {  	[sflag:s9] =	ssyncset.done $0x0  }
0x16c: {  	[sflag:s9] =	ssyncadd.s32 $0xFFFFFF80  }
0x16d: {  	_ =	swait.ge [sflag:s9], $0x80  }
0x16e: {  	[sflag:s9] =	ssyncset.done $0x0  }
0x16f: {  	[sflag:s9] =	ssyncadd.s32 $0xFFFFFF80  }
0x170: {  	_ =	swait.ge [sflag:s9], $0x80  }
0x171: {  	[sflag:s9] =	ssyncset.done $0x0  }
0x172: {  	[sflag:s9] =	ssyncadd.s32 $0xFFFFFF80  }
0x173: {  	_ =	swait.ge [sflag:s9], $0x80  }
0x174: {  	[sflag:s9] =	ssyncset.done $0x0  }
0x175: {  	[sflag:s9] =	ssyncadd.s32 $0xFFFFFF80  }
0x176: {  	_ =	swait.ge [sflag:s9], $0x80  }
0x177: {  	[sflag:s9] =	ssyncset.done $0x0  }
0x178: {  	[sflag:s9] =	ssyncadd.s32 $0xFFFFFF80  }
0x179: {  	_ =	swait.ge [sflag:s9], $0x80  }
0x17a: {  	[sflag:s9] =	ssyncset.done $0x0  }
0x17b: {  	[sflag:s9] =	ssyncadd.s32 $0xFFFFFF80  }
0x17c: {  	_ =	swait.ge [sflag:s9], $0x80  }
0x17d: {  	[sflag:s9] =	ssyncset.done $0x0  }
0x17e: {  	[sflag:s9] =	ssyncadd.s32 $0xFFFFFF80  }
0x17f: {  	_ =	swait.ge [sflag:s9], $0x80  }
0x180: {  	[sflag:s9] =	ssyncset.done $0x0  }
0x181: {  	[sflag:s9] =	ssyncadd.s32 $0xFFFFFF80  }
0x182: {  	_ =	swait.ge [sflag:s9], $0x80  }
0x183: {  	[sflag:s9] =	ssyncset.done $0x0  }
0x184: {  	[sflag:s9] =	ssyncadd.s32 $0xFFFFFF80  }
0x185: {  	_ =	swait.ge [sflag:s9], $0x80  }
0x186: {  	[sflag:s9] =	ssyncset.done $0x0  }
0x187: {  	[sflag:s9] =	ssyncadd.s32 $0xFFFFFF80  }
0x188: {  	_ =	swait.ge [sflag:s9], $0x80  }
0x189: {  	[sflag:s9] =	ssyncset.done $0x0  }
0x18a: {  	[sflag:s9] =	ssyncadd.s32 $0xFFFFFF80  }
0x18b: {  	_ =	swait.ge [sflag:s9], $0x80  }
0x18c: {  	[sflag:s9] =	ssyncset.done $0x0  }
0x18d: {  	[sflag:s9] =	ssyncadd.s32 $0xFFFFFF80  }
0x18e: {  	_ =	swait.ge [sflag:s9], $0x80  }
0x18f: {  	[sflag:s9] =	ssyncset.done $0x0  }
0x190: {  	[sflag:s9] =	ssyncadd.s32 $0xFFFFFF80  }
0x191: {  	_ =	swait.ge [sflag:s9], $0x80  }
0x192: {  	[sflag:s9] =	ssyncset.done $0x0  }
0x193: {  	[sflag:s9] =	ssyncadd.s32 $0xFFFFFF80  }
0x194: {  	_ =	swait.ge [sflag:s9], $0x80  }
0x195: {  	[sflag:s9] =	ssyncset.done $0x0  }
0x196: {  	[sflag:s9] =	ssyncadd.s32 $0xFFFFFF80  }
0x197: {  	_ =	swait.ge [sflag:s9], $0x80  }
0x198: {  	[sflag:s9] =	ssyncset.done $0x0  }
0x199: {  	[sflag:s9] =	ssyncadd.s32 $0xFFFFFF80  }
0x19a: {  	_ =	swait.ge [sflag:s9], $0x80  }
0x19b: {  	[sflag:s9] =	ssyncset.done $0x0  }
0x19c: {  	[sflag:s9] =	ssyncadd.s32 $0xFFFFFF80  }
0x19d: {  	_ =	swait.ge [sflag:s9], $0x80  }
0x19e: {  	[sflag:s9] =	ssyncset.done $0x0  }
0x19f: {  	[sflag:s9] =	ssyncadd.s32 $0xFFFFFF80  }
0x1a0: {  	_ =	swait.ge [sflag:s9], $0x80  }
0x1a1: {  	[sflag:s9] =	ssyncset.done $0x0  }
0x1a2: {  	[sflag:s9] =	ssyncadd.s32 $0xFFFFFF80  }
0x1a3: {  	_ =	swait.ge [sflag:s9], $0x80  }
0x1a4: {  	[sflag:s9] =	ssyncset.done $0x0  }
0x1a5: {  	[sflag:s9] =	ssyncadd.s32 $0xFFFFFF80  }
0x1a6: {  	_ =	swait.ge [sflag:s9], $0x80  }
0x1a7: {  	[sflag:s9] =	ssyncset.done $0x0  }
0x1a8: {  	[sflag:s9] =	ssyncadd.s32 $0xFFFFFF80  }
0x1a9: {  	_ =	swait.ge [sflag:s9], $0x80  }
0x1aa: {  	[sflag:s9] =	ssyncset.done $0x0  }
0x1ab: {  	[sflag:s9] =	ssyncadd.s32 $0xFFFFFF80  }
0x1ac: {  	_ =	swait.ge [sflag:s9], $0x80  }
0x1ad: {  	[sflag:s9] =	ssyncset.done $0x0  }
0x1ae: {  	[sflag:s9] =	ssyncadd.s32 $0xFFFFFF80  }
0x1af: {  	_ =	swait.ge [sflag:s9], $0x80  }
0x1b0: {  	[sflag:s9] =	ssyncset.done $0x0  }
0x1b1: {  	[sflag:s9] =	ssyncadd.s32 $0xFFFFFF80  }
0x1b2: {  	_ =	swait.ge [sflag:s9], $0x80  }
0x1b3: {  	[sflag:s9] =	ssyncset.done $0x0  }
0x1b4: {  	[sflag:s9] =	ssyncadd.s32 $0xFFFFFF80  }
0x1b5: {  	_ =	swait.ge [sflag:s9], $0x80  }
0x1b6: {  	[sflag:s9] =	ssyncset.done $0x0  }
0x1b7: {  	[sflag:s9] =	ssyncadd.s32 $0xFFFFFF80  }
0x1b8: {  	_ =	swait.ge [sflag:s9], $0x80  }
0x1b9: {  	[sflag:s9] =	ssyncset.done $0x0  }
0x1ba: {  	[sflag:s9] =	ssyncadd.s32 $0xFFFFFF80  }
0x1bb: {  	_ =	swait.ge [sflag:s9], $0x80  }
0x1bc: {  	[sflag:s9] =	ssyncset.done $0x0  }
0x1bd: {  	[sflag:s9] =	ssyncadd.s32 $0xFFFFFF80  }
0x1be: {  	_ =	swait.ge [sflag:s9], $0x80  }
0x1bf: {  	[sflag:s9] =	ssyncset.done $0x0  }
0x1c0: {  	[sflag:s9] =	ssyncadd.s32 $0xFFFFFF80  }
0x1c1: {  	_ =	swait.ge [sflag:s9], $0x80  }
0x1c2: {  	[sflag:s9] =	ssyncset.done $0x0  }
0x1c3: {  	[sflag:s9] =	ssyncadd.s32 $0xFFFFFF80  }
0x1c4: {  	_ =	swait.ge [sflag:s9], $0x80  }
0x1c5: {  	[sflag:s9] =	ssyncset.done $0x0  }
0x1c6: {  	[sflag:s9] =	ssyncadd.s32 $0xFFFFFF80  }
0x1c7: {  	_ =	swait.ge [sflag:s9], $0x80  }
0x1c8: {  	[sflag:s9] =	ssyncset.done $0x0  }
0x1c9: {  	[sflag:s9] =	ssyncadd.s32 $0xFFFFFF80  }
0x1ca: {  	_ =	swait.ge [sflag:s9], $0x80  }
0x1cb: {  	[sflag:s9] =	ssyncset.done $0x0  }
0x1cc: {  	[sflag:s9] =	ssyncadd.s32 $0xFFFFFF80  }
0x1cd: {  	_ =	swait.ge [sflag:s9], $0x80  }
0x1ce: {  	[sflag:s9] =	ssyncset.done $0x0  }
0x1cf: {  	[sflag:s9] =	ssyncadd.s32 $0xFFFFFF80  }
0x1d0: {  	_ =	swait.ge [sflag:s9], $0x80  }
0x1d1: {  	[sflag:s9] =	ssyncset.done $0x0  }
0x1d2: {  	[sflag:s9] =	ssyncadd.s32 $0xFFFFFF80  }
0x1d3: {  	_ =	swait.ge [sflag:s9], $0x80  }
0x1d4: {  	[sflag:s9] =	ssyncset.done $0x0  }
0x1d5: {  	s22 =	rddreg [dreg:$0x4];
	[sflag:s9] =	ssyncadd.s32 $0xFFFFFF80  }
0x1d6: {  	[hbm4b:s22+s2] =	stream.linear.scatter [tilespmem:s4], [sflag:$0x2], $0x400, $0x38;
	[tilespmem:$0x1800] =	vst v63  }
0x1d7: {  	_ =	swait.ge [sflag:s3], $0x400  }
0x1d8: {  	[sflag:s3] =	ssyncset.done $0x0  }
0x1d9: {  	s22 =	rddreg [dreg:$0x5];
	[sflag:s3] =	ssyncadd.s32 $0xFFFFFC00  }
0x1da: {  	[hbm4b:s22+s2] =	stream.linear.scatter [tilespmem:s8], [sflag:$0x2], $0x400, $0x38;
	[tilespmem:$0x1800] =	vst v63  }
0x1db: {  	_ =	swait.ge [sflag:s3], $0x400  }
0x1dc: {  	[sflag:s3] =	ssyncset.done $0x0  }
0x1dd: {  	s22 =	rddreg [dreg:$0x6];
	[sflag:s3] =	ssyncadd.s32 $0xFFFFFC00  }
0x1de: {  	[hbm4b:s22+s2] =	stream.linear.scatter [tilespmem:s7], [sflag:$0x2], $0x400, $0x38;
	[tilespmem:$0x1800] =	vst v63  }
0x1df: {  	_ =	swait.ge [sflag:s3], $0x400  }
0x1e0: {  	[sflag:s3] =	ssyncset.done $0x0  }
0x1e1: {  	s22 =	rddreg [dreg:$0x7];
	[sflag:s3] =	ssyncadd.s32 $0xFFFFFC00  }
0x1e2: {  	[hbm4b:s22+s2] =	stream.linear.scatter [tilespmem:s6], [sflag:$0x2], $0x400, $0x38;
	[tilespmem:$0x1800] =	vst v63  }
0x1e3: {  	p1 =	sne.s32 s0, $0x1;
	_ =	swait.ge [sflag:s3], $0x400  }
.Ltmp3:
0x1e4: {  	[sflag:s3] =	ssyncset.done $0x0;
	(pc) =	sbr.rel @p1 .LBB2_5-.Ltmp3, $4  }
0x1e5: {  	s22 =	rddreg [dreg:$0x8];
	[sflag:s3] =	ssyncadd.s32 $0xFFFFFC00  }
0x1e6: {  	[hbm4b:s22+s2] =	stream.linear.scatter [tilespmem:s5], [sflag:$0x2], $0x400, $0x38;
	[tilespmem:$0x1800] =	vst v63  }
0x1e7: {  	_ =	swait.ge [sflag:s3], $0x400  }
0x1e8: {  	s0 =	sadd.s32 $0xFFFFFFFF, s0;
	s1 =	rddreg [dreg:$0x9];
	[sflag:s3] =	ssyncset.done $0x0  }
0x1e9: {  	s31 =	simm.s32 $0x1700;
	s30 =	simm.s32 $0x1680;
	s29 =	simm.s32 $0x1600  }
0x1ea: {  	s28 =	simm.s32 $0x1580;
	s26 =	simm.s32 $0x1500;
	s25 =	simm.s32 $0x1480  }
0x1eb: {  	s24 =	simm.s32 $0x1380;
	s23 =	simm.s32 $0x1300;
	s22 =	rddreg [dreg:$0x3]  }
.LBB2_7:
0x1ec: {  	[sflag:s3] =	ssyncadd.s32 @p0 $0xFFFFFC00  }
0x1ed: {  	[tilespmem:s2], [sflag:$0x2] =	stream.linear.gather [hbm4b:s1+s2], $0x400, $0x38;
	[tilespmem:$0x1800] =	vst v63  }
0x1ee: {  	_ =	swait.ge [sflag:s3], $0x400  }
0x1ef: {  	[sflag:s3] =	ssyncset.done $0x0  }
0x1f0: {  	[sflag:s3] =	ssyncadd.s32 $0xFFFFFC00  }
0x1f1: {  	[tilespmem:s4], [sflag:$0x1] =	stream.indirect.gather [hbm4b:s21+s13], $0x1, s2, s13, $0xb8;
	[tilespmem:$0x1800] =	vst v63  }
0x1f2: {  	s0 =	rddreg [dreg:$0xa]  }
0x1f3: {  	[tilespmem:s0], [sflag:$0x1] =	stream.indirect.gather [hbm4b:s21+s13], $0x1, s13, s13, $0xb8;
	[tilespmem:$0x1800] =	vst v63  }
0x1f4: {  	s1 =	rddreg [dreg:$0xb]  }
0x1f5: {  	[tilespmem:s1], [sflag:$0x1] =	stream.indirect.gather [hbm4b:s21+s13], $0x1, s14, s13, $0xb8;
	[tilespmem:$0x1800] =	vst v63  }
0x1f6: {  	s0 =	rddreg [dreg:$0xc]  }
0x1f7: {  	[tilespmem:s0], [sflag:$0x1] =	stream.indirect.gather [hbm4b:s21+s13], $0x1, s15, s13, $0xb8;
	[tilespmem:$0x1800] =	vst v63  }
0x1f8: {  	s1 =	rddreg [dreg:$0xd]  }
0x1f9: {  	[tilespmem:s1], [sflag:$0x1] =	stream.indirect.gather [hbm4b:s21+s13], $0x1, s16, s13, $0xb8;
	[tilespmem:$0x1800] =	vst v63  }
0x1fa: {  	s0 =	rddreg [dreg:$0xe]  }
0x1fb: {  	[tilespmem:s0], [sflag:$0x1] =	stream.indirect.gather [hbm4b:s21+s13], $0x1, s17, s13, $0xb8;
	[tilespmem:$0x1800] =	vst v63  }
0x1fc: {  	s1 =	rddreg [dreg:$0xf]  }
0x1fd: {  	[tilespmem:s1], [sflag:$0x1] =	stream.indirect.gather [hbm4b:s21+s13], $0x1, s19, s13, $0xb8;
	[tilespmem:$0x1800] =	vst v63  }
0x1fe: {  	s0 =	rddreg [dreg:$0x10]  }
0x1ff: {  	[tilespmem:s0], [sflag:$0x1] =	stream.indirect.gather [hbm4b:s21+s13], $0x1, s20, s13, $0xb8;
	[tilespmem:$0x1800] =	vst v63  }
0x200: {  	_ = 	snop  }
0x201: {  	[tilespmem:s8], [sflag:$0x1] =	stream.indirect.gather [hbm4b:s18+s13], $0x1, s2, s13, $0xb8;
	[tilespmem:$0x1800] =	vst v63  }
0x202: {  	s21 =	rddreg [dreg:$0x11]  }
0x203: {  	[tilespmem:s21], [sflag:$0x1] =	stream.indirect.gather [hbm4b:s18+s13], $0x1, s13, s13, $0xb8;
	[tilespmem:$0x1800] =	vst v63  }
0x204: {  	s1 =	rddreg [dreg:$0x12]  }
0x205: {  	[tilespmem:s1], [sflag:$0x1] =	stream.indirect.gather [hbm4b:s18+s13], $0x1, s14, s13, $0xb8;
	[tilespmem:$0x1800] =	vst v63  }
0x206: {  	s21 =	rddreg [dreg:$0x13]  }
0x207: {  	[tilespmem:s21], [sflag:$0x1] =	stream.indirect.gather [hbm4b:s18+s13], $0x1, s15, s13, $0xb8;
	[tilespmem:$0x1800] =	vst v63  }
0x208: {  	s1 =	rddreg [dreg:$0x14]  }
0x209: {  	[tilespmem:s1], [sflag:$0x1] =	stream.indirect.gather [hbm4b:s18+s13], $0x1, s16, s13, $0xb8;
	[tilespmem:$0x1800] =	vst v63  }
0x20a: {  	s21 =	rddreg [dreg:$0x15]  }
0x20b: {  	[tilespmem:s21], [sflag:$0x1] =	stream.indirect.gather [hbm4b:s18+s13], $0x1, s17, s13, $0xb8;
	[tilespmem:$0x1800] =	vst v63  }
0x20c: {  	s1 =	rddreg [dreg:$0x16]  }
0x20d: {  	[tilespmem:s1], [sflag:$0x1] =	stream.indirect.gather [hbm4b:s18+s13], $0x1, s19, s13, $0xb8;
	[tilespmem:$0x1800] =	vst v63  }
0x20e: {  	s21 =	rddreg [dreg:$0x17]  }
0x20f: {  	[tilespmem:s21], [sflag:$0x1] =	stream.indirect.gather [hbm4b:s18+s13], $0x1, s20, s13, $0xb8;
	[tilespmem:$0x1800] =	vst v63  }
0x210: {  	_ = 	snop  }
0x211: {  	[tilespmem:s7], [sflag:$0x1] =	stream.indirect.gather [hbm4b:s12+s13], $0x1, s2, s13, $0xb8;
	[tilespmem:$0x1800] =	vst v63  }
0x212: {  	s1 =	rddreg [dreg:$0x18]  }
0x213: {  	[tilespmem:s1], [sflag:$0x1] =	stream.indirect.gather [hbm4b:s12+s13], $0x1, s13, s13, $0xb8;
	[tilespmem:$0x1800] =	vst v63  }
0x214: {  	s18 =	rddreg [dreg:$0x19]  }
0x215: {  	[tilespmem:s18], [sflag:$0x1] =	stream.indirect.gather [hbm4b:s12+s13], $0x1, s14, s13, $0xb8;
	[tilespmem:$0x1800] =	vst v63  }
0x216: {  	s21 =	rddreg [dreg:$0x1a]  }
0x217: {  	[tilespmem:s21], [sflag:$0x1] =	stream.indirect.gather [hbm4b:s12+s13], $0x1, s15, s13, $0xb8;
	[tilespmem:$0x1800] =	vst v63  }
0x218: {  	s18 =	rddreg [dreg:$0x1b]  }
0x219: {  	[tilespmem:s18], [sflag:$0x1] =	stream.indirect.gather [hbm4b:s12+s13], $0x1, s16, s13, $0xb8;
	[tilespmem:$0x1800] =	vst v63  }
0x21a: {  	s21 =	rddreg [dreg:$0x1c]  }
0x21b: {  	[tilespmem:s21], [sflag:$0x1] =	stream.indirect.gather [hbm4b:s12+s13], $0x1, s17, s13, $0xb8;
	[tilespmem:$0x1800] =	vst v63  }
0x21c: {  	s18 =	rddreg [dreg:$0x1d]  }
0x21d: {  	[tilespmem:s18], [sflag:$0x1] =	stream.indirect.gather [hbm4b:s12+s13], $0x1, s19, s13, $0xb8;
	[tilespmem:$0x1800] =	vst v63  }
0x21e: {  	s21 =	rddreg [dreg:$0x1e]  }
0x21f: {  	[tilespmem:s21], [sflag:$0x1] =	stream.indirect.gather [hbm4b:s12+s13], $0x1, s20, s13, $0xb8;
	[tilespmem:$0x1800] =	vst v63  }
0x220: {  	s18 =	rddreg [dreg:$0x1f]  }
0x221: {  	[tilespmem:s6], [sflag:$0x1] =	stream.indirect.gather [hbm4b:s11+s13], $0x1, s2, s13, $0xb8;
	[tilespmem:$0x1800] =	vst v63  }
0x222: {  	s21 =	sld [smem:$0x7FA]  }
0x223: {  	[tilespmem:s18], [sflag:$0x1] =	stream.indirect.gather [hbm4b:s11+s13], $0x1, s13, s13, $0xb8;
	[tilespmem:$0x1800] =	vst v63  }
0x224: {  	s12 =	sld [smem:$0x7FB]  }
0x225: {  	[tilespmem:s21], [sflag:$0x1] =	stream.indirect.gather [hbm4b:s11+s13], $0x1, s14, s13, $0xb8;
	[tilespmem:$0x1800] =	vst v63  }
0x226: {  	s18 =	sld [smem:$0x7FC]  }
0x227: {  	[tilespmem:s12], [sflag:$0x1] =	stream.indirect.gather [hbm4b:s11+s13], $0x1, s15, s13, $0xb8;
	[tilespmem:$0x1800] =	vst v63  }
0x228: {  	s21 =	sld [smem:$0x7FD]  }
0x229: {  	[tilespmem:s18], [sflag:$0x1] =	stream.indirect.gather [hbm4b:s11+s13], $0x1, s16, s13, $0xb8;
	[tilespmem:$0x1800] =	vst v63  }
0x22a: {  	_ = 	snop  }
0x22b: {  	[tilespmem:s21], [sflag:$0x1] =	stream.indirect.gather [hbm4b:s11+s13], $0x1, s17, s13, $0xb8;
	[tilespmem:$0x1800] =	vst v63  }
0x22c: {  	_ = 	snop  }
0x22d: {  	[tilespmem:s23], [sflag:$0x1] =	stream.indirect.gather [hbm4b:s11+s13], $0x1, s19, s13, $0xb8;
	[tilespmem:$0x1800] =	vst v63  }
0x22e: {  	_ = 	snop  }
0x22f: {  	[tilespmem:s24], [sflag:$0x1] =	stream.indirect.gather [hbm4b:s11+s13], $0x1, s20, s13, $0xb8;
	[tilespmem:$0x1800] =	vst v63  }
0x230: {  	_ = 	snop  }
0x231: {  	[tilespmem:s5], [sflag:$0x1] =	stream.indirect.gather [hbm4b:s10+s13], $0x1, s2, s13, $0xb8;
	[tilespmem:$0x1800] =	vst v63  }
0x232: {  	_ = 	snop  }
0x233: {  	[tilespmem:s25], [sflag:$0x1] =	stream.indirect.gather [hbm4b:s10+s13], $0x1, s13, s13, $0xb8;
	[tilespmem:$0x1800] =	vst v63  }
0x234: {  	_ = 	snop  }
0x235: {  	[tilespmem:s26], [sflag:$0x1] =	stream.indirect.gather [hbm4b:s10+s13], $0x1, s14, s13, $0xb8;
	[tilespmem:$0x1800] =	vst v63  }
0x236: {  	_ = 	snop  }
0x237: {  	[tilespmem:s28], [sflag:$0x1] =	stream.indirect.gather [hbm4b:s10+s13], $0x1, s15, s13, $0xb8;
	[tilespmem:$0x1800] =	vst v63  }
0x238: {  	_ = 	snop  }
0x239: {  	[tilespmem:s29], [sflag:$0x1] =	stream.indirect.gather [hbm4b:s10+s13], $0x1, s16, s13, $0xb8;
	[tilespmem:$0x1800] =	vst v63  }
0x23a: {  	_ = 	snop  }
0x23b: {  	[tilespmem:s30], [sflag:$0x1] =	stream.indirect.gather [hbm4b:s10+s13], $0x1, s17, s13, $0xb8;
	[tilespmem:$0x1800] =	vst v63  }
0x23c: {  	_ = 	snop  }
0x23d: {  	[tilespmem:s31], [sflag:$0x1] =	stream.indirect.gather [hbm4b:s10+s13], $0x1, s19, s13, $0xb8;
	[tilespmem:$0x1800] =	vst v63  }
0x23e: {  	s25 =	simm.s32 $0x1780  }
0x23f: {  	[tilespmem:s25], [sflag:$0x1] =	stream.indirect.gather [hbm4b:s10+s13], $0x1, s20, s13, $0xb8;
	[tilespmem:$0x1800] =	vst v63  }
0x240: {  	_ =	swait.ge [sflag:s9], $0x80  }
0x241: {  	[sflag:s9] =	ssyncset.done $0x0  }
0x242: {  	[sflag:s9] =	ssyncadd.s32 $0xFFFFFF80  }
0x243: {  	_ =	swait.ge [sflag:s9], $0x80  }
0x244: {  	[sflag:s9] =	ssyncset.done $0x0  }
0x245: {  	[sflag:s9] =	ssyncadd.s32 $0xFFFFFF80  }
0x246: {  	_ =	swait.ge [sflag:s9], $0x80  }
0x247: {  	[sflag:s9] =	ssyncset.done $0x0  }
0x248: {  	[sflag:s9] =	ssyncadd.s32 $0xFFFFFF80  }
0x249: {  	_ =	swait.ge [sflag:s9], $0x80  }
0x24a: {  	[sflag:s9] =	ssyncset.done $0x0  }
0x24b: {  	[sflag:s9] =	ssyncadd.s32 $0xFFFFFF80  }
0x24c: {  	_ =	swait.ge [sflag:s9], $0x80  }
0x24d: {  	[sflag:s9] =	ssyncset.done $0x0  }
0x24e: {  	[sflag:s9] =	ssyncadd.s32 $0xFFFFFF80  }
0x24f: {  	_ =	swait.ge [sflag:s9], $0x80  }
0x250: {  	[sflag:s9] =	ssyncset.done $0x0  }
0x251: {  	[sflag:s9] =	ssyncadd.s32 $0xFFFFFF80  }
0x252: {  	_ =	swait.ge [sflag:s9], $0x80  }
0x253: {  	[sflag:s9] =	ssyncset.done $0x0  }
0x254: {  	[sflag:s9] =	ssyncadd.s32 $0xFFFFFF80  }
0x255: {  	_ =	swait.ge [sflag:s9], $0x80  }
0x256: {  	[sflag:s9] =	ssyncset.done $0x0  }
0x257: {  	[sflag:s9] =	ssyncadd.s32 $0xFFFFFF80  }
0x258: {  	_ =	swait.ge [sflag:s9], $0x80  }
0x259: {  	[sflag:s9] =	ssyncset.done $0x0  }
0x25a: {  	[sflag:s9] =	ssyncadd.s32 $0xFFFFFF80  }
0x25b: {  	_ =	swait.ge [sflag:s9], $0x80  }
0x25c: {  	[sflag:s9] =	ssyncset.done $0x0  }
0x25d: {  	[sflag:s9] =	ssyncadd.s32 $0xFFFFFF80  }
0x25e: {  	_ =	swait.ge [sflag:s9], $0x80  }
0x25f: {  	[sflag:s9] =	ssyncset.done $0x0  }
0x260: {  	[sflag:s9] =	ssyncadd.s32 $0xFFFFFF80  }
0x261: {  	_ =	swait.ge [sflag:s9], $0x80  }
0x262: {  	[sflag:s9] =	ssyncset.done $0x0  }
0x263: {  	[sflag:s9] =	ssyncadd.s32 $0xFFFFFF80  }
0x264: {  	_ =	swait.ge [sflag:s9], $0x80  }
0x265: {  	[sflag:s9] =	ssyncset.done $0x0  }
0x266: {  	[sflag:s9] =	ssyncadd.s32 $0xFFFFFF80  }
0x267: {  	_ =	swait.ge [sflag:s9], $0x80  }
0x268: {  	[sflag:s9] =	ssyncset.done $0x0  }
0x269: {  	[sflag:s9] =	ssyncadd.s32 $0xFFFFFF80  }
0x26a: {  	_ =	swait.ge [sflag:s9], $0x80  }
0x26b: {  	[sflag:s9] =	ssyncset.done $0x0  }
0x26c: {  	[sflag:s9] =	ssyncadd.s32 $0xFFFFFF80  }
0x26d: {  	_ =	swait.ge [sflag:s9], $0x80  }
0x26e: {  	[sflag:s9] =	ssyncset.done $0x0  }
0x26f: {  	[sflag:s9] =	ssyncadd.s32 $0xFFFFFF80  }
0x270: {  	_ =	swait.ge [sflag:s9], $0x80  }
0x271: {  	[sflag:s9] =	ssyncset.done $0x0  }
0x272: {  	[sflag:s9] =	ssyncadd.s32 $0xFFFFFF80  }
0x273: {  	_ =	swait.ge [sflag:s9], $0x80  }
0x274: {  	[sflag:s9] =	ssyncset.done $0x0  }
0x275: {  	[sflag:s9] =	ssyncadd.s32 $0xFFFFFF80  }
0x276: {  	_ =	swait.ge [sflag:s9], $0x80  }
0x277: {  	[sflag:s9] =	ssyncset.done $0x0  }
0x278: {  	[sflag:s9] =	ssyncadd.s32 $0xFFFFFF80  }
0x279: {  	_ =	swait.ge [sflag:s9], $0x80  }
0x27a: {  	[sflag:s9] =	ssyncset.done $0x0  }
0x27b: {  	[sflag:s9] =	ssyncadd.s32 $0xFFFFFF80  }
0x27c: {  	_ =	swait.ge [sflag:s9], $0x80  }
0x27d: {  	[sflag:s9] =	ssyncset.done $0x0  }
0x27e: {  	[sflag:s9] =	ssyncadd.s32 $0xFFFFFF80  }
0x27f: {  	_ =	swait.ge [sflag:s9], $0x80  }
0x280: {  	[sflag:s9] =	ssyncset.done $0x0  }
0x281: {  	[sflag:s9] =	ssyncadd.s32 $0xFFFFFF80  }
0x282: {  	_ =	swait.ge [sflag:s9], $0x80  }
0x283: {  	[sflag:s9] =	ssyncset.done $0x0  }
0x284: {  	[sflag:s9] =	ssyncadd.s32 $0xFFFFFF80  }
0x285: {  	_ =	swait.ge [sflag:s9], $0x80  }
0x286: {  	[sflag:s9] =	ssyncset.done $0x0  }
0x287: {  	[sflag:s9] =	ssyncadd.s32 $0xFFFFFF80  }
0x288: {  	_ =	swait.ge [sflag:s9], $0x80  }
0x289: {  	[sflag:s9] =	ssyncset.done $0x0  }
0x28a: {  	[sflag:s9] =	ssyncadd.s32 $0xFFFFFF80  }
0x28b: {  	_ =	swait.ge [sflag:s9], $0x80  }
0x28c: {  	[sflag:s9] =	ssyncset.done $0x0  }
0x28d: {  	[sflag:s9] =	ssyncadd.s32 $0xFFFFFF80  }
0x28e: {  	_ =	swait.ge [sflag:s9], $0x80  }
0x28f: {  	[sflag:s9] =	ssyncset.done $0x0  }
0x290: {  	[sflag:s9] =	ssyncadd.s32 $0xFFFFFF80  }
0x291: {  	_ =	swait.ge [sflag:s9], $0x80  }
0x292: {  	[sflag:s9] =	ssyncset.done $0x0  }
0x293: {  	[sflag:s9] =	ssyncadd.s32 $0xFFFFFF80  }
0x294: {  	_ =	swait.ge [sflag:s9], $0x80  }
0x295: {  	[sflag:s9] =	ssyncset.done $0x0  }
0x296: {  	[sflag:s9] =	ssyncadd.s32 $0xFFFFFF80  }
0x297: {  	_ =	swait.ge [sflag:s9], $0x80  }
0x298: {  	[sflag:s9] =	ssyncset.done $0x0  }
0x299: {  	[sflag:s9] =	ssyncadd.s32 $0xFFFFFF80  }
0x29a: {  	_ =	swait.ge [sflag:s9], $0x80  }
0x29b: {  	[sflag:s9] =	ssyncset.done $0x0  }
0x29c: {  	[sflag:s9] =	ssyncadd.s32 $0xFFFFFF80  }
0x29d: {  	_ =	swait.ge [sflag:s9], $0x80  }
0x29e: {  	[sflag:s9] =	ssyncset.done $0x0  }
0x29f: {  	[sflag:s9] =	ssyncadd.s32 $0xFFFFFF80  }
0x2a0: {  	_ =	swait.ge [sflag:s9], $0x80  }
0x2a1: {  	[sflag:s9] =	ssyncset.done $0x0  }
0x2a2: {  	[sflag:s9] =	ssyncadd.s32 $0xFFFFFF80  }
0x2a3: {  	_ =	swait.ge [sflag:s9], $0x80  }
0x2a4: {  	[sflag:s9] =	ssyncset.done $0x0  }
0x2a5: {  	[sflag:s9] =	ssyncadd.s32 $0xFFFFFF80  }
0x2a6: {  	_ =	swait.ge [sflag:s9], $0x80  }
0x2a7: {  	[sflag:s9] =	ssyncset.done $0x0  }
0x2a8: {  	[sflag:s9] =	ssyncadd.s32 $0xFFFFFF80  }
0x2a9: {  	_ =	swait.ge [sflag:s9], $0x80  }
0x2aa: {  	[sflag:s9] =	ssyncset.done $0x0  }
0x2ab: {  	[sflag:s9] =	ssyncadd.s32 $0xFFFFFF80  }
0x2ac: {  	_ =	swait.ge [sflag:s9], $0x80  }
0x2ad: {  	[sflag:s9] =	ssyncset.done $0x0  }
0x2ae: {  	[sflag:s9] =	ssyncadd.s32 $0xFFFFFF80  }
0x2af: {  	_ =	swait.ge [sflag:s9], $0x80  }
0x2b0: {  	[sflag:s9] =	ssyncset.done $0x0  }
0x2b1: {  	[sflag:s9] =	ssyncadd.s32 $0xFFFFFF80  }
0x2b2: {  	_ =	swait.ge [sflag:s9], $0x80  }
0x2b3: {  	[sflag:s9] =	ssyncset.done $0x0  }
0x2b4: {  	[sflag:s9] =	ssyncadd.s32 $0xFFFFFF80  }
0x2b5: {  	_ =	swait.ge [sflag:s9], $0x80  }
0x2b6: {  	[sflag:s9] =	ssyncset.done $0x0  }
0x2b7: {  	s26 =	rddreg [dreg:$0x4];
	[sflag:s9] =	ssyncadd.s32 $0xFFFFFF80  }
0x2b8: {  	[hbm4b:s26+s2] =	stream.linear.scatter [tilespmem:s4], [sflag:$0x2], $0x400, $0x38;
	[tilespmem:$0x1800] =	vst v63  }
0x2b9: {  	_ =	swait.ge [sflag:s3], $0x400  }
0x2ba: {  	[sflag:s3] =	ssyncset.done $0x0  }
0x2bb: {  	s28 =	rddreg [dreg:$0x5];
	[sflag:s3] =	ssyncadd.s32 $0xFFFFFC00  }
0x2bc: {  	[hbm4b:s28+s2] =	stream.linear.scatter [tilespmem:s8], [sflag:$0x2], $0x400, $0x38;
	[tilespmem:$0x1800] =	vst v63  }
0x2bd: {  	_ =	swait.ge [sflag:s3], $0x400  }
0x2be: {  	[sflag:s3] =	ssyncset.done $0x0  }
0x2bf: {  	s29 =	rddreg [dreg:$0x6];
	[sflag:s3] =	ssyncadd.s32 $0xFFFFFC00  }
0x2c0: {  	[hbm4b:s29+s2] =	stream.linear.scatter [tilespmem:s7], [sflag:$0x2], $0x400, $0x38;
	[tilespmem:$0x1800] =	vst v63  }
0x2c1: {  	_ =	swait.ge [sflag:s3], $0x400  }
0x2c2: {  	[sflag:s3] =	ssyncset.done $0x0  }
0x2c3: {  	s30 =	rddreg [dreg:$0x7];
	[sflag:s3] =	ssyncadd.s32 $0xFFFFFC00  }
0x2c4: {  	[hbm4b:s30+s2] =	stream.linear.scatter [tilespmem:s6], [sflag:$0x2], $0x400, $0x38;
	[tilespmem:$0x1800] =	vst v63  }
0x2c5: {  	_ =	swait.ge [sflag:s3], $0x400  }
0x2c6: {  	[sflag:s3] =	ssyncset.done $0x0  }
0x2c7: {  	s31 =	rddreg [dreg:$0x8];
	[sflag:s3] =	ssyncadd.s32 $0xFFFFFC00  }
0x2c8: {  	[hbm4b:s31+s2] =	stream.linear.scatter [tilespmem:s5], [sflag:$0x2], $0x400, $0x38;
	[tilespmem:$0x1800] =	vst v63  }
0x2c9: {  	_ =	swait.ge [sflag:s3], $0x400  }
0x2ca: {  	[sflag:s3] =	ssyncset.done $0x0  }
0x2cb: {  	s0 =	stileid.u32;
	[sflag:s3] =	ssyncadd.s32 $0xFFFFFC00  }
.LBB2_8:
0x2cc: {  	_ =	sfence.sel $0x180000  }
0x2cd: {  	[bflag:$0x0] =	sbarrier.arrive $0xFFFF  }
0x2ce: {  	p0 =	sne.s32 s0, $0x0;
	_ =	strace $0x90000047  }
0x2cf: {  	s0 =	sadd.s32 @!p0 $0x100000, s22;
	[bflag:$0x2] =	sbarrier.arrive $0xFFFF  }
0x2d0: {  	[sflag:s0] =	ssyncadd.tile.s32 @!p0 $0x1;
	_ =	shalt  }
.LBB2_2:
.Ltmp4:
0x2d1: {  	(pc) =	sbr.rel .LBB2_7-.Ltmp4, $4  }
0x2d2: {  	_ = 	snop  }
0x2d3: {  	s31 =	simm.s32 $0x1700;
	s30 =	simm.s32 $0x1680  }
0x2d4: {  	s29 =	simm.s32 $0x1600;
	s28 =	simm.s32 $0x1580;
	s26 =	simm.s32 $0x1500  }
0x2d5: {  	s25 =	simm.s32 $0x1480;
	s24 =	simm.s32 $0x1380;
	s23 =	simm.s32 $0x1300  }
.LBB2_4:
.Ltmp5:
0x2d6: {  	(pc) =	sbr.rel .LBB2_7-.Ltmp5, $4  }
0x2d7: {  	_ = 	snop  }
0x2d8: {  	s31 =	simm.s32 $0x1700;
	s30 =	simm.s32 $0x1680;
	s29 =	simm.s32 $0x1600  }
0x2d9: {  	s28 =	simm.s32 $0x1580;
	s26 =	simm.s32 $0x1500;
	s25 =	simm.s32 $0x1480  }
0x2da: {  	s24 =	simm.s32 $0x1380;
	s23 =	simm.s32 $0x1300;
	s22 =	rddreg [dreg:$0x3]  }
.Lfunc_end2:
_tile_overlayer_lowered:
.L_overlay_start_2:
0x2db: {  	(tag) =	ssettag $0x2  }
0x2dc: {  	s0 =	rddreg [dreg:$0x0];
	s2 =	stileid.u32  }
0x2dd: {  	s1 =	rddreg [dreg:$0x1];
	p0 =	sne.s32 s2, $0x0  }
0x2de: {  	s3 =	rddreg [dreg:$0x2];
	[bflag:$0x3] =	sbarrier.arrive $0xFFFF;
	s2 =	simm.s32 @!p0 $0x1C02  }
0x2df: {  	[timem:s3], [sflag:s2] =	dma.local @!p0 [hbm:s0], s1  }
0x2e0: {  	s0 =	simm.s32 @!p0 $0x2  }
0x2e1: {  	_ =	swait.ge @!p0 [sflag:s0], s1  }
0x2e2: {  	s1 =	ssub.s32 @!p0 $0x0, s1;
	[sflag:s0] =	ssyncset.done @!p0 $0x0  }
0x2e3: {  	[sflag:s0] =	ssyncadd.s32 @!p0 s1  }
0x2e4: {  	[bflag:$0x3] =	sbarrier.arrive $0xFFFF  }
0x2e5: {  	_ =	shalt  }

// kernel: kernel.8.cloned.1.call-start
scs
__scs_entry_jumppad:
0x0: {  	(pc) =	sbr.rel $0x88, $3  }
0x1: {  	(tag) =	ssettag $0x0;
	lr =	simm.s32 $0x1  }
0x2: {  	[smem:$0x3F9F] =	sst lr;
	_ =	strace $0xD0000000  }
0x3: {  	_ = 	snop  }
0x4: {  	_ = 	snop  }
0x5: {  	_ = 	snop  }
0x6: {  	_ = 	snop  }
0x7: {  	_ = 	snop  }
__scs_overlays_trampoline_lowered:
0x8: {  	[smem:$0x3FAE] =	sst s0  }
0x9: {  	[smem:$0x3FAF] =	sst s1  }
0xa: {  	[smem:$0x3FB0] =	sst s2  }
0xb: {  	[smem:$0x3FB1] =	sst s3  }
0xc: {  	[smem:$0x3FB2] =	sst s4  }
0xd: {  	[smem:$0x3FB3] =	sst s5  }
0xe: {  	[smem:$0x3FB4] =	sst s6  }
0xf: {  	[smem:$0x3FB5] =	sst s7  }
0x10: {  	[smem:$0x3FB6] =	sst s8  }
0x11: {  	[smem:$0x3FB7] =	sst s9;
	s0 =	simm.s32 @!p0 $0x0  }
0x12: {  	s1 =	sld [smem:$0x3F9D];
	s0 =	simm.s32 @p0 $0x1  }
0x13: {  	[smem:$0x3FB8] =	sst s0;
	s0 =	simm.s32 @!p1 $0x0  }
0x14: {  	s2 =	sld [smem:$0x3F9C];
	s0 =	simm.s32 @p1 $0x1  }
0x15: {  	[smem:$0x3FB9] =	sst s0;
	s0 =	simm.s32 @!p2 $0x0  }
0x16: {  	s3 =	sld [smem:$0x3FDB];
	s0 =	simm.s32 @p2 $0x1  }
0x17: {  	s4 =	simm.s32 $0x1BF5;
	[smem:$0x3FBB] =	sst s0  }
0x18: {  	s0 =	sld [smem:$0x3F9E];
	_ =	swait.ge [sflag:s4], $0x0  }
0x19: {  	s7 =	sld [smem:$0x3F9F]  }
0x1a: {  	s8 =	sadd.s32 $0xFFFFE003, lr  }
0x1b: {  	s9 =	sadd.s32 $0xFFFFFEF7, lr;
	s5 =	simm.s32 $0xFFFFFFFF;
	p2 =	slt.u32 s8, $0xFFFFF086  }
0x1c: {  	p1 =	slt.u32 s9, $0xF7A;
	s5 =	simm.s32 @!p2 $0x0  }
0x1d: {  	s5 =	simm.s32 @p1 $0x1;
	p0 =	seq.s32 s7, s2  }
0x1e: {  	s7 =	smul.u32 @!p0 $0xF7A, s2;
	p2 =	seq.s32 @!p0 s5, $0x0  }
0x1f: {  	s9 =	smul.u32 $0xF7A, s1;
	s8 =	simm.s32 @!p0 $0x1BF5;
	p2 =	por !p2, p0  }
0x20: {  	[sflag:s8] =	ssyncset.s32 @!p0 $0xFFFFF086;
	s6 =	sadd.s32 @!p0 s3, s7;
	s7 =	simm.s32 @!p0 $0x108  }
0x21: {  	s3 =	sadd.s32 s3, s9;
	s6 =	sadd.s32 @!p0 $0x88, s6;
	s7 =	simm.s32 @p2 $0x1082  }
0x22: {  	[simem:s7], [sflag:s8] =	dma.local @!p0 [hbm:s6], $0xF7A  }
0x23: {  	s9 =	sor.u32 $0xD0000000, s2;
	s6 =	simm.s32 $0x108;
	_ =	swait.ge @!p0 [sflag:s8], $0x0  }
0x24: {  	s3 =	sadd.s32 $0x88, s3;
	s6 =	simm.s32 @!p1 $0x1082;
	[sflag:s4] =	ssyncset.s32 $0xFFFFF086  }
0x25: {  	[simem:s6], [sflag:s4] =	dma.local [hbm:s3], $0xF7A  }
0x26: {  	[smem:$0x3F9F] =	sst s1;
	(tag) =	ssettag s2;
	_ =	strace s9  }
0x27: {  	s1 =	sld [smem:$0x3FAF]  }
0x28: {  	s2 =	sld [smem:$0x3FB0]  }
0x29: {  	s4 =	sld [smem:$0x3FB2]  }
0x2a: {  	p0 =	seq.s32 s5, $0x0;
	s5 =	sld [smem:$0x3FB3]  }
0x2b: {  	s6 =	sld [smem:$0x3FB4]  }
0x2c: {  	s7 =	sld [smem:$0x3FB5]  }
0x2d: {  	s3 =	simm.s32 $0x108;
	s8 =	sld [smem:$0x3FB6]  }
0x2e: {  	s3 =	simm.s32 @!p0 $0x1082;
	s9 =	sld [smem:$0x3FB7]  }
0x2f: {  	lr =	sadd.s32 s0, s3;
	s0 =	sld [smem:$0x3FAE]  }
0x30: {  	s3 =	sld [smem:$0x3FB1]  }
0x31: {  	[smem:$0x3FBA] =	sst s10  }
0x32: {  	s10 =	sld [smem:$0x3FB8];
	_ =	sdelay $0x3  }
0x33: {  	p0 =	seq.s32 s10, $0x1;
	s10 =	sld [smem:$0x3FBA];
	_ =	sdelay $0x3  }
0x34: {  	[smem:$0x3FBA] =	sst s10  }
0x35: {  	s10 =	sld [smem:$0x3FB9];
	_ =	sdelay $0x3  }
0x36: {  	p1 =	seq.s32 s10, $0x1;
	s10 =	sld [smem:$0x3FBA];
	_ =	sdelay $0x3  }
0x37: {  	[smem:$0x3FBA] =	sst s10  }
0x38: {  	s10 =	sld [smem:$0x3FBB]  }
0x39: {  	_ = 	snop;
	(pc) =	sbr.ind lr, $3  }
0x3a: {  	_ = 	snop  }
0x3b: {  	_ = 	snop  }
0x3c: {  	p2 =	seq.s32 s10, $0x1;
	s10 =	sld [smem:$0x3FBA]  }
0x3d: {  	_ =	shalt  }
0x3e: {  	_ =	shalt  }
0x3f: {  	_ =	shalt  }
0x40: {  	_ =	shalt  }
0x41: {  	_ =	shalt  }
0x42: {  	_ =	shalt  }
0x43: {  	_ =	shalt  }
0x44: {  	_ =	shalt  }
0x45: {  	_ =	shalt  }
0x46: {  	_ =	shalt  }
0x47: {  	_ =	shalt  }
0x48: {  	_ =	shalt  }
0x49: {  	_ =	shalt  }
0x4a: {  	_ =	shalt  }
0x4b: {  	_ =	shalt  }
0x4c: {  	_ =	shalt  }
0x4d: {  	_ =	shalt  }
0x4e: {  	_ =	shalt  }
0x4f: {  	_ =	shalt  }
0x50: {  	_ =	shalt  }
0x51: {  	_ =	shalt  }
0x52: {  	_ =	shalt  }
0x53: {  	_ =	shalt  }
0x54: {  	_ =	shalt  }
0x55: {  	_ =	shalt  }
0x56: {  	_ =	shalt  }
0x57: {  	_ =	shalt  }
0x58: {  	_ =	shalt  }
0x59: {  	_ =	shalt  }
0x5a: {  	_ =	shalt  }
0x5b: {  	_ =	shalt  }
0x5c: {  	_ =	shalt  }
0x5d: {  	_ =	shalt  }
0x5e: {  	_ =	shalt  }
0x5f: {  	_ =	shalt  }
0x60: {  	_ =	shalt  }
0x61: {  	_ =	shalt  }
0x62: {  	_ =	shalt  }
0x63: {  	_ =	shalt  }
0x64: {  	_ =	shalt  }
0x65: {  	_ =	shalt  }
0x66: {  	_ =	shalt  }
0x67: {  	_ =	shalt  }
0x68: {  	_ =	shalt  }
0x69: {  	_ =	shalt  }
0x6a: {  	_ =	shalt  }
0x6b: {  	_ =	shalt  }
0x6c: {  	_ =	shalt  }
0x6d: {  	_ =	shalt  }
0x6e: {  	_ =	shalt  }
0x6f: {  	_ =	shalt  }
0x70: {  	_ =	shalt  }
0x71: {  	_ =	shalt  }
0x72: {  	_ =	shalt  }
0x73: {  	_ =	shalt  }
0x74: {  	_ =	shalt  }
0x75: {  	_ =	shalt  }
0x76: {  	_ =	shalt  }
0x77: {  	_ =	shalt  }
0x78: {  	_ =	shalt  }
0x79: {  	_ =	shalt  }
0x7a: {  	_ =	shalt  }
0x7b: {  	_ =	shalt  }
0x7c: {  	_ =	shalt  }
0x7d: {  	_ =	shalt  }
0x7e: {  	_ =	shalt  }
0x7f: {  	_ =	shalt  }
0x80: {  	_ =	shalt  }
0x81: {  	_ =	shalt  }
0x82: {  	_ =	shalt  }
0x83: {  	_ =	shalt  }
0x84: {  	_ =	shalt  }
0x85: {  	_ =	shalt  }
0x86: {  	_ =	shalt  }
0x87: {  	_ =	shalt  }
.Lfunc_end0:
.L_simem_size_0:
called_computation.1_lowered:
.L_overlay_start_0:
0x88: {  	s2 =	sld [smem:$0x3FD9]  }
0x89: {  	s3 =	sld [smem:$0x3FFE];
	_ =	sdelay $0x1  }
0x8a: {  	s1 =	srdreg.scid  }
0x8b: {  	s0 =	sand.u32 $0x1, s1  }
0x8c: {  	s14 =	sshll.u32 s0, $0xA;
	s2 =	sadd.s32 s3, s2  }
0x8d: {  	s2 =	sadd.s32 s2, s14  }
0x8e: {  	[smem:$0x3FC6] =	sst s2  }
0x8f: {  	_ = 	snop  }
0x90: {  	s2 =	sld [smem:$0x3FD0];
	_ =	sdelay $0x2  }
0x91: {  	s15 =	simm.s32 $0xA;
	s4 =	simm.s32 $0x10  }
0x92: {  	[smem:s4], [sflag:s15] =	dma.local [hbm:s2], $0x1  }
0x93: {  	_ =	swait.eq [sflag:s15], $0x1  }
0x94: {  	[sflag:s15] =	ssyncset.done $0x0  }
0x95: {  	s16 =	sld [smem:$0x10];
	[sflag:s15] =	ssyncadd.s32 $0xFFFFFFFF  }
0x96: {  	s17 =	sld [smem:$0x11];
	(tm) =	ssettm $0x1  }
0x97: {  	s18 =	sld [smem:$0x3FFB];
	_ =	sdelay $0x3  }
0x98: {  	_ =	strace s18  }
0x99: {  	s4 =	sld [smem:$0x3FFC];
	_ =	sdelay $0x3  }
0x9a: {  	_ =	strace s4  }
0x9b: {  	s4 =	sld [smem:$0x3FFD];
	_ =	sdelay $0x3  }
0x9c: {  	_ =	strace s4  }
0x9d: {  	_ =	strace $0x8FFFFFFF  }
0x9e: {  	s19 =	sld [smem:$0x3FDB];
	_ =	sdelay $0x1  }
0x9f: {  	s5 =	simm.s32 $_scs_section_size  }
0xa0: {  	s6 =	simm.s32 $_size__tile_overlayer_lowered;
	s7 =	simm.s32 $_tile_overlayer_lowered  }
0xa1: {  	s22 =	simm.s32 $0x1BFF;
	s21 =	sshll.u32 s7, $0x1;
	s4 =	sadd.s32 s5, s19  }
0xa2: {  	s8 =	simm.s32 $0x0;
	s20 =	sshll.u32 s6, $0x1;
	s6 =	sadd.s32 s21, s4  }
0xa3: {  	[timem:s8], [sflag:s22] =	dma.local [hbm:s6], s20  }
0xa4: {  	_ =	swait.ge [sflag:s22], s20  }
0xa5: {  	s5 =	ssub.s32 $0x0, s20;
	[sflag:s22] =	ssyncset.done $0x0  }
0xa6: {  	[sflag:s22] =	ssyncadd.s32 s5;
	_ =	sdelay $0x1  }
0xa7: {  	s23 =	simm.s32 $0x1B8B  }
0xa8: {  	_ =	swait.ge [sflag:s23], $0x1  }
0xa9: {  	[sflag:s23] =	ssyncset.done $0x0  }
0xaa: {  	s25 =	simm.s32 $0x1B8E;
	s24 =	sld [smem:$0x3FFE];
	[sflag:s23] =	ssyncadd.s32 $0xFFFFFFFF  }
0xab: {  	s26 =	simm.s32 $execute0_lowered;
	[smem:$0x3FD2] =	sst s25  }
0xac: {  	s6 =	sshll.u32 s26, $0x1;
	_ =	strace $0x80000049;
	[dreg:$0x1] =	wrdreg $0xFFFFFFFF  }
0xad: {  	s28 =	simm.s32 $_size_execute0_lowered;
	s4 =	sadd.s32 s4, s6;
	[dreg:$0x0] =	wrdreg $0x0  }
0xae: {  	s6 =	sshll.u32 s28, $0x1;
	[dreg:$0x2] =	wrdreg s4  }
0xaf: {  	[dreg:$0x3] =	wrdreg s6  }
0xb0: {  	[dreg:$0x4] =	wrdreg $0xC0  }
0xb1: {  	_ =	task [dreg:s8], $0x5FFFF  }
0xb2: {  	[dreg:$0x1] =	wrdreg $0xFFFFFFFF  }
0xb3: {  	[dreg:$0x0] =	wrdreg $0x60  }
0xb4: {  	[dreg:$0x2] =	wrdreg s16  }
0xb5: {  	[dreg:$0x3] =	wrdreg s24  }
0xb6: {  	[dreg:$0x4] =	wrdreg s17  }
0xb7: {  	[dreg:$0x5] =	wrdreg $0x9  }
0xb8: {  	_ =	task.clear_ibuf [dreg:s8], $0x6FFFF;
	_ =	strace $0x90000049  }
0xb9: {  	s29 =	simm.s32 $0x9;
	_ =	strace $0x8000004B  }
0xba: {  	_ =	swait.ge [sflag:s29], $0x1  }
0xbb: {  	[sflag:s29] =	ssyncadd.s32 $0xFFFFFFFF  }
0xbc: {  	_ =	strace $0x9000004B  }
0xbd: {  	_ =	sfence  }
0xbe: {  	s30 =	sld [smem:$0x0];
	_ =	sdelay $0x2  }
0xbf: {  	s31 =	sshll.u32 s1, $0xD;
	s1 =	sshrl.u32 s1, $0x2  }
0xc0: {  	s3 =	sand.u32 $0x4000, s31;
	s1 =	sadd.s32 s1, s30  }
0xc1: {  	s0 =	sor.u32 s3, s0;
	s1 =	sshll.u32 s1, $0x11  }
0xc2: {  	s0 =	sor.u32 s1, s0  }
0xc3: {  	s0 =	sadd.s32 $0x8F2B, s0  }
0xc4: {  	[sflag:s0] =	ssyncadd.remote.s32 $0x1  }
0xc5: {  	_ =	sfence.sel $0xFFFF  }
0xc6: {  	[dreg:$0x0] =	wrdreg $0xFFFFFFFF;
	(pc) =	sbr.abs _section_cstart, $3  }
0xc7: {  	[dreg:$0x1] =	wrdreg $0xFFFFFFFF  }
0xc8: {  	_ =	task.clear_ibuf [dreg:s8], $0x2FFFF;
	_ =	strace $0x9FFFFFFF  }
0xc9: {  	(tm) =	ssettm $0x7FFFFFFF  }
tec
execute0_lowered:
.L_overlay_start_1:
0x0: {  	(tag) =	ssettag $0x1  }
0x1: {  	s1 =	stileid.u32  }
0x2: {  	p0 =	sgt.u32 s1, $0x9  }
.Ltmp0:
0x3: {  	s6 =	rddreg [dreg:$0x0];
	(pc) =	sbr.rel @p0 .LBB2_4-.Ltmp0, $4  }
0x4: {  	s4 =	rddreg [dreg:$0x1]  }
0x5: {  	s2 =	rddreg [dreg:$0x2];
	s3 =	simm.s32 $0x0  }
0x6: {  	[smem:$0x7FF] =	sst s3  }
0x7: {  	s0 =	rddreg [dreg:$0x3];
	_ =	strace $0x8000004A  }
0x8: {  	s5 =	srdreg.scid  }
0x9: {  	s23 =	sand.u32 $0x1, s5  }
0xa: {  	s31 =	sshll.u32 s1, $0x8;
	s7 =	sshll.u32 s23, $0x7  }
0xb: {  	s4 =	sadd.s32 $0x1E00, s4;
	s7 =	sor.u32 s7, s31  }
0xc: {  	s5 =	simm.s32 $0x2;
	s4 =	sadd.s32 s4, s7  }
0xd: {  	[tilespmem:s3], [sflag:$0x2] =	stream.linear.gather [hbm4b:s4+s3], $0x400, $0x38;
	[tilespmem:$0x800] =	vst v63  }
0xe: {  	_ =	swait.ge [sflag:s5], $0x400  }
0xf: {  	[sflag:s5] =	ssyncset.done $0x0  }
0x10: {  	s6 =	sadd.s32 s6, s7;
	s7 =	simm.s32 $0x400;
	[sflag:s5] =	ssyncadd.s32 $0xFFFFFC00  }
0x11: {  	[tilespmem:s7], [sflag:$0x2] =	stream.linear.gather [hbm4b:s6+s3], $0x400, $0x38;
	[tilespmem:$0x800] =	vst v63  }
0x12: {  	_ =	swait.ge [sflag:s5], $0x400  }
0x13: {  	[sflag:s5] =	ssyncset.done $0x0  }
0x14: {  	s8 =	simm.s32 $0x80;
	[sflag:s5] =	ssyncadd.s32 $0xFFFFFC00  }
0x15: {  	[hbm4b:s2+s8] =	stream.indirect.scatter [tilespmem:s7], [sflag:$0x1], $0x1, s3, s8, $0xb8;
	[tilespmem:$0x800] =	vst v63  }
0x16: {  	s9 =	simm.s32 $0x480  }
0x17: {  	[hbm4b:s2+s8] =	stream.indirect.scatter [tilespmem:s9], [sflag:$0x1], $0x1, s8, s8, $0xb8;
	[tilespmem:$0x800] =	vst v63  }
0x18: {  	s10 =	simm.s32 $0x100;
	s11 =	simm.s32 $0x500  }
0x19: {  	[hbm4b:s2+s8] =	stream.indirect.scatter [tilespmem:s11], [sflag:$0x1], $0x1, s10, s8, $0xb8;
	[tilespmem:$0x800] =	vst v63  }
0x1a: {  	s12 =	simm.s32 $0x180;
	s13 =	simm.s32 $0x580  }
0x1b: {  	[hbm4b:s2+s8] =	stream.indirect.scatter [tilespmem:s13], [sflag:$0x1], $0x1, s12, s8, $0xb8;
	[tilespmem:$0x800] =	vst v63  }
0x1c: {  	s14 =	simm.s32 $0x200;
	s15 =	simm.s32 $0x600  }
0x1d: {  	[hbm4b:s2+s8] =	stream.indirect.scatter [tilespmem:s15], [sflag:$0x1], $0x1, s14, s8, $0xb8;
	[tilespmem:$0x800] =	vst v63  }
0x1e: {  	s16 =	simm.s32 $0x280;
	s17 =	simm.s32 $0x680  }
0x1f: {  	[hbm4b:s2+s8] =	stream.indirect.scatter [tilespmem:s17], [sflag:$0x1], $0x1, s16, s8, $0xb8;
	[tilespmem:$0x800] =	vst v63  }
0x20: {  	s18 =	simm.s32 $0x300;
	s19 =	simm.s32 $0x700  }
0x21: {  	[hbm4b:s2+s8] =	stream.indirect.scatter [tilespmem:s19], [sflag:$0x1], $0x1, s18, s8, $0xb8;
	[tilespmem:$0x800] =	vst v63  }
0x22: {  	s20 =	simm.s32 $0x380;
	s22 =	simm.s32 $0x780;
	s21 =	simm.s32 $0x1  }
0x23: {  	[hbm4b:s2+s8] =	stream.indirect.scatter [tilespmem:s22], [sflag:$0x1], $0x1, s20, s8, $0xb8;
	[tilespmem:$0x800] =	vst v63  }
0x24: {  	_ =	swait.ge [sflag:s21], $0x80  }
0x25: {  	[sflag:s21] =	ssyncset.done $0x0  }
0x26: {  	[sflag:s21] =	ssyncadd.s32 $0xFFFFFF80  }
0x27: {  	_ =	swait.ge [sflag:s21], $0x80  }
0x28: {  	[sflag:s21] =	ssyncset.done $0x0  }
0x29: {  	[sflag:s21] =	ssyncadd.s32 $0xFFFFFF80  }
0x2a: {  	_ =	swait.ge [sflag:s21], $0x80  }
0x2b: {  	[sflag:s21] =	ssyncset.done $0x0  }
0x2c: {  	[sflag:s21] =	ssyncadd.s32 $0xFFFFFF80  }
0x2d: {  	_ =	swait.ge [sflag:s21], $0x80  }
0x2e: {  	[sflag:s21] =	ssyncset.done $0x0  }
0x2f: {  	[sflag:s21] =	ssyncadd.s32 $0xFFFFFF80  }
0x30: {  	_ =	swait.ge [sflag:s21], $0x80  }
0x31: {  	s23 =	ssub.s32 $0x2, s23;
	[sflag:s21] =	ssyncset.done $0x0  }
0x32: {  	s24 =	sshrl.u32 s23, $0x1;
	[sflag:s21] =	ssyncadd.s32 $0xFFFFFF80  }
0x33: {  	s23 =	ssub.s32 s23, s24;
	_ =	swait.ge [sflag:s21], $0x80  }
0x34: {  	s23 =	smax.u32 s23, $0x1;
	[sflag:s21] =	ssyncset.done $0x0  }
0x35: {  	p0 =	sne.s32 s23, $0x1;
	[sflag:s21] =	ssyncadd.s32 $0xFFFFFF80  }
.Ltmp1:
0x36: {  	_ =	swait.ge [sflag:s21], $0x80;
	(pc) =	sbr.rel @!p0 .LBB2_3-.Ltmp1, $4  }
0x37: {  	[sflag:s21] =	ssyncset.done $0x0  }
0x38: {  	[sflag:s21] =	ssyncadd.s32 $0xFFFFFF80  }
0x39: {  	_ =	swait.ge [sflag:s21], $0x80  }
0x3a: {  	s23 =	sadd.s32 $0xFFFFFFFF, s23;
	[sflag:s21] =	ssyncset.done $0x0  }
.LBB2_2:
0x3b: {  	p0 =	sne.s32 s23, $0x1;
	s23 =	sadd.s32 $0xFFFFFFFF, s23;
	[sflag:s21] =	ssyncadd.s32 $0xFFFFFF80  }
0x3c: {  	[tilespmem:s3], [sflag:$0x2] =	stream.linear.gather [hbm4b:s4+s3], $0x400, $0x38;
	[tilespmem:$0x800] =	vst v63  }
0x3d: {  	_ =	swait.ge [sflag:s5], $0x400  }
0x3e: {  	[sflag:s5] =	ssyncset.done $0x0  }
0x3f: {  	[sflag:s5] =	ssyncadd.s32 $0xFFFFFC00  }
0x40: {  	[tilespmem:s7], [sflag:$0x2] =	stream.linear.gather [hbm4b:s6+s3], $0x400, $0x38;
	[tilespmem:$0x800] =	vst v63  }
0x41: {  	_ =	swait.ge [sflag:s5], $0x400  }
0x42: {  	[sflag:s5] =	ssyncset.done $0x0  }
0x43: {  	[sflag:s5] =	ssyncadd.s32 $0xFFFFFC00  }
0x44: {  	[hbm4b:s2+s8] =	stream.indirect.scatter [tilespmem:s7], [sflag:$0x1], $0x1, s3, s8, $0xb8;
	[tilespmem:$0x800] =	vst v63  }
0x45: {  	_ = 	snop  }
0x46: {  	[hbm4b:s2+s8] =	stream.indirect.scatter [tilespmem:s9], [sflag:$0x1], $0x1, s8, s8, $0xb8;
	[tilespmem:$0x800] =	vst v63  }
0x47: {  	_ = 	snop  }
0x48: {  	[hbm4b:s2+s8] =	stream.indirect.scatter [tilespmem:s11], [sflag:$0x1], $0x1, s10, s8, $0xb8;
	[tilespmem:$0x800] =	vst v63  }
0x49: {  	_ = 	snop  }
0x4a: {  	[hbm4b:s2+s8] =	stream.indirect.scatter [tilespmem:s13], [sflag:$0x1], $0x1, s12, s8, $0xb8;
	[tilespmem:$0x800] =	vst v63  }
0x4b: {  	_ = 	snop  }
0x4c: {  	[hbm4b:s2+s8] =	stream.indirect.scatter [tilespmem:s15], [sflag:$0x1], $0x1, s14, s8, $0xb8;
	[tilespmem:$0x800] =	vst v63  }
0x4d: {  	_ = 	snop  }
0x4e: {  	[hbm4b:s2+s8] =	stream.indirect.scatter [tilespmem:s17], [sflag:$0x1], $0x1, s16, s8, $0xb8;
	[tilespmem:$0x800] =	vst v63  }
0x4f: {  	_ = 	snop  }
0x50: {  	[hbm4b:s2+s8] =	stream.indirect.scatter [tilespmem:s19], [sflag:$0x1], $0x1, s18, s8, $0xb8;
	[tilespmem:$0x800] =	vst v63  }
0x51: {  	_ = 	snop  }
0x52: {  	[hbm4b:s2+s8] =	stream.indirect.scatter [tilespmem:s22], [sflag:$0x1], $0x1, s20, s8, $0xb8;
	[tilespmem:$0x800] =	vst v63  }
0x53: {  	_ =	swait.ge [sflag:s21], $0x80  }
0x54: {  	[sflag:s21] =	ssyncset.done $0x0  }
0x55: {  	[sflag:s21] =	ssyncadd.s32 $0xFFFFFF80  }
0x56: {  	_ =	swait.ge [sflag:s21], $0x80  }
0x57: {  	[sflag:s21] =	ssyncset.done $0x0  }
0x58: {  	[sflag:s21] =	ssyncadd.s32 $0xFFFFFF80  }
0x59: {  	_ =	swait.ge [sflag:s21], $0x80  }
0x5a: {  	[sflag:s21] =	ssyncset.done $0x0  }
0x5b: {  	[sflag:s21] =	ssyncadd.s32 $0xFFFFFF80  }
0x5c: {  	_ =	swait.ge [sflag:s21], $0x80  }
0x5d: {  	[sflag:s21] =	ssyncset.done $0x0  }
0x5e: {  	[sflag:s21] =	ssyncadd.s32 $0xFFFFFF80  }
0x5f: {  	_ =	swait.ge [sflag:s21], $0x80  }
0x60: {  	[sflag:s21] =	ssyncset.done $0x0  }
0x61: {  	[sflag:s21] =	ssyncadd.s32 $0xFFFFFF80  }
0x62: {  	_ =	swait.ge [sflag:s21], $0x80  }
0x63: {  	[sflag:s21] =	ssyncset.done $0x0  }
0x64: {  	[sflag:s21] =	ssyncadd.s32 $0xFFFFFF80  }
.Ltmp2:
0x65: {  	_ =	swait.ge [sflag:s21], $0x80;
	(pc) =	sbr.rel @p0 .LBB2_2-.Ltmp2, $4  }
0x66: {  	[sflag:s21] =	ssyncset.done $0x0  }
0x67: {  	[sflag:s21] =	ssyncadd.s32 $0xFFFFFF80  }
0x68: {  	_ =	swait.ge [sflag:s21], $0x80  }
0x69: {  	[sflag:s21] =	ssyncset.done $0x0  }
.LBB2_3:
0x6a: {  	[sflag:s21] =	ssyncadd.s32 $0xFFFFFF80  }
.LBB2_4:
0x6b: {  	_ =	sfence.sel $0x180000  }
0x6c: {  	[bflag:$0x0] =	sbarrier.arrive $0xFFFF  }
0x6d: {  	p0 =	sne.s32 s1, $0x0;
	_ =	strace $0x9000004A  }
0x6e: {  	s0 =	sadd.s32 @!p0 $0x100000, s0;
	[bflag:$0x2] =	sbarrier.arrive $0xFFFF  }
0x6f: {  	[sflag:s0] =	ssyncadd.tile.s32 @!p0 $0x1;
	_ =	shalt  }
.Lfunc_end2:
_tile_overlayer_lowered:
.L_overlay_start_2:
0x70: {  	(tag) =	ssettag $0x2  }
0x71: {  	s0 =	rddreg [dreg:$0x0];
	s2 =	stileid.u32  }
0x72: {  	s1 =	rddreg [dreg:$0x1];
	p0 =	sne.s32 s2, $0x0  }
0x73: {  	s3 =	rddreg [dreg:$0x2];
	[bflag:$0x3] =	sbarrier.arrive $0xFFFF;
	s2 =	simm.s32 @!p0 $0x1C02  }
0x74: {  	[timem:s3], [sflag:s2] =	dma.local @!p0 [hbm:s0], s1  }
0x75: {  	s0 =	simm.s32 @!p0 $0x2  }
0x76: {  	_ =	swait.ge @!p0 [sflag:s0], s1  }
0x77: {  	s1 =	ssub.s32 @!p0 $0x0, s1;
	[sflag:s0] =	ssyncset.done @!p0 $0x0  }
0x78: {  	[sflag:s0] =	ssyncadd.s32 @!p0 s1  }
0x79: {  	[bflag:$0x3] =	sbarrier.arrive $0xFFFF  }
0x7a: {  	_ =	shalt  }

</sc_bundles>
